<compile_context>
chip_gen: v7x
topology: tpu7x:2x2x1
jax: 0.10.2.dev20260603
libtpu: 0.0.44.dev20260713+nightly
codegen_flags: <defaults>
</compile_context>

<pallas_src>
import functools

import jax
import jax.numpy as jnp
from jax import lax
from jax.experimental import pallas as pl
from jax.experimental.pallas import tpu as pltpu
from jax.experimental.pallas import tpu_sc as plsc

_NC, _NS, _L = 2, 16, 16
_K = 16

_BCAST_DNUMS = lax.GatherDimensionNumbers(
    offset_dims=(), collapsed_slice_dims=(0,), start_index_map=(0,))


def _bcast(vec, lane):
    idx = jnp.full((_L, 1), lane, jnp.int32)
    return lax.gather(vec, idx, _BCAST_DNUMS, (1,),
                      mode=lax.GatherScatterMode.PROMISE_IN_BOUNDS)


def _pack_body(in_ref, out_ref):
    x = in_ref[0]
    C = x.shape[0]
    lo_b = (lax.bitcast_convert_type(x[: C // 2, :], jnp.uint32) + 0x8000) >> 16
    hi_b = (lax.bitcast_convert_type(x[C // 2:, :], jnp.uint32) + 0x8000) >> 16
    out_ref[0] = (lo_b | (hi_b << 16)).astype(jnp.int32).T


def _sc_body(table_hbm, xy_hbm, out_hbm, xy_v, idx_v, w_v, rows_v, outb_v,
             gsem, ssem, *, B, C, H, W, N):
    HW = H * W
    C2 = C // 2
    NCHUNK = N // _K
    b = lax.axis_index("s") * _NC + lax.axis_index("c")
    rowbase = b * HW

    pltpu.sync_copy(xy_hbm, xy_v)

    @pl.loop(0, N // _L)
    def _phase_a(m):
        o = m * _L
        xs = xy_v[0, pl.ds(o, _L)]
        ys = xy_v[1, pl.ds(o, _L)]
        gx = 1.0 - 2.0 / (jnp.exp(2.0 * xs) + 1.0)
        gy = 1.0 - 2.0 / (jnp.exp(2.0 * ys) + 1.0)
        x = jnp.clip((gx + 1.0) * (W * 0.5) - 0.5, 0.0, W - 1.0)
        y = jnp.clip((gy + 1.0) * (H * 0.5) - 0.5, 0.0, H - 1.0)
        x0 = x.astype(jnp.int32)
        y0 = y.astype(jnp.int32)
        wx1 = x - x0.astype(jnp.float32)
        wy1 = y - y0.astype(jnp.float32)
        wx0 = 1.0 - wx1
        wy0 = 1.0 - wy1
        x1 = jnp.minimum(x0 + 1, W - 1)
        y1 = jnp.minimum(y0 + 1, H - 1)
        r0 = rowbase + y0 * W
        r1 = rowbase + y1 * W
        corners = ((r0 + x0, wy0 * wx0), (r0 + x1, wy0 * wx1),
                   (r1 + x0, wy1 * wx0), (r1 + x1, wy1 * wx1))
        for k, (idx, wgt) in enumerate(corners):
            idx_v[pl.ds(k * N + o, _L)] = idx
            w_v[pl.ds(k * N + o, _L)] = wgt

    def _gather_start(ci, slot):
        for k in range(4):
            pltpu.make_async_copy(
                table_hbm.at[idx_v.at[pl.ds(k * N + ci * _K, _K)]],
                rows_v.at[slot, k], gsem.at[slot]).start()

    def _gather_wait(ci, slot):
        for k in range(4):
            pltpu.make_async_copy(
                table_hbm.at[idx_v.at[pl.ds(k * N + ci * _K, _K)]],
                rows_v.at[slot, k], gsem.at[slot]).wait()

    def _store_start(ci):
        pltpu.make_async_copy(outb_v.at[lax.rem(ci, 2)],
                              out_hbm.at[pl.ds(b * N + ci * _K, _K)],
                              ssem.at[lax.rem(ci, 2)]).start()

    def _store_wait(ci):
        pltpu.make_async_copy(outb_v.at[lax.rem(ci, 2)],
                              out_hbm.at[pl.ds(b * N + ci * _K, _K)],
                              ssem.at[lax.rem(ci, 2)]).wait()

    _gather_start(0, 0)
    _gather_start(1, 1)
    _gather_wait(0, 0)

    @pl.loop(0, NCHUNK)
    def _phase_b(ci):
        slot = lax.rem(ci, 3)
        oslot = lax.rem(ci, 2)

        @pl.when(ci >= 1)
        def _start_prev_store():
            _store_start(ci - 1)

        @pl.when(ci + 2 < NCHUNK)
        def _prefetch():
            _gather_start(ci + 2, lax.rem(ci + 2, 3))

        wv = [w_v[pl.ds(k * N + ci * _K, _L)] for k in range(4)]

        @plsc.parallel_loop(0, _K)
        def _pair(p):
            w00 = _bcast(wv[0], p)
            w01 = _bcast(wv[1], p)
            w10 = _bcast(wv[2], p)
            w11 = _bcast(wv[3], p)
            for j in range(C2 // _L):
                sl = pl.ds(j * _L, _L)
                v0 = rows_v[slot, 0, p, sl]
                v1 = rows_v[slot, 1, p, sl]
                v2 = rows_v[slot, 2, p, sl]
                v3 = rows_v[slot, 3, p, sl]
                lo = (lax.bitcast_convert_type(v0 << 16, jnp.float32) * w00 +
                      lax.bitcast_convert_type(v1 << 16, jnp.float32) * w01 +
                      lax.bitcast_convert_type(v2 << 16, jnp.float32) * w10 +
                      lax.bitcast_convert_type(v3 << 16, jnp.float32) * w11)
                hi = (lax.bitcast_convert_type(v0, jnp.float32) * w00 +
                      lax.bitcast_convert_type(v1, jnp.float32) * w01 +
                      lax.bitcast_convert_type(v2, jnp.float32) * w10 +
                      lax.bitcast_convert_type(v3, jnp.float32) * w11)
                outb_v[oslot, p, sl] = lo
                outb_v[oslot, p, pl.ds(C2 + j * _L, _L)] = hi

        @pl.when(ci >= 1)
        def _drain_prev_store():
            _store_wait(ci - 1)

        @pl.when(ci + 1 < NCHUNK)
        def _wait_next_gather():
            _gather_wait(ci + 1, lax.rem(ci + 1, 3))

    _store_start(NCHUNK - 1)
    _store_wait(NCHUNK - 1)


def kernel(input_, xy_positions):
    B, C, H, W = input_.shape
    N = xy_positions.shape[0]
    HW = H * W
    in_flat = input_.reshape(B, C, HW)

    table = pl.pallas_call(
        _pack_body,
        grid=(B,),
        in_specs=[pl.BlockSpec((1, C, HW), lambda b: (b, 0, 0))],
        out_specs=pl.BlockSpec((1, HW, C // 2), lambda b: (b, 0, 0)),
        out_shape=jax.ShapeDtypeStruct((B, HW, C // 2), jnp.int32),
    )(in_flat)
    table = table.reshape(B * HW, C // 2)

    xy_t = xy_positions.T

    mesh = plsc.VectorSubcoreMesh(core_axis_name="c", subcore_axis_name="s",
                                  num_cores=_NC, num_subcores=_NS)
    sc = pl.kernel(
        functools.partial(_sc_body, B=B, C=C, H=H, W=W, N=N),
        out_type=jax.ShapeDtypeStruct((B * N, C), jnp.float32),
        mesh=mesh,
        scratch_types=[
            pltpu.VMEM((2, N), jnp.float32),
            pltpu.VMEM((4 * N,), jnp.int32),
            pltpu.VMEM((4 * N,), jnp.float32),
            pltpu.VMEM((3, 4, _K, C // 2), jnp.int32),
            pltpu.VMEM((2, _K, C), jnp.float32),
            pltpu.SemaphoreType.DMA((3,)),
            pltpu.SemaphoreType.DMA((2,)),
        ],
    )
    out = sc(table, xy_t)
    return out.reshape(B, N, C)

# --- scband reference (transcript-rebuilt; emitter-appended) ---
"""Pipeline reference for scband-point-aggregator-61400852464325 (READ-ONLY COPY).

The authoritative reference and input builder live on the scoring server;
editing this copy changes nothing except your own understanding.
"""

import jax, jax.numpy as jnp
import numpy as np

B, C, H, W, N = 32, 768, 32, 32, 2048

def setup_inputs(seed: int = 0) -> dict:
    key = jax.random.key(seed)
    k1, k2 = jax.random.split(key)
    input_ = jax.random.normal(k1, (B, C, H, W), dtype=jnp.float32)
    xy_positions = jax.random.normal(k2, (N, 2), dtype=jnp.float32) * 0.25
    return {"input_": input_, "xy_positions": xy_positions}

def reference(input_, xy_positions):
    # Faithful translation of PointAggregator.forward:
    #   grid = tanh(_xy_positions) expanded to (B,1,N,2)
    #   F.grid_sample(input_, grid, padding_mode='border', align_corners=False)
    #   -> (B,C,1,N) -> squeeze(-2) -> transpose(-1,-2) -> (B,N,C)
    B_, C_, H_, W_ = input_.shape
    grid = jnp.tanh(xy_positions)            # [N,2], last dim = (x, y)
    gx = grid[:, 0]
    gy = grid[:, 1]
    # align_corners=False unnormalization: pix = ((coord + 1) * size - 1) / 2
    x = (gx + 1.0) * W_ * 0.5 - 0.5
    y = (gy + 1.0) * H_ * 0.5 - 0.5
    # padding_mode='border': clamp coordinates into valid range
    x = jnp.clip(x, 0.0, W_ - 1.0)
    y = jnp.clip(y, 0.0, H_ - 1.0)
    x0 = jnp.floor(x)
    y0 = jnp.floor(y)
    wx1 = x - x0
    wx0 = 1.0 - wx1
    wy1 = y - y0
    wy0 = 1.0 - wy1
    x0i = jnp.clip(x0.astype(jnp.int32), 0, W_ - 1)
    x1i = jnp.clip(x0i + 1, 0, W_ - 1)
    y0i = jnp.clip(y0.astype(jnp.int32), 0, H_ - 1)
    y1i = jnp.clip(y0i + 1, 0, H_ - 1)
    # four corner gathers -> each [B, C, N]
    v00 = input_[:, :, y0i, x0i]
    v01 = input_[:, :, y0i, x1i]
    v10 = input_[:, :, y1i, x0i]
    v11 = input_[:, :, y1i, x1i]
    w00 = (wy0 * wx0)[None, None, :]
    w01 = (wy0 * wx1)[None, None, :]
    w10 = (wy1 * wx0)[None, None, :]
    w11 = (wy1 * wx1)[None, None, :]
    out = v00 * w00 + v01 * w01 + v10 * w10 + v11 * w11   # [B, C, N]
    return jnp.transpose(out, (0, 2, 1))                   # [B, N, C]

if __name__ == "__main__":
    import jax
    _d = setup_inputs()
    print(jax.jit(kernel)(*tuple(_d.values())))

</pallas_src>

<mosaic_0001>
#map = affine_map<(d0, d1) -> (0, 0)>
module attributes {stable_mosaic.version = 14 : i64} {
  func.func @_sc_body(%arg0: i32, %arg1: i32, %arg2: memref<32768x384xi32, #tpu.memory_space<hbm>>, %arg3: memref<2x2048xf32, #tpu.memory_space<hbm>>, %arg4: memref<65536x768xf32, #tpu.memory_space<hbm>>, %arg5: memref<2x2048xf32, #tpu.memory_space<vmem>>, %arg6: memref<8192xi32, #tpu.memory_space<vmem>>, %arg7: memref<8192xf32, #tpu.memory_space<vmem>>, %arg8: memref<3x4x16x384xi32, #tpu.memory_space<vmem>>, %arg9: memref<2x16x768xf32, #tpu.memory_space<vmem>>, %arg10: memref<3x!tpu.dma_semaphore, #tpu.memory_space<semaphore_mem>>, %arg11: memref<2x!tpu.dma_semaphore, #tpu.memory_space<semaphore_mem>>) attributes {dimension_semantics = [#tpu.dimension_semantics<core_parallel>, #tpu.dimension_semantics<subcore_parallel>], iteration_bounds = array<i64: 2, 16>, scalar_prefetch = 0 : i64, scratch_operands = 7 : i64, tpu.core_type = #tpu.core_type<sc_vector_subcore>, window_params = [{transform_indices = #map}, {transform_indices = #map}, {transform_indices = #map}]} {
    %mul3A = arith.constant 2 : i32
    %mul3A_0 = arith.muli %arg1, %mul3A : i32
    %add3A = arith.addi %mul3A_0, %arg0 : i32
    %mul3A_1 = arith.constant 1024 : i32
    %mul3A_2 = arith.muli %add3A, %mul3A_1 : i32
    "tpu.region"() ({
      %run_scoped3A = tpu.sem_alloc : memref<!tpu.dma_semaphore, #tpu.memory_space<semaphore_mem>>
      tpu.enqueue_dma source(%arg3 : memref<2x2048xf32, #tpu.memory_space<hbm>>) target(%arg5 : memref<2x2048xf32, #tpu.memory_space<vmem>>) target_semaphore(%run_scoped3A : memref<!tpu.dma_semaphore, #tpu.memory_space<semaphore_mem>>)
      tpu.wait_dma2 semaphore(%run_scoped3A : memref<!tpu.dma_semaphore, #tpu.memory_space<semaphore_mem>>) src(%arg3 : memref<2x2048xf32, #tpu.memory_space<hbm>>) dst(%arg5 : memref<2x2048xf32, #tpu.memory_space<vmem>>)
      tpu.yield
    }) : () -> ()
    %scan3A = arith.constant 0 : i32
    %scan3A_3 = arith.constant 128 : i32
    %scan3A_4 = arith.addi %scan3A, %scan3A_3 : i32
    %scan3A_5 = arith.constant 1 : i32
    scf.for %scan3A_225 = %scan3A to %scan3A_4 step %scan3A_5  : i32 {
      %mul3A_226 = arith.constant 1 : i32
      %mul3A_227 = arith.muli %scan3A_225, %mul3A_226 : i32
      %add3A_228 = arith.constant 0 : i32
      %add3A_229 = arith.addi %add3A_228, %mul3A_227 : i32
      %mul3A_230 = arith.constant 16 : i32
      %mul3A_231 = arith.muli %add3A_229, %mul3A_230 : i32
      %get3A = arith.constant 0 : i32
      %get3A_232 = arith.index_cast %get3A : i32 to index
      %get3A_233 = arith.index_cast %mul3A_231 : i32 to index
      %get3A_234 = tpu.vector_load %arg5[%get3A_232, %get3A_233] {strides = array<i32>} : memref<2x2048xf32, #tpu.memory_space<vmem>>, vector<1x16xf32>,
      %get3A_235 = vector.shape_cast %get3A_234 : vector<1x16xf32> to vector<16xf32>
      %get3A_236 = arith.constant 1 : i32
      %get3A_237 = arith.index_cast %get3A_236 : i32 to index
      %get3A_238 = arith.index_cast %mul3A_231 : i32 to index
      %get3A_239 = tpu.vector_load %arg5[%get3A_237, %get3A_238] {strides = array<i32>} : memref<2x2048xf32, #tpu.memory_space<vmem>>, vector<1x16xf32>,
      %get3A_240 = vector.shape_cast %get3A_239 : vector<1x16xf32> to vector<16xf32>
      %mul3A_241 = arith.constant 2.000000e+00 : f32
      %mul3A_242 = vector.broadcast %mul3A_241 : f32 to vector<16xf32>
      %mul3A_243 = arith.mulf %mul3A_242, %get3A_235 : vector<16xf32>
      %exp3A = math.exp %mul3A_243 : vector<16xf32>
      %add3A_244 = arith.constant 1.000000e+00 : f32
      %add3A_245 = vector.broadcast %add3A_244 : f32 to vector<16xf32>
      %add3A_246 = arith.addf %exp3A, %add3A_245 : vector<16xf32>
      %div3A = arith.constant 2.000000e+00 : f32
      %div3A_247 = vector.broadcast %div3A : f32 to vector<16xf32>
      %div3A_248 = arith.divf %div3A_247, %add3A_246 : vector<16xf32>
      %sub3A = arith.constant 1.000000e+00 : f32
      %sub3A_249 = vector.broadcast %sub3A : f32 to vector<16xf32>
      %sub3A_250 = arith.subf %sub3A_249, %div3A_248 : vector<16xf32>
      %mul3A_251 = arith.constant 2.000000e+00 : f32
      %mul3A_252 = vector.broadcast %mul3A_251 : f32 to vector<16xf32>
      %mul3A_253 = arith.mulf %mul3A_252, %get3A_240 : vector<16xf32>
      %exp3A_254 = math.exp %mul3A_253 : vector<16xf32>
      %add3A_255 = arith.constant 1.000000e+00 : f32
      %add3A_256 = vector.broadcast %add3A_255 : f32 to vector<16xf32>
      %add3A_257 = arith.addf %exp3A_254, %add3A_256 : vector<16xf32>
      %div3A_258 = arith.constant 2.000000e+00 : f32
      %div3A_259 = vector.broadcast %div3A_258 : f32 to vector<16xf32>
      %div3A_260 = arith.divf %div3A_259, %add3A_257 : vector<16xf32>
      %sub3A_261 = arith.constant 1.000000e+00 : f32
      %sub3A_262 = vector.broadcast %sub3A_261 : f32 to vector<16xf32>
      %sub3A_263 = arith.subf %sub3A_262, %div3A_260 : vector<16xf32>
      %add3A_264 = arith.constant 1.000000e+00 : f32
      %add3A_265 = vector.broadcast %add3A_264 : f32 to vector<16xf32>
      %add3A_266 = arith.addf %sub3A_250, %add3A_265 : vector<16xf32>
      %mul3A_267 = arith.constant 1.600000e+01 : f32
      %mul3A_268 = vector.broadcast %mul3A_267 : f32 to vector<16xf32>
      %mul3A_269 = arith.mulf %add3A_266, %mul3A_268 : vector<16xf32>
      %sub3A_270 = arith.constant 5.000000e-01 : f32
      %sub3A_271 = vector.broadcast %sub3A_270 : f32 to vector<16xf32>
      %sub3A_272 = arith.subf %mul3A_269, %sub3A_271 : vector<16xf32>
      %jit3A = arith.constant 0.000000e+00 : f32
      %jit3A_273 = arith.constant 3.100000e+01 : f32
      %max3A = vector.broadcast %jit3A : f32 to vector<16xf32>
      %max3A_274 = arith.maximumf %max3A, %sub3A_272 : vector<16xf32>
      %min3A = vector.broadcast %jit3A_273 : f32 to vector<16xf32>
      %min3A_275 = arith.minimumf %min3A, %max3A_274 : vector<16xf32>
      %add3A_276 = arith.constant 1.000000e+00 : f32
      %add3A_277 = vector.broadcast %add3A_276 : f32 to vector<16xf32>
      %add3A_278 = arith.addf %sub3A_263, %add3A_277 : vector<16xf32>
      %mul3A_279 = arith.constant 1.600000e+01 : f32
      %mul3A_280 = vector.broadcast %mul3A_279 : f32 to vector<16xf32>
      %mul3A_281 = arith.mulf %add3A_278, %mul3A_280 : vector<16xf32>
      %sub3A_282 = arith.constant 5.000000e-01 : f32
      %sub3A_283 = vector.broadcast %sub3A_282 : f32 to vector<16xf32>
      %sub3A_284 = arith.subf %mul3A_281, %sub3A_283 : vector<16xf32>
      %jit3A_285 = arith.constant 0.000000e+00 : f32
      %jit3A_286 = arith.constant 3.100000e+01 : f32
      %max3A_287 = vector.broadcast %jit3A_285 : f32 to vector<16xf32>
      %max3A_288 = arith.maximumf %max3A_287, %sub3A_284 : vector<16xf32>
      %min3A_289 = vector.broadcast %jit3A_286 : f32 to vector<16xf32>
      %min3A_290 = arith.minimumf %min3A_289, %max3A_288 : vector<16xf32>
      %convert_element_type3A = arith.fptosi %min3A_275 : vector<16xf32> to vector<16xi32>
      %convert_element_type3A_291 = arith.fptosi %min3A_290 : vector<16xf32> to vector<16xi32>
      %convert_element_type3A_292 = arith.sitofp %convert_element_type3A : vector<16xi32> to vector<16xf32>
      %sub3A_293 = arith.subf %min3A_275, %convert_element_type3A_292 : vector<16xf32>
      %convert_element_type3A_294 = arith.sitofp %convert_element_type3A_291 : vector<16xi32> to vector<16xf32>
      %sub3A_295 = arith.subf %min3A_290, %convert_element_type3A_294 : vector<16xf32>
      %sub3A_296 = arith.constant 1.000000e+00 : f32
      %sub3A_297 = vector.broadcast %sub3A_296 : f32 to vector<16xf32>
      %sub3A_298 = arith.subf %sub3A_297, %sub3A_293 : vector<16xf32>
      %sub3A_299 = arith.constant 1.000000e+00 : f32
      %sub3A_300 = vector.broadcast %sub3A_299 : f32 to vector<16xf32>
      %sub3A_301 = arith.subf %sub3A_300, %sub3A_295 : vector<16xf32>
      %add3A_302 = arith.constant 1 : i32
      %add3A_303 = vector.broadcast %add3A_302 : i32 to vector<16xi32>
      %add3A_304 = arith.addi %convert_element_type3A, %add3A_303 : vector<16xi32>
      %min3A_305 = arith.constant 31 : i32
      %min3A_306 = vector.broadcast %min3A_305 : i32 to vector<16xi32>
      %min3A_307 = arith.minsi %add3A_304, %min3A_306 : vector<16xi32>
      %add3A_308 = arith.constant 1 : i32
      %add3A_309 = vector.broadcast %add3A_308 : i32 to vector<16xi32>
      %add3A_310 = arith.addi %convert_element_type3A_291, %add3A_309 : vector<16xi32>
      %min3A_311 = arith.constant 31 : i32
      %min3A_312 = vector.broadcast %min3A_311 : i32 to vector<16xi32>
      %min3A_313 = arith.minsi %add3A_310, %min3A_312 : vector<16xi32>
      %mul3A_314 = arith.constant 32 : i32
      %mul3A_315 = vector.broadcast %mul3A_314 : i32 to vector<16xi32>
      %mul3A_316 = arith.muli %convert_element_type3A_291, %mul3A_315 : vector<16xi32>
      %add3A_317 = vector.broadcast %mul3A_2 : i32 to vector<16xi32>
      %add3A_318 = arith.addi %add3A_317, %mul3A_316 : vector<16xi32>
      %mul3A_319 = arith.constant 32 : i32
      %mul3A_320 = vector.broadcast %mul3A_319 : i32 to vector<16xi32>
      %mul3A_321 = arith.muli %min3A_313, %mul3A_320 : vector<16xi32>
      %add3A_322 = vector.broadcast %mul3A_2 : i32 to vector<16xi32>
      %add3A_323 = arith.addi %add3A_322, %mul3A_321 : vector<16xi32>
      %add3A_324 = arith.addi %add3A_318, %convert_element_type3A : vector<16xi32>
      %mul3A_325 = arith.mulf %sub3A_301, %sub3A_298 : vector<16xf32>
      %add3A_326 = arith.addi %add3A_318, %min3A_307 : vector<16xi32>
      %mul3A_327 = arith.mulf %sub3A_301, %sub3A_293 : vector<16xf32>
      %add3A_328 = arith.addi %add3A_323, %convert_element_type3A : vector<16xi32>
      %mul3A_329 = arith.mulf %sub3A_295, %sub3A_298 : vector<16xf32>
      %add3A_330 = arith.addi %add3A_323, %min3A_307 : vector<16xi32>
      %mul3A_331 = arith.mulf %sub3A_295, %sub3A_293 : vector<16xf32>
      %add3A_332 = arith.constant 0 : i32
      %add3A_333 = arith.addi %add3A_332, %mul3A_231 : i32
      %swap3A = arith.index_cast %add3A_333 : i32 to index
      %swap3A_334 = tpu.vector_load %arg6[%swap3A] {strides = array<i32>} : memref<8192xi32, #tpu.memory_space<vmem>>, vector<16xi32>,
      %swap3A_335 = vector.shape_cast %swap3A_334 : vector<16xi32> to vector<16xi32>
      %swap3A_336 = vector.shape_cast %add3A_324 : vector<16xi32> to vector<16xi32>
      tpu.vector_store %arg6[%swap3A], %swap3A_336 {strides = array<i32>} : memref<8192xi32, #tpu.memory_space<vmem>>, vector<16xi32>,
      %add3A_337 = arith.constant 0 : i32
      %add3A_338 = arith.addi %add3A_337, %mul3A_231 : i32
      %swap3A_339 = arith.index_cast %add3A_338 : i32 to index
      %swap3A_340 = tpu.vector_load %arg7[%swap3A_339] {strides = array<i32>} : memref<8192xf32, #tpu.memory_space<vmem>>, vector<16xf32>,
      %swap3A_341 = vector.shape_cast %swap3A_340 : vector<16xf32> to vector<16xf32>
      %swap3A_342 = vector.shape_cast %mul3A_325 : vector<16xf32> to vector<16xf32>
      tpu.vector_store %arg7[%swap3A_339], %swap3A_342 {strides = array<i32>} : memref<8192xf32, #tpu.memory_space<vmem>>, vector<16xf32>,
      %add3A_343 = arith.constant 2048 : i32
      %add3A_344 = arith.addi %add3A_343, %mul3A_231 : i32
      %swap3A_345 = arith.index_cast %add3A_344 : i32 to index
      %swap3A_346 = tpu.vector_load %arg6[%swap3A_345] {strides = array<i32>} : memref<8192xi32, #tpu.memory_space<vmem>>, vector<16xi32>,
      %swap3A_347 = vector.shape_cast %swap3A_346 : vector<16xi32> to vector<16xi32>
      %swap3A_348 = vector.shape_cast %add3A_326 : vector<16xi32> to vector<16xi32>
      tpu.vector_store %arg6[%swap3A_345], %swap3A_348 {strides = array<i32>} : memref<8192xi32, #tpu.memory_space<vmem>>, vector<16xi32>,
      %add3A_349 = arith.constant 2048 : i32
      %add3A_350 = arith.addi %add3A_349, %mul3A_231 : i32
      %swap3A_351 = arith.index_cast %add3A_350 : i32 to index
      %swap3A_352 = tpu.vector_load %arg7[%swap3A_351] {strides = array<i32>} : memref<8192xf32, #tpu.memory_space<vmem>>, vector<16xf32>,
      %swap3A_353 = vector.shape_cast %swap3A_352 : vector<16xf32> to vector<16xf32>
      %swap3A_354 = vector.shape_cast %mul3A_327 : vector<16xf32> to vector<16xf32>
      tpu.vector_store %arg7[%swap3A_351], %swap3A_354 {strides = array<i32>} : memref<8192xf32, #tpu.memory_space<vmem>>, vector<16xf32>,
      %add3A_355 = arith.constant 4096 : i32
      %add3A_356 = arith.addi %add3A_355, %mul3A_231 : i32
      %swap3A_357 = arith.index_cast %add3A_356 : i32 to index
      %swap3A_358 = tpu.vector_load %arg6[%swap3A_357] {strides = array<i32>} : memref<8192xi32, #tpu.memory_space<vmem>>, vector<16xi32>,
      %swap3A_359 = vector.shape_cast %swap3A_358 : vector<16xi32> to vector<16xi32>
      %swap3A_360 = vector.shape_cast %add3A_328 : vector<16xi32> to vector<16xi32>
      tpu.vector_store %arg6[%swap3A_357], %swap3A_360 {strides = array<i32>} : memref<8192xi32, #tpu.memory_space<vmem>>, vector<16xi32>,
      %add3A_361 = arith.constant 4096 : i32
      %add3A_362 = arith.addi %add3A_361, %mul3A_231 : i32
      %swap3A_363 = arith.index_cast %add3A_362 : i32 to index
      %swap3A_364 = tpu.vector_load %arg7[%swap3A_363] {strides = array<i32>} : memref<8192xf32, #tpu.memory_space<vmem>>, vector<16xf32>,
      %swap3A_365 = vector.shape_cast %swap3A_364 : vector<16xf32> to vector<16xf32>
      %swap3A_366 = vector.shape_cast %mul3A_329 : vector<16xf32> to vector<16xf32>
      tpu.vector_store %arg7[%swap3A_363], %swap3A_366 {strides = array<i32>} : memref<8192xf32, #tpu.memory_space<vmem>>, vector<16xf32>,
      %add3A_367 = arith.constant 6144 : i32
      %add3A_368 = arith.addi %add3A_367, %mul3A_231 : i32
      %swap3A_369 = arith.index_cast %add3A_368 : i32 to index
      %swap3A_370 = tpu.vector_load %arg6[%swap3A_369] {strides = array<i32>} : memref<8192xi32, #tpu.memory_space<vmem>>, vector<16xi32>,
      %swap3A_371 = vector.shape_cast %swap3A_370 : vector<16xi32> to vector<16xi32>
      %swap3A_372 = vector.shape_cast %add3A_330 : vector<16xi32> to vector<16xi32>
      tpu.vector_store %arg6[%swap3A_369], %swap3A_372 {strides = array<i32>} : memref<8192xi32, #tpu.memory_space<vmem>>, vector<16xi32>,
      %add3A_373 = arith.constant 6144 : i32
      %add3A_374 = arith.addi %add3A_373, %mul3A_231 : i32
      %swap3A_375 = arith.index_cast %add3A_374 : i32 to index
      %swap3A_376 = tpu.vector_load %arg7[%swap3A_375] {strides = array<i32>} : memref<8192xf32, #tpu.memory_space<vmem>>, vector<16xf32>,
      %swap3A_377 = vector.shape_cast %swap3A_376 : vector<16xf32> to vector<16xf32>
      %swap3A_378 = vector.shape_cast %mul3A_331 : vector<16xf32> to vector<16xf32>
      tpu.vector_store %arg7[%swap3A_375], %swap3A_378 {strides = array<i32>} : memref<8192xf32, #tpu.memory_space<vmem>>, vector<16xf32>,
    }
    %scan3A_6 = arith.constant 128 : i32
    %dma_start3A = arith.constant 0 : i32
    %dma_start3A_7 = arith.constant 0 : i32
    %dma_start3A_8 = arith.constant 0 : i32
    %dma_start3A_9 = arith.constant 0 : i32
    %dma_start3A_10 = arith.constant 0 : i32
    %dma_start3A_11 = tpu.memref_slice %arg8[%dma_start3A, %dma_start3A_7, %dma_start3A_9, %dma_start3A_10] : memref<3x4x16x384xi32, #tpu.memory_space<vmem>> -> memref<1x1x16x384xi32, #tpu.memory_space<vmem>>
    %dma_start3A_12 = tpu.memref_squeeze %dma_start3A_11 : memref<1x1x16x384xi32, #tpu.memory_space<vmem>> -> memref<16x384xi32, #tpu.memory_space<vmem>>
    %dma_start3A_13 = arith.constant 0 : i32
    %dma_start3A_14 = tpu.memref_slice %arg6[%dma_start3A_13] : memref<8192xi32, #tpu.memory_space<vmem>> -> memref<16xi32, #tpu.memory_space<vmem>>
    %dma_start3A_15 = arith.constant 0 : i32
    %dma_start3A_16 = arith.constant 0 : i32
    %dma_start3A_17 = tpu.memref_slice %arg2[%dma_start3A_15, %dma_start3A_16] : memref<32768x384xi32, #tpu.memory_space<hbm>> -> memref<32768x384xi32, #tpu.memory_space<hbm>>
    %dma_start3A_18 = tpu.memref_slice %arg10[%dma_start3A_8] : memref<3x!tpu.dma_semaphore, #tpu.memory_space<semaphore_mem>> -> memref<1x!tpu.dma_semaphore, #tpu.memory_space<semaphore_mem>>
    %dma_start3A_19 = tpu.memref_squeeze %dma_start3A_18 : memref<1x!tpu.dma_semaphore, #tpu.memory_space<semaphore_mem>> -> memref<!tpu.dma_semaphore, #tpu.memory_space<semaphore_mem>>
    tpu.enqueue_indirect_dma source(%dma_start3A_17 : memref<32768x384xi32, #tpu.memory_space<hbm>>) target(%dma_start3A_12 : memref<16x384xi32, #tpu.memory_space<vmem>>) offsets(%dma_start3A_14 : memref<16xi32, #tpu.memory_space<vmem>>) semaphore(%dma_start3A_19 : memref<!tpu.dma_semaphore, #tpu.memory_space<semaphore_mem>>)
    %dma_start3A_20 = arith.constant 0 : i32
    %dma_start3A_21 = arith.constant 1 : i32
    %dma_start3A_22 = arith.constant 0 : i32
    %dma_start3A_23 = arith.constant 0 : i32
    %dma_start3A_24 = arith.constant 0 : i32
    %dma_start3A_25 = tpu.memref_slice %arg8[%dma_start3A_20, %dma_start3A_21, %dma_start3A_23, %dma_start3A_24] : memref<3x4x16x384xi32, #tpu.memory_space<vmem>> -> memref<1x1x16x384xi32, #tpu.memory_space<vmem>>
    %dma_start3A_26 = tpu.memref_squeeze %dma_start3A_25 : memref<1x1x16x384xi32, #tpu.memory_space<vmem>> -> memref<16x384xi32, #tpu.memory_space<vmem>>
    %dma_start3A_27 = arith.constant 2048 : i32
    %dma_start3A_28 = tpu.memref_slice %arg6[%dma_start3A_27] : memref<8192xi32, #tpu.memory_space<vmem>> -> memref<16xi32, #tpu.memory_space<vmem>>
    %dma_start3A_29 = arith.constant 0 : i32
    %dma_start3A_30 = arith.constant 0 : i32
    %dma_start3A_31 = tpu.memref_slice %arg2[%dma_start3A_29, %dma_start3A_30] : memref<32768x384xi32, #tpu.memory_space<hbm>> -> memref<32768x384xi32, #tpu.memory_space<hbm>>
    %dma_start3A_32 = tpu.memref_slice %arg10[%dma_start3A_22] : memref<3x!tpu.dma_semaphore, #tpu.memory_space<semaphore_mem>> -> memref<1x!tpu.dma_semaphore, #tpu.memory_space<semaphore_mem>>
    %dma_start3A_33 = tpu.memref_squeeze %dma_start3A_32 : memref<1x!tpu.dma_semaphore, #tpu.memory_space<semaphore_mem>> -> memref<!tpu.dma_semaphore, #tpu.memory_space<semaphore_mem>>
    tpu.enqueue_indirect_dma source(%dma_start3A_31 : memref<32768x384xi32, #tpu.memory_space<hbm>>) target(%dma_start3A_26 : memref<16x384xi32, #tpu.memory_space<vmem>>) offsets(%dma_start3A_28 : memref<16xi32, #tpu.memory_space<vmem>>) semaphore(%dma_start3A_33 : memref<!tpu.dma_semaphore, #tpu.memory_space<semaphore_mem>>)
    %dma_start3A_34 = arith.constant 0 : i32
    %dma_start3A_35 = arith.constant 2 : i32
    %dma_start3A_36 = arith.constant 0 : i32
    %dma_start3A_37 = arith.constant 0 : i32
    %dma_start3A_38 = arith.constant 0 : i32
    %dma_start3A_39 = tpu.memref_slice %arg8[%dma_start3A_34, %dma_start3A_35, %dma_start3A_37, %dma_start3A_38] : memref<3x4x16x384xi32, #tpu.memory_space<vmem>> -> memref<1x1x16x384xi32, #tpu.memory_space<vmem>>
    %dma_start3A_40 = tpu.memref_squeeze %dma_start3A_39 : memref<1x1x16x384xi32, #tpu.memory_space<vmem>> -> memref<16x384xi32, #tpu.memory_space<vmem>>
    %dma_start3A_41 = arith.constant 4096 : i32
    %dma_start3A_42 = tpu.memref_slice %arg6[%dma_start3A_41] : memref<8192xi32, #tpu.memory_space<vmem>> -> memref<16xi32, #tpu.memory_space<vmem>>
    %dma_start3A_43 = arith.constant 0 : i32
    %dma_start3A_44 = arith.constant 0 : i32
    %dma_start3A_45 = tpu.memref_slice %arg2[%dma_start3A_43, %dma_start3A_44] : memref<32768x384xi32, #tpu.memory_space<hbm>> -> memref<32768x384xi32, #tpu.memory_space<hbm>>
    %dma_start3A_46 = tpu.memref_slice %arg10[%dma_start3A_36] : memref<3x!tpu.dma_semaphore, #tpu.memory_space<semaphore_mem>> -> memref<1x!tpu.dma_semaphore, #tpu.memory_space<semaphore_mem>>
    %dma_start3A_47 = tpu.memref_squeeze %dma_start3A_46 : memref<1x!tpu.dma_semaphore, #tpu.memory_space<semaphore_mem>> -> memref<!tpu.dma_semaphore, #tpu.memory_space<semaphore_mem>>
    tpu.enqueue_indirect_dma source(%dma_start3A_45 : memref<32768x384xi32, #tpu.memory_space<hbm>>) target(%dma_start3A_40 : memref<16x384xi32, #tpu.memory_space<vmem>>) offsets(%dma_start3A_42 : memref<16xi32, #tpu.memory_space<vmem>>) semaphore(%dma_start3A_47 : memref<!tpu.dma_semaphore, #tpu.memory_space<semaphore_mem>>)
    %dma_start3A_48 = arith.constant 0 : i32
    %dma_start3A_49 = arith.constant 3 : i32
    %dma_start3A_50 = arith.constant 0 : i32
    %dma_start3A_51 = arith.constant 0 : i32
    %dma_start3A_52 = arith.constant 0 : i32
    %dma_start3A_53 = tpu.memref_slice %arg8[%dma_start3A_48, %dma_start3A_49, %dma_start3A_51, %dma_start3A_52] : memref<3x4x16x384xi32, #tpu.memory_space<vmem>> -> memref<1x1x16x384xi32, #tpu.memory_space<vmem>>
    %dma_start3A_54 = tpu.memref_squeeze %dma_start3A_53 : memref<1x1x16x384xi32, #tpu.memory_space<vmem>> -> memref<16x384xi32, #tpu.memory_space<vmem>>
    %dma_start3A_55 = arith.constant 6144 : i32
    %dma_start3A_56 = tpu.memref_slice %arg6[%dma_start3A_55] : memref<8192xi32, #tpu.memory_space<vmem>> -> memref<16xi32, #tpu.memory_space<vmem>>
    %dma_start3A_57 = arith.constant 0 : i32
    %dma_start3A_58 = arith.constant 0 : i32
    %dma_start3A_59 = tpu.memref_slice %arg2[%dma_start3A_57, %dma_start3A_58] : memref<32768x384xi32, #tpu.memory_space<hbm>> -> memref<32768x384xi32, #tpu.memory_space<hbm>>
    %dma_start3A_60 = tpu.memref_slice %arg10[%dma_start3A_50] : memref<3x!tpu.dma_semaphore, #tpu.memory_space<semaphore_mem>> -> memref<1x!tpu.dma_semaphore, #tpu.memory_space<semaphore_mem>>
    %dma_start3A_61 = tpu.memref_squeeze %dma_start3A_60 : memref<1x!tpu.dma_semaphore, #tpu.memory_space<semaphore_mem>> -> memref<!tpu.dma_semaphore, #tpu.memory_space<semaphore_mem>>
    tpu.enqueue_indirect_dma source(%dma_start3A_59 : memref<32768x384xi32, #tpu.memory_space<hbm>>) target(%dma_start3A_54 : memref<16x384xi32, #tpu.memory_space<vmem>>) offsets(%dma_start3A_56 : memref<16xi32, #tpu.memory_space<vmem>>) semaphore(%dma_start3A_61 : memref<!tpu.dma_semaphore, #tpu.memory_space<semaphore_mem>>)
    %dma_start3A_62 = arith.constant 1 : i32
    %dma_start3A_63 = arith.constant 0 : i32
    %dma_start3A_64 = arith.constant 1 : i32
    %dma_start3A_65 = arith.constant 0 : i32
    %dma_start3A_66 = arith.constant 0 : i32
    %dma_start3A_67 = tpu.memref_slice %arg8[%dma_start3A_62, %dma_start3A_63, %dma_start3A_65, %dma_start3A_66] : memref<3x4x16x384xi32, #tpu.memory_space<vmem>> -> memref<1x1x16x384xi32, #tpu.memory_space<vmem>>
    %dma_start3A_68 = tpu.memref_squeeze %dma_start3A_67 : memref<1x1x16x384xi32, #tpu.memory_space<vmem>> -> memref<16x384xi32, #tpu.memory_space<vmem>>
    %dma_start3A_69 = arith.constant 16 : i32
    %dma_start3A_70 = tpu.memref_slice %arg6[%dma_start3A_69] : memref<8192xi32, #tpu.memory_space<vmem>> -> memref<16xi32, #tpu.memory_space<vmem>>
    %dma_start3A_71 = arith.constant 0 : i32
    %dma_start3A_72 = arith.constant 0 : i32
    %dma_start3A_73 = tpu.memref_slice %arg2[%dma_start3A_71, %dma_start3A_72] : memref<32768x384xi32, #tpu.memory_space<hbm>> -> memref<32768x384xi32, #tpu.memory_space<hbm>>
    %dma_start3A_74 = tpu.memref_slice %arg10[%dma_start3A_64] : memref<3x!tpu.dma_semaphore, #tpu.memory_space<semaphore_mem>> -> memref<1x!tpu.dma_semaphore, #tpu.memory_space<semaphore_mem>>
    %dma_start3A_75 = tpu.memref_squeeze %dma_start3A_74 : memref<1x!tpu.dma_semaphore, #tpu.memory_space<semaphore_mem>> -> memref<!tpu.dma_semaphore, #tpu.memory_space<semaphore_mem>>
    tpu.enqueue_indirect_dma source(%dma_start3A_73 : memref<32768x384xi32, #tpu.memory_space<hbm>>) target(%dma_start3A_68 : memref<16x384xi32, #tpu.memory_space<vmem>>) offsets(%dma_start3A_70 : memref<16xi32, #tpu.memory_space<vmem>>) semaphore(%dma_start3A_75 : memref<!tpu.dma_semaphore, #tpu.memory_space<semaphore_mem>>)
    %dma_start3A_76 = arith.constant 1 : i32
    %dma_start3A_77 = arith.constant 1 : i32
    %dma_start3A_78 = arith.constant 1 : i32
    %dma_start3A_79 = arith.constant 0 : i32
    %dma_start3A_80 = arith.constant 0 : i32
    %dma_start3A_81 = tpu.memref_slice %arg8[%dma_start3A_76, %dma_start3A_77, %dma_start3A_79, %dma_start3A_80] : memref<3x4x16x384xi32, #tpu.memory_space<vmem>> -> memref<1x1x16x384xi32, #tpu.memory_space<vmem>>
    %dma_start3A_82 = tpu.memref_squeeze %dma_start3A_81 : memref<1x1x16x384xi32, #tpu.memory_space<vmem>> -> memref<16x384xi32, #tpu.memory_space<vmem>>
    %dma_start3A_83 = arith.constant 2064 : i32
    %dma_start3A_84 = tpu.memref_slice %arg6[%dma_start3A_83] : memref<8192xi32, #tpu.memory_space<vmem>> -> memref<16xi32, #tpu.memory_space<vmem>>
    %dma_start3A_85 = arith.constant 0 : i32
    %dma_start3A_86 = arith.constant 0 : i32
    %dma_start3A_87 = tpu.memref_slice %arg2[%dma_start3A_85, %dma_start3A_86] : memref<32768x384xi32, #tpu.memory_space<hbm>> -> memref<32768x384xi32, #tpu.memory_space<hbm>>
    %dma_start3A_88 = tpu.memref_slice %arg10[%dma_start3A_78] : memref<3x!tpu.dma_semaphore, #tpu.memory_space<semaphore_mem>> -> memref<1x!tpu.dma_semaphore, #tpu.memory_space<semaphore_mem>>
    %dma_start3A_89 = tpu.memref_squeeze %dma_start3A_88 : memref<1x!tpu.dma_semaphore, #tpu.memory_space<semaphore_mem>> -> memref<!tpu.dma_semaphore, #tpu.memory_space<semaphore_mem>>
    tpu.enqueue_indirect_dma source(%dma_start3A_87 : memref<32768x384xi32, #tpu.memory_space<hbm>>) target(%dma_start3A_82 : memref<16x384xi32, #tpu.memory_space<vmem>>) offsets(%dma_start3A_84 : memref<16xi32, #tpu.memory_space<vmem>>) semaphore(%dma_start3A_89 : memref<!tpu.dma_semaphore, #tpu.memory_space<semaphore_mem>>)
    %dma_start3A_90 = arith.constant 1 : i32
    %dma_start3A_91 = arith.constant 2 : i32
    %dma_start3A_92 = arith.constant 1 : i32
    %dma_start3A_93 = arith.constant 0 : i32
    %dma_start3A_94 = arith.constant 0 : i32
    %dma_start3A_95 = tpu.memref_slice %arg8[%dma_start3A_90, %dma_start3A_91, %dma_start3A_93, %dma_start3A_94] : memref<3x4x16x384xi32, #tpu.memory_space<vmem>> -> memref<1x1x16x384xi32, #tpu.memory_space<vmem>>
    %dma_start3A_96 = tpu.memref_squeeze %dma_start3A_95 : memref<1x1x16x384xi32, #tpu.memory_space<vmem>> -> memref<16x384xi32, #tpu.memory_space<vmem>>
    %dma_start3A_97 = arith.constant 4112 : i32
    %dma_start3A_98 = tpu.memref_slice %arg6[%dma_start3A_97] : memref<8192xi32, #tpu.memory_space<vmem>> -> memref<16xi32, #tpu.memory_space<vmem>>
    %dma_start3A_99 = arith.constant 0 : i32
    %dma_start3A_100 = arith.constant 0 : i32
    %dma_start3A_101 = tpu.memref_slice %arg2[%dma_start3A_99, %dma_start3A_100] : memref<32768x384xi32, #tpu.memory_space<hbm>> -> memref<32768x384xi32, #tpu.memory_space<hbm>>
    %dma_start3A_102 = tpu.memref_slice %arg10[%dma_start3A_92] : memref<3x!tpu.dma_semaphore, #tpu.memory_space<semaphore_mem>> -> memref<1x!tpu.dma_semaphore, #tpu.memory_space<semaphore_mem>>
    %dma_start3A_103 = tpu.memref_squeeze %dma_start3A_102 : memref<1x!tpu.dma_semaphore, #tpu.memory_space<semaphore_mem>> -> memref<!tpu.dma_semaphore, #tpu.memory_space<semaphore_mem>>
    tpu.enqueue_indirect_dma source(%dma_start3A_101 : memref<32768x384xi32, #tpu.memory_space<hbm>>) target(%dma_start3A_96 : memref<16x384xi32, #tpu.memory_space<vmem>>) offsets(%dma_start3A_98 : memref<16xi32, #tpu.memory_space<vmem>>) semaphore(%dma_start3A_103 : memref<!tpu.dma_semaphore, #tpu.memory_space<semaphore_mem>>)
    %dma_start3A_104 = arith.constant 1 : i32
    %dma_start3A_105 = arith.constant 3 : i32
    %dma_start3A_106 = arith.constant 1 : i32
    %dma_start3A_107 = arith.constant 0 : i32
    %dma_start3A_108 = arith.constant 0 : i32
    %dma_start3A_109 = tpu.memref_slice %arg8[%dma_start3A_104, %dma_start3A_105, %dma_start3A_107, %dma_start3A_108] : memref<3x4x16x384xi32, #tpu.memory_space<vmem>> -> memref<1x1x16x384xi32, #tpu.memory_space<vmem>>
    %dma_start3A_110 = tpu.memref_squeeze %dma_start3A_109 : memref<1x1x16x384xi32, #tpu.memory_space<vmem>> -> memref<16x384xi32, #tpu.memory_space<vmem>>
    %dma_start3A_111 = arith.constant 6160 : i32
    %dma_start3A_112 = tpu.memref_slice %arg6[%dma_start3A_111] : memref<8192xi32, #tpu.memory_space<vmem>> -> memref<16xi32, #tpu.memory_space<vmem>>
    %dma_start3A_113 = arith.constant 0 : i32
    %dma_start3A_114 = arith.constant 0 : i32
    %dma_start3A_115 = tpu.memref_slice %arg2[%dma_start3A_113, %dma_start3A_114] : memref<32768x384xi32, #tpu.memory_space<hbm>> -> memref<32768x384xi32, #tpu.memory_space<hbm>>
    %dma_start3A_116 = tpu.memref_slice %arg10[%dma_start3A_106] : memref<3x!tpu.dma_semaphore, #tpu.memory_space<semaphore_mem>> -> memref<1x!tpu.dma_semaphore, #tpu.memory_space<semaphore_mem>>
    %dma_start3A_117 = tpu.memref_squeeze %dma_start3A_116 : memref<1x!tpu.dma_semaphore, #tpu.memory_space<semaphore_mem>> -> memref<!tpu.dma_semaphore, #tpu.memory_space<semaphore_mem>>
    tpu.enqueue_indirect_dma source(%dma_start3A_115 : memref<32768x384xi32, #tpu.memory_space<hbm>>) target(%dma_start3A_110 : memref<16x384xi32, #tpu.memory_space<vmem>>) offsets(%dma_start3A_112 : memref<16xi32, #tpu.memory_space<vmem>>) semaphore(%dma_start3A_117 : memref<!tpu.dma_semaphore, #tpu.memory_space<semaphore_mem>>)
    %dma_wait3A = arith.constant 0 : i32
    %dma_wait3A_118 = arith.constant 0 : i32
    %dma_wait3A_119 = arith.constant 0 : i32
    %dma_wait3A_120 = arith.constant 0 : i32
    %dma_wait3A_121 = arith.constant 0 : i32
    %dma_wait3A_122 = tpu.memref_slice %arg8[%dma_wait3A, %dma_wait3A_118, %dma_wait3A_120, %dma_wait3A_121] : memref<3x4x16x384xi32, #tpu.memory_space<vmem>> -> memref<1x1x16x384xi32, #tpu.memory_space<vmem>>
    %dma_wait3A_123 = tpu.memref_squeeze %dma_wait3A_122 : memref<1x1x16x384xi32, #tpu.memory_space<vmem>> -> memref<16x384xi32, #tpu.memory_space<vmem>>
    %dma_wait3A_124 = arith.constant 0 : i32
    %dma_wait3A_125 = tpu.memref_slice %arg6[%dma_wait3A_124] : memref<8192xi32, #tpu.memory_space<vmem>> -> memref<16xi32, #tpu.memory_space<vmem>>
    %dma_wait3A_126 = arith.constant 0 : i32
    %dma_wait3A_127 = arith.constant 0 : i32
    %dma_wait3A_128 = tpu.memref_slice %arg2[%dma_wait3A_126, %dma_wait3A_127] : memref<32768x384xi32, #tpu.memory_space<hbm>> -> memref<32768x384xi32, #tpu.memory_space<hbm>>
    %dma_wait3A_129 = tpu.memref_slice %arg10[%dma_wait3A_119] : memref<3x!tpu.dma_semaphore, #tpu.memory_space<semaphore_mem>> -> memref<1x!tpu.dma_semaphore, #tpu.memory_space<semaphore_mem>>
    %dma_wait3A_130 = tpu.memref_squeeze %dma_wait3A_129 : memref<1x!tpu.dma_semaphore, #tpu.memory_space<semaphore_mem>> -> memref<!tpu.dma_semaphore, #tpu.memory_space<semaphore_mem>>
    tpu.wait_indirect_dma semaphore(%dma_wait3A_130 : memref<!tpu.dma_semaphore, #tpu.memory_space<semaphore_mem>>) src(%dma_wait3A_128 : memref<32768x384xi32, #tpu.memory_space<hbm>>) dst(%dma_wait3A_123 : memref<16x384xi32, #tpu.memory_space<vmem>>)
    %dma_wait3A_131 = arith.constant 0 : i32
    %dma_wait3A_132 = arith.constant 1 : i32
    %dma_wait3A_133 = arith.constant 0 : i32
    %dma_wait3A_134 = arith.constant 0 : i32
    %dma_wait3A_135 = arith.constant 0 : i32
    %dma_wait3A_136 = tpu.memref_slice %arg8[%dma_wait3A_131, %dma_wait3A_132, %dma_wait3A_134, %dma_wait3A_135] : memref<3x4x16x384xi32, #tpu.memory_space<vmem>> -> memref<1x1x16x384xi32, #tpu.memory_space<vmem>>
    %dma_wait3A_137 = tpu.memref_squeeze %dma_wait3A_136 : memref<1x1x16x384xi32, #tpu.memory_space<vmem>> -> memref<16x384xi32, #tpu.memory_space<vmem>>
    %dma_wait3A_138 = arith.constant 2048 : i32
    %dma_wait3A_139 = tpu.memref_slice %arg6[%dma_wait3A_138] : memref<8192xi32, #tpu.memory_space<vmem>> -> memref<16xi32, #tpu.memory_space<vmem>>
    %dma_wait3A_140 = arith.constant 0 : i32
    %dma_wait3A_141 = arith.constant 0 : i32
    %dma_wait3A_142 = tpu.memref_slice %arg2[%dma_wait3A_140, %dma_wait3A_141] : memref<32768x384xi32, #tpu.memory_space<hbm>> -> memref<32768x384xi32, #tpu.memory_space<hbm>>
    %dma_wait3A_143 = tpu.memref_slice %arg10[%dma_wait3A_133] : memref<3x!tpu.dma_semaphore, #tpu.memory_space<semaphore_mem>> -> memref<1x!tpu.dma_semaphore, #tpu.memory_space<semaphore_mem>>
    %dma_wait3A_144 = tpu.memref_squeeze %dma_wait3A_143 : memref<1x!tpu.dma_semaphore, #tpu.memory_space<semaphore_mem>> -> memref<!tpu.dma_semaphore, #tpu.memory_space<semaphore_mem>>
    tpu.wait_indirect_dma semaphore(%dma_wait3A_144 : memref<!tpu.dma_semaphore, #tpu.memory_space<semaphore_mem>>) src(%dma_wait3A_142 : memref<32768x384xi32, #tpu.memory_space<hbm>>) dst(%dma_wait3A_137 : memref<16x384xi32, #tpu.memory_space<vmem>>)
    %dma_wait3A_145 = arith.constant 0 : i32
    %dma_wait3A_146 = arith.constant 2 : i32
    %dma_wait3A_147 = arith.constant 0 : i32
    %dma_wait3A_148 = arith.constant 0 : i32
    %dma_wait3A_149 = arith.constant 0 : i32
    %dma_wait3A_150 = tpu.memref_slice %arg8[%dma_wait3A_145, %dma_wait3A_146, %dma_wait3A_148, %dma_wait3A_149] : memref<3x4x16x384xi32, #tpu.memory_space<vmem>> -> memref<1x1x16x384xi32, #tpu.memory_space<vmem>>
    %dma_wait3A_151 = tpu.memref_squeeze %dma_wait3A_150 : memref<1x1x16x384xi32, #tpu.memory_space<vmem>> -> memref<16x384xi32, #tpu.memory_space<vmem>>
    %dma_wait3A_152 = arith.constant 4096 : i32
    %dma_wait3A_153 = tpu.memref_slice %arg6[%dma_wait3A_152] : memref<8192xi32, #tpu.memory_space<vmem>> -> memref<16xi32, #tpu.memory_space<vmem>>
    %dma_wait3A_154 = arith.constant 0 : i32
    %dma_wait3A_155 = arith.constant 0 : i32
    %dma_wait3A_156 = tpu.memref_slice %arg2[%dma_wait3A_154, %dma_wait3A_155] : memref<32768x384xi32, #tpu.memory_space<hbm>> -> memref<32768x384xi32, #tpu.memory_space<hbm>>
    %dma_wait3A_157 = tpu.memref_slice %arg10[%dma_wait3A_147] : memref<3x!tpu.dma_semaphore, #tpu.memory_space<semaphore_mem>> -> memref<1x!tpu.dma_semaphore, #tpu.memory_space<semaphore_mem>>
    %dma_wait3A_158 = tpu.memref_squeeze %dma_wait3A_157 : memref<1x!tpu.dma_semaphore, #tpu.memory_space<semaphore_mem>> -> memref<!tpu.dma_semaphore, #tpu.memory_space<semaphore_mem>>
    tpu.wait_indirect_dma semaphore(%dma_wait3A_158 : memref<!tpu.dma_semaphore, #tpu.memory_space<semaphore_mem>>) src(%dma_wait3A_156 : memref<32768x384xi32, #tpu.memory_space<hbm>>) dst(%dma_wait3A_151 : memref<16x384xi32, #tpu.memory_space<vmem>>)
    %dma_wait3A_159 = arith.constant 0 : i32
    %dma_wait3A_160 = arith.constant 3 : i32
    %dma_wait3A_161 = arith.constant 0 : i32
    %dma_wait3A_162 = arith.constant 0 : i32
    %dma_wait3A_163 = arith.constant 0 : i32
    %dma_wait3A_164 = tpu.memref_slice %arg8[%dma_wait3A_159, %dma_wait3A_160, %dma_wait3A_162, %dma_wait3A_163] : memref<3x4x16x384xi32, #tpu.memory_space<vmem>> -> memref<1x1x16x384xi32, #tpu.memory_space<vmem>>
    %dma_wait3A_165 = tpu.memref_squeeze %dma_wait3A_164 : memref<1x1x16x384xi32, #tpu.memory_space<vmem>> -> memref<16x384xi32, #tpu.memory_space<vmem>>
    %dma_wait3A_166 = arith.constant 6144 : i32
    %dma_wait3A_167 = tpu.memref_slice %arg6[%dma_wait3A_166] : memref<8192xi32, #tpu.memory_space<vmem>> -> memref<16xi32, #tpu.memory_space<vmem>>
    %dma_wait3A_168 = arith.constant 0 : i32
    %dma_wait3A_169 = arith.constant 0 : i32
    %dma_wait3A_170 = tpu.memref_slice %arg2[%dma_wait3A_168, %dma_wait3A_169] : memref<32768x384xi32, #tpu.memory_space<hbm>> -> memref<32768x384xi32, #tpu.memory_space<hbm>>
    %dma_wait3A_171 = tpu.memref_slice %arg10[%dma_wait3A_161] : memref<3x!tpu.dma_semaphore, #tpu.memory_space<semaphore_mem>> -> memref<1x!tpu.dma_semaphore, #tpu.memory_space<semaphore_mem>>
    %dma_wait3A_172 = tpu.memref_squeeze %dma_wait3A_171 : memref<1x!tpu.dma_semaphore, #tpu.memory_space<semaphore_mem>> -> memref<!tpu.dma_semaphore, #tpu.memory_space<semaphore_mem>>
    tpu.wait_indirect_dma semaphore(%dma_wait3A_172 : memref<!tpu.dma_semaphore, #tpu.memory_space<semaphore_mem>>) src(%dma_wait3A_170 : memref<32768x384xi32, #tpu.memory_space<hbm>>) dst(%dma_wait3A_165 : memref<16x384xi32, #tpu.memory_space<vmem>>)
    %scan3A_173 = arith.constant 0 : i32
    %scan3A_174 = arith.constant 128 : i32
    %scan3A_175 = arith.addi %scan3A_173, %scan3A_174 : i32
    %scan3A_176 = arith.constant 1 : i32
    scf.for %scan3A_225 = %scan3A_173 to %scan3A_175 step %scan3A_176  : i32 {
      %mul3A_226 = arith.constant 1 : i32
      %mul3A_227 = arith.muli %scan3A_225, %mul3A_226 : i32
      %add3A_228 = arith.constant 0 : i32
      %add3A_229 = arith.addi %add3A_228, %mul3A_227 : i32
      %rem3A_230 = arith.constant 3 : i32
      %rem3A_231 = arith.remsi %add3A_229, %rem3A_230 : i32
      %rem3A_232 = arith.constant 2 : i32
      %rem3A_233 = arith.remsi %add3A_229, %rem3A_232 : i32
      %ge3A = arith.constant 1 : i32
      %ge3A_234 = arith.cmpi sge, %add3A_229, %ge3A : i32
      %convert_element_type3A = arith.extui %ge3A_234 : i1 to i32
      %cond3A = arith.constant 0 : i32
      %cond3A_235 = arith.cmpi ne, %convert_element_type3A, %cond3A : i32
      scf.if %cond3A_235 {
        %sub3A = arith.constant 1 : i32
        %sub3A_283 = arith.subi %add3A_229, %sub3A : i32
        %rem3A_284 = arith.constant 2 : i32
        %rem3A_285 = arith.remsi %sub3A_283, %rem3A_284 : i32
        %mul3A_286 = arith.constant 2048 : i32
        %mul3A_287 = arith.muli %add3A, %mul3A_286 : i32
        %mul3A_288 = arith.constant 16 : i32
        %mul3A_289 = arith.muli %sub3A_283, %mul3A_288 : i32
        %add3A_290 = arith.addi %mul3A_287, %mul3A_289 : i32
        %rem3A_291 = arith.constant 2 : i32
        %rem3A_292 = arith.remsi %sub3A_283, %rem3A_291 : i32
        %dma_start3A_293 = arith.constant 0 : i32
        %dma_start3A_294 = arith.constant 0 : i32
        %dma_start3A_295 = tpu.memref_slice %arg9[%rem3A_285, %dma_start3A_293, %dma_start3A_294] : memref<2x16x768xf32, #tpu.memory_space<vmem>> -> memref<1x16x768xf32, #tpu.memory_space<vmem>>
        %dma_start3A_296 = tpu.memref_squeeze %dma_start3A_295 : memref<1x16x768xf32, #tpu.memory_space<vmem>> -> memref<16x768xf32, #tpu.memory_space<vmem>>
        %dma_start3A_297 = arith.constant 0 : i32
        %dma_start3A_298 = tpu.memref_slice %arg4[%add3A_290, %dma_start3A_297] : memref<65536x768xf32, #tpu.memory_space<hbm>> -> memref<16x768xf32, #tpu.memory_space<hbm>>
        %dma_start3A_299 = tpu.memref_slice %arg11[%rem3A_292] : memref<2x!tpu.dma_semaphore, #tpu.memory_space<semaphore_mem>> -> memref<1x!tpu.dma_semaphore, #tpu.memory_space<semaphore_mem>>
        %dma_start3A_300 = tpu.memref_squeeze %dma_start3A_299 : memref<1x!tpu.dma_semaphore, #tpu.memory_space<semaphore_mem>> -> memref<!tpu.dma_semaphore, #tpu.memory_space<semaphore_mem>>
        %dma_start3A_301 = arith.constant 0 : i32
        %dma_start3A_302 = tpu.memref_slice %arg4[%add3A_290, %dma_start3A_301] : memref<65536x768xf32, #tpu.memory_space<hbm>> -> memref<16x768xf32, #tpu.memory_space<hbm>>
        %dma_start3A_303 = arith.constant 0 : i32
        %dma_start3A_304 = arith.constant 0 : i32
        %dma_start3A_305 = tpu.memref_slice %arg9[%rem3A_285, %dma_start3A_303, %dma_start3A_304] : memref<2x16x768xf32, #tpu.memory_space<vmem>> -> memref<1x16x768xf32, #tpu.memory_space<vmem>>
        %dma_start3A_306 = tpu.memref_squeeze %dma_start3A_305 : memref<1x16x768xf32, #tpu.memory_space<vmem>> -> memref<16x768xf32, #tpu.memory_space<vmem>>
        tpu.enqueue_dma source(%dma_start3A_306 : memref<16x768xf32, #tpu.memory_space<vmem>>) target(%dma_start3A_302 : memref<16x768xf32, #tpu.memory_space<hbm>>) target_semaphore(%dma_start3A_300 : memref<!tpu.dma_semaphore, #tpu.memory_space<semaphore_mem>>)
      } else {
      }
      %add3A_236 = arith.constant 2 : i32
      %add3A_237 = arith.addi %add3A_229, %add3A_236 : i32
      %lt3A = arith.constant 128 : i32
      %lt3A_238 = arith.cmpi slt, %add3A_237, %lt3A : i32
      %convert_element_type3A_239 = arith.extui %lt3A_238 : i1 to i32
      %cond3A_240 = arith.constant 0 : i32
      %cond3A_241 = arith.cmpi ne, %convert_element_type3A_239, %cond3A_240 : i32
      scf.if %cond3A_241 {
        %add3A_283 = arith.constant 2 : i32
        %add3A_284 = arith.addi %add3A_229, %add3A_283 : i32
        %add3A_285 = arith.constant 2 : i32
        %add3A_286 = arith.addi %add3A_229, %add3A_285 : i32
        %rem3A_287 = arith.constant 3 : i32
        %rem3A_288 = arith.remsi %add3A_286, %rem3A_287 : i32
        %mul3A_289 = arith.constant 16 : i32
        %mul3A_290 = arith.muli %add3A_284, %mul3A_289 : i32
        %add3A_291 = arith.constant 0 : i32
        %add3A_292 = arith.addi %add3A_291, %mul3A_290 : i32
        %dma_start3A_293 = arith.constant 0 : i32
        %dma_start3A_294 = arith.constant 0 : i32
        %dma_start3A_295 = arith.constant 0 : i32
        %dma_start3A_296 = tpu.memref_slice %arg8[%rem3A_288, %dma_start3A_293, %dma_start3A_294, %dma_start3A_295] : memref<3x4x16x384xi32, #tpu.memory_space<vmem>> -> memref<1x1x16x384xi32, #tpu.memory_space<vmem>>
        %dma_start3A_297 = tpu.memref_squeeze %dma_start3A_296 : memref<1x1x16x384xi32, #tpu.memory_space<vmem>> -> memref<16x384xi32, #tpu.memory_space<vmem>>
        %dma_start3A_298 = tpu.memref_slice %arg6[%add3A_292] : memref<8192xi32, #tpu.memory_space<vmem>> -> memref<16xi32, #tpu.memory_space<vmem>>
        %dma_start3A_299 = arith.constant 0 : i32
        %dma_start3A_300 = arith.constant 0 : i32
        %dma_start3A_301 = tpu.memref_slice %arg2[%dma_start3A_299, %dma_start3A_300] : memref<32768x384xi32, #tpu.memory_space<hbm>> -> memref<32768x384xi32, #tpu.memory_space<hbm>>
        %dma_start3A_302 = tpu.memref_slice %arg10[%rem3A_288] : memref<3x!tpu.dma_semaphore, #tpu.memory_space<semaphore_mem>> -> memref<1x!tpu.dma_semaphore, #tpu.memory_space<semaphore_mem>>
        %dma_start3A_303 = tpu.memref_squeeze %dma_start3A_302 : memref<1x!tpu.dma_semaphore, #tpu.memory_space<semaphore_mem>> -> memref<!tpu.dma_semaphore, #tpu.memory_space<semaphore_mem>>
        tpu.enqueue_indirect_dma source(%dma_start3A_301 : memref<32768x384xi32, #tpu.memory_space<hbm>>) target(%dma_start3A_297 : memref<16x384xi32, #tpu.memory_space<vmem>>) offsets(%dma_start3A_298 : memref<16xi32, #tpu.memory_space<vmem>>) semaphore(%dma_start3A_303 : memref<!tpu.dma_semaphore, #tpu.memory_space<semaphore_mem>>)
        %mul3A_304 = arith.constant 16 : i32
        %mul3A_305 = arith.muli %add3A_284, %mul3A_304 : i32
        %add3A_306 = arith.constant 2048 : i32
        %add3A_307 = arith.addi %add3A_306, %mul3A_305 : i32
        %dma_start3A_308 = arith.constant 1 : i32
        %dma_start3A_309 = arith.constant 0 : i32
        %dma_start3A_310 = arith.constant 0 : i32
        %dma_start3A_311 = tpu.memref_slice %arg8[%rem3A_288, %dma_start3A_308, %dma_start3A_309, %dma_start3A_310] : memref<3x4x16x384xi32, #tpu.memory_space<vmem>> -> memref<1x1x16x384xi32, #tpu.memory_space<vmem>>
        %dma_start3A_312 = tpu.memref_squeeze %dma_start3A_311 : memref<1x1x16x384xi32, #tpu.memory_space<vmem>> -> memref<16x384xi32, #tpu.memory_space<vmem>>
        %dma_start3A_313 = tpu.memref_slice %arg6[%add3A_307] : memref<8192xi32, #tpu.memory_space<vmem>> -> memref<16xi32, #tpu.memory_space<vmem>>
        %dma_start3A_314 = arith.constant 0 : i32
        %dma_start3A_315 = arith.constant 0 : i32
        %dma_start3A_316 = tpu.memref_slice %arg2[%dma_start3A_314, %dma_start3A_315] : memref<32768x384xi32, #tpu.memory_space<hbm>> -> memref<32768x384xi32, #tpu.memory_space<hbm>>
        %dma_start3A_317 = tpu.memref_slice %arg10[%rem3A_288] : memref<3x!tpu.dma_semaphore, #tpu.memory_space<semaphore_mem>> -> memref<1x!tpu.dma_semaphore, #tpu.memory_space<semaphore_mem>>
        %dma_start3A_318 = tpu.memref_squeeze %dma_start3A_317 : memref<1x!tpu.dma_semaphore, #tpu.memory_space<semaphore_mem>> -> memref<!tpu.dma_semaphore, #tpu.memory_space<semaphore_mem>>
        tpu.enqueue_indirect_dma source(%dma_start3A_316 : memref<32768x384xi32, #tpu.memory_space<hbm>>) target(%dma_start3A_312 : memref<16x384xi32, #tpu.memory_space<vmem>>) offsets(%dma_start3A_313 : memref<16xi32, #tpu.memory_space<vmem>>) semaphore(%dma_start3A_318 : memref<!tpu.dma_semaphore, #tpu.memory_space<semaphore_mem>>)
        %mul3A_319 = arith.constant 16 : i32
        %mul3A_320 = arith.muli %add3A_284, %mul3A_319 : i32
        %add3A_321 = arith.constant 4096 : i32
        %add3A_322 = arith.addi %add3A_321, %mul3A_320 : i32
        %dma_start3A_323 = arith.constant 2 : i32
        %dma_start3A_324 = arith.constant 0 : i32
        %dma_start3A_325 = arith.constant 0 : i32
        %dma_start3A_326 = tpu.memref_slice %arg8[%rem3A_288, %dma_start3A_323, %dma_start3A_324, %dma_start3A_325] : memref<3x4x16x384xi32, #tpu.memory_space<vmem>> -> memref<1x1x16x384xi32, #tpu.memory_space<vmem>>
        %dma_start3A_327 = tpu.memref_squeeze %dma_start3A_326 : memref<1x1x16x384xi32, #tpu.memory_space<vmem>> -> memref<16x384xi32, #tpu.memory_space<vmem>>
        %dma_start3A_328 = tpu.memref_slice %arg6[%add3A_322] : memref<8192xi32, #tpu.memory_space<vmem>> -> memref<16xi32, #tpu.memory_space<vmem>>
        %dma_start3A_329 = arith.constant 0 : i32
        %dma_start3A_330 = arith.constant 0 : i32
        %dma_start3A_331 = tpu.memref_slice %arg2[%dma_start3A_329, %dma_start3A_330] : memref<32768x384xi32, #tpu.memory_space<hbm>> -> memref<32768x384xi32, #tpu.memory_space<hbm>>
        %dma_start3A_332 = tpu.memref_slice %arg10[%rem3A_288] : memref<3x!tpu.dma_semaphore, #tpu.memory_space<semaphore_mem>> -> memref<1x!tpu.dma_semaphore, #tpu.memory_space<semaphore_mem>>
        %dma_start3A_333 = tpu.memref_squeeze %dma_start3A_332 : memref<1x!tpu.dma_semaphore, #tpu.memory_space<semaphore_mem>> -> memref<!tpu.dma_semaphore, #tpu.memory_space<semaphore_mem>>
        tpu.enqueue_indirect_dma source(%dma_start3A_331 : memref<32768x384xi32, #tpu.memory_space<hbm>>) target(%dma_start3A_327 : memref<16x384xi32, #tpu.memory_space<vmem>>) offsets(%dma_start3A_328 : memref<16xi32, #tpu.memory_space<vmem>>) semaphore(%dma_start3A_333 : memref<!tpu.dma_semaphore, #tpu.memory_space<semaphore_mem>>)
        %mul3A_334 = arith.constant 16 : i32
        %mul3A_335 = arith.muli %add3A_284, %mul3A_334 : i32
        %add3A_336 = arith.constant 6144 : i32
        %add3A_337 = arith.addi %add3A_336, %mul3A_335 : i32
        %dma_start3A_338 = arith.constant 3 : i32
        %dma_start3A_339 = arith.constant 0 : i32
        %dma_start3A_340 = arith.constant 0 : i32
        %dma_start3A_341 = tpu.memref_slice %arg8[%rem3A_288, %dma_start3A_338, %dma_start3A_339, %dma_start3A_340] : memref<3x4x16x384xi32, #tpu.memory_space<vmem>> -> memref<1x1x16x384xi32, #tpu.memory_space<vmem>>
        %dma_start3A_342 = tpu.memref_squeeze %dma_start3A_341 : memref<1x1x16x384xi32, #tpu.memory_space<vmem>> -> memref<16x384xi32, #tpu.memory_space<vmem>>
        %dma_start3A_343 = tpu.memref_slice %arg6[%add3A_337] : memref<8192xi32, #tpu.memory_space<vmem>> -> memref<16xi32, #tpu.memory_space<vmem>>
        %dma_start3A_344 = arith.constant 0 : i32
        %dma_start3A_345 = arith.constant 0 : i32
        %dma_start3A_346 = tpu.memref_slice %arg2[%dma_start3A_344, %dma_start3A_345] : memref<32768x384xi32, #tpu.memory_space<hbm>> -> memref<32768x384xi32, #tpu.memory_space<hbm>>
        %dma_start3A_347 = tpu.memref_slice %arg10[%rem3A_288] : memref<3x!tpu.dma_semaphore, #tpu.memory_space<semaphore_mem>> -> memref<1x!tpu.dma_semaphore, #tpu.memory_space<semaphore_mem>>
        %dma_start3A_348 = tpu.memref_squeeze %dma_start3A_347 : memref<1x!tpu.dma_semaphore, #tpu.memory_space<semaphore_mem>> -> memref<!tpu.dma_semaphore, #tpu.memory_space<semaphore_mem>>
        tpu.enqueue_indirect_dma source(%dma_start3A_346 : memref<32768x384xi32, #tpu.memory_space<hbm>>) target(%dma_start3A_342 : memref<16x384xi32, #tpu.memory_space<vmem>>) offsets(%dma_start3A_343 : memref<16xi32, #tpu.memory_space<vmem>>) semaphore(%dma_start3A_348 : memref<!tpu.dma_semaphore, #tpu.memory_space<semaphore_mem>>)
      } else {
      }
      %mul3A_242 = arith.constant 16 : i32
      %mul3A_243 = arith.muli %add3A_229, %mul3A_242 : i32
      %add3A_244 = arith.constant 0 : i32
      %add3A_245 = arith.addi %add3A_244, %mul3A_243 : i32
      %get3A = arith.index_cast %add3A_245 : i32 to index
      %get3A_246 = tpu.vector_load %arg7[%get3A] {strides = array<i32>} : memref<8192xf32, #tpu.memory_space<vmem>>, vector<16xf32>,
      %get3A_247 = vector.shape_cast %get3A_246 : vector<16xf32> to vector<16xf32>
      %mul3A_248 = arith.constant 16 : i32
      %mul3A_249 = arith.muli %add3A_229, %mul3A_248 : i32
      %add3A_250 = arith.constant 2048 : i32
      %add3A_251 = arith.addi %add3A_250, %mul3A_249 : i32
      %get3A_252 = arith.index_cast %add3A_251 : i32 to index
      %get3A_253 = tpu.vector_load %arg7[%get3A_252] {strides = array<i32>} : memref<8192xf32, #tpu.memory_space<vmem>>, vector<16xf32>,
      %get3A_254 = vector.shape_cast %get3A_253 : vector<16xf32> to vector<16xf32>
      %mul3A_255 = arith.constant 16 : i32
      %mul3A_256 = arith.muli %add3A_229, %mul3A_255 : i32
      %add3A_257 = arith.constant 4096 : i32
      %add3A_258 = arith.addi %add3A_257, %mul3A_256 : i32
      %get3A_259 = arith.index_cast %add3A_258 : i32 to index
      %get3A_260 = tpu.vector_load %arg7[%get3A_259] {strides = array<i32>} : memref<8192xf32, #tpu.memory_space<vmem>>, vector<16xf32>,
      %get3A_261 = vector.shape_cast %get3A_260 : vector<16xf32> to vector<16xf32>
      %mul3A_262 = arith.constant 16 : i32
      %mul3A_263 = arith.muli %add3A_229, %mul3A_262 : i32
      %add3A_264 = arith.constant 6144 : i32
      %add3A_265 = arith.addi %add3A_264, %mul3A_263 : i32
      %get3A_266 = arith.index_cast %add3A_265 : i32 to index
      %get3A_267 = tpu.vector_load %arg7[%get3A_266] {strides = array<i32>} : memref<8192xf32, #tpu.memory_space<vmem>>, vector<16xf32>,
      %get3A_268 = vector.shape_cast %get3A_267 : vector<16xf32> to vector<16xf32>
      %parallel_loop3A = arith.constant 0 : i32
      %parallel_loop3A_269 = arith.constant 16 : i32
      %parallel_loop3A_270 = arith.constant 1 : i32
      scf.for %parallel_loop3A_283 = %parallel_loop3A to %parallel_loop3A_269 step %parallel_loop3A_270  : i32 {
        %parallel_loop3A_284 = vector.broadcast %parallel_loop3A_283 : i32 to vector<16x1xi32>
        %parallel_loop3A_285 = vector.shape_cast %parallel_loop3A_284 : vector<16x1xi32> to vector<16xi32>
        %parallel_loop3A_286 = tpu.dynamic_gather %get3A_247[%parallel_loop3A_285] in [0] : vector<16xf32>, vector<16xi32> -> vector<16xf32>
        %parallel_loop3A_287 = vector.broadcast %parallel_loop3A_283 : i32 to vector<16x1xi32>
        %parallel_loop3A_288 = vector.shape_cast %parallel_loop3A_287 : vector<16x1xi32> to vector<16xi32>
        %parallel_loop3A_289 = tpu.dynamic_gather %get3A_254[%parallel_loop3A_288] in [0] : vector<16xf32>, vector<16xi32> -> vector<16xf32>
        %parallel_loop3A_290 = vector.broadcast %parallel_loop3A_283 : i32 to vector<16x1xi32>
        %parallel_loop3A_291 = vector.shape_cast %parallel_loop3A_290 : vector<16x1xi32> to vector<16xi32>
        %parallel_loop3A_292 = tpu.dynamic_gather %get3A_261[%parallel_loop3A_291] in [0] : vector<16xf32>, vector<16xi32> -> vector<16xf32>
        %parallel_loop3A_293 = vector.broadcast %parallel_loop3A_283 : i32 to vector<16x1xi32>
        %parallel_loop3A_294 = vector.shape_cast %parallel_loop3A_293 : vector<16x1xi32> to vector<16xi32>
        %parallel_loop3A_295 = tpu.dynamic_gather %get3A_268[%parallel_loop3A_294] in [0] : vector<16xf32>, vector<16xi32> -> vector<16xf32>
        %parallel_loop3A_296 = arith.constant 0 : i32
        %parallel_loop3A_297 = arith.index_cast %rem3A_231 : i32 to index
        %parallel_loop3A_298 = arith.index_cast %parallel_loop3A_296 : i32 to index
        %parallel_loop3A_299 = arith.index_cast %parallel_loop3A_283 : i32 to index
        %parallel_loop3A_300 = arith.constant 0 : index
        %parallel_loop3A_301 = tpu.vector_load %arg8[%parallel_loop3A_297, %parallel_loop3A_298, %parallel_loop3A_299, %parallel_loop3A_300] {strides = array<i32>} : memref<3x4x16x384xi32, #tpu.memory_space<vmem>>, vector<1x1x1x16xi32>,
        %parallel_loop3A_302 = vector.shape_cast %parallel_loop3A_301 : vector<1x1x1x16xi32> to vector<16xi32>
        %parallel_loop3A_303 = arith.constant 1 : i32
        %parallel_loop3A_304 = arith.index_cast %rem3A_231 : i32 to index
        %parallel_loop3A_305 = arith.index_cast %parallel_loop3A_303 : i32 to index
        %parallel_loop3A_306 = arith.index_cast %parallel_loop3A_283 : i32 to index
        %parallel_loop3A_307 = arith.constant 0 : index
        %parallel_loop3A_308 = tpu.vector_load %arg8[%parallel_loop3A_304, %parallel_loop3A_305, %parallel_loop3A_306, %parallel_loop3A_307] {strides = array<i32>} : memref<3x4x16x384xi32, #tpu.memory_space<vmem>>, vector<1x1x1x16xi32>,
        %parallel_loop3A_309 = vector.shape_cast %parallel_loop3A_308 : vector<1x1x1x16xi32> to vector<16xi32>
        %parallel_loop3A_310 = arith.constant 2 : i32
        %parallel_loop3A_311 = arith.index_cast %rem3A_231 : i32 to index
        %parallel_loop3A_312 = arith.index_cast %parallel_loop3A_310 : i32 to index
        %parallel_loop3A_313 = arith.index_cast %parallel_loop3A_283 : i32 to index
        %parallel_loop3A_314 = arith.constant 0 : index
        %parallel_loop3A_315 = tpu.vector_load %arg8[%parallel_loop3A_311, %parallel_loop3A_312, %parallel_loop3A_313, %parallel_loop3A_314] {strides = array<i32>} : memref<3x4x16x384xi32, #tpu.memory_space<vmem>>, vector<1x1x1x16xi32>,
        %parallel_loop3A_316 = vector.shape_cast %parallel_loop3A_315 : vector<1x1x1x16xi32> to vector<16xi32>
        %parallel_loop3A_317 = arith.constant 3 : i32
        %parallel_loop3A_318 = arith.index_cast %rem3A_231 : i32 to index
        %parallel_loop3A_319 = arith.index_cast %parallel_loop3A_317 : i32 to index
        %parallel_loop3A_320 = arith.index_cast %parallel_loop3A_283 : i32 to index
        %parallel_loop3A_321 = arith.constant 0 : index
        %parallel_loop3A_322 = tpu.vector_load %arg8[%parallel_loop3A_318, %parallel_loop3A_319, %parallel_loop3A_320, %parallel_loop3A_321] {strides = array<i32>} : memref<3x4x16x384xi32, #tpu.memory_space<vmem>>, vector<1x1x1x16xi32>,
        %parallel_loop3A_323 = vector.shape_cast %parallel_loop3A_322 : vector<1x1x1x16xi32> to vector<16xi32>
        %parallel_loop3A_324 = arith.constant 16 : i32
        %parallel_loop3A_325 = vector.broadcast %parallel_loop3A_324 : i32 to vector<16xi32>
        %parallel_loop3A_326 = arith.shli %parallel_loop3A_302, %parallel_loop3A_325 : vector<16xi32>
        %parallel_loop3A_327 = tpu.bitcast %parallel_loop3A_326 : vector<16xi32> -> vector<16xf32>
        %parallel_loop3A_328 = arith.mulf %parallel_loop3A_327, %parallel_loop3A_286 : vector<16xf32>
        %parallel_loop3A_329 = arith.constant 16 : i32
        %parallel_loop3A_330 = vector.broadcast %parallel_loop3A_329 : i32 to vector<16xi32>
        %parallel_loop3A_331 = arith.shli %parallel_loop3A_309, %parallel_loop3A_330 : vector<16xi32>
        %parallel_loop3A_332 = tpu.bitcast %parallel_loop3A_331 : vector<16xi32> -> vector<16xf32>
        %parallel_loop3A_333 = arith.mulf %parallel_loop3A_332, %parallel_loop3A_289 : vector<16xf32>
        %parallel_loop3A_334 = arith.addf %parallel_loop3A_328, %parallel_loop3A_333 : vector<16xf32>
        %parallel_loop3A_335 = arith.constant 16 : i32
        %parallel_loop3A_336 = vector.broadcast %parallel_loop3A_335 : i32 to vector<16xi32>
        %parallel_loop3A_337 = arith.shli %parallel_loop3A_316, %parallel_loop3A_336 : vector<16xi32>
        %parallel_loop3A_338 = tpu.bitcast %parallel_loop3A_337 : vector<16xi32> -> vector<16xf32>
        %parallel_loop3A_339 = arith.mulf %parallel_loop3A_338, %parallel_loop3A_292 : vector<16xf32>
        %parallel_loop3A_340 = arith.addf %parallel_loop3A_334, %parallel_loop3A_339 : vector<16xf32>
        %parallel_loop3A_341 = arith.constant 16 : i32
        %parallel_loop3A_342 = vector.broadcast %parallel_loop3A_341 : i32 to vector<16xi32>
        %parallel_loop3A_343 = arith.shli %parallel_loop3A_323, %parallel_loop3A_342 : vector<16xi32>
        %parallel_loop3A_344 = tpu.bitcast %parallel_loop3A_343 : vector<16xi32> -> vector<16xf32>
        %parallel_loop3A_345 = arith.mulf %parallel_loop3A_344, %parallel_loop3A_295 : vector<16xf32>
        %parallel_loop3A_346 = arith.addf %parallel_loop3A_340, %parallel_loop3A_345 : vector<16xf32>
        %parallel_loop3A_347 = tpu.bitcast %parallel_loop3A_302 : vector<16xi32> -> vector<16xf32>
        %parallel_loop3A_348 = arith.mulf %parallel_loop3A_347, %parallel_loop3A_286 : vector<16xf32>
        %parallel_loop3A_349 = tpu.bitcast %parallel_loop3A_309 : vector<16xi32> -> vector<16xf32>
        %parallel_loop3A_350 = arith.mulf %parallel_loop3A_349, %parallel_loop3A_289 : vector<16xf32>
        %parallel_loop3A_351 = arith.addf %parallel_loop3A_348, %parallel_loop3A_350 : vector<16xf32>
        %parallel_loop3A_352 = tpu.bitcast %parallel_loop3A_316 : vector<16xi32> -> vector<16xf32>
        %parallel_loop3A_353 = arith.mulf %parallel_loop3A_352, %parallel_loop3A_292 : vector<16xf32>
        %parallel_loop3A_354 = arith.addf %parallel_loop3A_351, %parallel_loop3A_353 : vector<16xf32>
        %parallel_loop3A_355 = tpu.bitcast %parallel_loop3A_323 : vector<16xi32> -> vector<16xf32>
        %parallel_loop3A_356 = arith.mulf %parallel_loop3A_355, %parallel_loop3A_295 : vector<16xf32>
        %parallel_loop3A_357 = arith.addf %parallel_loop3A_354, %parallel_loop3A_356 : vector<16xf32>
        %parallel_loop3A_358 = arith.index_cast %rem3A_233 : i32 to index
        %parallel_loop3A_359 = arith.index_cast %parallel_loop3A_283 : i32 to index
        %parallel_loop3A_360 = arith.constant 0 : index
        %parallel_loop3A_361 = tpu.vector_load %arg9[%parallel_loop3A_358, %parallel_loop3A_359, %parallel_loop3A_360] {strides = array<i32>} : memref<2x16x768xf32, #tpu.memory_space<vmem>>, vector<1x1x16xf32>,
        %parallel_loop3A_362 = vector.shape_cast %parallel_loop3A_361 : vector<1x1x16xf32> to vector<16xf32>
        %parallel_loop3A_363 = vector.shape_cast %parallel_loop3A_346 : vector<16xf32> to vector<1x1x16xf32>
        tpu.vector_store %arg9[%parallel_loop3A_358, %parallel_loop3A_359, %parallel_loop3A_360], %parallel_loop3A_363 {strides = array<i32>} : memref<2x16x768xf32, #tpu.memory_space<vmem>>, vector<1x1x16xf32>,
        %parallel_loop3A_364 = arith.index_cast %rem3A_233 : i32 to index
        %parallel_loop3A_365 = arith.index_cast %parallel_loop3A_283 : i32 to index
        %parallel_loop3A_366 = arith.constant 384 : index
        %parallel_loop3A_367 = tpu.vector_load %arg9[%parallel_loop3A_364, %parallel_loop3A_365, %parallel_loop3A_366] {strides = array<i32>} : memref<2x16x768xf32, #tpu.memory_space<vmem>>, vector<1x1x16xf32>,
        %parallel_loop3A_368 = vector.shape_cast %parallel_loop3A_367 : vector<1x1x16xf32> to vector<16xf32>
        %parallel_loop3A_369 = vector.shape_cast %parallel_loop3A_357 : vector<16xf32> to vector<1x1x16xf32>
        tpu.vector_store %arg9[%parallel_loop3A_364, %parallel_loop3A_365, %parallel_loop3A_366], %parallel_loop3A_369 {strides = array<i32>} : memref<2x16x768xf32, #tpu.memory_space<vmem>>, vector<1x1x16xf32>,
        %parallel_loop3A_370 = arith.constant 0 : i32
        %parallel_loop3A_371 = arith.index_cast %rem3A_231 : i32 to index
        %parallel_loop3A_372 = arith.index_cast %parallel_loop3A_370 : i32 to index
        %parallel_loop3A_373 = arith.index_cast %parallel_loop3A_283 : i32 to index
        %parallel_loop3A_374 = arith.constant 16 : index
        %parallel_loop3A_375 = tpu.vector_load %arg8[%parallel_loop3A_371, %parallel_loop3A_372, %parallel_loop3A_373, %parallel_loop3A_374] {strides = array<i32>} : memref<3x4x16x384xi32, #tpu.memory_space<vmem>>, vector<1x1x1x16xi32>,
        %parallel_loop3A_376 = vector.shape_cast %parallel_loop3A_375 : vector<1x1x1x16xi32> to vector<16xi32>
        %parallel_loop3A_377 = arith.constant 1 : i32
        %parallel_loop3A_378 = arith.index_cast %rem3A_231 : i32 to index
        %parallel_loop3A_379 = arith.index_cast %parallel_loop3A_377 : i32 to index
        %parallel_loop3A_380 = arith.index_cast %parallel_loop3A_283 : i32 to index
        %parallel_loop3A_381 = arith.constant 16 : index
        %parallel_loop3A_382 = tpu.vector_load %arg8[%parallel_loop3A_378, %parallel_loop3A_379, %parallel_loop3A_380, %parallel_loop3A_381] {strides = array<i32>} : memref<3x4x16x384xi32, #tpu.memory_space<vmem>>, vector<1x1x1x16xi32>,
        %parallel_loop3A_383 = vector.shape_cast %parallel_loop3A_382 : vector<1x1x1x16xi32> to vector<16xi32>
        %parallel_loop3A_384 = arith.constant 2 : i32
        %parallel_loop3A_385 = arith.index_cast %rem3A_231 : i32 to index
        %parallel_loop3A_386 = arith.index_cast %parallel_loop3A_384 : i32 to index
        %parallel_loop3A_387 = arith.index_cast %parallel_loop3A_283 : i32 to index
        %parallel_loop3A_388 = arith.constant 16 : index
        %parallel_loop3A_389 = tpu.vector_load %arg8[%parallel_loop3A_385, %parallel_loop3A_386, %parallel_loop3A_387, %parallel_loop3A_388] {strides = array<i32>} : memref<3x4x16x384xi32, #tpu.memory_space<vmem>>, vector<1x1x1x16xi32>,
        %parallel_loop3A_390 = vector.shape_cast %parallel_loop3A_389 : vector<1x1x1x16xi32> to vector<16xi32>
        %parallel_loop3A_391 = arith.constant 3 : i32
        %parallel_loop3A_392 = arith.index_cast %rem3A_231 : i32 to index
        %parallel_loop3A_393 = arith.index_cast %parallel_loop3A_391 : i32 to index
        %parallel_loop3A_394 = arith.index_cast %parallel_loop3A_283 : i32 to index
        %parallel_loop3A_395 = arith.constant 16 : index
        %parallel_loop3A_396 = tpu.vector_load %arg8[%parallel_loop3A_392, %parallel_loop3A_393, %parallel_loop3A_394, %parallel_loop3A_395] {strides = array<i32>} : memref<3x4x16x384xi32, #tpu.memory_space<vmem>>, vector<1x1x1x16xi32>,
        %parallel_loop3A_397 = vector.shape_cast %parallel_loop3A_396 : vector<1x1x1x16xi32> to vector<16xi32>
        %parallel_loop3A_398 = arith.constant 16 : i32
        %parallel_loop3A_399 = vector.broadcast %parallel_loop3A_398 : i32 to vector<16xi32>
        %parallel_loop3A_400 = arith.shli %parallel_loop3A_376, %parallel_loop3A_399 : vector<16xi32>
        %parallel_loop3A_401 = tpu.bitcast %parallel_loop3A_400 : vector<16xi32> -> vector<16xf32>
        %parallel_loop3A_402 = arith.mulf %parallel_loop3A_401, %parallel_loop3A_286 : vector<16xf32>
        %parallel_loop3A_403 = arith.constant 16 : i32
        %parallel_loop3A_404 = vector.broadcast %parallel_loop3A_403 : i32 to vector<16xi32>
        %parallel_loop3A_405 = arith.shli %parallel_loop3A_383, %parallel_loop3A_404 : vector<16xi32>
        %parallel_loop3A_406 = tpu.bitcast %parallel_loop3A_405 : vector<16xi32> -> vector<16xf32>
        %parallel_loop3A_407 = arith.mulf %parallel_loop3A_406, %parallel_loop3A_289 : vector<16xf32>
        %parallel_loop3A_408 = arith.addf %parallel_loop3A_402, %parallel_loop3A_407 : vector<16xf32>
        %parallel_loop3A_409 = arith.constant 16 : i32
        %parallel_loop3A_410 = vector.broadcast %parallel_loop3A_409 : i32 to vector<16xi32>
        %parallel_loop3A_411 = arith.shli %parallel_loop3A_390, %parallel_loop3A_410 : vector<16xi32>
        %parallel_loop3A_412 = tpu.bitcast %parallel_loop3A_411 : vector<16xi32> -> vector<16xf32>
        %parallel_loop3A_413 = arith.mulf %parallel_loop3A_412, %parallel_loop3A_292 : vector<16xf32>
        %parallel_loop3A_414 = arith.addf %parallel_loop3A_408, %parallel_loop3A_413 : vector<16xf32>
        %parallel_loop3A_415 = arith.constant 16 : i32
        %parallel_loop3A_416 = vector.broadcast %parallel_loop3A_415 : i32 to vector<16xi32>
        %parallel_loop3A_417 = arith.shli %parallel_loop3A_397, %parallel_loop3A_416 : vector<16xi32>
        %parallel_loop3A_418 = tpu.bitcast %parallel_loop3A_417 : vector<16xi32> -> vector<16xf32>
        %parallel_loop3A_419 = arith.mulf %parallel_loop3A_418, %parallel_loop3A_295 : vector<16xf32>
        %parallel_loop3A_420 = arith.addf %parallel_loop3A_414, %parallel_loop3A_419 : vector<16xf32>
        %parallel_loop3A_421 = tpu.bitcast %parallel_loop3A_376 : vector<16xi32> -> vector<16xf32>
        %parallel_loop3A_422 = arith.mulf %parallel_loop3A_421, %parallel_loop3A_286 : vector<16xf32>
        %parallel_loop3A_423 = tpu.bitcast %parallel_loop3A_383 : vector<16xi32> -> vector<16xf32>
        %parallel_loop3A_424 = arith.mulf %parallel_loop3A_423, %parallel_loop3A_289 : vector<16xf32>
        %parallel_loop3A_425 = arith.addf %parallel_loop3A_422, %parallel_loop3A_424 : vector<16xf32>
        %parallel_loop3A_426 = tpu.bitcast %parallel_loop3A_390 : vector<16xi32> -> vector<16xf32>
        %parallel_loop3A_427 = arith.mulf %parallel_loop3A_426, %parallel_loop3A_292 : vector<16xf32>
        %parallel_loop3A_428 = arith.addf %parallel_loop3A_425, %parallel_loop3A_427 : vector<16xf32>
        %parallel_loop3A_429 = tpu.bitcast %parallel_loop3A_397 : vector<16xi32> -> vector<16xf32>
        %parallel_loop3A_430 = arith.mulf %parallel_loop3A_429, %parallel_loop3A_295 : vector<16xf32>
        %parallel_loop3A_431 = arith.addf %parallel_loop3A_428, %parallel_loop3A_430 : vector<16xf32>
        %parallel_loop3A_432 = arith.index_cast %rem3A_233 : i32 to index
        %parallel_loop3A_433 = arith.index_cast %parallel_loop3A_283 : i32 to index
        %parallel_loop3A_434 = arith.constant 16 : index
        %parallel_loop3A_435 = tpu.vector_load %arg9[%parallel_loop3A_432, %parallel_loop3A_433, %parallel_loop3A_434] {strides = array<i32>} : memref<2x16x768xf32, #tpu.memory_space<vmem>>, vector<1x1x16xf32>,
        %parallel_loop3A_436 = vector.shape_cast %parallel_loop3A_435 : vector<1x1x16xf32> to vector<16xf32>
        %parallel_loop3A_437 = vector.shape_cast %parallel_loop3A_420 : vector<16xf32> to vector<1x1x16xf32>
        tpu.vector_store %arg9[%parallel_loop3A_432, %parallel_loop3A_433, %parallel_loop3A_434], %parallel_loop3A_437 {strides = array<i32>} : memref<2x16x768xf32, #tpu.memory_space<vmem>>, vector<1x1x16xf32>,
        %parallel_loop3A_438 = arith.index_cast %rem3A_233 : i32 to index
        %parallel_loop3A_439 = arith.index_cast %parallel_loop3A_283 : i32 to index
        %parallel_loop3A_440 = arith.constant 400 : index
        %parallel_loop3A_441 = tpu.vector_load %arg9[%parallel_loop3A_438, %parallel_loop3A_439, %parallel_loop3A_440] {strides = array<i32>} : memref<2x16x768xf32, #tpu.memory_space<vmem>>, vector<1x1x16xf32>,
        %parallel_loop3A_442 = vector.shape_cast %parallel_loop3A_441 : vector<1x1x16xf32> to vector<16xf32>
        %parallel_loop3A_443 = vector.shape_cast %parallel_loop3A_431 : vector<16xf32> to vector<1x1x16xf32>
        tpu.vector_store %arg9[%parallel_loop3A_438, %parallel_loop3A_439, %parallel_loop3A_440], %parallel_loop3A_443 {strides = array<i32>} : memref<2x16x768xf32, #tpu.memory_space<vmem>>, vector<1x1x16xf32>,
        %parallel_loop3A_444 = arith.constant 0 : i32
        %parallel_loop3A_445 = arith.index_cast %rem3A_231 : i32 to index
        %parallel_loop3A_446 = arith.index_cast %parallel_loop3A_444 : i32 to index
        %parallel_loop3A_447 = arith.index_cast %parallel_loop3A_283 : i32 to index
        %parallel_loop3A_448 = arith.constant 32 : index
        %parallel_loop3A_449 = tpu.vector_load %arg8[%parallel_loop3A_445, %parallel_loop3A_446, %parallel_loop3A_447, %parallel_loop3A_448] {strides = array<i32>} : memref<3x4x16x384xi32, #tpu.memory_space<vmem>>, vector<1x1x1x16xi32>,
        %parallel_loop3A_450 = vector.shape_cast %parallel_loop3A_449 : vector<1x1x1x16xi32> to vector<16xi32>
        %parallel_loop3A_451 = arith.constant 1 : i32
        %parallel_loop3A_452 = arith.index_cast %rem3A_231 : i32 to index
        %parallel_loop3A_453 = arith.index_cast %parallel_loop3A_451 : i32 to index
        %parallel_loop3A_454 = arith.index_cast %parallel_loop3A_283 : i32 to index
        %parallel_loop3A_455 = arith.constant 32 : index
        %parallel_loop3A_456 = tpu.vector_load %arg8[%parallel_loop3A_452, %parallel_loop3A_453, %parallel_loop3A_454, %parallel_loop3A_455] {strides = array<i32>} : memref<3x4x16x384xi32, #tpu.memory_space<vmem>>, vector<1x1x1x16xi32>,
        %parallel_loop3A_457 = vector.shape_cast %parallel_loop3A_456 : vector<1x1x1x16xi32> to vector<16xi32>
        %parallel_loop3A_458 = arith.constant 2 : i32
        %parallel_loop3A_459 = arith.index_cast %rem3A_231 : i32 to index
        %parallel_loop3A_460 = arith.index_cast %parallel_loop3A_458 : i32 to index
        %parallel_loop3A_461 = arith.index_cast %parallel_loop3A_283 : i32 to index
        %parallel_loop3A_462 = arith.constant 32 : index
        %parallel_loop3A_463 = tpu.vector_load %arg8[%parallel_loop3A_459, %parallel_loop3A_460, %parallel_loop3A_461, %parallel_loop3A_462] {strides = array<i32>} : memref<3x4x16x384xi32, #tpu.memory_space<vmem>>, vector<1x1x1x16xi32>,
        %parallel_loop3A_464 = vector.shape_cast %parallel_loop3A_463 : vector<1x1x1x16xi32> to vector<16xi32>
        %parallel_loop3A_465 = arith.constant 3 : i32
        %parallel_loop3A_466 = arith.index_cast %rem3A_231 : i32 to index
        %parallel_loop3A_467 = arith.index_cast %parallel_loop3A_465 : i32 to index
        %parallel_loop3A_468 = arith.index_cast %parallel_loop3A_283 : i32 to index
        %parallel_loop3A_469 = arith.constant 32 : index
        %parallel_loop3A_470 = tpu.vector_load %arg8[%parallel_loop3A_466, %parallel_loop3A_467, %parallel_loop3A_468, %parallel_loop3A_469] {strides = array<i32>} : memref<3x4x16x384xi32, #tpu.memory_space<vmem>>, vector<1x1x1x16xi32>,
        %parallel_loop3A_471 = vector.shape_cast %parallel_loop3A_470 : vector<1x1x1x16xi32> to vector<16xi32>
        %parallel_loop3A_472 = arith.constant 16 : i32
        %parallel_loop3A_473 = vector.broadcast %parallel_loop3A_472 : i32 to vector<16xi32>
        %parallel_loop3A_474 = arith.shli %parallel_loop3A_450, %parallel_loop3A_473 : vector<16xi32>
        %parallel_loop3A_475 = tpu.bitcast %parallel_loop3A_474 : vector<16xi32> -> vector<16xf32>
        %parallel_loop3A_476 = arith.mulf %parallel_loop3A_475, %parallel_loop3A_286 : vector<16xf32>
        %parallel_loop3A_477 = arith.constant 16 : i32
        %parallel_loop3A_478 = vector.broadcast %parallel_loop3A_477 : i32 to vector<16xi32>
        %parallel_loop3A_479 = arith.shli %parallel_loop3A_457, %parallel_loop3A_478 : vector<16xi32>
        %parallel_loop3A_480 = tpu.bitcast %parallel_loop3A_479 : vector<16xi32> -> vector<16xf32>
        %parallel_loop3A_481 = arith.mulf %parallel_loop3A_480, %parallel_loop3A_289 : vector<16xf32>
        %parallel_loop3A_482 = arith.addf %parallel_loop3A_476, %parallel_loop3A_481 : vector<16xf32>
        %parallel_loop3A_483 = arith.constant 16 : i32
        %parallel_loop3A_484 = vector.broadcast %parallel_loop3A_483 : i32 to vector<16xi32>
        %parallel_loop3A_485 = arith.shli %parallel_loop3A_464, %parallel_loop3A_484 : vector<16xi32>
        %parallel_loop3A_486 = tpu.bitcast %parallel_loop3A_485 : vector<16xi32> -> vector<16xf32>
        %parallel_loop3A_487 = arith.mulf %parallel_loop3A_486, %parallel_loop3A_292 : vector<16xf32>
        %parallel_loop3A_488 = arith.addf %parallel_loop3A_482, %parallel_loop3A_487 : vector<16xf32>
        %parallel_loop3A_489 = arith.constant 16 : i32
        %parallel_loop3A_490 = vector.broadcast %parallel_loop3A_489 : i32 to vector<16xi32>
        %parallel_loop3A_491 = arith.shli %parallel_loop3A_471, %parallel_loop3A_490 : vector<16xi32>
        %parallel_loop3A_492 = tpu.bitcast %parallel_loop3A_491 : vector<16xi32> -> vector<16xf32>
        %parallel_loop3A_493 = arith.mulf %parallel_loop3A_492, %parallel_loop3A_295 : vector<16xf32>
        %parallel_loop3A_494 = arith.addf %parallel_loop3A_488, %parallel_loop3A_493 : vector<16xf32>
        %parallel_loop3A_495 = tpu.bitcast %parallel_loop3A_450 : vector<16xi32> -> vector<16xf32>
        %parallel_loop3A_496 = arith.mulf %parallel_loop3A_495, %parallel_loop3A_286 : vector<16xf32>
        %parallel_loop3A_497 = tpu.bitcast %parallel_loop3A_457 : vector<16xi32> -> vector<16xf32>
        %parallel_loop3A_498 = arith.mulf %parallel_loop3A_497, %parallel_loop3A_289 : vector<16xf32>
        %parallel_loop3A_499 = arith.addf %parallel_loop3A_496, %parallel_loop3A_498 : vector<16xf32>
        %parallel_loop3A_500 = tpu.bitcast %parallel_loop3A_464 : vector<16xi32> -> vector<16xf32>
        %parallel_loop3A_501 = arith.mulf %parallel_loop3A_500, %parallel_loop3A_292 : vector<16xf32>
        %parallel_loop3A_502 = arith.addf %parallel_loop3A_499, %parallel_loop3A_501 : vector<16xf32>
        %parallel_loop3A_503 = tpu.bitcast %parallel_loop3A_471 : vector<16xi32> -> vector<16xf32>
        %parallel_loop3A_504 = arith.mulf %parallel_loop3A_503, %parallel_loop3A_295 : vector<16xf32>
        %parallel_loop3A_505 = arith.addf %parallel_loop3A_502, %parallel_loop3A_504 : vector<16xf32>
        %parallel_loop3A_506 = arith.index_cast %rem3A_233 : i32 to index
        %parallel_loop3A_507 = arith.index_cast %parallel_loop3A_283 : i32 to index
        %parallel_loop3A_508 = arith.constant 32 : index
        %parallel_loop3A_509 = tpu.vector_load %arg9[%parallel_loop3A_506, %parallel_loop3A_507, %parallel_loop3A_508] {strides = array<i32>} : memref<2x16x768xf32, #tpu.memory_space<vmem>>, vector<1x1x16xf32>,
        %parallel_loop3A_510 = vector.shape_cast %parallel_loop3A_509 : vector<1x1x16xf32> to vector<16xf32>
        %parallel_loop3A_511 = vector.shape_cast %parallel_loop3A_494 : vector<16xf32> to vector<1x1x16xf32>
        tpu.vector_store %arg9[%parallel_loop3A_506, %parallel_loop3A_507, %parallel_loop3A_508], %parallel_loop3A_511 {strides = array<i32>} : memref<2x16x768xf32, #tpu.memory_space<vmem>>, vector<1x1x16xf32>,
        %parallel_loop3A_512 = arith.index_cast %rem3A_233 : i32 to index
        %parallel_loop3A_513 = arith.index_cast %parallel_loop3A_283 : i32 to index
        %parallel_loop3A_514 = arith.constant 416 : index
        %parallel_loop3A_515 = tpu.vector_load %arg9[%parallel_loop3A_512, %parallel_loop3A_513, %parallel_loop3A_514] {strides = array<i32>} : memref<2x16x768xf32, #tpu.memory_space<vmem>>, vector<1x1x16xf32>,
        %parallel_loop3A_516 = vector.shape_cast %parallel_loop3A_515 : vector<1x1x16xf32> to vector<16xf32>
        %parallel_loop3A_517 = vector.shape_cast %parallel_loop3A_505 : vector<16xf32> to vector<1x1x16xf32>
        tpu.vector_store %arg9[%parallel_loop3A_512, %parallel_loop3A_513, %parallel_loop3A_514], %parallel_loop3A_517 {strides = array<i32>} : memref<2x16x768xf32, #tpu.memory_space<vmem>>, vector<1x1x16xf32>,
        %parallel_loop3A_518 = arith.constant 0 : i32
        %parallel_loop3A_519 = arith.index_cast %rem3A_231 : i32 to index
        %parallel_loop3A_520 = arith.index_cast %parallel_loop3A_518 : i32 to index
        %parallel_loop3A_521 = arith.index_cast %parallel_loop3A_283 : i32 to index
        %parallel_loop3A_522 = arith.constant 48 : index
        %parallel_loop3A_523 = tpu.vector_load %arg8[%parallel_loop3A_519, %parallel_loop3A_520, %parallel_loop3A_521, %parallel_loop3A_522] {strides = array<i32>} : memref<3x4x16x384xi32, #tpu.memory_space<vmem>>, vector<1x1x1x16xi32>,
        %parallel_loop3A_524 = vector.shape_cast %parallel_loop3A_523 : vector<1x1x1x16xi32> to vector<16xi32>
        %parallel_loop3A_525 = arith.constant 1 : i32
        %parallel_loop3A_526 = arith.index_cast %rem3A_231 : i32 to index
        %parallel_loop3A_527 = arith.index_cast %parallel_loop3A_525 : i32 to index
        %parallel_loop3A_528 = arith.index_cast %parallel_loop3A_283 : i32 to index
        %parallel_loop3A_529 = arith.constant 48 : index
        %parallel_loop3A_530 = tpu.vector_load %arg8[%parallel_loop3A_526, %parallel_loop3A_527, %parallel_loop3A_528, %parallel_loop3A_529] {strides = array<i32>} : memref<3x4x16x384xi32, #tpu.memory_space<vmem>>, vector<1x1x1x16xi32>,
        %parallel_loop3A_531 = vector.shape_cast %parallel_loop3A_530 : vector<1x1x1x16xi32> to vector<16xi32>
        %parallel_loop3A_532 = arith.constant 2 : i32
        %parallel_loop3A_533 = arith.index_cast %rem3A_231 : i32 to index
        %parallel_loop3A_534 = arith.index_cast %parallel_loop3A_532 : i32 to index
        %parallel_loop3A_535 = arith.index_cast %parallel_loop3A_283 : i32 to index
        %parallel_loop3A_536 = arith.constant 48 : index
        %parallel_loop3A_537 = tpu.vector_load %arg8[%parallel_loop3A_533, %parallel_loop3A_534, %parallel_loop3A_535, %parallel_loop3A_536] {strides = array<i32>} : memref<3x4x16x384xi32, #tpu.memory_space<vmem>>, vector<1x1x1x16xi32>,
        %parallel_loop3A_538 = vector.shape_cast %parallel_loop3A_537 : vector<1x1x1x16xi32> to vector<16xi32>
        %parallel_loop3A_539 = arith.constant 3 : i32
        %parallel_loop3A_540 = arith.index_cast %rem3A_231 : i32 to index
        %parallel_loop3A_541 = arith.index_cast %parallel_loop3A_539 : i32 to index
        %parallel_loop3A_542 = arith.index_cast %parallel_loop3A_283 : i32 to index
        %parallel_loop3A_543 = arith.constant 48 : index
        %parallel_loop3A_544 = tpu.vector_load %arg8[%parallel_loop3A_540, %parallel_loop3A_541, %parallel_loop3A_542, %parallel_loop3A_543] {strides = array<i32>} : memref<3x4x16x384xi32, #tpu.memory_space<vmem>>, vector<1x1x1x16xi32>,
        %parallel_loop3A_545 = vector.shape_cast %parallel_loop3A_544 : vector<1x1x1x16xi32> to vector<16xi32>
        %parallel_loop3A_546 = arith.constant 16 : i32
        %parallel_loop3A_547 = vector.broadcast %parallel_loop3A_546 : i32 to vector<16xi32>
        %parallel_loop3A_548 = arith.shli %parallel_loop3A_524, %parallel_loop3A_547 : vector<16xi32>
        %parallel_loop3A_549 = tpu.bitcast %parallel_loop3A_548 : vector<16xi32> -> vector<16xf32>
        %parallel_loop3A_550 = arith.mulf %parallel_loop3A_549, %parallel_loop3A_286 : vector<16xf32>
        %parallel_loop3A_551 = arith.constant 16 : i32
        %parallel_loop3A_552 = vector.broadcast %parallel_loop3A_551 : i32 to vector<16xi32>
        %parallel_loop3A_553 = arith.shli %parallel_loop3A_531, %parallel_loop3A_552 : vector<16xi32>
        %parallel_loop3A_554 = tpu.bitcast %parallel_loop3A_553 : vector<16xi32> -> vector<16xf32>
        %parallel_loop3A_555 = arith.mulf %parallel_loop3A_554, %parallel_loop3A_289 : vector<16xf32>
        %parallel_loop3A_556 = arith.addf %parallel_loop3A_550, %parallel_loop3A_555 : vector<16xf32>
        %parallel_loop3A_557 = arith.constant 16 : i32
        %parallel_loop3A_558 = vector.broadcast %parallel_loop3A_557 : i32 to vector<16xi32>
        %parallel_loop3A_559 = arith.shli %parallel_loop3A_538, %parallel_loop3A_558 : vector<16xi32>
        %parallel_loop3A_560 = tpu.bitcast %parallel_loop3A_559 : vector<16xi32> -> vector<16xf32>
        %parallel_loop3A_561 = arith.mulf %parallel_loop3A_560, %parallel_loop3A_292 : vector<16xf32>
        %parallel_loop3A_562 = arith.addf %parallel_loop3A_556, %parallel_loop3A_561 : vector<16xf32>
        %parallel_loop3A_563 = arith.constant 16 : i32
        %parallel_loop3A_564 = vector.broadcast %parallel_loop3A_563 : i32 to vector<16xi32>
        %parallel_loop3A_565 = arith.shli %parallel_loop3A_545, %parallel_loop3A_564 : vector<16xi32>
        %parallel_loop3A_566 = tpu.bitcast %parallel_loop3A_565 : vector<16xi32> -> vector<16xf32>
        %parallel_loop3A_567 = arith.mulf %parallel_loop3A_566, %parallel_loop3A_295 : vector<16xf32>
        %parallel_loop3A_568 = arith.addf %parallel_loop3A_562, %parallel_loop3A_567 : vector<16xf32>
        %parallel_loop3A_569 = tpu.bitcast %parallel_loop3A_524 : vector<16xi32> -> vector<16xf32>
        %parallel_loop3A_570 = arith.mulf %parallel_loop3A_569, %parallel_loop3A_286 : vector<16xf32>
        %parallel_loop3A_571 = tpu.bitcast %parallel_loop3A_531 : vector<16xi32> -> vector<16xf32>
        %parallel_loop3A_572 = arith.mulf %parallel_loop3A_571, %parallel_loop3A_289 : vector<16xf32>
        %parallel_loop3A_573 = arith.addf %parallel_loop3A_570, %parallel_loop3A_572 : vector<16xf32>
        %parallel_loop3A_574 = tpu.bitcast %parallel_loop3A_538 : vector<16xi32> -> vector<16xf32>
        %parallel_loop3A_575 = arith.mulf %parallel_loop3A_574, %parallel_loop3A_292 : vector<16xf32>
        %parallel_loop3A_576 = arith.addf %parallel_loop3A_573, %parallel_loop3A_575 : vector<16xf32>
        %parallel_loop3A_577 = tpu.bitcast %parallel_loop3A_545 : vector<16xi32> -> vector<16xf32>
        %parallel_loop3A_578 = arith.mulf %parallel_loop3A_577, %parallel_loop3A_295 : vector<16xf32>
        %parallel_loop3A_579 = arith.addf %parallel_loop3A_576, %parallel_loop3A_578 : vector<16xf32>
        %parallel_loop3A_580 = arith.index_cast %rem3A_233 : i32 to index
        %parallel_loop3A_581 = arith.index_cast %parallel_loop3A_283 : i32 to index
        %parallel_loop3A_582 = arith.constant 48 : index
        %parallel_loop3A_583 = tpu.vector_load %arg9[%parallel_loop3A_580, %parallel_loop3A_581, %parallel_loop3A_582] {strides = array<i32>} : memref<2x16x768xf32, #tpu.memory_space<vmem>>, vector<1x1x16xf32>,
        %parallel_loop3A_584 = vector.shape_cast %parallel_loop3A_583 : vector<1x1x16xf32> to vector<16xf32>
        %parallel_loop3A_585 = vector.shape_cast %parallel_loop3A_568 : vector<16xf32> to vector<1x1x16xf32>
        tpu.vector_store %arg9[%parallel_loop3A_580, %parallel_loop3A_581, %parallel_loop3A_582], %parallel_loop3A_585 {strides = array<i32>} : memref<2x16x768xf32, #tpu.memory_space<vmem>>, vector<1x1x16xf32>,
        %parallel_loop3A_586 = arith.index_cast %rem3A_233 : i32 to index
        %parallel_loop3A_587 = arith.index_cast %parallel_loop3A_283 : i32 to index
        %parallel_loop3A_588 = arith.constant 432 : index
        %parallel_loop3A_589 = tpu.vector_load %arg9[%parallel_loop3A_586, %parallel_loop3A_587, %parallel_loop3A_588] {strides = array<i32>} : memref<2x16x768xf32, #tpu.memory_space<vmem>>, vector<1x1x16xf32>,
        %parallel_loop3A_590 = vector.shape_cast %parallel_loop3A_589 : vector<1x1x16xf32> to vector<16xf32>
        %parallel_loop3A_591 = vector.shape_cast %parallel_loop3A_579 : vector<16xf32> to vector<1x1x16xf32>
        tpu.vector_store %arg9[%parallel_loop3A_586, %parallel_loop3A_587, %parallel_loop3A_588], %parallel_loop3A_591 {strides = array<i32>} : memref<2x16x768xf32, #tpu.memory_space<vmem>>, vector<1x1x16xf32>,
        %parallel_loop3A_592 = arith.constant 0 : i32
        %parallel_loop3A_593 = arith.index_cast %rem3A_231 : i32 to index
        %parallel_loop3A_594 = arith.index_cast %parallel_loop3A_592 : i32 to index
        %parallel_loop3A_595 = arith.index_cast %parallel_loop3A_283 : i32 to index
        %parallel_loop3A_596 = arith.constant 64 : index
        %parallel_loop3A_597 = tpu.vector_load %arg8[%parallel_loop3A_593, %parallel_loop3A_594, %parallel_loop3A_595, %parallel_loop3A_596] {strides = array<i32>} : memref<3x4x16x384xi32, #tpu.memory_space<vmem>>, vector<1x1x1x16xi32>,
        %parallel_loop3A_598 = vector.shape_cast %parallel_loop3A_597 : vector<1x1x1x16xi32> to vector<16xi32>
        %parallel_loop3A_599 = arith.constant 1 : i32
        %parallel_loop3A_600 = arith.index_cast %rem3A_231 : i32 to index
        %parallel_loop3A_601 = arith.index_cast %parallel_loop3A_599 : i32 to index
        %parallel_loop3A_602 = arith.index_cast %parallel_loop3A_283 : i32 to index
        %parallel_loop3A_603 = arith.constant 64 : index
        %parallel_loop3A_604 = tpu.vector_load %arg8[%parallel_loop3A_600, %parallel_loop3A_601, %parallel_loop3A_602, %parallel_loop3A_603] {strides = array<i32>} : memref<3x4x16x384xi32, #tpu.memory_space<vmem>>, vector<1x1x1x16xi32>,
        %parallel_loop3A_605 = vector.shape_cast %parallel_loop3A_604 : vector<1x1x1x16xi32> to vector<16xi32>
        %parallel_loop3A_606 = arith.constant 2 : i32
        %parallel_loop3A_607 = arith.index_cast %rem3A_231 : i32 to index
        %parallel_loop3A_608 = arith.index_cast %parallel_loop3A_606 : i32 to index
        %parallel_loop3A_609 = arith.index_cast %parallel_loop3A_283 : i32 to index
        %parallel_loop3A_610 = arith.constant 64 : index
        %parallel_loop3A_611 = tpu.vector_load %arg8[%parallel_loop3A_607, %parallel_loop3A_608, %parallel_loop3A_609, %parallel_loop3A_610] {strides = array<i32>} : memref<3x4x16x384xi32, #tpu.memory_space<vmem>>, vector<1x1x1x16xi32>,
        %parallel_loop3A_612 = vector.shape_cast %parallel_loop3A_611 : vector<1x1x1x16xi32> to vector<16xi32>
        %parallel_loop3A_613 = arith.constant 3 : i32
        %parallel_loop3A_614 = arith.index_cast %rem3A_231 : i32 to index
        %parallel_loop3A_615 = arith.index_cast %parallel_loop3A_613 : i32 to index
        %parallel_loop3A_616 = arith.index_cast %parallel_loop3A_283 : i32 to index
        %parallel_loop3A_617 = arith.constant 64 : index
        %parallel_loop3A_618 = tpu.vector_load %arg8[%parallel_loop3A_614, %parallel_loop3A_615, %parallel_loop3A_616, %parallel_loop3A_617] {strides = array<i32>} : memref<3x4x16x384xi32, #tpu.memory_space<vmem>>, vector<1x1x1x16xi32>,
        %parallel_loop3A_619 = vector.shape_cast %parallel_loop3A_618 : vector<1x1x1x16xi32> to vector<16xi32>
        %parallel_loop3A_620 = arith.constant 16 : i32
        %parallel_loop3A_621 = vector.broadcast %parallel_loop3A_620 : i32 to vector<16xi32>
        %parallel_loop3A_622 = arith.shli %parallel_loop3A_598, %parallel_loop3A_621 : vector<16xi32>
        %parallel_loop3A_623 = tpu.bitcast %parallel_loop3A_622 : vector<16xi32> -> vector<16xf32>
        %parallel_loop3A_624 = arith.mulf %parallel_loop3A_623, %parallel_loop3A_286 : vector<16xf32>
        %parallel_loop3A_625 = arith.constant 16 : i32
        %parallel_loop3A_626 = vector.broadcast %parallel_loop3A_625 : i32 to vector<16xi32>
        %parallel_loop3A_627 = arith.shli %parallel_loop3A_605, %parallel_loop3A_626 : vector<16xi32>
        %parallel_loop3A_628 = tpu.bitcast %parallel_loop3A_627 : vector<16xi32> -> vector<16xf32>
        %parallel_loop3A_629 = arith.mulf %parallel_loop3A_628, %parallel_loop3A_289 : vector<16xf32>
        %parallel_loop3A_630 = arith.addf %parallel_loop3A_624, %parallel_loop3A_629 : vector<16xf32>
        %parallel_loop3A_631 = arith.constant 16 : i32
        %parallel_loop3A_632 = vector.broadcast %parallel_loop3A_631 : i32 to vector<16xi32>
        %parallel_loop3A_633 = arith.shli %parallel_loop3A_612, %parallel_loop3A_632 : vector<16xi32>
        %parallel_loop3A_634 = tpu.bitcast %parallel_loop3A_633 : vector<16xi32> -> vector<16xf32>
        %parallel_loop3A_635 = arith.mulf %parallel_loop3A_634, %parallel_loop3A_292 : vector<16xf32>
        %parallel_loop3A_636 = arith.addf %parallel_loop3A_630, %parallel_loop3A_635 : vector<16xf32>
        %parallel_loop3A_637 = arith.constant 16 : i32
        %parallel_loop3A_638 = vector.broadcast %parallel_loop3A_637 : i32 to vector<16xi32>
        %parallel_loop3A_639 = arith.shli %parallel_loop3A_619, %parallel_loop3A_638 : vector<16xi32>
        %parallel_loop3A_640 = tpu.bitcast %parallel_loop3A_639 : vector<16xi32> -> vector<16xf32>
        %parallel_loop3A_641 = arith.mulf %parallel_loop3A_640, %parallel_loop3A_295 : vector<16xf32>
        %parallel_loop3A_642 = arith.addf %parallel_loop3A_636, %parallel_loop3A_641 : vector<16xf32>
        %parallel_loop3A_643 = tpu.bitcast %parallel_loop3A_598 : vector<16xi32> -> vector<16xf32>
        %parallel_loop3A_644 = arith.mulf %parallel_loop3A_643, %parallel_loop3A_286 : vector<16xf32>
        %parallel_loop3A_645 = tpu.bitcast %parallel_loop3A_605 : vector<16xi32> -> vector<16xf32>
        %parallel_loop3A_646 = arith.mulf %parallel_loop3A_645, %parallel_loop3A_289 : vector<16xf32>
        %parallel_loop3A_647 = arith.addf %parallel_loop3A_644, %parallel_loop3A_646 : vector<16xf32>
        %parallel_loop3A_648 = tpu.bitcast %parallel_loop3A_612 : vector<16xi32> -> vector<16xf32>
        %parallel_loop3A_649 = arith.mulf %parallel_loop3A_648, %parallel_loop3A_292 : vector<16xf32>
        %parallel_loop3A_650 = arith.addf %parallel_loop3A_647, %parallel_loop3A_649 : vector<16xf32>
        %parallel_loop3A_651 = tpu.bitcast %parallel_loop3A_619 : vector<16xi32> -> vector<16xf32>
        %parallel_loop3A_652 = arith.mulf %parallel_loop3A_651, %parallel_loop3A_295 : vector<16xf32>
        %parallel_loop3A_653 = arith.addf %parallel_loop3A_650, %parallel_loop3A_652 : vector<16xf32>
        %parallel_loop3A_654 = arith.index_cast %rem3A_233 : i32 to index
        %parallel_loop3A_655 = arith.index_cast %parallel_loop3A_283 : i32 to index
        %parallel_loop3A_656 = arith.constant 64 : index
        %parallel_loop3A_657 = tpu.vector_load %arg9[%parallel_loop3A_654, %parallel_loop3A_655, %parallel_loop3A_656] {strides = array<i32>} : memref<2x16x768xf32, #tpu.memory_space<vmem>>, vector<1x1x16xf32>,
        %parallel_loop3A_658 = vector.shape_cast %parallel_loop3A_657 : vector<1x1x16xf32> to vector<16xf32>
        %parallel_loop3A_659 = vector.shape_cast %parallel_loop3A_642 : vector<16xf32> to vector<1x1x16xf32>
        tpu.vector_store %arg9[%parallel_loop3A_654, %parallel_loop3A_655, %parallel_loop3A_656], %parallel_loop3A_659 {strides = array<i32>} : memref<2x16x768xf32, #tpu.memory_space<vmem>>, vector<1x1x16xf32>,
        %parallel_loop3A_660 = arith.index_cast %rem3A_233 : i32 to index
        %parallel_loop3A_661 = arith.index_cast %parallel_loop3A_283 : i32 to index
        %parallel_loop3A_662 = arith.constant 448 : index
        %parallel_loop3A_663 = tpu.vector_load %arg9[%parallel_loop3A_660, %parallel_loop3A_661, %parallel_loop3A_662] {strides = array<i32>} : memref<2x16x768xf32, #tpu.memory_space<vmem>>, vector<1x1x16xf32>,
        %parallel_loop3A_664 = vector.shape_cast %parallel_loop3A_663 : vector<1x1x16xf32> to vector<16xf32>
        %parallel_loop3A_665 = vector.shape_cast %parallel_loop3A_653 : vector<16xf32> to vector<1x1x16xf32>
        tpu.vector_store %arg9[%parallel_loop3A_660, %parallel_loop3A_661, %parallel_loop3A_662], %parallel_loop3A_665 {strides = array<i32>} : memref<2x16x768xf32, #tpu.memory_space<vmem>>, vector<1x1x16xf32>,
        %parallel_loop3A_666 = arith.constant 0 : i32
        %parallel_loop3A_667 = arith.index_cast %rem3A_231 : i32 to index
        %parallel_loop3A_668 = arith.index_cast %parallel_loop3A_666 : i32 to index
        %parallel_loop3A_669 = arith.index_cast %parallel_loop3A_283 : i32 to index
        %parallel_loop3A_670 = arith.constant 80 : index
        %parallel_loop3A_671 = tpu.vector_load %arg8[%parallel_loop3A_667, %parallel_loop3A_668, %parallel_loop3A_669, %parallel_loop3A_670] {strides = array<i32>} : memref<3x4x16x384xi32, #tpu.memory_space<vmem>>, vector<1x1x1x16xi32>,
        %parallel_loop3A_672 = vector.shape_cast %parallel_loop3A_671 : vector<1x1x1x16xi32> to vector<16xi32>
        %parallel_loop3A_673 = arith.constant 1 : i32
        %parallel_loop3A_674 = arith.index_cast %rem3A_231 : i32 to index
        %parallel_loop3A_675 = arith.index_cast %parallel_loop3A_673 : i32 to index
        %parallel_loop3A_676 = arith.index_cast %parallel_loop3A_283 : i32 to index
        %parallel_loop3A_677 = arith.constant 80 : index
        %parallel_loop3A_678 = tpu.vector_load %arg8[%parallel_loop3A_674, %parallel_loop3A_675, %parallel_loop3A_676, %parallel_loop3A_677] {strides = array<i32>} : memref<3x4x16x384xi32, #tpu.memory_space<vmem>>, vector<1x1x1x16xi32>,
        %parallel_loop3A_679 = vector.shape_cast %parallel_loop3A_678 : vector<1x1x1x16xi32> to vector<16xi32>
        %parallel_loop3A_680 = arith.constant 2 : i32
        %parallel_loop3A_681 = arith.index_cast %rem3A_231 : i32 to index
        %parallel_loop3A_682 = arith.index_cast %parallel_loop3A_680 : i32 to index
        %parallel_loop3A_683 = arith.index_cast %parallel_loop3A_283 : i32 to index
        %parallel_loop3A_684 = arith.constant 80 : index
        %parallel_loop3A_685 = tpu.vector_load %arg8[%parallel_loop3A_681, %parallel_loop3A_682, %parallel_loop3A_683, %parallel_loop3A_684] {strides = array<i32>} : memref<3x4x16x384xi32, #tpu.memory_space<vmem>>, vector<1x1x1x16xi32>,
        %parallel_loop3A_686 = vector.shape_cast %parallel_loop3A_685 : vector<1x1x1x16xi32> to vector<16xi32>
        %parallel_loop3A_687 = arith.constant 3 : i32
        %parallel_loop3A_688 = arith.index_cast %rem3A_231 : i32 to index
        %parallel_loop3A_689 = arith.index_cast %parallel_loop3A_687 : i32 to index
        %parallel_loop3A_690 = arith.index_cast %parallel_loop3A_283 : i32 to index
        %parallel_loop3A_691 = arith.constant 80 : index
        %parallel_loop3A_692 = tpu.vector_load %arg8[%parallel_loop3A_688, %parallel_loop3A_689, %parallel_loop3A_690, %parallel_loop3A_691] {strides = array<i32>} : memref<3x4x16x384xi32, #tpu.memory_space<vmem>>, vector<1x1x1x16xi32>,
        %parallel_loop3A_693 = vector.shape_cast %parallel_loop3A_692 : vector<1x1x1x16xi32> to vector<16xi32>
        %parallel_loop3A_694 = arith.constant 16 : i32
        %parallel_loop3A_695 = vector.broadcast %parallel_loop3A_694 : i32 to vector<16xi32>
        %parallel_loop3A_696 = arith.shli %parallel_loop3A_672, %parallel_loop3A_695 : vector<16xi32>
        %parallel_loop3A_697 = tpu.bitcast %parallel_loop3A_696 : vector<16xi32> -> vector<16xf32>
        %parallel_loop3A_698 = arith.mulf %parallel_loop3A_697, %parallel_loop3A_286 : vector<16xf32>
        %parallel_loop3A_699 = arith.constant 16 : i32
        %parallel_loop3A_700 = vector.broadcast %parallel_loop3A_699 : i32 to vector<16xi32>
        %parallel_loop3A_701 = arith.shli %parallel_loop3A_679, %parallel_loop3A_700 : vector<16xi32>
        %parallel_loop3A_702 = tpu.bitcast %parallel_loop3A_701 : vector<16xi32> -> vector<16xf32>
        %parallel_loop3A_703 = arith.mulf %parallel_loop3A_702, %parallel_loop3A_289 : vector<16xf32>
        %parallel_loop3A_704 = arith.addf %parallel_loop3A_698, %parallel_loop3A_703 : vector<16xf32>
        %parallel_loop3A_705 = arith.constant 16 : i32
        %parallel_loop3A_706 = vector.broadcast %parallel_loop3A_705 : i32 to vector<16xi32>
        %parallel_loop3A_707 = arith.shli %parallel_loop3A_686, %parallel_loop3A_706 : vector<16xi32>
        %parallel_loop3A_708 = tpu.bitcast %parallel_loop3A_707 : vector<16xi32> -> vector<16xf32>
        %parallel_loop3A_709 = arith.mulf %parallel_loop3A_708, %parallel_loop3A_292 : vector<16xf32>
        %parallel_loop3A_710 = arith.addf %parallel_loop3A_704, %parallel_loop3A_709 : vector<16xf32>
        %parallel_loop3A_711 = arith.constant 16 : i32
        %parallel_loop3A_712 = vector.broadcast %parallel_loop3A_711 : i32 to vector<16xi32>
        %parallel_loop3A_713 = arith.shli %parallel_loop3A_693, %parallel_loop3A_712 : vector<16xi32>
        %parallel_loop3A_714 = tpu.bitcast %parallel_loop3A_713 : vector<16xi32> -> vector<16xf32>
        %parallel_loop3A_715 = arith.mulf %parallel_loop3A_714, %parallel_loop3A_295 : vector<16xf32>
        %parallel_loop3A_716 = arith.addf %parallel_loop3A_710, %parallel_loop3A_715 : vector<16xf32>
        %parallel_loop3A_717 = tpu.bitcast %parallel_loop3A_672 : vector<16xi32> -> vector<16xf32>
        %parallel_loop3A_718 = arith.mulf %parallel_loop3A_717, %parallel_loop3A_286 : vector<16xf32>
        %parallel_loop3A_719 = tpu.bitcast %parallel_loop3A_679 : vector<16xi32> -> vector<16xf32>
        %parallel_loop3A_720 = arith.mulf %parallel_loop3A_719, %parallel_loop3A_289 : vector<16xf32>
        %parallel_loop3A_721 = arith.addf %parallel_loop3A_718, %parallel_loop3A_720 : vector<16xf32>
        %parallel_loop3A_722 = tpu.bitcast %parallel_loop3A_686 : vector<16xi32> -> vector<16xf32>
        %parallel_loop3A_723 = arith.mulf %parallel_loop3A_722, %parallel_loop3A_292 : vector<16xf32>
        %parallel_loop3A_724 = arith.addf %parallel_loop3A_721, %parallel_loop3A_723 : vector<16xf32>
        %parallel_loop3A_725 = tpu.bitcast %parallel_loop3A_693 : vector<16xi32> -> vector<16xf32>
        %parallel_loop3A_726 = arith.mulf %parallel_loop3A_725, %parallel_loop3A_295 : vector<16xf32>
        %parallel_loop3A_727 = arith.addf %parallel_loop3A_724, %parallel_loop3A_726 : vector<16xf32>
        %parallel_loop3A_728 = arith.index_cast %rem3A_233 : i32 to index
        %parallel_loop3A_729 = arith.index_cast %parallel_loop3A_283 : i32 to index
        %parallel_loop3A_730 = arith.constant 80 : index
        %parallel_loop3A_731 = tpu.vector_load %arg9[%parallel_loop3A_728, %parallel_loop3A_729, %parallel_loop3A_730] {strides = array<i32>} : memref<2x16x768xf32, #tpu.memory_space<vmem>>, vector<1x1x16xf32>,
        %parallel_loop3A_732 = vector.shape_cast %parallel_loop3A_731 : vector<1x1x16xf32> to vector<16xf32>
        %parallel_loop3A_733 = vector.shape_cast %parallel_loop3A_716 : vector<16xf32> to vector<1x1x16xf32>
        tpu.vector_store %arg9[%parallel_loop3A_728, %parallel_loop3A_729, %parallel_loop3A_730], %parallel_loop3A_733 {strides = array<i32>} : memref<2x16x768xf32, #tpu.memory_space<vmem>>, vector<1x1x16xf32>,
        %parallel_loop3A_734 = arith.index_cast %rem3A_233 : i32 to index
        %parallel_loop3A_735 = arith.index_cast %parallel_loop3A_283 : i32 to index
        %parallel_loop3A_736 = arith.constant 464 : index
        %parallel_loop3A_737 = tpu.vector_load %arg9[%parallel_loop3A_734, %parallel_loop3A_735, %parallel_loop3A_736] {strides = array<i32>} : memref<2x16x768xf32, #tpu.memory_space<vmem>>, vector<1x1x16xf32>,
        %parallel_loop3A_738 = vector.shape_cast %parallel_loop3A_737 : vector<1x1x16xf32> to vector<16xf32>
        %parallel_loop3A_739 = vector.shape_cast %parallel_loop3A_727 : vector<16xf32> to vector<1x1x16xf32>
        tpu.vector_store %arg9[%parallel_loop3A_734, %parallel_loop3A_735, %parallel_loop3A_736], %parallel_loop3A_739 {strides = array<i32>} : memref<2x16x768xf32, #tpu.memory_space<vmem>>, vector<1x1x16xf32>,
        %parallel_loop3A_740 = arith.constant 0 : i32
        %parallel_loop3A_741 = arith.index_cast %rem3A_231 : i32 to index
        %parallel_loop3A_742 = arith.index_cast %parallel_loop3A_740 : i32 to index
        %parallel_loop3A_743 = arith.index_cast %parallel_loop3A_283 : i32 to index
        %parallel_loop3A_744 = arith.constant 96 : index
        %parallel_loop3A_745 = tpu.vector_load %arg8[%parallel_loop3A_741, %parallel_loop3A_742, %parallel_loop3A_743, %parallel_loop3A_744] {strides = array<i32>} : memref<3x4x16x384xi32, #tpu.memory_space<vmem>>, vector<1x1x1x16xi32>,
        %parallel_loop3A_746 = vector.shape_cast %parallel_loop3A_745 : vector<1x1x1x16xi32> to vector<16xi32>
        %parallel_loop3A_747 = arith.constant 1 : i32
        %parallel_loop3A_748 = arith.index_cast %rem3A_231 : i32 to index
        %parallel_loop3A_749 = arith.index_cast %parallel_loop3A_747 : i32 to index
        %parallel_loop3A_750 = arith.index_cast %parallel_loop3A_283 : i32 to index
        %parallel_loop3A_751 = arith.constant 96 : index
        %parallel_loop3A_752 = tpu.vector_load %arg8[%parallel_loop3A_748, %parallel_loop3A_749, %parallel_loop3A_750, %parallel_loop3A_751] {strides = array<i32>} : memref<3x4x16x384xi32, #tpu.memory_space<vmem>>, vector<1x1x1x16xi32>,
        %parallel_loop3A_753 = vector.shape_cast %parallel_loop3A_752 : vector<1x1x1x16xi32> to vector<16xi32>
        %parallel_loop3A_754 = arith.constant 2 : i32
        %parallel_loop3A_755 = arith.index_cast %rem3A_231 : i32 to index
        %parallel_loop3A_756 = arith.index_cast %parallel_loop3A_754 : i32 to index
        %parallel_loop3A_757 = arith.index_cast %parallel_loop3A_283 : i32 to index
        %parallel_loop3A_758 = arith.constant 96 : index
        %parallel_loop3A_759 = tpu.vector_load %arg8[%parallel_loop3A_755, %parallel_loop3A_756, %parallel_loop3A_757, %parallel_loop3A_758] {strides = array<i32>} : memref<3x4x16x384xi32, #tpu.memory_space<vmem>>, vector<1x1x1x16xi32>,
        %parallel_loop3A_760 = vector.shape_cast %parallel_loop3A_759 : vector<1x1x1x16xi32> to vector<16xi32>
        %parallel_loop3A_761 = arith.constant 3 : i32
        %parallel_loop3A_762 = arith.index_cast %rem3A_231 : i32 to index
        %parallel_loop3A_763 = arith.index_cast %parallel_loop3A_761 : i32 to index
        %parallel_loop3A_764 = arith.index_cast %parallel_loop3A_283 : i32 to index
        %parallel_loop3A_765 = arith.constant 96 : index
        %parallel_loop3A_766 = tpu.vector_load %arg8[%parallel_loop3A_762, %parallel_loop3A_763, %parallel_loop3A_764, %parallel_loop3A_765] {strides = array<i32>} : memref<3x4x16x384xi32, #tpu.memory_space<vmem>>, vector<1x1x1x16xi32>,
        %parallel_loop3A_767 = vector.shape_cast %parallel_loop3A_766 : vector<1x1x1x16xi32> to vector<16xi32>
        %parallel_loop3A_768 = arith.constant 16 : i32
        %parallel_loop3A_769 = vector.broadcast %parallel_loop3A_768 : i32 to vector<16xi32>
        %parallel_loop3A_770 = arith.shli %parallel_loop3A_746, %parallel_loop3A_769 : vector<16xi32>
        %parallel_loop3A_771 = tpu.bitcast %parallel_loop3A_770 : vector<16xi32> -> vector<16xf32>
        %parallel_loop3A_772 = arith.mulf %parallel_loop3A_771, %parallel_loop3A_286 : vector<16xf32>
        %parallel_loop3A_773 = arith.constant 16 : i32
        %parallel_loop3A_774 = vector.broadcast %parallel_loop3A_773 : i32 to vector<16xi32>
        %parallel_loop3A_775 = arith.shli %parallel_loop3A_753, %parallel_loop3A_774 : vector<16xi32>
        %parallel_loop3A_776 = tpu.bitcast %parallel_loop3A_775 : vector<16xi32> -> vector<16xf32>
        %parallel_loop3A_777 = arith.mulf %parallel_loop3A_776, %parallel_loop3A_289 : vector<16xf32>
        %parallel_loop3A_778 = arith.addf %parallel_loop3A_772, %parallel_loop3A_777 : vector<16xf32>
        %parallel_loop3A_779 = arith.constant 16 : i32
        %parallel_loop3A_780 = vector.broadcast %parallel_loop3A_779 : i32 to vector<16xi32>
        %parallel_loop3A_781 = arith.shli %parallel_loop3A_760, %parallel_loop3A_780 : vector<16xi32>
        %parallel_loop3A_782 = tpu.bitcast %parallel_loop3A_781 : vector<16xi32> -> vector<16xf32>
        %parallel_loop3A_783 = arith.mulf %parallel_loop3A_782, %parallel_loop3A_292 : vector<16xf32>
        %parallel_loop3A_784 = arith.addf %parallel_loop3A_778, %parallel_loop3A_783 : vector<16xf32>
        %parallel_loop3A_785 = arith.constant 16 : i32
        %parallel_loop3A_786 = vector.broadcast %parallel_loop3A_785 : i32 to vector<16xi32>
        %parallel_loop3A_787 = arith.shli %parallel_loop3A_767, %parallel_loop3A_786 : vector<16xi32>
        %parallel_loop3A_788 = tpu.bitcast %parallel_loop3A_787 : vector<16xi32> -> vector<16xf32>
        %parallel_loop3A_789 = arith.mulf %parallel_loop3A_788, %parallel_loop3A_295 : vector<16xf32>
        %parallel_loop3A_790 = arith.addf %parallel_loop3A_784, %parallel_loop3A_789 : vector<16xf32>
        %parallel_loop3A_791 = tpu.bitcast %parallel_loop3A_746 : vector<16xi32> -> vector<16xf32>
        %parallel_loop3A_792 = arith.mulf %parallel_loop3A_791, %parallel_loop3A_286 : vector<16xf32>
        %parallel_loop3A_793 = tpu.bitcast %parallel_loop3A_753 : vector<16xi32> -> vector<16xf32>
        %parallel_loop3A_794 = arith.mulf %parallel_loop3A_793, %parallel_loop3A_289 : vector<16xf32>
        %parallel_loop3A_795 = arith.addf %parallel_loop3A_792, %parallel_loop3A_794 : vector<16xf32>
        %parallel_loop3A_796 = tpu.bitcast %parallel_loop3A_760 : vector<16xi32> -> vector<16xf32>
        %parallel_loop3A_797 = arith.mulf %parallel_loop3A_796, %parallel_loop3A_292 : vector<16xf32>
        %parallel_loop3A_798 = arith.addf %parallel_loop3A_795, %parallel_loop3A_797 : vector<16xf32>
        %parallel_loop3A_799 = tpu.bitcast %parallel_loop3A_767 : vector<16xi32> -> vector<16xf32>
        %parallel_loop3A_800 = arith.mulf %parallel_loop3A_799, %parallel_loop3A_295 : vector<16xf32>
        %parallel_loop3A_801 = arith.addf %parallel_loop3A_798, %parallel_loop3A_800 : vector<16xf32>
        %parallel_loop3A_802 = arith.index_cast %rem3A_233 : i32 to index
        %parallel_loop3A_803 = arith.index_cast %parallel_loop3A_283 : i32 to index
        %parallel_loop3A_804 = arith.constant 96 : index
        %parallel_loop3A_805 = tpu.vector_load %arg9[%parallel_loop3A_802, %parallel_loop3A_803, %parallel_loop3A_804] {strides = array<i32>} : memref<2x16x768xf32, #tpu.memory_space<vmem>>, vector<1x1x16xf32>,
        %parallel_loop3A_806 = vector.shape_cast %parallel_loop3A_805 : vector<1x1x16xf32> to vector<16xf32>
        %parallel_loop3A_807 = vector.shape_cast %parallel_loop3A_790 : vector<16xf32> to vector<1x1x16xf32>
        tpu.vector_store %arg9[%parallel_loop3A_802, %parallel_loop3A_803, %parallel_loop3A_804], %parallel_loop3A_807 {strides = array<i32>} : memref<2x16x768xf32, #tpu.memory_space<vmem>>, vector<1x1x16xf32>,
        %parallel_loop3A_808 = arith.index_cast %rem3A_233 : i32 to index
        %parallel_loop3A_809 = arith.index_cast %parallel_loop3A_283 : i32 to index
        %parallel_loop3A_810 = arith.constant 480 : index
        %parallel_loop3A_811 = tpu.vector_load %arg9[%parallel_loop3A_808, %parallel_loop3A_809, %parallel_loop3A_810] {strides = array<i32>} : memref<2x16x768xf32, #tpu.memory_space<vmem>>, vector<1x1x16xf32>,
        %parallel_loop3A_812 = vector.shape_cast %parallel_loop3A_811 : vector<1x1x16xf32> to vector<16xf32>
        %parallel_loop3A_813 = vector.shape_cast %parallel_loop3A_801 : vector<16xf32> to vector<1x1x16xf32>
        tpu.vector_store %arg9[%parallel_loop3A_808, %parallel_loop3A_809, %parallel_loop3A_810], %parallel_loop3A_813 {strides = array<i32>} : memref<2x16x768xf32, #tpu.memory_space<vmem>>, vector<1x1x16xf32>,
        %parallel_loop3A_814 = arith.constant 0 : i32
        %parallel_loop3A_815 = arith.index_cast %rem3A_231 : i32 to index
        %parallel_loop3A_816 = arith.index_cast %parallel_loop3A_814 : i32 to index
        %parallel_loop3A_817 = arith.index_cast %parallel_loop3A_283 : i32 to index
        %parallel_loop3A_818 = arith.constant 112 : index
        %parallel_loop3A_819 = tpu.vector_load %arg8[%parallel_loop3A_815, %parallel_loop3A_816, %parallel_loop3A_817, %parallel_loop3A_818] {strides = array<i32>} : memref<3x4x16x384xi32, #tpu.memory_space<vmem>>, vector<1x1x1x16xi32>,
        %parallel_loop3A_820 = vector.shape_cast %parallel_loop3A_819 : vector<1x1x1x16xi32> to vector<16xi32>
        %parallel_loop3A_821 = arith.constant 1 : i32
        %parallel_loop3A_822 = arith.index_cast %rem3A_231 : i32 to index
        %parallel_loop3A_823 = arith.index_cast %parallel_loop3A_821 : i32 to index
        %parallel_loop3A_824 = arith.index_cast %parallel_loop3A_283 : i32 to index
        %parallel_loop3A_825 = arith.constant 112 : index
        %parallel_loop3A_826 = tpu.vector_load %arg8[%parallel_loop3A_822, %parallel_loop3A_823, %parallel_loop3A_824, %parallel_loop3A_825] {strides = array<i32>} : memref<3x4x16x384xi32, #tpu.memory_space<vmem>>, vector<1x1x1x16xi32>,
        %parallel_loop3A_827 = vector.shape_cast %parallel_loop3A_826 : vector<1x1x1x16xi32> to vector<16xi32>
        %parallel_loop3A_828 = arith.constant 2 : i32
        %parallel_loop3A_829 = arith.index_cast %rem3A_231 : i32 to index
        %parallel_loop3A_830 = arith.index_cast %parallel_loop3A_828 : i32 to index
        %parallel_loop3A_831 = arith.index_cast %parallel_loop3A_283 : i32 to index
        %parallel_loop3A_832 = arith.constant 112 : index
        %parallel_loop3A_833 = tpu.vector_load %arg8[%parallel_loop3A_829, %parallel_loop3A_830, %parallel_loop3A_831, %parallel_loop3A_832] {strides = array<i32>} : memref<3x4x16x384xi32, #tpu.memory_space<vmem>>, vector<1x1x1x16xi32>,
        %parallel_loop3A_834 = vector.shape_cast %parallel_loop3A_833 : vector<1x1x1x16xi32> to vector<16xi32>
        %parallel_loop3A_835 = arith.constant 3 : i32
        %parallel_loop3A_836 = arith.index_cast %rem3A_231 : i32 to index
        %parallel_loop3A_837 = arith.index_cast %parallel_loop3A_835 : i32 to index
        %parallel_loop3A_838 = arith.index_cast %parallel_loop3A_283 : i32 to index
        %parallel_loop3A_839 = arith.constant 112 : index
        %parallel_loop3A_840 = tpu.vector_load %arg8[%parallel_loop3A_836, %parallel_loop3A_837, %parallel_loop3A_838, %parallel_loop3A_839] {strides = array<i32>} : memref<3x4x16x384xi32, #tpu.memory_space<vmem>>, vector<1x1x1x16xi32>,
        %parallel_loop3A_841 = vector.shape_cast %parallel_loop3A_840 : vector<1x1x1x16xi32> to vector<16xi32>
        %parallel_loop3A_842 = arith.constant 16 : i32
        %parallel_loop3A_843 = vector.broadcast %parallel_loop3A_842 : i32 to vector<16xi32>
        %parallel_loop3A_844 = arith.shli %parallel_loop3A_820, %parallel_loop3A_843 : vector<16xi32>
        %parallel_loop3A_845 = tpu.bitcast %parallel_loop3A_844 : vector<16xi32> -> vector<16xf32>
        %parallel_loop3A_846 = arith.mulf %parallel_loop3A_845, %parallel_loop3A_286 : vector<16xf32>
        %parallel_loop3A_847 = arith.constant 16 : i32
        %parallel_loop3A_848 = vector.broadcast %parallel_loop3A_847 : i32 to vector<16xi32>
        %parallel_loop3A_849 = arith.shli %parallel_loop3A_827, %parallel_loop3A_848 : vector<16xi32>
        %parallel_loop3A_850 = tpu.bitcast %parallel_loop3A_849 : vector<16xi32> -> vector<16xf32>
        %parallel_loop3A_851 = arith.mulf %parallel_loop3A_850, %parallel_loop3A_289 : vector<16xf32>
        %parallel_loop3A_852 = arith.addf %parallel_loop3A_846, %parallel_loop3A_851 : vector<16xf32>
        %parallel_loop3A_853 = arith.constant 16 : i32
        %parallel_loop3A_854 = vector.broadcast %parallel_loop3A_853 : i32 to vector<16xi32>
        %parallel_loop3A_855 = arith.shli %parallel_loop3A_834, %parallel_loop3A_854 : vector<16xi32>
        %parallel_loop3A_856 = tpu.bitcast %parallel_loop3A_855 : vector<16xi32> -> vector<16xf32>
        %parallel_loop3A_857 = arith.mulf %parallel_loop3A_856, %parallel_loop3A_292 : vector<16xf32>
        %parallel_loop3A_858 = arith.addf %parallel_loop3A_852, %parallel_loop3A_857 : vector<16xf32>
        %parallel_loop3A_859 = arith.constant 16 : i32
        %parallel_loop3A_860 = vector.broadcast %parallel_loop3A_859 : i32 to vector<16xi32>
        %parallel_loop3A_861 = arith.shli %parallel_loop3A_841, %parallel_loop3A_860 : vector<16xi32>
        %parallel_loop3A_862 = tpu.bitcast %parallel_loop3A_861 : vector<16xi32> -> vector<16xf32>
        %parallel_loop3A_863 = arith.mulf %parallel_loop3A_862, %parallel_loop3A_295 : vector<16xf32>
        %parallel_loop3A_864 = arith.addf %parallel_loop3A_858, %parallel_loop3A_863 : vector<16xf32>
        %parallel_loop3A_865 = tpu.bitcast %parallel_loop3A_820 : vector<16xi32> -> vector<16xf32>
        %parallel_loop3A_866 = arith.mulf %parallel_loop3A_865, %parallel_loop3A_286 : vector<16xf32>
        %parallel_loop3A_867 = tpu.bitcast %parallel_loop3A_827 : vector<16xi32> -> vector<16xf32>
        %parallel_loop3A_868 = arith.mulf %parallel_loop3A_867, %parallel_loop3A_289 : vector<16xf32>
        %parallel_loop3A_869 = arith.addf %parallel_loop3A_866, %parallel_loop3A_868 : vector<16xf32>
        %parallel_loop3A_870 = tpu.bitcast %parallel_loop3A_834 : vector<16xi32> -> vector<16xf32>
        %parallel_loop3A_871 = arith.mulf %parallel_loop3A_870, %parallel_loop3A_292 : vector<16xf32>
        %parallel_loop3A_872 = arith.addf %parallel_loop3A_869, %parallel_loop3A_871 : vector<16xf32>
        %parallel_loop3A_873 = tpu.bitcast %parallel_loop3A_841 : vector<16xi32> -> vector<16xf32>
        %parallel_loop3A_874 = arith.mulf %parallel_loop3A_873, %parallel_loop3A_295 : vector<16xf32>
        %parallel_loop3A_875 = arith.addf %parallel_loop3A_872, %parallel_loop3A_874 : vector<16xf32>
        %parallel_loop3A_876 = arith.index_cast %rem3A_233 : i32 to index
        %parallel_loop3A_877 = arith.index_cast %parallel_loop3A_283 : i32 to index
        %parallel_loop3A_878 = arith.constant 112 : index
        %parallel_loop3A_879 = tpu.vector_load %arg9[%parallel_loop3A_876, %parallel_loop3A_877, %parallel_loop3A_878] {strides = array<i32>} : memref<2x16x768xf32, #tpu.memory_space<vmem>>, vector<1x1x16xf32>,
        %parallel_loop3A_880 = vector.shape_cast %parallel_loop3A_879 : vector<1x1x16xf32> to vector<16xf32>
        %parallel_loop3A_881 = vector.shape_cast %parallel_loop3A_864 : vector<16xf32> to vector<1x1x16xf32>
        tpu.vector_store %arg9[%parallel_loop3A_876, %parallel_loop3A_877, %parallel_loop3A_878], %parallel_loop3A_881 {strides = array<i32>} : memref<2x16x768xf32, #tpu.memory_space<vmem>>, vector<1x1x16xf32>,
        %parallel_loop3A_882 = arith.index_cast %rem3A_233 : i32 to index
        %parallel_loop3A_883 = arith.index_cast %parallel_loop3A_283 : i32 to index
        %parallel_loop3A_884 = arith.constant 496 : index
        %parallel_loop3A_885 = tpu.vector_load %arg9[%parallel_loop3A_882, %parallel_loop3A_883, %parallel_loop3A_884] {strides = array<i32>} : memref<2x16x768xf32, #tpu.memory_space<vmem>>, vector<1x1x16xf32>,
        %parallel_loop3A_886 = vector.shape_cast %parallel_loop3A_885 : vector<1x1x16xf32> to vector<16xf32>
        %parallel_loop3A_887 = vector.shape_cast %parallel_loop3A_875 : vector<16xf32> to vector<1x1x16xf32>
        tpu.vector_store %arg9[%parallel_loop3A_882, %parallel_loop3A_883, %parallel_loop3A_884], %parallel_loop3A_887 {strides = array<i32>} : memref<2x16x768xf32, #tpu.memory_space<vmem>>, vector<1x1x16xf32>,
        %parallel_loop3A_888 = arith.constant 0 : i32
        %parallel_loop3A_889 = arith.index_cast %rem3A_231 : i32 to index
        %parallel_loop3A_890 = arith.index_cast %parallel_loop3A_888 : i32 to index
        %parallel_loop3A_891 = arith.index_cast %parallel_loop3A_283 : i32 to index
        %parallel_loop3A_892 = arith.constant 128 : index
        %parallel_loop3A_893 = tpu.vector_load %arg8[%parallel_loop3A_889, %parallel_loop3A_890, %parallel_loop3A_891, %parallel_loop3A_892] {strides = array<i32>} : memref<3x4x16x384xi32, #tpu.memory_space<vmem>>, vector<1x1x1x16xi32>,
        %parallel_loop3A_894 = vector.shape_cast %parallel_loop3A_893 : vector<1x1x1x16xi32> to vector<16xi32>
        %parallel_loop3A_895 = arith.constant 1 : i32
        %parallel_loop3A_896 = arith.index_cast %rem3A_231 : i32 to index
        %parallel_loop3A_897 = arith.index_cast %parallel_loop3A_895 : i32 to index
        %parallel_loop3A_898 = arith.index_cast %parallel_loop3A_283 : i32 to index
        %parallel_loop3A_899 = arith.constant 128 : index
        %parallel_loop3A_900 = tpu.vector_load %arg8[%parallel_loop3A_896, %parallel_loop3A_897, %parallel_loop3A_898, %parallel_loop3A_899] {strides = array<i32>} : memref<3x4x16x384xi32, #tpu.memory_space<vmem>>, vector<1x1x1x16xi32>,
        %parallel_loop3A_901 = vector.shape_cast %parallel_loop3A_900 : vector<1x1x1x16xi32> to vector<16xi32>
        %parallel_loop3A_902 = arith.constant 2 : i32
        %parallel_loop3A_903 = arith.index_cast %rem3A_231 : i32 to index
        %parallel_loop3A_904 = arith.index_cast %parallel_loop3A_902 : i32 to index
        %parallel_loop3A_905 = arith.index_cast %parallel_loop3A_283 : i32 to index
        %parallel_loop3A_906 = arith.constant 128 : index
        %parallel_loop3A_907 = tpu.vector_load %arg8[%parallel_loop3A_903, %parallel_loop3A_904, %parallel_loop3A_905, %parallel_loop3A_906] {strides = array<i32>} : memref<3x4x16x384xi32, #tpu.memory_space<vmem>>, vector<1x1x1x16xi32>,
        %parallel_loop3A_908 = vector.shape_cast %parallel_loop3A_907 : vector<1x1x1x16xi32> to vector<16xi32>
        %parallel_loop3A_909 = arith.constant 3 : i32
        %parallel_loop3A_910 = arith.index_cast %rem3A_231 : i32 to index
        %parallel_loop3A_911 = arith.index_cast %parallel_loop3A_909 : i32 to index
        %parallel_loop3A_912 = arith.index_cast %parallel_loop3A_283 : i32 to index
        %parallel_loop3A_913 = arith.constant 128 : index
        %parallel_loop3A_914 = tpu.vector_load %arg8[%parallel_loop3A_910, %parallel_loop3A_911, %parallel_loop3A_912, %parallel_loop3A_913] {strides = array<i32>} : memref<3x4x16x384xi32, #tpu.memory_space<vmem>>, vector<1x1x1x16xi32>,
        %parallel_loop3A_915 = vector.shape_cast %parallel_loop3A_914 : vector<1x1x1x16xi32> to vector<16xi32>
        %parallel_loop3A_916 = arith.constant 16 : i32
        %parallel_loop3A_917 = vector.broadcast %parallel_loop3A_916 : i32 to vector<16xi32>
        %parallel_loop3A_918 = arith.shli %parallel_loop3A_894, %parallel_loop3A_917 : vector<16xi32>
        %parallel_loop3A_919 = tpu.bitcast %parallel_loop3A_918 : vector<16xi32> -> vector<16xf32>
        %parallel_loop3A_920 = arith.mulf %parallel_loop3A_919, %parallel_loop3A_286 : vector<16xf32>
        %parallel_loop3A_921 = arith.constant 16 : i32
        %parallel_loop3A_922 = vector.broadcast %parallel_loop3A_921 : i32 to vector<16xi32>
        %parallel_loop3A_923 = arith.shli %parallel_loop3A_901, %parallel_loop3A_922 : vector<16xi32>
        %parallel_loop3A_924 = tpu.bitcast %parallel_loop3A_923 : vector<16xi32> -> vector<16xf32>
        %parallel_loop3A_925 = arith.mulf %parallel_loop3A_924, %parallel_loop3A_289 : vector<16xf32>
        %parallel_loop3A_926 = arith.addf %parallel_loop3A_920, %parallel_loop3A_925 : vector<16xf32>
        %parallel_loop3A_927 = arith.constant 16 : i32
        %parallel_loop3A_928 = vector.broadcast %parallel_loop3A_927 : i32 to vector<16xi32>
        %parallel_loop3A_929 = arith.shli %parallel_loop3A_908, %parallel_loop3A_928 : vector<16xi32>
        %parallel_loop3A_930 = tpu.bitcast %parallel_loop3A_929 : vector<16xi32> -> vector<16xf32>
        %parallel_loop3A_931 = arith.mulf %parallel_loop3A_930, %parallel_loop3A_292 : vector<16xf32>
        %parallel_loop3A_932 = arith.addf %parallel_loop3A_926, %parallel_loop3A_931 : vector<16xf32>
        %parallel_loop3A_933 = arith.constant 16 : i32
        %parallel_loop3A_934 = vector.broadcast %parallel_loop3A_933 : i32 to vector<16xi32>
        %parallel_loop3A_935 = arith.shli %parallel_loop3A_915, %parallel_loop3A_934 : vector<16xi32>
        %parallel_loop3A_936 = tpu.bitcast %parallel_loop3A_935 : vector<16xi32> -> vector<16xf32>
        %parallel_loop3A_937 = arith.mulf %parallel_loop3A_936, %parallel_loop3A_295 : vector<16xf32>
        %parallel_loop3A_938 = arith.addf %parallel_loop3A_932, %parallel_loop3A_937 : vector<16xf32>
        %parallel_loop3A_939 = tpu.bitcast %parallel_loop3A_894 : vector<16xi32> -> vector<16xf32>
        %parallel_loop3A_940 = arith.mulf %parallel_loop3A_939, %parallel_loop3A_286 : vector<16xf32>
        %parallel_loop3A_941 = tpu.bitcast %parallel_loop3A_901 : vector<16xi32> -> vector<16xf32>
        %parallel_loop3A_942 = arith.mulf %parallel_loop3A_941, %parallel_loop3A_289 : vector<16xf32>
        %parallel_loop3A_943 = arith.addf %parallel_loop3A_940, %parallel_loop3A_942 : vector<16xf32>
        %parallel_loop3A_944 = tpu.bitcast %parallel_loop3A_908 : vector<16xi32> -> vector<16xf32>
        %parallel_loop3A_945 = arith.mulf %parallel_loop3A_944, %parallel_loop3A_292 : vector<16xf32>
        %parallel_loop3A_946 = arith.addf %parallel_loop3A_943, %parallel_loop3A_945 : vector<16xf32>
        %parallel_loop3A_947 = tpu.bitcast %parallel_loop3A_915 : vector<16xi32> -> vector<16xf32>
        %parallel_loop3A_948 = arith.mulf %parallel_loop3A_947, %parallel_loop3A_295 : vector<16xf32>
        %parallel_loop3A_949 = arith.addf %parallel_loop3A_946, %parallel_loop3A_948 : vector<16xf32>
        %parallel_loop3A_950 = arith.index_cast %rem3A_233 : i32 to index
        %parallel_loop3A_951 = arith.index_cast %parallel_loop3A_283 : i32 to index
        %parallel_loop3A_952 = arith.constant 128 : index
        %parallel_loop3A_953 = tpu.vector_load %arg9[%parallel_loop3A_950, %parallel_loop3A_951, %parallel_loop3A_952] {strides = array<i32>} : memref<2x16x768xf32, #tpu.memory_space<vmem>>, vector<1x1x16xf32>,
        %parallel_loop3A_954 = vector.shape_cast %parallel_loop3A_953 : vector<1x1x16xf32> to vector<16xf32>
        %parallel_loop3A_955 = vector.shape_cast %parallel_loop3A_938 : vector<16xf32> to vector<1x1x16xf32>
        tpu.vector_store %arg9[%parallel_loop3A_950, %parallel_loop3A_951, %parallel_loop3A_952], %parallel_loop3A_955 {strides = array<i32>} : memref<2x16x768xf32, #tpu.memory_space<vmem>>, vector<1x1x16xf32>,
        %parallel_loop3A_956 = arith.index_cast %rem3A_233 : i32 to index
        %parallel_loop3A_957 = arith.index_cast %parallel_loop3A_283 : i32 to index
        %parallel_loop3A_958 = arith.constant 512 : index
        %parallel_loop3A_959 = tpu.vector_load %arg9[%parallel_loop3A_956, %parallel_loop3A_957, %parallel_loop3A_958] {strides = array<i32>} : memref<2x16x768xf32, #tpu.memory_space<vmem>>, vector<1x1x16xf32>,
        %parallel_loop3A_960 = vector.shape_cast %parallel_loop3A_959 : vector<1x1x16xf32> to vector<16xf32>
        %parallel_loop3A_961 = vector.shape_cast %parallel_loop3A_949 : vector<16xf32> to vector<1x1x16xf32>
        tpu.vector_store %arg9[%parallel_loop3A_956, %parallel_loop3A_957, %parallel_loop3A_958], %parallel_loop3A_961 {strides = array<i32>} : memref<2x16x768xf32, #tpu.memory_space<vmem>>, vector<1x1x16xf32>,
        %parallel_loop3A_962 = arith.constant 0 : i32
        %parallel_loop3A_963 = arith.index_cast %rem3A_231 : i32 to index
        %parallel_loop3A_964 = arith.index_cast %parallel_loop3A_962 : i32 to index
        %parallel_loop3A_965 = arith.index_cast %parallel_loop3A_283 : i32 to index
        %parallel_loop3A_966 = arith.constant 144 : index
        %parallel_loop3A_967 = tpu.vector_load %arg8[%parallel_loop3A_963, %parallel_loop3A_964, %parallel_loop3A_965, %parallel_loop3A_966] {strides = array<i32>} : memref<3x4x16x384xi32, #tpu.memory_space<vmem>>, vector<1x1x1x16xi32>,
        %parallel_loop3A_968 = vector.shape_cast %parallel_loop3A_967 : vector<1x1x1x16xi32> to vector<16xi32>
        %parallel_loop3A_969 = arith.constant 1 : i32
        %parallel_loop3A_970 = arith.index_cast %rem3A_231 : i32 to index
        %parallel_loop3A_971 = arith.index_cast %parallel_loop3A_969 : i32 to index
        %parallel_loop3A_972 = arith.index_cast %parallel_loop3A_283 : i32 to index
        %parallel_loop3A_973 = arith.constant 144 : index
        %parallel_loop3A_974 = tpu.vector_load %arg8[%parallel_loop3A_970, %parallel_loop3A_971, %parallel_loop3A_972, %parallel_loop3A_973] {strides = array<i32>} : memref<3x4x16x384xi32, #tpu.memory_space<vmem>>, vector<1x1x1x16xi32>,
        %parallel_loop3A_975 = vector.shape_cast %parallel_loop3A_974 : vector<1x1x1x16xi32> to vector<16xi32>
        %parallel_loop3A_976 = arith.constant 2 : i32
        %parallel_loop3A_977 = arith.index_cast %rem3A_231 : i32 to index
        %parallel_loop3A_978 = arith.index_cast %parallel_loop3A_976 : i32 to index
        %parallel_loop3A_979 = arith.index_cast %parallel_loop3A_283 : i32 to index
        %parallel_loop3A_980 = arith.constant 144 : index
        %parallel_loop3A_981 = tpu.vector_load %arg8[%parallel_loop3A_977, %parallel_loop3A_978, %parallel_loop3A_979, %parallel_loop3A_980] {strides = array<i32>} : memref<3x4x16x384xi32, #tpu.memory_space<vmem>>, vector<1x1x1x16xi32>,
        %parallel_loop3A_982 = vector.shape_cast %parallel_loop3A_981 : vector<1x1x1x16xi32> to vector<16xi32>
        %parallel_loop3A_983 = arith.constant 3 : i32
        %parallel_loop3A_984 = arith.index_cast %rem3A_231 : i32 to index
        %parallel_loop3A_985 = arith.index_cast %parallel_loop3A_983 : i32 to index
        %parallel_loop3A_986 = arith.index_cast %parallel_loop3A_283 : i32 to index
        %parallel_loop3A_987 = arith.constant 144 : index
        %parallel_loop3A_988 = tpu.vector_load %arg8[%parallel_loop3A_984, %parallel_loop3A_985, %parallel_loop3A_986, %parallel_loop3A_987] {strides = array<i32>} : memref<3x4x16x384xi32, #tpu.memory_space<vmem>>, vector<1x1x1x16xi32>,
        %parallel_loop3A_989 = vector.shape_cast %parallel_loop3A_988 : vector<1x1x1x16xi32> to vector<16xi32>
        %parallel_loop3A_990 = arith.constant 16 : i32
        %parallel_loop3A_991 = vector.broadcast %parallel_loop3A_990 : i32 to vector<16xi32>
        %parallel_loop3A_992 = arith.shli %parallel_loop3A_968, %parallel_loop3A_991 : vector<16xi32>
        %parallel_loop3A_993 = tpu.bitcast %parallel_loop3A_992 : vector<16xi32> -> vector<16xf32>
        %parallel_loop3A_994 = arith.mulf %parallel_loop3A_993, %parallel_loop3A_286 : vector<16xf32>
        %parallel_loop3A_995 = arith.constant 16 : i32
        %parallel_loop3A_996 = vector.broadcast %parallel_loop3A_995 : i32 to vector<16xi32>
        %parallel_loop3A_997 = arith.shli %parallel_loop3A_975, %parallel_loop3A_996 : vector<16xi32>
        %parallel_loop3A_998 = tpu.bitcast %parallel_loop3A_997 : vector<16xi32> -> vector<16xf32>
        %parallel_loop3A_999 = arith.mulf %parallel_loop3A_998, %parallel_loop3A_289 : vector<16xf32>
        %parallel_loop3A_1000 = arith.addf %parallel_loop3A_994, %parallel_loop3A_999 : vector<16xf32>
        %parallel_loop3A_1001 = arith.constant 16 : i32
        %parallel_loop3A_1002 = vector.broadcast %parallel_loop3A_1001 : i32 to vector<16xi32>
        %parallel_loop3A_1003 = arith.shli %parallel_loop3A_982, %parallel_loop3A_1002 : vector<16xi32>
        %parallel_loop3A_1004 = tpu.bitcast %parallel_loop3A_1003 : vector<16xi32> -> vector<16xf32>
        %parallel_loop3A_1005 = arith.mulf %parallel_loop3A_1004, %parallel_loop3A_292 : vector<16xf32>
        %parallel_loop3A_1006 = arith.addf %parallel_loop3A_1000, %parallel_loop3A_1005 : vector<16xf32>
        %parallel_loop3A_1007 = arith.constant 16 : i32
        %parallel_loop3A_1008 = vector.broadcast %parallel_loop3A_1007 : i32 to vector<16xi32>
        %parallel_loop3A_1009 = arith.shli %parallel_loop3A_989, %parallel_loop3A_1008 : vector<16xi32>
        %parallel_loop3A_1010 = tpu.bitcast %parallel_loop3A_1009 : vector<16xi32> -> vector<16xf32>
        %parallel_loop3A_1011 = arith.mulf %parallel_loop3A_1010, %parallel_loop3A_295 : vector<16xf32>
        %parallel_loop3A_1012 = arith.addf %parallel_loop3A_1006, %parallel_loop3A_1011 : vector<16xf32>
        %parallel_loop3A_1013 = tpu.bitcast %parallel_loop3A_968 : vector<16xi32> -> vector<16xf32>
        %parallel_loop3A_1014 = arith.mulf %parallel_loop3A_1013, %parallel_loop3A_286 : vector<16xf32>
        %parallel_loop3A_1015 = tpu.bitcast %parallel_loop3A_975 : vector<16xi32> -> vector<16xf32>
        %parallel_loop3A_1016 = arith.mulf %parallel_loop3A_1015, %parallel_loop3A_289 : vector<16xf32>
        %parallel_loop3A_1017 = arith.addf %parallel_loop3A_1014, %parallel_loop3A_1016 : vector<16xf32>
        %parallel_loop3A_1018 = tpu.bitcast %parallel_loop3A_982 : vector<16xi32> -> vector<16xf32>
        %parallel_loop3A_1019 = arith.mulf %parallel_loop3A_1018, %parallel_loop3A_292 : vector<16xf32>
        %parallel_loop3A_1020 = arith.addf %parallel_loop3A_1017, %parallel_loop3A_1019 : vector<16xf32>
        %parallel_loop3A_1021 = tpu.bitcast %parallel_loop3A_989 : vector<16xi32> -> vector<16xf32>
        %parallel_loop3A_1022 = arith.mulf %parallel_loop3A_1021, %parallel_loop3A_295 : vector<16xf32>
        %parallel_loop3A_1023 = arith.addf %parallel_loop3A_1020, %parallel_loop3A_1022 : vector<16xf32>
        %parallel_loop3A_1024 = arith.index_cast %rem3A_233 : i32 to index
        %parallel_loop3A_1025 = arith.index_cast %parallel_loop3A_283 : i32 to index
        %parallel_loop3A_1026 = arith.constant 144 : index
        %parallel_loop3A_1027 = tpu.vector_load %arg9[%parallel_loop3A_1024, %parallel_loop3A_1025, %parallel_loop3A_1026] {strides = array<i32>} : memref<2x16x768xf32, #tpu.memory_space<vmem>>, vector<1x1x16xf32>,
        %parallel_loop3A_1028 = vector.shape_cast %parallel_loop3A_1027 : vector<1x1x16xf32> to vector<16xf32>
        %parallel_loop3A_1029 = vector.shape_cast %parallel_loop3A_1012 : vector<16xf32> to vector<1x1x16xf32>
        tpu.vector_store %arg9[%parallel_loop3A_1024, %parallel_loop3A_1025, %parallel_loop3A_1026], %parallel_loop3A_1029 {strides = array<i32>} : memref<2x16x768xf32, #tpu.memory_space<vmem>>, vector<1x1x16xf32>,
        %parallel_loop3A_1030 = arith.index_cast %rem3A_233 : i32 to index
        %parallel_loop3A_1031 = arith.index_cast %parallel_loop3A_283 : i32 to index
        %parallel_loop3A_1032 = arith.constant 528 : index
        %parallel_loop3A_1033 = tpu.vector_load %arg9[%parallel_loop3A_1030, %parallel_loop3A_1031, %parallel_loop3A_1032] {strides = array<i32>} : memref<2x16x768xf32, #tpu.memory_space<vmem>>, vector<1x1x16xf32>,
        %parallel_loop3A_1034 = vector.shape_cast %parallel_loop3A_1033 : vector<1x1x16xf32> to vector<16xf32>
        %parallel_loop3A_1035 = vector.shape_cast %parallel_loop3A_1023 : vector<16xf32> to vector<1x1x16xf32>
        tpu.vector_store %arg9[%parallel_loop3A_1030, %parallel_loop3A_1031, %parallel_loop3A_1032], %parallel_loop3A_1035 {strides = array<i32>} : memref<2x16x768xf32, #tpu.memory_space<vmem>>, vector<1x1x16xf32>,
        %parallel_loop3A_1036 = arith.constant 0 : i32
        %parallel_loop3A_1037 = arith.index_cast %rem3A_231 : i32 to index
        %parallel_loop3A_1038 = arith.index_cast %parallel_loop3A_1036 : i32 to index
        %parallel_loop3A_1039 = arith.index_cast %parallel_loop3A_283 : i32 to index
        %parallel_loop3A_1040 = arith.constant 160 : index
        %parallel_loop3A_1041 = tpu.vector_load %arg8[%parallel_loop3A_1037, %parallel_loop3A_1038, %parallel_loop3A_1039, %parallel_loop3A_1040] {strides = array<i32>} : memref<3x4x16x384xi32, #tpu.memory_space<vmem>>, vector<1x1x1x16xi32>,
        %parallel_loop3A_1042 = vector.shape_cast %parallel_loop3A_1041 : vector<1x1x1x16xi32> to vector<16xi32>
        %parallel_loop3A_1043 = arith.constant 1 : i32
        %parallel_loop3A_1044 = arith.index_cast %rem3A_231 : i32 to index
        %parallel_loop3A_1045 = arith.index_cast %parallel_loop3A_1043 : i32 to index
        %parallel_loop3A_1046 = arith.index_cast %parallel_loop3A_283 : i32 to index
        %parallel_loop3A_1047 = arith.constant 160 : index
        %parallel_loop3A_1048 = tpu.vector_load %arg8[%parallel_loop3A_1044, %parallel_loop3A_1045, %parallel_loop3A_1046, %parallel_loop3A_1047] {strides = array<i32>} : memref<3x4x16x384xi32, #tpu.memory_space<vmem>>, vector<1x1x1x16xi32>,
        %parallel_loop3A_1049 = vector.shape_cast %parallel_loop3A_1048 : vector<1x1x1x16xi32> to vector<16xi32>
        %parallel_loop3A_1050 = arith.constant 2 : i32
        %parallel_loop3A_1051 = arith.index_cast %rem3A_231 : i32 to index
        %parallel_loop3A_1052 = arith.index_cast %parallel_loop3A_1050 : i32 to index
        %parallel_loop3A_1053 = arith.index_cast %parallel_loop3A_283 : i32 to index
        %parallel_loop3A_1054 = arith.constant 160 : index
        %parallel_loop3A_1055 = tpu.vector_load %arg8[%parallel_loop3A_1051, %parallel_loop3A_1052, %parallel_loop3A_1053, %parallel_loop3A_1054] {strides = array<i32>} : memref<3x4x16x384xi32, #tpu.memory_space<vmem>>, vector<1x1x1x16xi32>,
        %parallel_loop3A_1056 = vector.shape_cast %parallel_loop3A_1055 : vector<1x1x1x16xi32> to vector<16xi32>
        %parallel_loop3A_1057 = arith.constant 3 : i32
        %parallel_loop3A_1058 = arith.index_cast %rem3A_231 : i32 to index
        %parallel_loop3A_1059 = arith.index_cast %parallel_loop3A_1057 : i32 to index
        %parallel_loop3A_1060 = arith.index_cast %parallel_loop3A_283 : i32 to index
        %parallel_loop3A_1061 = arith.constant 160 : index
        %parallel_loop3A_1062 = tpu.vector_load %arg8[%parallel_loop3A_1058, %parallel_loop3A_1059, %parallel_loop3A_1060, %parallel_loop3A_1061] {strides = array<i32>} : memref<3x4x16x384xi32, #tpu.memory_space<vmem>>, vector<1x1x1x16xi32>,
        %parallel_loop3A_1063 = vector.shape_cast %parallel_loop3A_1062 : vector<1x1x1x16xi32> to vector<16xi32>
        %parallel_loop3A_1064 = arith.constant 16 : i32
        %parallel_loop3A_1065 = vector.broadcast %parallel_loop3A_1064 : i32 to vector<16xi32>
        %parallel_loop3A_1066 = arith.shli %parallel_loop3A_1042, %parallel_loop3A_1065 : vector<16xi32>
        %parallel_loop3A_1067 = tpu.bitcast %parallel_loop3A_1066 : vector<16xi32> -> vector<16xf32>
        %parallel_loop3A_1068 = arith.mulf %parallel_loop3A_1067, %parallel_loop3A_286 : vector<16xf32>
        %parallel_loop3A_1069 = arith.constant 16 : i32
        %parallel_loop3A_1070 = vector.broadcast %parallel_loop3A_1069 : i32 to vector<16xi32>
        %parallel_loop3A_1071 = arith.shli %parallel_loop3A_1049, %parallel_loop3A_1070 : vector<16xi32>
        %parallel_loop3A_1072 = tpu.bitcast %parallel_loop3A_1071 : vector<16xi32> -> vector<16xf32>
        %parallel_loop3A_1073 = arith.mulf %parallel_loop3A_1072, %parallel_loop3A_289 : vector<16xf32>
        %parallel_loop3A_1074 = arith.addf %parallel_loop3A_1068, %parallel_loop3A_1073 : vector<16xf32>
        %parallel_loop3A_1075 = arith.constant 16 : i32
        %parallel_loop3A_1076 = vector.broadcast %parallel_loop3A_1075 : i32 to vector<16xi32>
        %parallel_loop3A_1077 = arith.shli %parallel_loop3A_1056, %parallel_loop3A_1076 : vector<16xi32>
        %parallel_loop3A_1078 = tpu.bitcast %parallel_loop3A_1077 : vector<16xi32> -> vector<16xf32>
        %parallel_loop3A_1079 = arith.mulf %parallel_loop3A_1078, %parallel_loop3A_292 : vector<16xf32>
        %parallel_loop3A_1080 = arith.addf %parallel_loop3A_1074, %parallel_loop3A_1079 : vector<16xf32>
        %parallel_loop3A_1081 = arith.constant 16 : i32
        %parallel_loop3A_1082 = vector.broadcast %parallel_loop3A_1081 : i32 to vector<16xi32>
        %parallel_loop3A_1083 = arith.shli %parallel_loop3A_1063, %parallel_loop3A_1082 : vector<16xi32>
        %parallel_loop3A_1084 = tpu.bitcast %parallel_loop3A_1083 : vector<16xi32> -> vector<16xf32>
        %parallel_loop3A_1085 = arith.mulf %parallel_loop3A_1084, %parallel_loop3A_295 : vector<16xf32>
        %parallel_loop3A_1086 = arith.addf %parallel_loop3A_1080, %parallel_loop3A_1085 : vector<16xf32>
        %parallel_loop3A_1087 = tpu.bitcast %parallel_loop3A_1042 : vector<16xi32> -> vector<16xf32>
        %parallel_loop3A_1088 = arith.mulf %parallel_loop3A_1087, %parallel_loop3A_286 : vector<16xf32>
        %parallel_loop3A_1089 = tpu.bitcast %parallel_loop3A_1049 : vector<16xi32> -> vector<16xf32>
        %parallel_loop3A_1090 = arith.mulf %parallel_loop3A_1089, %parallel_loop3A_289 : vector<16xf32>
        %parallel_loop3A_1091 = arith.addf %parallel_loop3A_1088, %parallel_loop3A_1090 : vector<16xf32>
        %parallel_loop3A_1092 = tpu.bitcast %parallel_loop3A_1056 : vector<16xi32> -> vector<16xf32>
        %parallel_loop3A_1093 = arith.mulf %parallel_loop3A_1092, %parallel_loop3A_292 : vector<16xf32>
        %parallel_loop3A_1094 = arith.addf %parallel_loop3A_1091, %parallel_loop3A_1093 : vector<16xf32>
        %parallel_loop3A_1095 = tpu.bitcast %parallel_loop3A_1063 : vector<16xi32> -> vector<16xf32>
        %parallel_loop3A_1096 = arith.mulf %parallel_loop3A_1095, %parallel_loop3A_295 : vector<16xf32>
        %parallel_loop3A_1097 = arith.addf %parallel_loop3A_1094, %parallel_loop3A_1096 : vector<16xf32>
        %parallel_loop3A_1098 = arith.index_cast %rem3A_233 : i32 to index
        %parallel_loop3A_1099 = arith.index_cast %parallel_loop3A_283 : i32 to index
        %parallel_loop3A_1100 = arith.constant 160 : index
        %parallel_loop3A_1101 = tpu.vector_load %arg9[%parallel_loop3A_1098, %parallel_loop3A_1099, %parallel_loop3A_1100] {strides = array<i32>} : memref<2x16x768xf32, #tpu.memory_space<vmem>>, vector<1x1x16xf32>,
        %parallel_loop3A_1102 = vector.shape_cast %parallel_loop3A_1101 : vector<1x1x16xf32> to vector<16xf32>
        %parallel_loop3A_1103 = vector.shape_cast %parallel_loop3A_1086 : vector<16xf32> to vector<1x1x16xf32>
        tpu.vector_store %arg9[%parallel_loop3A_1098, %parallel_loop3A_1099, %parallel_loop3A_1100], %parallel_loop3A_1103 {strides = array<i32>} : memref<2x16x768xf32, #tpu.memory_space<vmem>>, vector<1x1x16xf32>,
        %parallel_loop3A_1104 = arith.index_cast %rem3A_233 : i32 to index
        %parallel_loop3A_1105 = arith.index_cast %parallel_loop3A_283 : i32 to index
        %parallel_loop3A_1106 = arith.constant 544 : index
        %parallel_loop3A_1107 = tpu.vector_load %arg9[%parallel_loop3A_1104, %parallel_loop3A_1105, %parallel_loop3A_1106] {strides = array<i32>} : memref<2x16x768xf32, #tpu.memory_space<vmem>>, vector<1x1x16xf32>,
        %parallel_loop3A_1108 = vector.shape_cast %parallel_loop3A_1107 : vector<1x1x16xf32> to vector<16xf32>
        %parallel_loop3A_1109 = vector.shape_cast %parallel_loop3A_1097 : vector<16xf32> to vector<1x1x16xf32>
        tpu.vector_store %arg9[%parallel_loop3A_1104, %parallel_loop3A_1105, %parallel_loop3A_1106], %parallel_loop3A_1109 {strides = array<i32>} : memref<2x16x768xf32, #tpu.memory_space<vmem>>, vector<1x1x16xf32>,
        %parallel_loop3A_1110 = arith.constant 0 : i32
        %parallel_loop3A_1111 = arith.index_cast %rem3A_231 : i32 to index
        %parallel_loop3A_1112 = arith.index_cast %parallel_loop3A_1110 : i32 to index
        %parallel_loop3A_1113 = arith.index_cast %parallel_loop3A_283 : i32 to index
        %parallel_loop3A_1114 = arith.constant 176 : index
        %parallel_loop3A_1115 = tpu.vector_load %arg8[%parallel_loop3A_1111, %parallel_loop3A_1112, %parallel_loop3A_1113, %parallel_loop3A_1114] {strides = array<i32>} : memref<3x4x16x384xi32, #tpu.memory_space<vmem>>, vector<1x1x1x16xi32>,
        %parallel_loop3A_1116 = vector.shape_cast %parallel_loop3A_1115 : vector<1x1x1x16xi32> to vector<16xi32>
        %parallel_loop3A_1117 = arith.constant 1 : i32
        %parallel_loop3A_1118 = arith.index_cast %rem3A_231 : i32 to index
        %parallel_loop3A_1119 = arith.index_cast %parallel_loop3A_1117 : i32 to index
        %parallel_loop3A_1120 = arith.index_cast %parallel_loop3A_283 : i32 to index
        %parallel_loop3A_1121 = arith.constant 176 : index
        %parallel_loop3A_1122 = tpu.vector_load %arg8[%parallel_loop3A_1118, %parallel_loop3A_1119, %parallel_loop3A_1120, %parallel_loop3A_1121] {strides = array<i32>} : memref<3x4x16x384xi32, #tpu.memory_space<vmem>>, vector<1x1x1x16xi32>,
        %parallel_loop3A_1123 = vector.shape_cast %parallel_loop3A_1122 : vector<1x1x1x16xi32> to vector<16xi32>
        %parallel_loop3A_1124 = arith.constant 2 : i32
        %parallel_loop3A_1125 = arith.index_cast %rem3A_231 : i32 to index
        %parallel_loop3A_1126 = arith.index_cast %parallel_loop3A_1124 : i32 to index
        %parallel_loop3A_1127 = arith.index_cast %parallel_loop3A_283 : i32 to index
        %parallel_loop3A_1128 = arith.constant 176 : index
        %parallel_loop3A_1129 = tpu.vector_load %arg8[%parallel_loop3A_1125, %parallel_loop3A_1126, %parallel_loop3A_1127, %parallel_loop3A_1128] {strides = array<i32>} : memref<3x4x16x384xi32, #tpu.memory_space<vmem>>, vector<1x1x1x16xi32>,
        %parallel_loop3A_1130 = vector.shape_cast %parallel_loop3A_1129 : vector<1x1x1x16xi32> to vector<16xi32>
        %parallel_loop3A_1131 = arith.constant 3 : i32
        %parallel_loop3A_1132 = arith.index_cast %rem3A_231 : i32 to index
        %parallel_loop3A_1133 = arith.index_cast %parallel_loop3A_1131 : i32 to index
        %parallel_loop3A_1134 = arith.index_cast %parallel_loop3A_283 : i32 to index
        %parallel_loop3A_1135 = arith.constant 176 : index
        %parallel_loop3A_1136 = tpu.vector_load %arg8[%parallel_loop3A_1132, %parallel_loop3A_1133, %parallel_loop3A_1134, %parallel_loop3A_1135] {strides = array<i32>} : memref<3x4x16x384xi32, #tpu.memory_space<vmem>>, vector<1x1x1x16xi32>,
        %parallel_loop3A_1137 = vector.shape_cast %parallel_loop3A_1136 : vector<1x1x1x16xi32> to vector<16xi32>
        %parallel_loop3A_1138 = arith.constant 16 : i32
        %parallel_loop3A_1139 = vector.broadcast %parallel_loop3A_1138 : i32 to vector<16xi32>
        %parallel_loop3A_1140 = arith.shli %parallel_loop3A_1116, %parallel_loop3A_1139 : vector<16xi32>
        %parallel_loop3A_1141 = tpu.bitcast %parallel_loop3A_1140 : vector<16xi32> -> vector<16xf32>
        %parallel_loop3A_1142 = arith.mulf %parallel_loop3A_1141, %parallel_loop3A_286 : vector<16xf32>
        %parallel_loop3A_1143 = arith.constant 16 : i32
        %parallel_loop3A_1144 = vector.broadcast %parallel_loop3A_1143 : i32 to vector<16xi32>
        %parallel_loop3A_1145 = arith.shli %parallel_loop3A_1123, %parallel_loop3A_1144 : vector<16xi32>
        %parallel_loop3A_1146 = tpu.bitcast %parallel_loop3A_1145 : vector<16xi32> -> vector<16xf32>
        %parallel_loop3A_1147 = arith.mulf %parallel_loop3A_1146, %parallel_loop3A_289 : vector<16xf32>
        %parallel_loop3A_1148 = arith.addf %parallel_loop3A_1142, %parallel_loop3A_1147 : vector<16xf32>
        %parallel_loop3A_1149 = arith.constant 16 : i32
        %parallel_loop3A_1150 = vector.broadcast %parallel_loop3A_1149 : i32 to vector<16xi32>
        %parallel_loop3A_1151 = arith.shli %parallel_loop3A_1130, %parallel_loop3A_1150 : vector<16xi32>
        %parallel_loop3A_1152 = tpu.bitcast %parallel_loop3A_1151 : vector<16xi32> -> vector<16xf32>
        %parallel_loop3A_1153 = arith.mulf %parallel_loop3A_1152, %parallel_loop3A_292 : vector<16xf32>
        %parallel_loop3A_1154 = arith.addf %parallel_loop3A_1148, %parallel_loop3A_1153 : vector<16xf32>
        %parallel_loop3A_1155 = arith.constant 16 : i32
        %parallel_loop3A_1156 = vector.broadcast %parallel_loop3A_1155 : i32 to vector<16xi32>
        %parallel_loop3A_1157 = arith.shli %parallel_loop3A_1137, %parallel_loop3A_1156 : vector<16xi32>
        %parallel_loop3A_1158 = tpu.bitcast %parallel_loop3A_1157 : vector<16xi32> -> vector<16xf32>
        %parallel_loop3A_1159 = arith.mulf %parallel_loop3A_1158, %parallel_loop3A_295 : vector<16xf32>
        %parallel_loop3A_1160 = arith.addf %parallel_loop3A_1154, %parallel_loop3A_1159 : vector<16xf32>
        %parallel_loop3A_1161 = tpu.bitcast %parallel_loop3A_1116 : vector<16xi32> -> vector<16xf32>
        %parallel_loop3A_1162 = arith.mulf %parallel_loop3A_1161, %parallel_loop3A_286 : vector<16xf32>
        %parallel_loop3A_1163 = tpu.bitcast %parallel_loop3A_1123 : vector<16xi32> -> vector<16xf32>
        %parallel_loop3A_1164 = arith.mulf %parallel_loop3A_1163, %parallel_loop3A_289 : vector<16xf32>
        %parallel_loop3A_1165 = arith.addf %parallel_loop3A_1162, %parallel_loop3A_1164 : vector<16xf32>
        %parallel_loop3A_1166 = tpu.bitcast %parallel_loop3A_1130 : vector<16xi32> -> vector<16xf32>
        %parallel_loop3A_1167 = arith.mulf %parallel_loop3A_1166, %parallel_loop3A_292 : vector<16xf32>
        %parallel_loop3A_1168 = arith.addf %parallel_loop3A_1165, %parallel_loop3A_1167 : vector<16xf32>
        %parallel_loop3A_1169 = tpu.bitcast %parallel_loop3A_1137 : vector<16xi32> -> vector<16xf32>
        %parallel_loop3A_1170 = arith.mulf %parallel_loop3A_1169, %parallel_loop3A_295 : vector<16xf32>
        %parallel_loop3A_1171 = arith.addf %parallel_loop3A_1168, %parallel_loop3A_1170 : vector<16xf32>
        %parallel_loop3A_1172 = arith.index_cast %rem3A_233 : i32 to index
        %parallel_loop3A_1173 = arith.index_cast %parallel_loop3A_283 : i32 to index
        %parallel_loop3A_1174 = arith.constant 176 : index
        %parallel_loop3A_1175 = tpu.vector_load %arg9[%parallel_loop3A_1172, %parallel_loop3A_1173, %parallel_loop3A_1174] {strides = array<i32>} : memref<2x16x768xf32, #tpu.memory_space<vmem>>, vector<1x1x16xf32>,
        %parallel_loop3A_1176 = vector.shape_cast %parallel_loop3A_1175 : vector<1x1x16xf32> to vector<16xf32>
        %parallel_loop3A_1177 = vector.shape_cast %parallel_loop3A_1160 : vector<16xf32> to vector<1x1x16xf32>
        tpu.vector_store %arg9[%parallel_loop3A_1172, %parallel_loop3A_1173, %parallel_loop3A_1174], %parallel_loop3A_1177 {strides = array<i32>} : memref<2x16x768xf32, #tpu.memory_space<vmem>>, vector<1x1x16xf32>,
        %parallel_loop3A_1178 = arith.index_cast %rem3A_233 : i32 to index
        %parallel_loop3A_1179 = arith.index_cast %parallel_loop3A_283 : i32 to index
        %parallel_loop3A_1180 = arith.constant 560 : index
        %parallel_loop3A_1181 = tpu.vector_load %arg9[%parallel_loop3A_1178, %parallel_loop3A_1179, %parallel_loop3A_1180] {strides = array<i32>} : memref<2x16x768xf32, #tpu.memory_space<vmem>>, vector<1x1x16xf32>,
        %parallel_loop3A_1182 = vector.shape_cast %parallel_loop3A_1181 : vector<1x1x16xf32> to vector<16xf32>
        %parallel_loop3A_1183 = vector.shape_cast %parallel_loop3A_1171 : vector<16xf32> to vector<1x1x16xf32>
        tpu.vector_store %arg9[%parallel_loop3A_1178, %parallel_loop3A_1179, %parallel_loop3A_1180], %parallel_loop3A_1183 {strides = array<i32>} : memref<2x16x768xf32, #tpu.memory_space<vmem>>, vector<1x1x16xf32>,
        %parallel_loop3A_1184 = arith.constant 0 : i32
        %parallel_loop3A_1185 = arith.index_cast %rem3A_231 : i32 to index
        %parallel_loop3A_1186 = arith.index_cast %parallel_loop3A_1184 : i32 to index
        %parallel_loop3A_1187 = arith.index_cast %parallel_loop3A_283 : i32 to index
        %parallel_loop3A_1188 = arith.constant 192 : index
        %parallel_loop3A_1189 = tpu.vector_load %arg8[%parallel_loop3A_1185, %parallel_loop3A_1186, %parallel_loop3A_1187, %parallel_loop3A_1188] {strides = array<i32>} : memref<3x4x16x384xi32, #tpu.memory_space<vmem>>, vector<1x1x1x16xi32>,
        %parallel_loop3A_1190 = vector.shape_cast %parallel_loop3A_1189 : vector<1x1x1x16xi32> to vector<16xi32>
        %parallel_loop3A_1191 = arith.constant 1 : i32
        %parallel_loop3A_1192 = arith.index_cast %rem3A_231 : i32 to index
        %parallel_loop3A_1193 = arith.index_cast %parallel_loop3A_1191 : i32 to index
        %parallel_loop3A_1194 = arith.index_cast %parallel_loop3A_283 : i32 to index
        %parallel_loop3A_1195 = arith.constant 192 : index
        %parallel_loop3A_1196 = tpu.vector_load %arg8[%parallel_loop3A_1192, %parallel_loop3A_1193, %parallel_loop3A_1194, %parallel_loop3A_1195] {strides = array<i32>} : memref<3x4x16x384xi32, #tpu.memory_space<vmem>>, vector<1x1x1x16xi32>,
        %parallel_loop3A_1197 = vector.shape_cast %parallel_loop3A_1196 : vector<1x1x1x16xi32> to vector<16xi32>
        %parallel_loop3A_1198 = arith.constant 2 : i32
        %parallel_loop3A_1199 = arith.index_cast %rem3A_231 : i32 to index
        %parallel_loop3A_1200 = arith.index_cast %parallel_loop3A_1198 : i32 to index
        %parallel_loop3A_1201 = arith.index_cast %parallel_loop3A_283 : i32 to index
        %parallel_loop3A_1202 = arith.constant 192 : index
        %parallel_loop3A_1203 = tpu.vector_load %arg8[%parallel_loop3A_1199, %parallel_loop3A_1200, %parallel_loop3A_1201, %parallel_loop3A_1202] {strides = array<i32>} : memref<3x4x16x384xi32, #tpu.memory_space<vmem>>, vector<1x1x1x16xi32>,
        %parallel_loop3A_1204 = vector.shape_cast %parallel_loop3A_1203 : vector<1x1x1x16xi32> to vector<16xi32>
        %parallel_loop3A_1205 = arith.constant 3 : i32
        %parallel_loop3A_1206 = arith.index_cast %rem3A_231 : i32 to index
        %parallel_loop3A_1207 = arith.index_cast %parallel_loop3A_1205 : i32 to index
        %parallel_loop3A_1208 = arith.index_cast %parallel_loop3A_283 : i32 to index
        %parallel_loop3A_1209 = arith.constant 192 : index
        %parallel_loop3A_1210 = tpu.vector_load %arg8[%parallel_loop3A_1206, %parallel_loop3A_1207, %parallel_loop3A_1208, %parallel_loop3A_1209] {strides = array<i32>} : memref<3x4x16x384xi32, #tpu.memory_space<vmem>>, vector<1x1x1x16xi32>,
        %parallel_loop3A_1211 = vector.shape_cast %parallel_loop3A_1210 : vector<1x1x1x16xi32> to vector<16xi32>
        %parallel_loop3A_1212 = arith.constant 16 : i32
        %parallel_loop3A_1213 = vector.broadcast %parallel_loop3A_1212 : i32 to vector<16xi32>
        %parallel_loop3A_1214 = arith.shli %parallel_loop3A_1190, %parallel_loop3A_1213 : vector<16xi32>
        %parallel_loop3A_1215 = tpu.bitcast %parallel_loop3A_1214 : vector<16xi32> -> vector<16xf32>
        %parallel_loop3A_1216 = arith.mulf %parallel_loop3A_1215, %parallel_loop3A_286 : vector<16xf32>
        %parallel_loop3A_1217 = arith.constant 16 : i32
        %parallel_loop3A_1218 = vector.broadcast %parallel_loop3A_1217 : i32 to vector<16xi32>
        %parallel_loop3A_1219 = arith.shli %parallel_loop3A_1197, %parallel_loop3A_1218 : vector<16xi32>
        %parallel_loop3A_1220 = tpu.bitcast %parallel_loop3A_1219 : vector<16xi32> -> vector<16xf32>
        %parallel_loop3A_1221 = arith.mulf %parallel_loop3A_1220, %parallel_loop3A_289 : vector<16xf32>
        %parallel_loop3A_1222 = arith.addf %parallel_loop3A_1216, %parallel_loop3A_1221 : vector<16xf32>
        %parallel_loop3A_1223 = arith.constant 16 : i32
        %parallel_loop3A_1224 = vector.broadcast %parallel_loop3A_1223 : i32 to vector<16xi32>
        %parallel_loop3A_1225 = arith.shli %parallel_loop3A_1204, %parallel_loop3A_1224 : vector<16xi32>
        %parallel_loop3A_1226 = tpu.bitcast %parallel_loop3A_1225 : vector<16xi32> -> vector<16xf32>
        %parallel_loop3A_1227 = arith.mulf %parallel_loop3A_1226, %parallel_loop3A_292 : vector<16xf32>
        %parallel_loop3A_1228 = arith.addf %parallel_loop3A_1222, %parallel_loop3A_1227 : vector<16xf32>
        %parallel_loop3A_1229 = arith.constant 16 : i32
        %parallel_loop3A_1230 = vector.broadcast %parallel_loop3A_1229 : i32 to vector<16xi32>
        %parallel_loop3A_1231 = arith.shli %parallel_loop3A_1211, %parallel_loop3A_1230 : vector<16xi32>
        %parallel_loop3A_1232 = tpu.bitcast %parallel_loop3A_1231 : vector<16xi32> -> vector<16xf32>
        %parallel_loop3A_1233 = arith.mulf %parallel_loop3A_1232, %parallel_loop3A_295 : vector<16xf32>
        %parallel_loop3A_1234 = arith.addf %parallel_loop3A_1228, %parallel_loop3A_1233 : vector<16xf32>
        %parallel_loop3A_1235 = tpu.bitcast %parallel_loop3A_1190 : vector<16xi32> -> vector<16xf32>
        %parallel_loop3A_1236 = arith.mulf %parallel_loop3A_1235, %parallel_loop3A_286 : vector<16xf32>
        %parallel_loop3A_1237 = tpu.bitcast %parallel_loop3A_1197 : vector<16xi32> -> vector<16xf32>
        %parallel_loop3A_1238 = arith.mulf %parallel_loop3A_1237, %parallel_loop3A_289 : vector<16xf32>
        %parallel_loop3A_1239 = arith.addf %parallel_loop3A_1236, %parallel_loop3A_1238 : vector<16xf32>
        %parallel_loop3A_1240 = tpu.bitcast %parallel_loop3A_1204 : vector<16xi32> -> vector<16xf32>
        %parallel_loop3A_1241 = arith.mulf %parallel_loop3A_1240, %parallel_loop3A_292 : vector<16xf32>
        %parallel_loop3A_1242 = arith.addf %parallel_loop3A_1239, %parallel_loop3A_1241 : vector<16xf32>
        %parallel_loop3A_1243 = tpu.bitcast %parallel_loop3A_1211 : vector<16xi32> -> vector<16xf32>
        %parallel_loop3A_1244 = arith.mulf %parallel_loop3A_1243, %parallel_loop3A_295 : vector<16xf32>
        %parallel_loop3A_1245 = arith.addf %parallel_loop3A_1242, %parallel_loop3A_1244 : vector<16xf32>
        %parallel_loop3A_1246 = arith.index_cast %rem3A_233 : i32 to index
        %parallel_loop3A_1247 = arith.index_cast %parallel_loop3A_283 : i32 to index
        %parallel_loop3A_1248 = arith.constant 192 : index
        %parallel_loop3A_1249 = tpu.vector_load %arg9[%parallel_loop3A_1246, %parallel_loop3A_1247, %parallel_loop3A_1248] {strides = array<i32>} : memref<2x16x768xf32, #tpu.memory_space<vmem>>, vector<1x1x16xf32>,
        %parallel_loop3A_1250 = vector.shape_cast %parallel_loop3A_1249 : vector<1x1x16xf32> to vector<16xf32>
        %parallel_loop3A_1251 = vector.shape_cast %parallel_loop3A_1234 : vector<16xf32> to vector<1x1x16xf32>
        tpu.vector_store %arg9[%parallel_loop3A_1246, %parallel_loop3A_1247, %parallel_loop3A_1248], %parallel_loop3A_1251 {strides = array<i32>} : memref<2x16x768xf32, #tpu.memory_space<vmem>>, vector<1x1x16xf32>,
        %parallel_loop3A_1252 = arith.index_cast %rem3A_233 : i32 to index
        %parallel_loop3A_1253 = arith.index_cast %parallel_loop3A_283 : i32 to index
        %parallel_loop3A_1254 = arith.constant 576 : index
        %parallel_loop3A_1255 = tpu.vector_load %arg9[%parallel_loop3A_1252, %parallel_loop3A_1253, %parallel_loop3A_1254] {strides = array<i32>} : memref<2x16x768xf32, #tpu.memory_space<vmem>>, vector<1x1x16xf32>,
        %parallel_loop3A_1256 = vector.shape_cast %parallel_loop3A_1255 : vector<1x1x16xf32> to vector<16xf32>
        %parallel_loop3A_1257 = vector.shape_cast %parallel_loop3A_1245 : vector<16xf32> to vector<1x1x16xf32>
        tpu.vector_store %arg9[%parallel_loop3A_1252, %parallel_loop3A_1253, %parallel_loop3A_1254], %parallel_loop3A_1257 {strides = array<i32>} : memref<2x16x768xf32, #tpu.memory_space<vmem>>, vector<1x1x16xf32>,
        %parallel_loop3A_1258 = arith.constant 0 : i32
        %parallel_loop3A_1259 = arith.index_cast %rem3A_231 : i32 to index
        %parallel_loop3A_1260 = arith.index_cast %parallel_loop3A_1258 : i32 to index
        %parallel_loop3A_1261 = arith.index_cast %parallel_loop3A_283 : i32 to index
        %parallel_loop3A_1262 = arith.constant 208 : index
        %parallel_loop3A_1263 = tpu.vector_load %arg8[%parallel_loop3A_1259, %parallel_loop3A_1260, %parallel_loop3A_1261, %parallel_loop3A_1262] {strides = array<i32>} : memref<3x4x16x384xi32, #tpu.memory_space<vmem>>, vector<1x1x1x16xi32>,
        %parallel_loop3A_1264 = vector.shape_cast %parallel_loop3A_1263 : vector<1x1x1x16xi32> to vector<16xi32>
        %parallel_loop3A_1265 = arith.constant 1 : i32
        %parallel_loop3A_1266 = arith.index_cast %rem3A_231 : i32 to index
        %parallel_loop3A_1267 = arith.index_cast %parallel_loop3A_1265 : i32 to index
        %parallel_loop3A_1268 = arith.index_cast %parallel_loop3A_283 : i32 to index
        %parallel_loop3A_1269 = arith.constant 208 : index
        %parallel_loop3A_1270 = tpu.vector_load %arg8[%parallel_loop3A_1266, %parallel_loop3A_1267, %parallel_loop3A_1268, %parallel_loop3A_1269] {strides = array<i32>} : memref<3x4x16x384xi32, #tpu.memory_space<vmem>>, vector<1x1x1x16xi32>,
        %parallel_loop3A_1271 = vector.shape_cast %parallel_loop3A_1270 : vector<1x1x1x16xi32> to vector<16xi32>
        %parallel_loop3A_1272 = arith.constant 2 : i32
        %parallel_loop3A_1273 = arith.index_cast %rem3A_231 : i32 to index
        %parallel_loop3A_1274 = arith.index_cast %parallel_loop3A_1272 : i32 to index
        %parallel_loop3A_1275 = arith.index_cast %parallel_loop3A_283 : i32 to index
        %parallel_loop3A_1276 = arith.constant 208 : index
        %parallel_loop3A_1277 = tpu.vector_load %arg8[%parallel_loop3A_1273, %parallel_loop3A_1274, %parallel_loop3A_1275, %parallel_loop3A_1276] {strides = array<i32>} : memref<3x4x16x384xi32, #tpu.memory_space<vmem>>, vector<1x1x1x16xi32>,
        %parallel_loop3A_1278 = vector.shape_cast %parallel_loop3A_1277 : vector<1x1x1x16xi32> to vector<16xi32>
        %parallel_loop3A_1279 = arith.constant 3 : i32
        %parallel_loop3A_1280 = arith.index_cast %rem3A_231 : i32 to index
        %parallel_loop3A_1281 = arith.index_cast %parallel_loop3A_1279 : i32 to index
        %parallel_loop3A_1282 = arith.index_cast %parallel_loop3A_283 : i32 to index
        %parallel_loop3A_1283 = arith.constant 208 : index
        %parallel_loop3A_1284 = tpu.vector_load %arg8[%parallel_loop3A_1280, %parallel_loop3A_1281, %parallel_loop3A_1282, %parallel_loop3A_1283] {strides = array<i32>} : memref<3x4x16x384xi32, #tpu.memory_space<vmem>>, vector<1x1x1x16xi32>,
        %parallel_loop3A_1285 = vector.shape_cast %parallel_loop3A_1284 : vector<1x1x1x16xi32> to vector<16xi32>
        %parallel_loop3A_1286 = arith.constant 16 : i32
        %parallel_loop3A_1287 = vector.broadcast %parallel_loop3A_1286 : i32 to vector<16xi32>
        %parallel_loop3A_1288 = arith.shli %parallel_loop3A_1264, %parallel_loop3A_1287 : vector<16xi32>
        %parallel_loop3A_1289 = tpu.bitcast %parallel_loop3A_1288 : vector<16xi32> -> vector<16xf32>
        %parallel_loop3A_1290 = arith.mulf %parallel_loop3A_1289, %parallel_loop3A_286 : vector<16xf32>
        %parallel_loop3A_1291 = arith.constant 16 : i32
        %parallel_loop3A_1292 = vector.broadcast %parallel_loop3A_1291 : i32 to vector<16xi32>
        %parallel_loop3A_1293 = arith.shli %parallel_loop3A_1271, %parallel_loop3A_1292 : vector<16xi32>
        %parallel_loop3A_1294 = tpu.bitcast %parallel_loop3A_1293 : vector<16xi32> -> vector<16xf32>
        %parallel_loop3A_1295 = arith.mulf %parallel_loop3A_1294, %parallel_loop3A_289 : vector<16xf32>
        %parallel_loop3A_1296 = arith.addf %parallel_loop3A_1290, %parallel_loop3A_1295 : vector<16xf32>
        %parallel_loop3A_1297 = arith.constant 16 : i32
        %parallel_loop3A_1298 = vector.broadcast %parallel_loop3A_1297 : i32 to vector<16xi32>
        %parallel_loop3A_1299 = arith.shli %parallel_loop3A_1278, %parallel_loop3A_1298 : vector<16xi32>
        %parallel_loop3A_1300 = tpu.bitcast %parallel_loop3A_1299 : vector<16xi32> -> vector<16xf32>
        %parallel_loop3A_1301 = arith.mulf %parallel_loop3A_1300, %parallel_loop3A_292 : vector<16xf32>
        %parallel_loop3A_1302 = arith.addf %parallel_loop3A_1296, %parallel_loop3A_1301 : vector<16xf32>
        %parallel_loop3A_1303 = arith.constant 16 : i32
        %parallel_loop3A_1304 = vector.broadcast %parallel_loop3A_1303 : i32 to vector<16xi32>
        %parallel_loop3A_1305 = arith.shli %parallel_loop3A_1285, %parallel_loop3A_1304 : vector<16xi32>
        %parallel_loop3A_1306 = tpu.bitcast %parallel_loop3A_1305 : vector<16xi32> -> vector<16xf32>
        %parallel_loop3A_1307 = arith.mulf %parallel_loop3A_1306, %parallel_loop3A_295 : vector<16xf32>
        %parallel_loop3A_1308 = arith.addf %parallel_loop3A_1302, %parallel_loop3A_1307 : vector<16xf32>
        %parallel_loop3A_1309 = tpu.bitcast %parallel_loop3A_1264 : vector<16xi32> -> vector<16xf32>
        %parallel_loop3A_1310 = arith.mulf %parallel_loop3A_1309, %parallel_loop3A_286 : vector<16xf32>
        %parallel_loop3A_1311 = tpu.bitcast %parallel_loop3A_1271 : vector<16xi32> -> vector<16xf32>
        %parallel_loop3A_1312 = arith.mulf %parallel_loop3A_1311, %parallel_loop3A_289 : vector<16xf32>
        %parallel_loop3A_1313 = arith.addf %parallel_loop3A_1310, %parallel_loop3A_1312 : vector<16xf32>
        %parallel_loop3A_1314 = tpu.bitcast %parallel_loop3A_1278 : vector<16xi32> -> vector<16xf32>
        %parallel_loop3A_1315 = arith.mulf %parallel_loop3A_1314, %parallel_loop3A_292 : vector<16xf32>
        %parallel_loop3A_1316 = arith.addf %parallel_loop3A_1313, %parallel_loop3A_1315 : vector<16xf32>
        %parallel_loop3A_1317 = tpu.bitcast %parallel_loop3A_1285 : vector<16xi32> -> vector<16xf32>
        %parallel_loop3A_1318 = arith.mulf %parallel_loop3A_1317, %parallel_loop3A_295 : vector<16xf32>
        %parallel_loop3A_1319 = arith.addf %parallel_loop3A_1316, %parallel_loop3A_1318 : vector<16xf32>
        %parallel_loop3A_1320 = arith.index_cast %rem3A_233 : i32 to index
        %parallel_loop3A_1321 = arith.index_cast %parallel_loop3A_283 : i32 to index
        %parallel_loop3A_1322 = arith.constant 208 : index
        %parallel_loop3A_1323 = tpu.vector_load %arg9[%parallel_loop3A_1320, %parallel_loop3A_1321, %parallel_loop3A_1322] {strides = array<i32>} : memref<2x16x768xf32, #tpu.memory_space<vmem>>, vector<1x1x16xf32>,
        %parallel_loop3A_1324 = vector.shape_cast %parallel_loop3A_1323 : vector<1x1x16xf32> to vector<16xf32>
        %parallel_loop3A_1325 = vector.shape_cast %parallel_loop3A_1308 : vector<16xf32> to vector<1x1x16xf32>
        tpu.vector_store %arg9[%parallel_loop3A_1320, %parallel_loop3A_1321, %parallel_loop3A_1322], %parallel_loop3A_1325 {strides = array<i32>} : memref<2x16x768xf32, #tpu.memory_space<vmem>>, vector<1x1x16xf32>,
        %parallel_loop3A_1326 = arith.index_cast %rem3A_233 : i32 to index
        %parallel_loop3A_1327 = arith.index_cast %parallel_loop3A_283 : i32 to index
        %parallel_loop3A_1328 = arith.constant 592 : index
        %parallel_loop3A_1329 = tpu.vector_load %arg9[%parallel_loop3A_1326, %parallel_loop3A_1327, %parallel_loop3A_1328] {strides = array<i32>} : memref<2x16x768xf32, #tpu.memory_space<vmem>>, vector<1x1x16xf32>,
        %parallel_loop3A_1330 = vector.shape_cast %parallel_loop3A_1329 : vector<1x1x16xf32> to vector<16xf32>
        %parallel_loop3A_1331 = vector.shape_cast %parallel_loop3A_1319 : vector<16xf32> to vector<1x1x16xf32>
        tpu.vector_store %arg9[%parallel_loop3A_1326, %parallel_loop3A_1327, %parallel_loop3A_1328], %parallel_loop3A_1331 {strides = array<i32>} : memref<2x16x768xf32, #tpu.memory_space<vmem>>, vector<1x1x16xf32>,
        %parallel_loop3A_1332 = arith.constant 0 : i32
        %parallel_loop3A_1333 = arith.index_cast %rem3A_231 : i32 to index
        %parallel_loop3A_1334 = arith.index_cast %parallel_loop3A_1332 : i32 to index
        %parallel_loop3A_1335 = arith.index_cast %parallel_loop3A_283 : i32 to index
        %parallel_loop3A_1336 = arith.constant 224 : index
        %parallel_loop3A_1337 = tpu.vector_load %arg8[%parallel_loop3A_1333, %parallel_loop3A_1334, %parallel_loop3A_1335, %parallel_loop3A_1336] {strides = array<i32>} : memref<3x4x16x384xi32, #tpu.memory_space<vmem>>, vector<1x1x1x16xi32>,
        %parallel_loop3A_1338 = vector.shape_cast %parallel_loop3A_1337 : vector<1x1x1x16xi32> to vector<16xi32>
        %parallel_loop3A_1339 = arith.constant 1 : i32
        %parallel_loop3A_1340 = arith.index_cast %rem3A_231 : i32 to index
        %parallel_loop3A_1341 = arith.index_cast %parallel_loop3A_1339 : i32 to index
        %parallel_loop3A_1342 = arith.index_cast %parallel_loop3A_283 : i32 to index
        %parallel_loop3A_1343 = arith.constant 224 : index
        %parallel_loop3A_1344 = tpu.vector_load %arg8[%parallel_loop3A_1340, %parallel_loop3A_1341, %parallel_loop3A_1342, %parallel_loop3A_1343] {strides = array<i32>} : memref<3x4x16x384xi32, #tpu.memory_space<vmem>>, vector<1x1x1x16xi32>,
        %parallel_loop3A_1345 = vector.shape_cast %parallel_loop3A_1344 : vector<1x1x1x16xi32> to vector<16xi32>
        %parallel_loop3A_1346 = arith.constant 2 : i32
        %parallel_loop3A_1347 = arith.index_cast %rem3A_231 : i32 to index
        %parallel_loop3A_1348 = arith.index_cast %parallel_loop3A_1346 : i32 to index
        %parallel_loop3A_1349 = arith.index_cast %parallel_loop3A_283 : i32 to index
        %parallel_loop3A_1350 = arith.constant 224 : index
        %parallel_loop3A_1351 = tpu.vector_load %arg8[%parallel_loop3A_1347, %parallel_loop3A_1348, %parallel_loop3A_1349, %parallel_loop3A_1350] {strides = array<i32>} : memref<3x4x16x384xi32, #tpu.memory_space<vmem>>, vector<1x1x1x16xi32>,
        %parallel_loop3A_1352 = vector.shape_cast %parallel_loop3A_1351 : vector<1x1x1x16xi32> to vector<16xi32>
        %parallel_loop3A_1353 = arith.constant 3 : i32
        %parallel_loop3A_1354 = arith.index_cast %rem3A_231 : i32 to index
        %parallel_loop3A_1355 = arith.index_cast %parallel_loop3A_1353 : i32 to index
        %parallel_loop3A_1356 = arith.index_cast %parallel_loop3A_283 : i32 to index
        %parallel_loop3A_1357 = arith.constant 224 : index
        %parallel_loop3A_1358 = tpu.vector_load %arg8[%parallel_loop3A_1354, %parallel_loop3A_1355, %parallel_loop3A_1356, %parallel_loop3A_1357] {strides = array<i32>} : memref<3x4x16x384xi32, #tpu.memory_space<vmem>>, vector<1x1x1x16xi32>,
        %parallel_loop3A_1359 = vector.shape_cast %parallel_loop3A_1358 : vector<1x1x1x16xi32> to vector<16xi32>
        %parallel_loop3A_1360 = arith.constant 16 : i32
        %parallel_loop3A_1361 = vector.broadcast %parallel_loop3A_1360 : i32 to vector<16xi32>
        %parallel_loop3A_1362 = arith.shli %parallel_loop3A_1338, %parallel_loop3A_1361 : vector<16xi32>
        %parallel_loop3A_1363 = tpu.bitcast %parallel_loop3A_1362 : vector<16xi32> -> vector<16xf32>
        %parallel_loop3A_1364 = arith.mulf %parallel_loop3A_1363, %parallel_loop3A_286 : vector<16xf32>
        %parallel_loop3A_1365 = arith.constant 16 : i32
        %parallel_loop3A_1366 = vector.broadcast %parallel_loop3A_1365 : i32 to vector<16xi32>
        %parallel_loop3A_1367 = arith.shli %parallel_loop3A_1345, %parallel_loop3A_1366 : vector<16xi32>
        %parallel_loop3A_1368 = tpu.bitcast %parallel_loop3A_1367 : vector<16xi32> -> vector<16xf32>
        %parallel_loop3A_1369 = arith.mulf %parallel_loop3A_1368, %parallel_loop3A_289 : vector<16xf32>
        %parallel_loop3A_1370 = arith.addf %parallel_loop3A_1364, %parallel_loop3A_1369 : vector<16xf32>
        %parallel_loop3A_1371 = arith.constant 16 : i32
        %parallel_loop3A_1372 = vector.broadcast %parallel_loop3A_1371 : i32 to vector<16xi32>
        %parallel_loop3A_1373 = arith.shli %parallel_loop3A_1352, %parallel_loop3A_1372 : vector<16xi32>
        %parallel_loop3A_1374 = tpu.bitcast %parallel_loop3A_1373 : vector<16xi32> -> vector<16xf32>
        %parallel_loop3A_1375 = arith.mulf %parallel_loop3A_1374, %parallel_loop3A_292 : vector<16xf32>
        %parallel_loop3A_1376 = arith.addf %parallel_loop3A_1370, %parallel_loop3A_1375 : vector<16xf32>
        %parallel_loop3A_1377 = arith.constant 16 : i32
        %parallel_loop3A_1378 = vector.broadcast %parallel_loop3A_1377 : i32 to vector<16xi32>
        %parallel_loop3A_1379 = arith.shli %parallel_loop3A_1359, %parallel_loop3A_1378 : vector<16xi32>
        %parallel_loop3A_1380 = tpu.bitcast %parallel_loop3A_1379 : vector<16xi32> -> vector<16xf32>
        %parallel_loop3A_1381 = arith.mulf %parallel_loop3A_1380, %parallel_loop3A_295 : vector<16xf32>
        %parallel_loop3A_1382 = arith.addf %parallel_loop3A_1376, %parallel_loop3A_1381 : vector<16xf32>
        %parallel_loop3A_1383 = tpu.bitcast %parallel_loop3A_1338 : vector<16xi32> -> vector<16xf32>
        %parallel_loop3A_1384 = arith.mulf %parallel_loop3A_1383, %parallel_loop3A_286 : vector<16xf32>
        %parallel_loop3A_1385 = tpu.bitcast %parallel_loop3A_1345 : vector<16xi32> -> vector<16xf32>
        %parallel_loop3A_1386 = arith.mulf %parallel_loop3A_1385, %parallel_loop3A_289 : vector<16xf32>
        %parallel_loop3A_1387 = arith.addf %parallel_loop3A_1384, %parallel_loop3A_1386 : vector<16xf32>
        %parallel_loop3A_1388 = tpu.bitcast %parallel_loop3A_1352 : vector<16xi32> -> vector<16xf32>
        %parallel_loop3A_1389 = arith.mulf %parallel_loop3A_1388, %parallel_loop3A_292 : vector<16xf32>
        %parallel_loop3A_1390 = arith.addf %parallel_loop3A_1387, %parallel_loop3A_1389 : vector<16xf32>
        %parallel_loop3A_1391 = tpu.bitcast %parallel_loop3A_1359 : vector<16xi32> -> vector<16xf32>
        %parallel_loop3A_1392 = arith.mulf %parallel_loop3A_1391, %parallel_loop3A_295 : vector<16xf32>
        %parallel_loop3A_1393 = arith.addf %parallel_loop3A_1390, %parallel_loop3A_1392 : vector<16xf32>
        %parallel_loop3A_1394 = arith.index_cast %rem3A_233 : i32 to index
        %parallel_loop3A_1395 = arith.index_cast %parallel_loop3A_283 : i32 to index
        %parallel_loop3A_1396 = arith.constant 224 : index
        %parallel_loop3A_1397 = tpu.vector_load %arg9[%parallel_loop3A_1394, %parallel_loop3A_1395, %parallel_loop3A_1396] {strides = array<i32>} : memref<2x16x768xf32, #tpu.memory_space<vmem>>, vector<1x1x16xf32>,
        %parallel_loop3A_1398 = vector.shape_cast %parallel_loop3A_1397 : vector<1x1x16xf32> to vector<16xf32>
        %parallel_loop3A_1399 = vector.shape_cast %parallel_loop3A_1382 : vector<16xf32> to vector<1x1x16xf32>
        tpu.vector_store %arg9[%parallel_loop3A_1394, %parallel_loop3A_1395, %parallel_loop3A_1396], %parallel_loop3A_1399 {strides = array<i32>} : memref<2x16x768xf32, #tpu.memory_space<vmem>>, vector<1x1x16xf32>,
        %parallel_loop3A_1400 = arith.index_cast %rem3A_233 : i32 to index
        %parallel_loop3A_1401 = arith.index_cast %parallel_loop3A_283 : i32 to index
        %parallel_loop3A_1402 = arith.constant 608 : index
        %parallel_loop3A_1403 = tpu.vector_load %arg9[%parallel_loop3A_1400, %parallel_loop3A_1401, %parallel_loop3A_1402] {strides = array<i32>} : memref<2x16x768xf32, #tpu.memory_space<vmem>>, vector<1x1x16xf32>,
        %parallel_loop3A_1404 = vector.shape_cast %parallel_loop3A_1403 : vector<1x1x16xf32> to vector<16xf32>
        %parallel_loop3A_1405 = vector.shape_cast %parallel_loop3A_1393 : vector<16xf32> to vector<1x1x16xf32>
        tpu.vector_store %arg9[%parallel_loop3A_1400, %parallel_loop3A_1401, %parallel_loop3A_1402], %parallel_loop3A_1405 {strides = array<i32>} : memref<2x16x768xf32, #tpu.memory_space<vmem>>, vector<1x1x16xf32>,
        %parallel_loop3A_1406 = arith.constant 0 : i32
        %parallel_loop3A_1407 = arith.index_cast %rem3A_231 : i32 to index
        %parallel_loop3A_1408 = arith.index_cast %parallel_loop3A_1406 : i32 to index
        %parallel_loop3A_1409 = arith.index_cast %parallel_loop3A_283 : i32 to index
        %parallel_loop3A_1410 = arith.constant 240 : index
        %parallel_loop3A_1411 = tpu.vector_load %arg8[%parallel_loop3A_1407, %parallel_loop3A_1408, %parallel_loop3A_1409, %parallel_loop3A_1410] {strides = array<i32>} : memref<3x4x16x384xi32, #tpu.memory_space<vmem>>, vector<1x1x1x16xi32>,
        %parallel_loop3A_1412 = vector.shape_cast %parallel_loop3A_1411 : vector<1x1x1x16xi32> to vector<16xi32>
        %parallel_loop3A_1413 = arith.constant 1 : i32
        %parallel_loop3A_1414 = arith.index_cast %rem3A_231 : i32 to index
        %parallel_loop3A_1415 = arith.index_cast %parallel_loop3A_1413 : i32 to index
        %parallel_loop3A_1416 = arith.index_cast %parallel_loop3A_283 : i32 to index
        %parallel_loop3A_1417 = arith.constant 240 : index
        %parallel_loop3A_1418 = tpu.vector_load %arg8[%parallel_loop3A_1414, %parallel_loop3A_1415, %parallel_loop3A_1416, %parallel_loop3A_1417] {strides = array<i32>} : memref<3x4x16x384xi32, #tpu.memory_space<vmem>>, vector<1x1x1x16xi32>,
        %parallel_loop3A_1419 = vector.shape_cast %parallel_loop3A_1418 : vector<1x1x1x16xi32> to vector<16xi32>
        %parallel_loop3A_1420 = arith.constant 2 : i32
        %parallel_loop3A_1421 = arith.index_cast %rem3A_231 : i32 to index
        %parallel_loop3A_1422 = arith.index_cast %parallel_loop3A_1420 : i32 to index
        %parallel_loop3A_1423 = arith.index_cast %parallel_loop3A_283 : i32 to index
        %parallel_loop3A_1424 = arith.constant 240 : index
        %parallel_loop3A_1425 = tpu.vector_load %arg8[%parallel_loop3A_1421, %parallel_loop3A_1422, %parallel_loop3A_1423, %parallel_loop3A_1424] {strides = array<i32>} : memref<3x4x16x384xi32, #tpu.memory_space<vmem>>, vector<1x1x1x16xi32>,
        %parallel_loop3A_1426 = vector.shape_cast %parallel_loop3A_1425 : vector<1x1x1x16xi32> to vector<16xi32>
        %parallel_loop3A_1427 = arith.constant 3 : i32
        %parallel_loop3A_1428 = arith.index_cast %rem3A_231 : i32 to index
        %parallel_loop3A_1429 = arith.index_cast %parallel_loop3A_1427 : i32 to index
        %parallel_loop3A_1430 = arith.index_cast %parallel_loop3A_283 : i32 to index
        %parallel_loop3A_1431 = arith.constant 240 : index
        %parallel_loop3A_1432 = tpu.vector_load %arg8[%parallel_loop3A_1428, %parallel_loop3A_1429, %parallel_loop3A_1430, %parallel_loop3A_1431] {strides = array<i32>} : memref<3x4x16x384xi32, #tpu.memory_space<vmem>>, vector<1x1x1x16xi32>,
        %parallel_loop3A_1433 = vector.shape_cast %parallel_loop3A_1432 : vector<1x1x1x16xi32> to vector<16xi32>
        %parallel_loop3A_1434 = arith.constant 16 : i32
        %parallel_loop3A_1435 = vector.broadcast %parallel_loop3A_1434 : i32 to vector<16xi32>
        %parallel_loop3A_1436 = arith.shli %parallel_loop3A_1412, %parallel_loop3A_1435 : vector<16xi32>
        %parallel_loop3A_1437 = tpu.bitcast %parallel_loop3A_1436 : vector<16xi32> -> vector<16xf32>
        %parallel_loop3A_1438 = arith.mulf %parallel_loop3A_1437, %parallel_loop3A_286 : vector<16xf32>
        %parallel_loop3A_1439 = arith.constant 16 : i32
        %parallel_loop3A_1440 = vector.broadcast %parallel_loop3A_1439 : i32 to vector<16xi32>
        %parallel_loop3A_1441 = arith.shli %parallel_loop3A_1419, %parallel_loop3A_1440 : vector<16xi32>
        %parallel_loop3A_1442 = tpu.bitcast %parallel_loop3A_1441 : vector<16xi32> -> vector<16xf32>
        %parallel_loop3A_1443 = arith.mulf %parallel_loop3A_1442, %parallel_loop3A_289 : vector<16xf32>
        %parallel_loop3A_1444 = arith.addf %parallel_loop3A_1438, %parallel_loop3A_1443 : vector<16xf32>
        %parallel_loop3A_1445 = arith.constant 16 : i32
        %parallel_loop3A_1446 = vector.broadcast %parallel_loop3A_1445 : i32 to vector<16xi32>
        %parallel_loop3A_1447 = arith.shli %parallel_loop3A_1426, %parallel_loop3A_1446 : vector<16xi32>
        %parallel_loop3A_1448 = tpu.bitcast %parallel_loop3A_1447 : vector<16xi32> -> vector<16xf32>
        %parallel_loop3A_1449 = arith.mulf %parallel_loop3A_1448, %parallel_loop3A_292 : vector<16xf32>
        %parallel_loop3A_1450 = arith.addf %parallel_loop3A_1444, %parallel_loop3A_1449 : vector<16xf32>
        %parallel_loop3A_1451 = arith.constant 16 : i32
        %parallel_loop3A_1452 = vector.broadcast %parallel_loop3A_1451 : i32 to vector<16xi32>
        %parallel_loop3A_1453 = arith.shli %parallel_loop3A_1433, %parallel_loop3A_1452 : vector<16xi32>
        %parallel_loop3A_1454 = tpu.bitcast %parallel_loop3A_1453 : vector<16xi32> -> vector<16xf32>
        %parallel_loop3A_1455 = arith.mulf %parallel_loop3A_1454, %parallel_loop3A_295 : vector<16xf32>
        %parallel_loop3A_1456 = arith.addf %parallel_loop3A_1450, %parallel_loop3A_1455 : vector<16xf32>
        %parallel_loop3A_1457 = tpu.bitcast %parallel_loop3A_1412 : vector<16xi32> -> vector<16xf32>
        %parallel_loop3A_1458 = arith.mulf %parallel_loop3A_1457, %parallel_loop3A_286 : vector<16xf32>
        %parallel_loop3A_1459 = tpu.bitcast %parallel_loop3A_1419 : vector<16xi32> -> vector<16xf32>
        %parallel_loop3A_1460 = arith.mulf %parallel_loop3A_1459, %parallel_loop3A_289 : vector<16xf32>
        %parallel_loop3A_1461 = arith.addf %parallel_loop3A_1458, %parallel_loop3A_1460 : vector<16xf32>
        %parallel_loop3A_1462 = tpu.bitcast %parallel_loop3A_1426 : vector<16xi32> -> vector<16xf32>
        %parallel_loop3A_1463 = arith.mulf %parallel_loop3A_1462, %parallel_loop3A_292 : vector<16xf32>
        %parallel_loop3A_1464 = arith.addf %parallel_loop3A_1461, %parallel_loop3A_1463 : vector<16xf32>
        %parallel_loop3A_1465 = tpu.bitcast %parallel_loop3A_1433 : vector<16xi32> -> vector<16xf32>
        %parallel_loop3A_1466 = arith.mulf %parallel_loop3A_1465, %parallel_loop3A_295 : vector<16xf32>
        %parallel_loop3A_1467 = arith.addf %parallel_loop3A_1464, %parallel_loop3A_1466 : vector<16xf32>
        %parallel_loop3A_1468 = arith.index_cast %rem3A_233 : i32 to index
        %parallel_loop3A_1469 = arith.index_cast %parallel_loop3A_283 : i32 to index
        %parallel_loop3A_1470 = arith.constant 240 : index
        %parallel_loop3A_1471 = tpu.vector_load %arg9[%parallel_loop3A_1468, %parallel_loop3A_1469, %parallel_loop3A_1470] {strides = array<i32>} : memref<2x16x768xf32, #tpu.memory_space<vmem>>, vector<1x1x16xf32>,
        %parallel_loop3A_1472 = vector.shape_cast %parallel_loop3A_1471 : vector<1x1x16xf32> to vector<16xf32>
        %parallel_loop3A_1473 = vector.shape_cast %parallel_loop3A_1456 : vector<16xf32> to vector<1x1x16xf32>
        tpu.vector_store %arg9[%parallel_loop3A_1468, %parallel_loop3A_1469, %parallel_loop3A_1470], %parallel_loop3A_1473 {strides = array<i32>} : memref<2x16x768xf32, #tpu.memory_space<vmem>>, vector<1x1x16xf32>,
        %parallel_loop3A_1474 = arith.index_cast %rem3A_233 : i32 to index
        %parallel_loop3A_1475 = arith.index_cast %parallel_loop3A_283 : i32 to index
        %parallel_loop3A_1476 = arith.constant 624 : index
        %parallel_loop3A_1477 = tpu.vector_load %arg9[%parallel_loop3A_1474, %parallel_loop3A_1475, %parallel_loop3A_1476] {strides = array<i32>} : memref<2x16x768xf32, #tpu.memory_space<vmem>>, vector<1x1x16xf32>,
        %parallel_loop3A_1478 = vector.shape_cast %parallel_loop3A_1477 : vector<1x1x16xf32> to vector<16xf32>
        %parallel_loop3A_1479 = vector.shape_cast %parallel_loop3A_1467 : vector<16xf32> to vector<1x1x16xf32>
        tpu.vector_store %arg9[%parallel_loop3A_1474, %parallel_loop3A_1475, %parallel_loop3A_1476], %parallel_loop3A_1479 {strides = array<i32>} : memref<2x16x768xf32, #tpu.memory_space<vmem>>, vector<1x1x16xf32>,
        %parallel_loop3A_1480 = arith.constant 0 : i32
        %parallel_loop3A_1481 = arith.index_cast %rem3A_231 : i32 to index
        %parallel_loop3A_1482 = arith.index_cast %parallel_loop3A_1480 : i32 to index
        %parallel_loop3A_1483 = arith.index_cast %parallel_loop3A_283 : i32 to index
        %parallel_loop3A_1484 = arith.constant 256 : index
        %parallel_loop3A_1485 = tpu.vector_load %arg8[%parallel_loop3A_1481, %parallel_loop3A_1482, %parallel_loop3A_1483, %parallel_loop3A_1484] {strides = array<i32>} : memref<3x4x16x384xi32, #tpu.memory_space<vmem>>, vector<1x1x1x16xi32>,
        %parallel_loop3A_1486 = vector.shape_cast %parallel_loop3A_1485 : vector<1x1x1x16xi32> to vector<16xi32>
        %parallel_loop3A_1487 = arith.constant 1 : i32
        %parallel_loop3A_1488 = arith.index_cast %rem3A_231 : i32 to index
        %parallel_loop3A_1489 = arith.index_cast %parallel_loop3A_1487 : i32 to index
        %parallel_loop3A_1490 = arith.index_cast %parallel_loop3A_283 : i32 to index
        %parallel_loop3A_1491 = arith.constant 256 : index
        %parallel_loop3A_1492 = tpu.vector_load %arg8[%parallel_loop3A_1488, %parallel_loop3A_1489, %parallel_loop3A_1490, %parallel_loop3A_1491] {strides = array<i32>} : memref<3x4x16x384xi32, #tpu.memory_space<vmem>>, vector<1x1x1x16xi32>,
        %parallel_loop3A_1493 = vector.shape_cast %parallel_loop3A_1492 : vector<1x1x1x16xi32> to vector<16xi32>
        %parallel_loop3A_1494 = arith.constant 2 : i32
        %parallel_loop3A_1495 = arith.index_cast %rem3A_231 : i32 to index
        %parallel_loop3A_1496 = arith.index_cast %parallel_loop3A_1494 : i32 to index
        %parallel_loop3A_1497 = arith.index_cast %parallel_loop3A_283 : i32 to index
        %parallel_loop3A_1498 = arith.constant 256 : index
        %parallel_loop3A_1499 = tpu.vector_load %arg8[%parallel_loop3A_1495, %parallel_loop3A_1496, %parallel_loop3A_1497, %parallel_loop3A_1498] {strides = array<i32>} : memref<3x4x16x384xi32, #tpu.memory_space<vmem>>, vector<1x1x1x16xi32>,
        %parallel_loop3A_1500 = vector.shape_cast %parallel_loop3A_1499 : vector<1x1x1x16xi32> to vector<16xi32>
        %parallel_loop3A_1501 = arith.constant 3 : i32
        %parallel_loop3A_1502 = arith.index_cast %rem3A_231 : i32 to index
        %parallel_loop3A_1503 = arith.index_cast %parallel_loop3A_1501 : i32 to index
        %parallel_loop3A_1504 = arith.index_cast %parallel_loop3A_283 : i32 to index
        %parallel_loop3A_1505 = arith.constant 256 : index
        %parallel_loop3A_1506 = tpu.vector_load %arg8[%parallel_loop3A_1502, %parallel_loop3A_1503, %parallel_loop3A_1504, %parallel_loop3A_1505] {strides = array<i32>} : memref<3x4x16x384xi32, #tpu.memory_space<vmem>>, vector<1x1x1x16xi32>,
        %parallel_loop3A_1507 = vector.shape_cast %parallel_loop3A_1506 : vector<1x1x1x16xi32> to vector<16xi32>
        %parallel_loop3A_1508 = arith.constant 16 : i32
        %parallel_loop3A_1509 = vector.broadcast %parallel_loop3A_1508 : i32 to vector<16xi32>
        %parallel_loop3A_1510 = arith.shli %parallel_loop3A_1486, %parallel_loop3A_1509 : vector<16xi32>
        %parallel_loop3A_1511 = tpu.bitcast %parallel_loop3A_1510 : vector<16xi32> -> vector<16xf32>
        %parallel_loop3A_1512 = arith.mulf %parallel_loop3A_1511, %parallel_loop3A_286 : vector<16xf32>
        %parallel_loop3A_1513 = arith.constant 16 : i32
        %parallel_loop3A_1514 = vector.broadcast %parallel_loop3A_1513 : i32 to vector<16xi32>
        %parallel_loop3A_1515 = arith.shli %parallel_loop3A_1493, %parallel_loop3A_1514 : vector<16xi32>
        %parallel_loop3A_1516 = tpu.bitcast %parallel_loop3A_1515 : vector<16xi32> -> vector<16xf32>
        %parallel_loop3A_1517 = arith.mulf %parallel_loop3A_1516, %parallel_loop3A_289 : vector<16xf32>
        %parallel_loop3A_1518 = arith.addf %parallel_loop3A_1512, %parallel_loop3A_1517 : vector<16xf32>
        %parallel_loop3A_1519 = arith.constant 16 : i32
        %parallel_loop3A_1520 = vector.broadcast %parallel_loop3A_1519 : i32 to vector<16xi32>
        %parallel_loop3A_1521 = arith.shli %parallel_loop3A_1500, %parallel_loop3A_1520 : vector<16xi32>
        %parallel_loop3A_1522 = tpu.bitcast %parallel_loop3A_1521 : vector<16xi32> -> vector<16xf32>
        %parallel_loop3A_1523 = arith.mulf %parallel_loop3A_1522, %parallel_loop3A_292 : vector<16xf32>
        %parallel_loop3A_1524 = arith.addf %parallel_loop3A_1518, %parallel_loop3A_1523 : vector<16xf32>
        %parallel_loop3A_1525 = arith.constant 16 : i32
        %parallel_loop3A_1526 = vector.broadcast %parallel_loop3A_1525 : i32 to vector<16xi32>
        %parallel_loop3A_1527 = arith.shli %parallel_loop3A_1507, %parallel_loop3A_1526 : vector<16xi32>
        %parallel_loop3A_1528 = tpu.bitcast %parallel_loop3A_1527 : vector<16xi32> -> vector<16xf32>
        %parallel_loop3A_1529 = arith.mulf %parallel_loop3A_1528, %parallel_loop3A_295 : vector<16xf32>
        %parallel_loop3A_1530 = arith.addf %parallel_loop3A_1524, %parallel_loop3A_1529 : vector<16xf32>
        %parallel_loop3A_1531 = tpu.bitcast %parallel_loop3A_1486 : vector<16xi32> -> vector<16xf32>
        %parallel_loop3A_1532 = arith.mulf %parallel_loop3A_1531, %parallel_loop3A_286 : vector<16xf32>
        %parallel_loop3A_1533 = tpu.bitcast %parallel_loop3A_1493 : vector<16xi32> -> vector<16xf32>
        %parallel_loop3A_1534 = arith.mulf %parallel_loop3A_1533, %parallel_loop3A_289 : vector<16xf32>
        %parallel_loop3A_1535 = arith.addf %parallel_loop3A_1532, %parallel_loop3A_1534 : vector<16xf32>
        %parallel_loop3A_1536 = tpu.bitcast %parallel_loop3A_1500 : vector<16xi32> -> vector<16xf32>
        %parallel_loop3A_1537 = arith.mulf %parallel_loop3A_1536, %parallel_loop3A_292 : vector<16xf32>
        %parallel_loop3A_1538 = arith.addf %parallel_loop3A_1535, %parallel_loop3A_1537 : vector<16xf32>
        %parallel_loop3A_1539 = tpu.bitcast %parallel_loop3A_1507 : vector<16xi32> -> vector<16xf32>
        %parallel_loop3A_1540 = arith.mulf %parallel_loop3A_1539, %parallel_loop3A_295 : vector<16xf32>
        %parallel_loop3A_1541 = arith.addf %parallel_loop3A_1538, %parallel_loop3A_1540 : vector<16xf32>
        %parallel_loop3A_1542 = arith.index_cast %rem3A_233 : i32 to index
        %parallel_loop3A_1543 = arith.index_cast %parallel_loop3A_283 : i32 to index
        %parallel_loop3A_1544 = arith.constant 256 : index
        %parallel_loop3A_1545 = tpu.vector_load %arg9[%parallel_loop3A_1542, %parallel_loop3A_1543, %parallel_loop3A_1544] {strides = array<i32>} : memref<2x16x768xf32, #tpu.memory_space<vmem>>, vector<1x1x16xf32>,
        %parallel_loop3A_1546 = vector.shape_cast %parallel_loop3A_1545 : vector<1x1x16xf32> to vector<16xf32>
        %parallel_loop3A_1547 = vector.shape_cast %parallel_loop3A_1530 : vector<16xf32> to vector<1x1x16xf32>
        tpu.vector_store %arg9[%parallel_loop3A_1542, %parallel_loop3A_1543, %parallel_loop3A_1544], %parallel_loop3A_1547 {strides = array<i32>} : memref<2x16x768xf32, #tpu.memory_space<vmem>>, vector<1x1x16xf32>,
        %parallel_loop3A_1548 = arith.index_cast %rem3A_233 : i32 to index
        %parallel_loop3A_1549 = arith.index_cast %parallel_loop3A_283 : i32 to index
        %parallel_loop3A_1550 = arith.constant 640 : index
        %parallel_loop3A_1551 = tpu.vector_load %arg9[%parallel_loop3A_1548, %parallel_loop3A_1549, %parallel_loop3A_1550] {strides = array<i32>} : memref<2x16x768xf32, #tpu.memory_space<vmem>>, vector<1x1x16xf32>,
        %parallel_loop3A_1552 = vector.shape_cast %parallel_loop3A_1551 : vector<1x1x16xf32> to vector<16xf32>
        %parallel_loop3A_1553 = vector.shape_cast %parallel_loop3A_1541 : vector<16xf32> to vector<1x1x16xf32>
        tpu.vector_store %arg9[%parallel_loop3A_1548, %parallel_loop3A_1549, %parallel_loop3A_1550], %parallel_loop3A_1553 {strides = array<i32>} : memref<2x16x768xf32, #tpu.memory_space<vmem>>, vector<1x1x16xf32>,
        %parallel_loop3A_1554 = arith.constant 0 : i32
        %parallel_loop3A_1555 = arith.index_cast %rem3A_231 : i32 to index
        %parallel_loop3A_1556 = arith.index_cast %parallel_loop3A_1554 : i32 to index
        %parallel_loop3A_1557 = arith.index_cast %parallel_loop3A_283 : i32 to index
        %parallel_loop3A_1558 = arith.constant 272 : index
        %parallel_loop3A_1559 = tpu.vector_load %arg8[%parallel_loop3A_1555, %parallel_loop3A_1556, %parallel_loop3A_1557, %parallel_loop3A_1558] {strides = array<i32>} : memref<3x4x16x384xi32, #tpu.memory_space<vmem>>, vector<1x1x1x16xi32>,
        %parallel_loop3A_1560 = vector.shape_cast %parallel_loop3A_1559 : vector<1x1x1x16xi32> to vector<16xi32>
        %parallel_loop3A_1561 = arith.constant 1 : i32
        %parallel_loop3A_1562 = arith.index_cast %rem3A_231 : i32 to index
        %parallel_loop3A_1563 = arith.index_cast %parallel_loop3A_1561 : i32 to index
        %parallel_loop3A_1564 = arith.index_cast %parallel_loop3A_283 : i32 to index
        %parallel_loop3A_1565 = arith.constant 272 : index
        %parallel_loop3A_1566 = tpu.vector_load %arg8[%parallel_loop3A_1562, %parallel_loop3A_1563, %parallel_loop3A_1564, %parallel_loop3A_1565] {strides = array<i32>} : memref<3x4x16x384xi32, #tpu.memory_space<vmem>>, vector<1x1x1x16xi32>,
        %parallel_loop3A_1567 = vector.shape_cast %parallel_loop3A_1566 : vector<1x1x1x16xi32> to vector<16xi32>
        %parallel_loop3A_1568 = arith.constant 2 : i32
        %parallel_loop3A_1569 = arith.index_cast %rem3A_231 : i32 to index
        %parallel_loop3A_1570 = arith.index_cast %parallel_loop3A_1568 : i32 to index
        %parallel_loop3A_1571 = arith.index_cast %parallel_loop3A_283 : i32 to index
        %parallel_loop3A_1572 = arith.constant 272 : index
        %parallel_loop3A_1573 = tpu.vector_load %arg8[%parallel_loop3A_1569, %parallel_loop3A_1570, %parallel_loop3A_1571, %parallel_loop3A_1572] {strides = array<i32>} : memref<3x4x16x384xi32, #tpu.memory_space<vmem>>, vector<1x1x1x16xi32>,
        %parallel_loop3A_1574 = vector.shape_cast %parallel_loop3A_1573 : vector<1x1x1x16xi32> to vector<16xi32>
        %parallel_loop3A_1575 = arith.constant 3 : i32
        %parallel_loop3A_1576 = arith.index_cast %rem3A_231 : i32 to index
        %parallel_loop3A_1577 = arith.index_cast %parallel_loop3A_1575 : i32 to index
        %parallel_loop3A_1578 = arith.index_cast %parallel_loop3A_283 : i32 to index
        %parallel_loop3A_1579 = arith.constant 272 : index
        %parallel_loop3A_1580 = tpu.vector_load %arg8[%parallel_loop3A_1576, %parallel_loop3A_1577, %parallel_loop3A_1578, %parallel_loop3A_1579] {strides = array<i32>} : memref<3x4x16x384xi32, #tpu.memory_space<vmem>>, vector<1x1x1x16xi32>,
        %parallel_loop3A_1581 = vector.shape_cast %parallel_loop3A_1580 : vector<1x1x1x16xi32> to vector<16xi32>
        %parallel_loop3A_1582 = arith.constant 16 : i32
        %parallel_loop3A_1583 = vector.broadcast %parallel_loop3A_1582 : i32 to vector<16xi32>
        %parallel_loop3A_1584 = arith.shli %parallel_loop3A_1560, %parallel_loop3A_1583 : vector<16xi32>
        %parallel_loop3A_1585 = tpu.bitcast %parallel_loop3A_1584 : vector<16xi32> -> vector<16xf32>
        %parallel_loop3A_1586 = arith.mulf %parallel_loop3A_1585, %parallel_loop3A_286 : vector<16xf32>
        %parallel_loop3A_1587 = arith.constant 16 : i32
        %parallel_loop3A_1588 = vector.broadcast %parallel_loop3A_1587 : i32 to vector<16xi32>
        %parallel_loop3A_1589 = arith.shli %parallel_loop3A_1567, %parallel_loop3A_1588 : vector<16xi32>
        %parallel_loop3A_1590 = tpu.bitcast %parallel_loop3A_1589 : vector<16xi32> -> vector<16xf32>
        %parallel_loop3A_1591 = arith.mulf %parallel_loop3A_1590, %parallel_loop3A_289 : vector<16xf32>
        %parallel_loop3A_1592 = arith.addf %parallel_loop3A_1586, %parallel_loop3A_1591 : vector<16xf32>
        %parallel_loop3A_1593 = arith.constant 16 : i32
        %parallel_loop3A_1594 = vector.broadcast %parallel_loop3A_1593 : i32 to vector<16xi32>
        %parallel_loop3A_1595 = arith.shli %parallel_loop3A_1574, %parallel_loop3A_1594 : vector<16xi32>
        %parallel_loop3A_1596 = tpu.bitcast %parallel_loop3A_1595 : vector<16xi32> -> vector<16xf32>
        %parallel_loop3A_1597 = arith.mulf %parallel_loop3A_1596, %parallel_loop3A_292 : vector<16xf32>
        %parallel_loop3A_1598 = arith.addf %parallel_loop3A_1592, %parallel_loop3A_1597 : vector<16xf32>
        %parallel_loop3A_1599 = arith.constant 16 : i32
        %parallel_loop3A_1600 = vector.broadcast %parallel_loop3A_1599 : i32 to vector<16xi32>
        %parallel_loop3A_1601 = arith.shli %parallel_loop3A_1581, %parallel_loop3A_1600 : vector<16xi32>
        %parallel_loop3A_1602 = tpu.bitcast %parallel_loop3A_1601 : vector<16xi32> -> vector<16xf32>
        %parallel_loop3A_1603 = arith.mulf %parallel_loop3A_1602, %parallel_loop3A_295 : vector<16xf32>
        %parallel_loop3A_1604 = arith.addf %parallel_loop3A_1598, %parallel_loop3A_1603 : vector<16xf32>
        %parallel_loop3A_1605 = tpu.bitcast %parallel_loop3A_1560 : vector<16xi32> -> vector<16xf32>
        %parallel_loop3A_1606 = arith.mulf %parallel_loop3A_1605, %parallel_loop3A_286 : vector<16xf32>
        %parallel_loop3A_1607 = tpu.bitcast %parallel_loop3A_1567 : vector<16xi32> -> vector<16xf32>
        %parallel_loop3A_1608 = arith.mulf %parallel_loop3A_1607, %parallel_loop3A_289 : vector<16xf32>
        %parallel_loop3A_1609 = arith.addf %parallel_loop3A_1606, %parallel_loop3A_1608 : vector<16xf32>
        %parallel_loop3A_1610 = tpu.bitcast %parallel_loop3A_1574 : vector<16xi32> -> vector<16xf32>
        %parallel_loop3A_1611 = arith.mulf %parallel_loop3A_1610, %parallel_loop3A_292 : vector<16xf32>
        %parallel_loop3A_1612 = arith.addf %parallel_loop3A_1609, %parallel_loop3A_1611 : vector<16xf32>
        %parallel_loop3A_1613 = tpu.bitcast %parallel_loop3A_1581 : vector<16xi32> -> vector<16xf32>
        %parallel_loop3A_1614 = arith.mulf %parallel_loop3A_1613, %parallel_loop3A_295 : vector<16xf32>
        %parallel_loop3A_1615 = arith.addf %parallel_loop3A_1612, %parallel_loop3A_1614 : vector<16xf32>
        %parallel_loop3A_1616 = arith.index_cast %rem3A_233 : i32 to index
        %parallel_loop3A_1617 = arith.index_cast %parallel_loop3A_283 : i32 to index
        %parallel_loop3A_1618 = arith.constant 272 : index
        %parallel_loop3A_1619 = tpu.vector_load %arg9[%parallel_loop3A_1616, %parallel_loop3A_1617, %parallel_loop3A_1618] {strides = array<i32>} : memref<2x16x768xf32, #tpu.memory_space<vmem>>, vector<1x1x16xf32>,
        %parallel_loop3A_1620 = vector.shape_cast %parallel_loop3A_1619 : vector<1x1x16xf32> to vector<16xf32>
        %parallel_loop3A_1621 = vector.shape_cast %parallel_loop3A_1604 : vector<16xf32> to vector<1x1x16xf32>
        tpu.vector_store %arg9[%parallel_loop3A_1616, %parallel_loop3A_1617, %parallel_loop3A_1618], %parallel_loop3A_1621 {strides = array<i32>} : memref<2x16x768xf32, #tpu.memory_space<vmem>>, vector<1x1x16xf32>,
        %parallel_loop3A_1622 = arith.index_cast %rem3A_233 : i32 to index
        %parallel_loop3A_1623 = arith.index_cast %parallel_loop3A_283 : i32 to index
        %parallel_loop3A_1624 = arith.constant 656 : index
        %parallel_loop3A_1625 = tpu.vector_load %arg9[%parallel_loop3A_1622, %parallel_loop3A_1623, %parallel_loop3A_1624] {strides = array<i32>} : memref<2x16x768xf32, #tpu.memory_space<vmem>>, vector<1x1x16xf32>,
        %parallel_loop3A_1626 = vector.shape_cast %parallel_loop3A_1625 : vector<1x1x16xf32> to vector<16xf32>
        %parallel_loop3A_1627 = vector.shape_cast %parallel_loop3A_1615 : vector<16xf32> to vector<1x1x16xf32>
        tpu.vector_store %arg9[%parallel_loop3A_1622, %parallel_loop3A_1623, %parallel_loop3A_1624], %parallel_loop3A_1627 {strides = array<i32>} : memref<2x16x768xf32, #tpu.memory_space<vmem>>, vector<1x1x16xf32>,
        %parallel_loop3A_1628 = arith.constant 0 : i32
        %parallel_loop3A_1629 = arith.index_cast %rem3A_231 : i32 to index
        %parallel_loop3A_1630 = arith.index_cast %parallel_loop3A_1628 : i32 to index
        %parallel_loop3A_1631 = arith.index_cast %parallel_loop3A_283 : i32 to index
        %parallel_loop3A_1632 = arith.constant 288 : index
        %parallel_loop3A_1633 = tpu.vector_load %arg8[%parallel_loop3A_1629, %parallel_loop3A_1630, %parallel_loop3A_1631, %parallel_loop3A_1632] {strides = array<i32>} : memref<3x4x16x384xi32, #tpu.memory_space<vmem>>, vector<1x1x1x16xi32>,
        %parallel_loop3A_1634 = vector.shape_cast %parallel_loop3A_1633 : vector<1x1x1x16xi32> to vector<16xi32>
        %parallel_loop3A_1635 = arith.constant 1 : i32
        %parallel_loop3A_1636 = arith.index_cast %rem3A_231 : i32 to index
        %parallel_loop3A_1637 = arith.index_cast %parallel_loop3A_1635 : i32 to index
        %parallel_loop3A_1638 = arith.index_cast %parallel_loop3A_283 : i32 to index
        %parallel_loop3A_1639 = arith.constant 288 : index
        %parallel_loop3A_1640 = tpu.vector_load %arg8[%parallel_loop3A_1636, %parallel_loop3A_1637, %parallel_loop3A_1638, %parallel_loop3A_1639] {strides = array<i32>} : memref<3x4x16x384xi32, #tpu.memory_space<vmem>>, vector<1x1x1x16xi32>,
        %parallel_loop3A_1641 = vector.shape_cast %parallel_loop3A_1640 : vector<1x1x1x16xi32> to vector<16xi32>
        %parallel_loop3A_1642 = arith.constant 2 : i32
        %parallel_loop3A_1643 = arith.index_cast %rem3A_231 : i32 to index
        %parallel_loop3A_1644 = arith.index_cast %parallel_loop3A_1642 : i32 to index
        %parallel_loop3A_1645 = arith.index_cast %parallel_loop3A_283 : i32 to index
        %parallel_loop3A_1646 = arith.constant 288 : index
        %parallel_loop3A_1647 = tpu.vector_load %arg8[%parallel_loop3A_1643, %parallel_loop3A_1644, %parallel_loop3A_1645, %parallel_loop3A_1646] {strides = array<i32>} : memref<3x4x16x384xi32, #tpu.memory_space<vmem>>, vector<1x1x1x16xi32>,
        %parallel_loop3A_1648 = vector.shape_cast %parallel_loop3A_1647 : vector<1x1x1x16xi32> to vector<16xi32>
        %parallel_loop3A_1649 = arith.constant 3 : i32
        %parallel_loop3A_1650 = arith.index_cast %rem3A_231 : i32 to index
        %parallel_loop3A_1651 = arith.index_cast %parallel_loop3A_1649 : i32 to index
        %parallel_loop3A_1652 = arith.index_cast %parallel_loop3A_283 : i32 to index
        %parallel_loop3A_1653 = arith.constant 288 : index
        %parallel_loop3A_1654 = tpu.vector_load %arg8[%parallel_loop3A_1650, %parallel_loop3A_1651, %parallel_loop3A_1652, %parallel_loop3A_1653] {strides = array<i32>} : memref<3x4x16x384xi32, #tpu.memory_space<vmem>>, vector<1x1x1x16xi32>,
        %parallel_loop3A_1655 = vector.shape_cast %parallel_loop3A_1654 : vector<1x1x1x16xi32> to vector<16xi32>
        %parallel_loop3A_1656 = arith.constant 16 : i32
        %parallel_loop3A_1657 = vector.broadcast %parallel_loop3A_1656 : i32 to vector<16xi32>
        %parallel_loop3A_1658 = arith.shli %parallel_loop3A_1634, %parallel_loop3A_1657 : vector<16xi32>
        %parallel_loop3A_1659 = tpu.bitcast %parallel_loop3A_1658 : vector<16xi32> -> vector<16xf32>
        %parallel_loop3A_1660 = arith.mulf %parallel_loop3A_1659, %parallel_loop3A_286 : vector<16xf32>
        %parallel_loop3A_1661 = arith.constant 16 : i32
        %parallel_loop3A_1662 = vector.broadcast %parallel_loop3A_1661 : i32 to vector<16xi32>
        %parallel_loop3A_1663 = arith.shli %parallel_loop3A_1641, %parallel_loop3A_1662 : vector<16xi32>
        %parallel_loop3A_1664 = tpu.bitcast %parallel_loop3A_1663 : vector<16xi32> -> vector<16xf32>
        %parallel_loop3A_1665 = arith.mulf %parallel_loop3A_1664, %parallel_loop3A_289 : vector<16xf32>
        %parallel_loop3A_1666 = arith.addf %parallel_loop3A_1660, %parallel_loop3A_1665 : vector<16xf32>
        %parallel_loop3A_1667 = arith.constant 16 : i32
        %parallel_loop3A_1668 = vector.broadcast %parallel_loop3A_1667 : i32 to vector<16xi32>
        %parallel_loop3A_1669 = arith.shli %parallel_loop3A_1648, %parallel_loop3A_1668 : vector<16xi32>
        %parallel_loop3A_1670 = tpu.bitcast %parallel_loop3A_1669 : vector<16xi32> -> vector<16xf32>
        %parallel_loop3A_1671 = arith.mulf %parallel_loop3A_1670, %parallel_loop3A_292 : vector<16xf32>
        %parallel_loop3A_1672 = arith.addf %parallel_loop3A_1666, %parallel_loop3A_1671 : vector<16xf32>
        %parallel_loop3A_1673 = arith.constant 16 : i32
        %parallel_loop3A_1674 = vector.broadcast %parallel_loop3A_1673 : i32 to vector<16xi32>
        %parallel_loop3A_1675 = arith.shli %parallel_loop3A_1655, %parallel_loop3A_1674 : vector<16xi32>
        %parallel_loop3A_1676 = tpu.bitcast %parallel_loop3A_1675 : vector<16xi32> -> vector<16xf32>
        %parallel_loop3A_1677 = arith.mulf %parallel_loop3A_1676, %parallel_loop3A_295 : vector<16xf32>
        %parallel_loop3A_1678 = arith.addf %parallel_loop3A_1672, %parallel_loop3A_1677 : vector<16xf32>
        %parallel_loop3A_1679 = tpu.bitcast %parallel_loop3A_1634 : vector<16xi32> -> vector<16xf32>
        %parallel_loop3A_1680 = arith.mulf %parallel_loop3A_1679, %parallel_loop3A_286 : vector<16xf32>
        %parallel_loop3A_1681 = tpu.bitcast %parallel_loop3A_1641 : vector<16xi32> -> vector<16xf32>
        %parallel_loop3A_1682 = arith.mulf %parallel_loop3A_1681, %parallel_loop3A_289 : vector<16xf32>
        %parallel_loop3A_1683 = arith.addf %parallel_loop3A_1680, %parallel_loop3A_1682 : vector<16xf32>
        %parallel_loop3A_1684 = tpu.bitcast %parallel_loop3A_1648 : vector<16xi32> -> vector<16xf32>
        %parallel_loop3A_1685 = arith.mulf %parallel_loop3A_1684, %parallel_loop3A_292 : vector<16xf32>
        %parallel_loop3A_1686 = arith.addf %parallel_loop3A_1683, %parallel_loop3A_1685 : vector<16xf32>
        %parallel_loop3A_1687 = tpu.bitcast %parallel_loop3A_1655 : vector<16xi32> -> vector<16xf32>
        %parallel_loop3A_1688 = arith.mulf %parallel_loop3A_1687, %parallel_loop3A_295 : vector<16xf32>
        %parallel_loop3A_1689 = arith.addf %parallel_loop3A_1686, %parallel_loop3A_1688 : vector<16xf32>
        %parallel_loop3A_1690 = arith.index_cast %rem3A_233 : i32 to index
        %parallel_loop3A_1691 = arith.index_cast %parallel_loop3A_283 : i32 to index
        %parallel_loop3A_1692 = arith.constant 288 : index
        %parallel_loop3A_1693 = tpu.vector_load %arg9[%parallel_loop3A_1690, %parallel_loop3A_1691, %parallel_loop3A_1692] {strides = array<i32>} : memref<2x16x768xf32, #tpu.memory_space<vmem>>, vector<1x1x16xf32>,
        %parallel_loop3A_1694 = vector.shape_cast %parallel_loop3A_1693 : vector<1x1x16xf32> to vector<16xf32>
        %parallel_loop3A_1695 = vector.shape_cast %parallel_loop3A_1678 : vector<16xf32> to vector<1x1x16xf32>
        tpu.vector_store %arg9[%parallel_loop3A_1690, %parallel_loop3A_1691, %parallel_loop3A_1692], %parallel_loop3A_1695 {strides = array<i32>} : memref<2x16x768xf32, #tpu.memory_space<vmem>>, vector<1x1x16xf32>,
        %parallel_loop3A_1696 = arith.index_cast %rem3A_233 : i32 to index
        %parallel_loop3A_1697 = arith.index_cast %parallel_loop3A_283 : i32 to index
        %parallel_loop3A_1698 = arith.constant 672 : index
        %parallel_loop3A_1699 = tpu.vector_load %arg9[%parallel_loop3A_1696, %parallel_loop3A_1697, %parallel_loop3A_1698] {strides = array<i32>} : memref<2x16x768xf32, #tpu.memory_space<vmem>>, vector<1x1x16xf32>,
        %parallel_loop3A_1700 = vector.shape_cast %parallel_loop3A_1699 : vector<1x1x16xf32> to vector<16xf32>
        %parallel_loop3A_1701 = vector.shape_cast %parallel_loop3A_1689 : vector<16xf32> to vector<1x1x16xf32>
        tpu.vector_store %arg9[%parallel_loop3A_1696, %parallel_loop3A_1697, %parallel_loop3A_1698], %parallel_loop3A_1701 {strides = array<i32>} : memref<2x16x768xf32, #tpu.memory_space<vmem>>, vector<1x1x16xf32>,
        %parallel_loop3A_1702 = arith.constant 0 : i32
        %parallel_loop3A_1703 = arith.index_cast %rem3A_231 : i32 to index
        %parallel_loop3A_1704 = arith.index_cast %parallel_loop3A_1702 : i32 to index
        %parallel_loop3A_1705 = arith.index_cast %parallel_loop3A_283 : i32 to index
        %parallel_loop3A_1706 = arith.constant 304 : index
        %parallel_loop3A_1707 = tpu.vector_load %arg8[%parallel_loop3A_1703, %parallel_loop3A_1704, %parallel_loop3A_1705, %parallel_loop3A_1706] {strides = array<i32>} : memref<3x4x16x384xi32, #tpu.memory_space<vmem>>, vector<1x1x1x16xi32>,
        %parallel_loop3A_1708 = vector.shape_cast %parallel_loop3A_1707 : vector<1x1x1x16xi32> to vector<16xi32>
        %parallel_loop3A_1709 = arith.constant 1 : i32
        %parallel_loop3A_1710 = arith.index_cast %rem3A_231 : i32 to index
        %parallel_loop3A_1711 = arith.index_cast %parallel_loop3A_1709 : i32 to index
        %parallel_loop3A_1712 = arith.index_cast %parallel_loop3A_283 : i32 to index
        %parallel_loop3A_1713 = arith.constant 304 : index
        %parallel_loop3A_1714 = tpu.vector_load %arg8[%parallel_loop3A_1710, %parallel_loop3A_1711, %parallel_loop3A_1712, %parallel_loop3A_1713] {strides = array<i32>} : memref<3x4x16x384xi32, #tpu.memory_space<vmem>>, vector<1x1x1x16xi32>,
        %parallel_loop3A_1715 = vector.shape_cast %parallel_loop3A_1714 : vector<1x1x1x16xi32> to vector<16xi32>
        %parallel_loop3A_1716 = arith.constant 2 : i32
        %parallel_loop3A_1717 = arith.index_cast %rem3A_231 : i32 to index
        %parallel_loop3A_1718 = arith.index_cast %parallel_loop3A_1716 : i32 to index
        %parallel_loop3A_1719 = arith.index_cast %parallel_loop3A_283 : i32 to index
        %parallel_loop3A_1720 = arith.constant 304 : index
        %parallel_loop3A_1721 = tpu.vector_load %arg8[%parallel_loop3A_1717, %parallel_loop3A_1718, %parallel_loop3A_1719, %parallel_loop3A_1720] {strides = array<i32>} : memref<3x4x16x384xi32, #tpu.memory_space<vmem>>, vector<1x1x1x16xi32>,
        %parallel_loop3A_1722 = vector.shape_cast %parallel_loop3A_1721 : vector<1x1x1x16xi32> to vector<16xi32>
        %parallel_loop3A_1723 = arith.constant 3 : i32
        %parallel_loop3A_1724 = arith.index_cast %rem3A_231 : i32 to index
        %parallel_loop3A_1725 = arith.index_cast %parallel_loop3A_1723 : i32 to index
        %parallel_loop3A_1726 = arith.index_cast %parallel_loop3A_283 : i32 to index
        %parallel_loop3A_1727 = arith.constant 304 : index
        %parallel_loop3A_1728 = tpu.vector_load %arg8[%parallel_loop3A_1724, %parallel_loop3A_1725, %parallel_loop3A_1726, %parallel_loop3A_1727] {strides = array<i32>} : memref<3x4x16x384xi32, #tpu.memory_space<vmem>>, vector<1x1x1x16xi32>,
        %parallel_loop3A_1729 = vector.shape_cast %parallel_loop3A_1728 : vector<1x1x1x16xi32> to vector<16xi32>
        %parallel_loop3A_1730 = arith.constant 16 : i32
        %parallel_loop3A_1731 = vector.broadcast %parallel_loop3A_1730 : i32 to vector<16xi32>
        %parallel_loop3A_1732 = arith.shli %parallel_loop3A_1708, %parallel_loop3A_1731 : vector<16xi32>
        %parallel_loop3A_1733 = tpu.bitcast %parallel_loop3A_1732 : vector<16xi32> -> vector<16xf32>
        %parallel_loop3A_1734 = arith.mulf %parallel_loop3A_1733, %parallel_loop3A_286 : vector<16xf32>
        %parallel_loop3A_1735 = arith.constant 16 : i32
        %parallel_loop3A_1736 = vector.broadcast %parallel_loop3A_1735 : i32 to vector<16xi32>
        %parallel_loop3A_1737 = arith.shli %parallel_loop3A_1715, %parallel_loop3A_1736 : vector<16xi32>
        %parallel_loop3A_1738 = tpu.bitcast %parallel_loop3A_1737 : vector<16xi32> -> vector<16xf32>
        %parallel_loop3A_1739 = arith.mulf %parallel_loop3A_1738, %parallel_loop3A_289 : vector<16xf32>
        %parallel_loop3A_1740 = arith.addf %parallel_loop3A_1734, %parallel_loop3A_1739 : vector<16xf32>
        %parallel_loop3A_1741 = arith.constant 16 : i32
        %parallel_loop3A_1742 = vector.broadcast %parallel_loop3A_1741 : i32 to vector<16xi32>
        %parallel_loop3A_1743 = arith.shli %parallel_loop3A_1722, %parallel_loop3A_1742 : vector<16xi32>
        %parallel_loop3A_1744 = tpu.bitcast %parallel_loop3A_1743 : vector<16xi32> -> vector<16xf32>
        %parallel_loop3A_1745 = arith.mulf %parallel_loop3A_1744, %parallel_loop3A_292 : vector<16xf32>
        %parallel_loop3A_1746 = arith.addf %parallel_loop3A_1740, %parallel_loop3A_1745 : vector<16xf32>
        %parallel_loop3A_1747 = arith.constant 16 : i32
        %parallel_loop3A_1748 = vector.broadcast %parallel_loop3A_1747 : i32 to vector<16xi32>
        %parallel_loop3A_1749 = arith.shli %parallel_loop3A_1729, %parallel_loop3A_1748 : vector<16xi32>
        %parallel_loop3A_1750 = tpu.bitcast %parallel_loop3A_1749 : vector<16xi32> -> vector<16xf32>
        %parallel_loop3A_1751 = arith.mulf %parallel_loop3A_1750, %parallel_loop3A_295 : vector<16xf32>
        %parallel_loop3A_1752 = arith.addf %parallel_loop3A_1746, %parallel_loop3A_1751 : vector<16xf32>
        %parallel_loop3A_1753 = tpu.bitcast %parallel_loop3A_1708 : vector<16xi32> -> vector<16xf32>
        %parallel_loop3A_1754 = arith.mulf %parallel_loop3A_1753, %parallel_loop3A_286 : vector<16xf32>
        %parallel_loop3A_1755 = tpu.bitcast %parallel_loop3A_1715 : vector<16xi32> -> vector<16xf32>
        %parallel_loop3A_1756 = arith.mulf %parallel_loop3A_1755, %parallel_loop3A_289 : vector<16xf32>
        %parallel_loop3A_1757 = arith.addf %parallel_loop3A_1754, %parallel_loop3A_1756 : vector<16xf32>
        %parallel_loop3A_1758 = tpu.bitcast %parallel_loop3A_1722 : vector<16xi32> -> vector<16xf32>
        %parallel_loop3A_1759 = arith.mulf %parallel_loop3A_1758, %parallel_loop3A_292 : vector<16xf32>
        %parallel_loop3A_1760 = arith.addf %parallel_loop3A_1757, %parallel_loop3A_1759 : vector<16xf32>
        %parallel_loop3A_1761 = tpu.bitcast %parallel_loop3A_1729 : vector<16xi32> -> vector<16xf32>
        %parallel_loop3A_1762 = arith.mulf %parallel_loop3A_1761, %parallel_loop3A_295 : vector<16xf32>
        %parallel_loop3A_1763 = arith.addf %parallel_loop3A_1760, %parallel_loop3A_1762 : vector<16xf32>
        %parallel_loop3A_1764 = arith.index_cast %rem3A_233 : i32 to index
        %parallel_loop3A_1765 = arith.index_cast %parallel_loop3A_283 : i32 to index
        %parallel_loop3A_1766 = arith.constant 304 : index
        %parallel_loop3A_1767 = tpu.vector_load %arg9[%parallel_loop3A_1764, %parallel_loop3A_1765, %parallel_loop3A_1766] {strides = array<i32>} : memref<2x16x768xf32, #tpu.memory_space<vmem>>, vector<1x1x16xf32>,
        %parallel_loop3A_1768 = vector.shape_cast %parallel_loop3A_1767 : vector<1x1x16xf32> to vector<16xf32>
        %parallel_loop3A_1769 = vector.shape_cast %parallel_loop3A_1752 : vector<16xf32> to vector<1x1x16xf32>
        tpu.vector_store %arg9[%parallel_loop3A_1764, %parallel_loop3A_1765, %parallel_loop3A_1766], %parallel_loop3A_1769 {strides = array<i32>} : memref<2x16x768xf32, #tpu.memory_space<vmem>>, vector<1x1x16xf32>,
        %parallel_loop3A_1770 = arith.index_cast %rem3A_233 : i32 to index
        %parallel_loop3A_1771 = arith.index_cast %parallel_loop3A_283 : i32 to index
        %parallel_loop3A_1772 = arith.constant 688 : index
        %parallel_loop3A_1773 = tpu.vector_load %arg9[%parallel_loop3A_1770, %parallel_loop3A_1771, %parallel_loop3A_1772] {strides = array<i32>} : memref<2x16x768xf32, #tpu.memory_space<vmem>>, vector<1x1x16xf32>,
        %parallel_loop3A_1774 = vector.shape_cast %parallel_loop3A_1773 : vector<1x1x16xf32> to vector<16xf32>
        %parallel_loop3A_1775 = vector.shape_cast %parallel_loop3A_1763 : vector<16xf32> to vector<1x1x16xf32>
        tpu.vector_store %arg9[%parallel_loop3A_1770, %parallel_loop3A_1771, %parallel_loop3A_1772], %parallel_loop3A_1775 {strides = array<i32>} : memref<2x16x768xf32, #tpu.memory_space<vmem>>, vector<1x1x16xf32>,
        %parallel_loop3A_1776 = arith.constant 0 : i32
        %parallel_loop3A_1777 = arith.index_cast %rem3A_231 : i32 to index
        %parallel_loop3A_1778 = arith.index_cast %parallel_loop3A_1776 : i32 to index
        %parallel_loop3A_1779 = arith.index_cast %parallel_loop3A_283 : i32 to index
        %parallel_loop3A_1780 = arith.constant 320 : index
        %parallel_loop3A_1781 = tpu.vector_load %arg8[%parallel_loop3A_1777, %parallel_loop3A_1778, %parallel_loop3A_1779, %parallel_loop3A_1780] {strides = array<i32>} : memref<3x4x16x384xi32, #tpu.memory_space<vmem>>, vector<1x1x1x16xi32>,
        %parallel_loop3A_1782 = vector.shape_cast %parallel_loop3A_1781 : vector<1x1x1x16xi32> to vector<16xi32>
        %parallel_loop3A_1783 = arith.constant 1 : i32
        %parallel_loop3A_1784 = arith.index_cast %rem3A_231 : i32 to index
        %parallel_loop3A_1785 = arith.index_cast %parallel_loop3A_1783 : i32 to index
        %parallel_loop3A_1786 = arith.index_cast %parallel_loop3A_283 : i32 to index
        %parallel_loop3A_1787 = arith.constant 320 : index
        %parallel_loop3A_1788 = tpu.vector_load %arg8[%parallel_loop3A_1784, %parallel_loop3A_1785, %parallel_loop3A_1786, %parallel_loop3A_1787] {strides = array<i32>} : memref<3x4x16x384xi32, #tpu.memory_space<vmem>>, vector<1x1x1x16xi32>,
        %parallel_loop3A_1789 = vector.shape_cast %parallel_loop3A_1788 : vector<1x1x1x16xi32> to vector<16xi32>
        %parallel_loop3A_1790 = arith.constant 2 : i32
        %parallel_loop3A_1791 = arith.index_cast %rem3A_231 : i32 to index
        %parallel_loop3A_1792 = arith.index_cast %parallel_loop3A_1790 : i32 to index
        %parallel_loop3A_1793 = arith.index_cast %parallel_loop3A_283 : i32 to index
        %parallel_loop3A_1794 = arith.constant 320 : index
        %parallel_loop3A_1795 = tpu.vector_load %arg8[%parallel_loop3A_1791, %parallel_loop3A_1792, %parallel_loop3A_1793, %parallel_loop3A_1794] {strides = array<i32>} : memref<3x4x16x384xi32, #tpu.memory_space<vmem>>, vector<1x1x1x16xi32>,
        %parallel_loop3A_1796 = vector.shape_cast %parallel_loop3A_1795 : vector<1x1x1x16xi32> to vector<16xi32>
        %parallel_loop3A_1797 = arith.constant 3 : i32
        %parallel_loop3A_1798 = arith.index_cast %rem3A_231 : i32 to index
        %parallel_loop3A_1799 = arith.index_cast %parallel_loop3A_1797 : i32 to index
        %parallel_loop3A_1800 = arith.index_cast %parallel_loop3A_283 : i32 to index
        %parallel_loop3A_1801 = arith.constant 320 : index
        %parallel_loop3A_1802 = tpu.vector_load %arg8[%parallel_loop3A_1798, %parallel_loop3A_1799, %parallel_loop3A_1800, %parallel_loop3A_1801] {strides = array<i32>} : memref<3x4x16x384xi32, #tpu.memory_space<vmem>>, vector<1x1x1x16xi32>,
        %parallel_loop3A_1803 = vector.shape_cast %parallel_loop3A_1802 : vector<1x1x1x16xi32> to vector<16xi32>
        %parallel_loop3A_1804 = arith.constant 16 : i32
        %parallel_loop3A_1805 = vector.broadcast %parallel_loop3A_1804 : i32 to vector<16xi32>
        %parallel_loop3A_1806 = arith.shli %parallel_loop3A_1782, %parallel_loop3A_1805 : vector<16xi32>
        %parallel_loop3A_1807 = tpu.bitcast %parallel_loop3A_1806 : vector<16xi32> -> vector<16xf32>
        %parallel_loop3A_1808 = arith.mulf %parallel_loop3A_1807, %parallel_loop3A_286 : vector<16xf32>
        %parallel_loop3A_1809 = arith.constant 16 : i32
        %parallel_loop3A_1810 = vector.broadcast %parallel_loop3A_1809 : i32 to vector<16xi32>
        %parallel_loop3A_1811 = arith.shli %parallel_loop3A_1789, %parallel_loop3A_1810 : vector<16xi32>
        %parallel_loop3A_1812 = tpu.bitcast %parallel_loop3A_1811 : vector<16xi32> -> vector<16xf32>
        %parallel_loop3A_1813 = arith.mulf %parallel_loop3A_1812, %parallel_loop3A_289 : vector<16xf32>
        %parallel_loop3A_1814 = arith.addf %parallel_loop3A_1808, %parallel_loop3A_1813 : vector<16xf32>
        %parallel_loop3A_1815 = arith.constant 16 : i32
        %parallel_loop3A_1816 = vector.broadcast %parallel_loop3A_1815 : i32 to vector<16xi32>
        %parallel_loop3A_1817 = arith.shli %parallel_loop3A_1796, %parallel_loop3A_1816 : vector<16xi32>
        %parallel_loop3A_1818 = tpu.bitcast %parallel_loop3A_1817 : vector<16xi32> -> vector<16xf32>
        %parallel_loop3A_1819 = arith.mulf %parallel_loop3A_1818, %parallel_loop3A_292 : vector<16xf32>
        %parallel_loop3A_1820 = arith.addf %parallel_loop3A_1814, %parallel_loop3A_1819 : vector<16xf32>
        %parallel_loop3A_1821 = arith.constant 16 : i32
        %parallel_loop3A_1822 = vector.broadcast %parallel_loop3A_1821 : i32 to vector<16xi32>
        %parallel_loop3A_1823 = arith.shli %parallel_loop3A_1803, %parallel_loop3A_1822 : vector<16xi32>
        %parallel_loop3A_1824 = tpu.bitcast %parallel_loop3A_1823 : vector<16xi32> -> vector<16xf32>
        %parallel_loop3A_1825 = arith.mulf %parallel_loop3A_1824, %parallel_loop3A_295 : vector<16xf32>
        %parallel_loop3A_1826 = arith.addf %parallel_loop3A_1820, %parallel_loop3A_1825 : vector<16xf32>
        %parallel_loop3A_1827 = tpu.bitcast %parallel_loop3A_1782 : vector<16xi32> -> vector<16xf32>
        %parallel_loop3A_1828 = arith.mulf %parallel_loop3A_1827, %parallel_loop3A_286 : vector<16xf32>
        %parallel_loop3A_1829 = tpu.bitcast %parallel_loop3A_1789 : vector<16xi32> -> vector<16xf32>
        %parallel_loop3A_1830 = arith.mulf %parallel_loop3A_1829, %parallel_loop3A_289 : vector<16xf32>
        %parallel_loop3A_1831 = arith.addf %parallel_loop3A_1828, %parallel_loop3A_1830 : vector<16xf32>
        %parallel_loop3A_1832 = tpu.bitcast %parallel_loop3A_1796 : vector<16xi32> -> vector<16xf32>
        %parallel_loop3A_1833 = arith.mulf %parallel_loop3A_1832, %parallel_loop3A_292 : vector<16xf32>
        %parallel_loop3A_1834 = arith.addf %parallel_loop3A_1831, %parallel_loop3A_1833 : vector<16xf32>
        %parallel_loop3A_1835 = tpu.bitcast %parallel_loop3A_1803 : vector<16xi32> -> vector<16xf32>
        %parallel_loop3A_1836 = arith.mulf %parallel_loop3A_1835, %parallel_loop3A_295 : vector<16xf32>
        %parallel_loop3A_1837 = arith.addf %parallel_loop3A_1834, %parallel_loop3A_1836 : vector<16xf32>
        %parallel_loop3A_1838 = arith.index_cast %rem3A_233 : i32 to index
        %parallel_loop3A_1839 = arith.index_cast %parallel_loop3A_283 : i32 to index
        %parallel_loop3A_1840 = arith.constant 320 : index
        %parallel_loop3A_1841 = tpu.vector_load %arg9[%parallel_loop3A_1838, %parallel_loop3A_1839, %parallel_loop3A_1840] {strides = array<i32>} : memref<2x16x768xf32, #tpu.memory_space<vmem>>, vector<1x1x16xf32>,
        %parallel_loop3A_1842 = vector.shape_cast %parallel_loop3A_1841 : vector<1x1x16xf32> to vector<16xf32>
        %parallel_loop3A_1843 = vector.shape_cast %parallel_loop3A_1826 : vector<16xf32> to vector<1x1x16xf32>
        tpu.vector_store %arg9[%parallel_loop3A_1838, %parallel_loop3A_1839, %parallel_loop3A_1840], %parallel_loop3A_1843 {strides = array<i32>} : memref<2x16x768xf32, #tpu.memory_space<vmem>>, vector<1x1x16xf32>,
        %parallel_loop3A_1844 = arith.index_cast %rem3A_233 : i32 to index
        %parallel_loop3A_1845 = arith.index_cast %parallel_loop3A_283 : i32 to index
        %parallel_loop3A_1846 = arith.constant 704 : index
        %parallel_loop3A_1847 = tpu.vector_load %arg9[%parallel_loop3A_1844, %parallel_loop3A_1845, %parallel_loop3A_1846] {strides = array<i32>} : memref<2x16x768xf32, #tpu.memory_space<vmem>>, vector<1x1x16xf32>,
        %parallel_loop3A_1848 = vector.shape_cast %parallel_loop3A_1847 : vector<1x1x16xf32> to vector<16xf32>
        %parallel_loop3A_1849 = vector.shape_cast %parallel_loop3A_1837 : vector<16xf32> to vector<1x1x16xf32>
        tpu.vector_store %arg9[%parallel_loop3A_1844, %parallel_loop3A_1845, %parallel_loop3A_1846], %parallel_loop3A_1849 {strides = array<i32>} : memref<2x16x768xf32, #tpu.memory_space<vmem>>, vector<1x1x16xf32>,
        %parallel_loop3A_1850 = arith.constant 0 : i32
        %parallel_loop3A_1851 = arith.index_cast %rem3A_231 : i32 to index
        %parallel_loop3A_1852 = arith.index_cast %parallel_loop3A_1850 : i32 to index
        %parallel_loop3A_1853 = arith.index_cast %parallel_loop3A_283 : i32 to index
        %parallel_loop3A_1854 = arith.constant 336 : index
        %parallel_loop3A_1855 = tpu.vector_load %arg8[%parallel_loop3A_1851, %parallel_loop3A_1852, %parallel_loop3A_1853, %parallel_loop3A_1854] {strides = array<i32>} : memref<3x4x16x384xi32, #tpu.memory_space<vmem>>, vector<1x1x1x16xi32>,
        %parallel_loop3A_1856 = vector.shape_cast %parallel_loop3A_1855 : vector<1x1x1x16xi32> to vector<16xi32>
        %parallel_loop3A_1857 = arith.constant 1 : i32
        %parallel_loop3A_1858 = arith.index_cast %rem3A_231 : i32 to index
        %parallel_loop3A_1859 = arith.index_cast %parallel_loop3A_1857 : i32 to index
        %parallel_loop3A_1860 = arith.index_cast %parallel_loop3A_283 : i32 to index
        %parallel_loop3A_1861 = arith.constant 336 : index
        %parallel_loop3A_1862 = tpu.vector_load %arg8[%parallel_loop3A_1858, %parallel_loop3A_1859, %parallel_loop3A_1860, %parallel_loop3A_1861] {strides = array<i32>} : memref<3x4x16x384xi32, #tpu.memory_space<vmem>>, vector<1x1x1x16xi32>,
        %parallel_loop3A_1863 = vector.shape_cast %parallel_loop3A_1862 : vector<1x1x1x16xi32> to vector<16xi32>
        %parallel_loop3A_1864 = arith.constant 2 : i32
        %parallel_loop3A_1865 = arith.index_cast %rem3A_231 : i32 to index
        %parallel_loop3A_1866 = arith.index_cast %parallel_loop3A_1864 : i32 to index
        %parallel_loop3A_1867 = arith.index_cast %parallel_loop3A_283 : i32 to index
        %parallel_loop3A_1868 = arith.constant 336 : index
        %parallel_loop3A_1869 = tpu.vector_load %arg8[%parallel_loop3A_1865, %parallel_loop3A_1866, %parallel_loop3A_1867, %parallel_loop3A_1868] {strides = array<i32>} : memref<3x4x16x384xi32, #tpu.memory_space<vmem>>, vector<1x1x1x16xi32>,
        %parallel_loop3A_1870 = vector.shape_cast %parallel_loop3A_1869 : vector<1x1x1x16xi32> to vector<16xi32>
        %parallel_loop3A_1871 = arith.constant 3 : i32
        %parallel_loop3A_1872 = arith.index_cast %rem3A_231 : i32 to index
        %parallel_loop3A_1873 = arith.index_cast %parallel_loop3A_1871 : i32 to index
        %parallel_loop3A_1874 = arith.index_cast %parallel_loop3A_283 : i32 to index
        %parallel_loop3A_1875 = arith.constant 336 : index
        %parallel_loop3A_1876 = tpu.vector_load %arg8[%parallel_loop3A_1872, %parallel_loop3A_1873, %parallel_loop3A_1874, %parallel_loop3A_1875] {strides = array<i32>} : memref<3x4x16x384xi32, #tpu.memory_space<vmem>>, vector<1x1x1x16xi32>,
        %parallel_loop3A_1877 = vector.shape_cast %parallel_loop3A_1876 : vector<1x1x1x16xi32> to vector<16xi32>
        %parallel_loop3A_1878 = arith.constant 16 : i32
        %parallel_loop3A_1879 = vector.broadcast %parallel_loop3A_1878 : i32 to vector<16xi32>
        %parallel_loop3A_1880 = arith.shli %parallel_loop3A_1856, %parallel_loop3A_1879 : vector<16xi32>
        %parallel_loop3A_1881 = tpu.bitcast %parallel_loop3A_1880 : vector<16xi32> -> vector<16xf32>
        %parallel_loop3A_1882 = arith.mulf %parallel_loop3A_1881, %parallel_loop3A_286 : vector<16xf32>
        %parallel_loop3A_1883 = arith.constant 16 : i32
        %parallel_loop3A_1884 = vector.broadcast %parallel_loop3A_1883 : i32 to vector<16xi32>
        %parallel_loop3A_1885 = arith.shli %parallel_loop3A_1863, %parallel_loop3A_1884 : vector<16xi32>
        %parallel_loop3A_1886 = tpu.bitcast %parallel_loop3A_1885 : vector<16xi32> -> vector<16xf32>
        %parallel_loop3A_1887 = arith.mulf %parallel_loop3A_1886, %parallel_loop3A_289 : vector<16xf32>
        %parallel_loop3A_1888 = arith.addf %parallel_loop3A_1882, %parallel_loop3A_1887 : vector<16xf32>
        %parallel_loop3A_1889 = arith.constant 16 : i32
        %parallel_loop3A_1890 = vector.broadcast %parallel_loop3A_1889 : i32 to vector<16xi32>
        %parallel_loop3A_1891 = arith.shli %parallel_loop3A_1870, %parallel_loop3A_1890 : vector<16xi32>
        %parallel_loop3A_1892 = tpu.bitcast %parallel_loop3A_1891 : vector<16xi32> -> vector<16xf32>
        %parallel_loop3A_1893 = arith.mulf %parallel_loop3A_1892, %parallel_loop3A_292 : vector<16xf32>
        %parallel_loop3A_1894 = arith.addf %parallel_loop3A_1888, %parallel_loop3A_1893 : vector<16xf32>
        %parallel_loop3A_1895 = arith.constant 16 : i32
        %parallel_loop3A_1896 = vector.broadcast %parallel_loop3A_1895 : i32 to vector<16xi32>
        %parallel_loop3A_1897 = arith.shli %parallel_loop3A_1877, %parallel_loop3A_1896 : vector<16xi32>
        %parallel_loop3A_1898 = tpu.bitcast %parallel_loop3A_1897 : vector<16xi32> -> vector<16xf32>
        %parallel_loop3A_1899 = arith.mulf %parallel_loop3A_1898, %parallel_loop3A_295 : vector<16xf32>
        %parallel_loop3A_1900 = arith.addf %parallel_loop3A_1894, %parallel_loop3A_1899 : vector<16xf32>
        %parallel_loop3A_1901 = tpu.bitcast %parallel_loop3A_1856 : vector<16xi32> -> vector<16xf32>
        %parallel_loop3A_1902 = arith.mulf %parallel_loop3A_1901, %parallel_loop3A_286 : vector<16xf32>
        %parallel_loop3A_1903 = tpu.bitcast %parallel_loop3A_1863 : vector<16xi32> -> vector<16xf32>
        %parallel_loop3A_1904 = arith.mulf %parallel_loop3A_1903, %parallel_loop3A_289 : vector<16xf32>
        %parallel_loop3A_1905 = arith.addf %parallel_loop3A_1902, %parallel_loop3A_1904 : vector<16xf32>
        %parallel_loop3A_1906 = tpu.bitcast %parallel_loop3A_1870 : vector<16xi32> -> vector<16xf32>
        %parallel_loop3A_1907 = arith.mulf %parallel_loop3A_1906, %parallel_loop3A_292 : vector<16xf32>
        %parallel_loop3A_1908 = arith.addf %parallel_loop3A_1905, %parallel_loop3A_1907 : vector<16xf32>
        %parallel_loop3A_1909 = tpu.bitcast %parallel_loop3A_1877 : vector<16xi32> -> vector<16xf32>
        %parallel_loop3A_1910 = arith.mulf %parallel_loop3A_1909, %parallel_loop3A_295 : vector<16xf32>
        %parallel_loop3A_1911 = arith.addf %parallel_loop3A_1908, %parallel_loop3A_1910 : vector<16xf32>
        %parallel_loop3A_1912 = arith.index_cast %rem3A_233 : i32 to index
        %parallel_loop3A_1913 = arith.index_cast %parallel_loop3A_283 : i32 to index
        %parallel_loop3A_1914 = arith.constant 336 : index
        %parallel_loop3A_1915 = tpu.vector_load %arg9[%parallel_loop3A_1912, %parallel_loop3A_1913, %parallel_loop3A_1914] {strides = array<i32>} : memref<2x16x768xf32, #tpu.memory_space<vmem>>, vector<1x1x16xf32>,
        %parallel_loop3A_1916 = vector.shape_cast %parallel_loop3A_1915 : vector<1x1x16xf32> to vector<16xf32>
        %parallel_loop3A_1917 = vector.shape_cast %parallel_loop3A_1900 : vector<16xf32> to vector<1x1x16xf32>
        tpu.vector_store %arg9[%parallel_loop3A_1912, %parallel_loop3A_1913, %parallel_loop3A_1914], %parallel_loop3A_1917 {strides = array<i32>} : memref<2x16x768xf32, #tpu.memory_space<vmem>>, vector<1x1x16xf32>,
        %parallel_loop3A_1918 = arith.index_cast %rem3A_233 : i32 to index
        %parallel_loop3A_1919 = arith.index_cast %parallel_loop3A_283 : i32 to index
        %parallel_loop3A_1920 = arith.constant 720 : index
        %parallel_loop3A_1921 = tpu.vector_load %arg9[%parallel_loop3A_1918, %parallel_loop3A_1919, %parallel_loop3A_1920] {strides = array<i32>} : memref<2x16x768xf32, #tpu.memory_space<vmem>>, vector<1x1x16xf32>,
        %parallel_loop3A_1922 = vector.shape_cast %parallel_loop3A_1921 : vector<1x1x16xf32> to vector<16xf32>
        %parallel_loop3A_1923 = vector.shape_cast %parallel_loop3A_1911 : vector<16xf32> to vector<1x1x16xf32>
        tpu.vector_store %arg9[%parallel_loop3A_1918, %parallel_loop3A_1919, %parallel_loop3A_1920], %parallel_loop3A_1923 {strides = array<i32>} : memref<2x16x768xf32, #tpu.memory_space<vmem>>, vector<1x1x16xf32>,
        %parallel_loop3A_1924 = arith.constant 0 : i32
        %parallel_loop3A_1925 = arith.index_cast %rem3A_231 : i32 to index
        %parallel_loop3A_1926 = arith.index_cast %parallel_loop3A_1924 : i32 to index
        %parallel_loop3A_1927 = arith.index_cast %parallel_loop3A_283 : i32 to index
        %parallel_loop3A_1928 = arith.constant 352 : index
        %parallel_loop3A_1929 = tpu.vector_load %arg8[%parallel_loop3A_1925, %parallel_loop3A_1926, %parallel_loop3A_1927, %parallel_loop3A_1928] {strides = array<i32>} : memref<3x4x16x384xi32, #tpu.memory_space<vmem>>, vector<1x1x1x16xi32>,
        %parallel_loop3A_1930 = vector.shape_cast %parallel_loop3A_1929 : vector<1x1x1x16xi32> to vector<16xi32>
        %parallel_loop3A_1931 = arith.constant 1 : i32
        %parallel_loop3A_1932 = arith.index_cast %rem3A_231 : i32 to index
        %parallel_loop3A_1933 = arith.index_cast %parallel_loop3A_1931 : i32 to index
        %parallel_loop3A_1934 = arith.index_cast %parallel_loop3A_283 : i32 to index
        %parallel_loop3A_1935 = arith.constant 352 : index
        %parallel_loop3A_1936 = tpu.vector_load %arg8[%parallel_loop3A_1932, %parallel_loop3A_1933, %parallel_loop3A_1934, %parallel_loop3A_1935] {strides = array<i32>} : memref<3x4x16x384xi32, #tpu.memory_space<vmem>>, vector<1x1x1x16xi32>,
        %parallel_loop3A_1937 = vector.shape_cast %parallel_loop3A_1936 : vector<1x1x1x16xi32> to vector<16xi32>
        %parallel_loop3A_1938 = arith.constant 2 : i32
        %parallel_loop3A_1939 = arith.index_cast %rem3A_231 : i32 to index
        %parallel_loop3A_1940 = arith.index_cast %parallel_loop3A_1938 : i32 to index
        %parallel_loop3A_1941 = arith.index_cast %parallel_loop3A_283 : i32 to index
        %parallel_loop3A_1942 = arith.constant 352 : index
        %parallel_loop3A_1943 = tpu.vector_load %arg8[%parallel_loop3A_1939, %parallel_loop3A_1940, %parallel_loop3A_1941, %parallel_loop3A_1942] {strides = array<i32>} : memref<3x4x16x384xi32, #tpu.memory_space<vmem>>, vector<1x1x1x16xi32>,
        %parallel_loop3A_1944 = vector.shape_cast %parallel_loop3A_1943 : vector<1x1x1x16xi32> to vector<16xi32>
        %parallel_loop3A_1945 = arith.constant 3 : i32
        %parallel_loop3A_1946 = arith.index_cast %rem3A_231 : i32 to index
        %parallel_loop3A_1947 = arith.index_cast %parallel_loop3A_1945 : i32 to index
        %parallel_loop3A_1948 = arith.index_cast %parallel_loop3A_283 : i32 to index
        %parallel_loop3A_1949 = arith.constant 352 : index
        %parallel_loop3A_1950 = tpu.vector_load %arg8[%parallel_loop3A_1946, %parallel_loop3A_1947, %parallel_loop3A_1948, %parallel_loop3A_1949] {strides = array<i32>} : memref<3x4x16x384xi32, #tpu.memory_space<vmem>>, vector<1x1x1x16xi32>,
        %parallel_loop3A_1951 = vector.shape_cast %parallel_loop3A_1950 : vector<1x1x1x16xi32> to vector<16xi32>
        %parallel_loop3A_1952 = arith.constant 16 : i32
        %parallel_loop3A_1953 = vector.broadcast %parallel_loop3A_1952 : i32 to vector<16xi32>
        %parallel_loop3A_1954 = arith.shli %parallel_loop3A_1930, %parallel_loop3A_1953 : vector<16xi32>
        %parallel_loop3A_1955 = tpu.bitcast %parallel_loop3A_1954 : vector<16xi32> -> vector<16xf32>
        %parallel_loop3A_1956 = arith.mulf %parallel_loop3A_1955, %parallel_loop3A_286 : vector<16xf32>
        %parallel_loop3A_1957 = arith.constant 16 : i32
        %parallel_loop3A_1958 = vector.broadcast %parallel_loop3A_1957 : i32 to vector<16xi32>
        %parallel_loop3A_1959 = arith.shli %parallel_loop3A_1937, %parallel_loop3A_1958 : vector<16xi32>
        %parallel_loop3A_1960 = tpu.bitcast %parallel_loop3A_1959 : vector<16xi32> -> vector<16xf32>
        %parallel_loop3A_1961 = arith.mulf %parallel_loop3A_1960, %parallel_loop3A_289 : vector<16xf32>
        %parallel_loop3A_1962 = arith.addf %parallel_loop3A_1956, %parallel_loop3A_1961 : vector<16xf32>
        %parallel_loop3A_1963 = arith.constant 16 : i32
        %parallel_loop3A_1964 = vector.broadcast %parallel_loop3A_1963 : i32 to vector<16xi32>
        %parallel_loop3A_1965 = arith.shli %parallel_loop3A_1944, %parallel_loop3A_1964 : vector<16xi32>
        %parallel_loop3A_1966 = tpu.bitcast %parallel_loop3A_1965 : vector<16xi32> -> vector<16xf32>
        %parallel_loop3A_1967 = arith.mulf %parallel_loop3A_1966, %parallel_loop3A_292 : vector<16xf32>
        %parallel_loop3A_1968 = arith.addf %parallel_loop3A_1962, %parallel_loop3A_1967 : vector<16xf32>
        %parallel_loop3A_1969 = arith.constant 16 : i32
        %parallel_loop3A_1970 = vector.broadcast %parallel_loop3A_1969 : i32 to vector<16xi32>
        %parallel_loop3A_1971 = arith.shli %parallel_loop3A_1951, %parallel_loop3A_1970 : vector<16xi32>
        %parallel_loop3A_1972 = tpu.bitcast %parallel_loop3A_1971 : vector<16xi32> -> vector<16xf32>
        %parallel_loop3A_1973 = arith.mulf %parallel_loop3A_1972, %parallel_loop3A_295 : vector<16xf32>
        %parallel_loop3A_1974 = arith.addf %parallel_loop3A_1968, %parallel_loop3A_1973 : vector<16xf32>
        %parallel_loop3A_1975 = tpu.bitcast %parallel_loop3A_1930 : vector<16xi32> -> vector<16xf32>
        %parallel_loop3A_1976 = arith.mulf %parallel_loop3A_1975, %parallel_loop3A_286 : vector<16xf32>
        %parallel_loop3A_1977 = tpu.bitcast %parallel_loop3A_1937 : vector<16xi32> -> vector<16xf32>
        %parallel_loop3A_1978 = arith.mulf %parallel_loop3A_1977, %parallel_loop3A_289 : vector<16xf32>
        %parallel_loop3A_1979 = arith.addf %parallel_loop3A_1976, %parallel_loop3A_1978 : vector<16xf32>
        %parallel_loop3A_1980 = tpu.bitcast %parallel_loop3A_1944 : vector<16xi32> -> vector<16xf32>
        %parallel_loop3A_1981 = arith.mulf %parallel_loop3A_1980, %parallel_loop3A_292 : vector<16xf32>
        %parallel_loop3A_1982 = arith.addf %parallel_loop3A_1979, %parallel_loop3A_1981 : vector<16xf32>
        %parallel_loop3A_1983 = tpu.bitcast %parallel_loop3A_1951 : vector<16xi32> -> vector<16xf32>
        %parallel_loop3A_1984 = arith.mulf %parallel_loop3A_1983, %parallel_loop3A_295 : vector<16xf32>
        %parallel_loop3A_1985 = arith.addf %parallel_loop3A_1982, %parallel_loop3A_1984 : vector<16xf32>
        %parallel_loop3A_1986 = arith.index_cast %rem3A_233 : i32 to index
        %parallel_loop3A_1987 = arith.index_cast %parallel_loop3A_283 : i32 to index
        %parallel_loop3A_1988 = arith.constant 352 : index
        %parallel_loop3A_1989 = tpu.vector_load %arg9[%parallel_loop3A_1986, %parallel_loop3A_1987, %parallel_loop3A_1988] {strides = array<i32>} : memref<2x16x768xf32, #tpu.memory_space<vmem>>, vector<1x1x16xf32>,
        %parallel_loop3A_1990 = vector.shape_cast %parallel_loop3A_1989 : vector<1x1x16xf32> to vector<16xf32>
        %parallel_loop3A_1991 = vector.shape_cast %parallel_loop3A_1974 : vector<16xf32> to vector<1x1x16xf32>
        tpu.vector_store %arg9[%parallel_loop3A_1986, %parallel_loop3A_1987, %parallel_loop3A_1988], %parallel_loop3A_1991 {strides = array<i32>} : memref<2x16x768xf32, #tpu.memory_space<vmem>>, vector<1x1x16xf32>,
        %parallel_loop3A_1992 = arith.index_cast %rem3A_233 : i32 to index
        %parallel_loop3A_1993 = arith.index_cast %parallel_loop3A_283 : i32 to index
        %parallel_loop3A_1994 = arith.constant 736 : index
        %parallel_loop3A_1995 = tpu.vector_load %arg9[%parallel_loop3A_1992, %parallel_loop3A_1993, %parallel_loop3A_1994] {strides = array<i32>} : memref<2x16x768xf32, #tpu.memory_space<vmem>>, vector<1x1x16xf32>,
        %parallel_loop3A_1996 = vector.shape_cast %parallel_loop3A_1995 : vector<1x1x16xf32> to vector<16xf32>
        %parallel_loop3A_1997 = vector.shape_cast %parallel_loop3A_1985 : vector<16xf32> to vector<1x1x16xf32>
        tpu.vector_store %arg9[%parallel_loop3A_1992, %parallel_loop3A_1993, %parallel_loop3A_1994], %parallel_loop3A_1997 {strides = array<i32>} : memref<2x16x768xf32, #tpu.memory_space<vmem>>, vector<1x1x16xf32>,
        %parallel_loop3A_1998 = arith.constant 0 : i32
        %parallel_loop3A_1999 = arith.index_cast %rem3A_231 : i32 to index
        %parallel_loop3A_2000 = arith.index_cast %parallel_loop3A_1998 : i32 to index
        %parallel_loop3A_2001 = arith.index_cast %parallel_loop3A_283 : i32 to index
        %parallel_loop3A_2002 = arith.constant 368 : index
        %parallel_loop3A_2003 = tpu.vector_load %arg8[%parallel_loop3A_1999, %parallel_loop3A_2000, %parallel_loop3A_2001, %parallel_loop3A_2002] {strides = array<i32>} : memref<3x4x16x384xi32, #tpu.memory_space<vmem>>, vector<1x1x1x16xi32>,
        %parallel_loop3A_2004 = vector.shape_cast %parallel_loop3A_2003 : vector<1x1x1x16xi32> to vector<16xi32>
        %parallel_loop3A_2005 = arith.constant 1 : i32
        %parallel_loop3A_2006 = arith.index_cast %rem3A_231 : i32 to index
        %parallel_loop3A_2007 = arith.index_cast %parallel_loop3A_2005 : i32 to index
        %parallel_loop3A_2008 = arith.index_cast %parallel_loop3A_283 : i32 to index
        %parallel_loop3A_2009 = arith.constant 368 : index
        %parallel_loop3A_2010 = tpu.vector_load %arg8[%parallel_loop3A_2006, %parallel_loop3A_2007, %parallel_loop3A_2008, %parallel_loop3A_2009] {strides = array<i32>} : memref<3x4x16x384xi32, #tpu.memory_space<vmem>>, vector<1x1x1x16xi32>,
        %parallel_loop3A_2011 = vector.shape_cast %parallel_loop3A_2010 : vector<1x1x1x16xi32> to vector<16xi32>
        %parallel_loop3A_2012 = arith.constant 2 : i32
        %parallel_loop3A_2013 = arith.index_cast %rem3A_231 : i32 to index
        %parallel_loop3A_2014 = arith.index_cast %parallel_loop3A_2012 : i32 to index
        %parallel_loop3A_2015 = arith.index_cast %parallel_loop3A_283 : i32 to index
        %parallel_loop3A_2016 = arith.constant 368 : index
        %parallel_loop3A_2017 = tpu.vector_load %arg8[%parallel_loop3A_2013, %parallel_loop3A_2014, %parallel_loop3A_2015, %parallel_loop3A_2016] {strides = array<i32>} : memref<3x4x16x384xi32, #tpu.memory_space<vmem>>, vector<1x1x1x16xi32>,
        %parallel_loop3A_2018 = vector.shape_cast %parallel_loop3A_2017 : vector<1x1x1x16xi32> to vector<16xi32>
        %parallel_loop3A_2019 = arith.constant 3 : i32
        %parallel_loop3A_2020 = arith.index_cast %rem3A_231 : i32 to index
        %parallel_loop3A_2021 = arith.index_cast %parallel_loop3A_2019 : i32 to index
        %parallel_loop3A_2022 = arith.index_cast %parallel_loop3A_283 : i32 to index
        %parallel_loop3A_2023 = arith.constant 368 : index
        %parallel_loop3A_2024 = tpu.vector_load %arg8[%parallel_loop3A_2020, %parallel_loop3A_2021, %parallel_loop3A_2022, %parallel_loop3A_2023] {strides = array<i32>} : memref<3x4x16x384xi32, #tpu.memory_space<vmem>>, vector<1x1x1x16xi32>,
        %parallel_loop3A_2025 = vector.shape_cast %parallel_loop3A_2024 : vector<1x1x1x16xi32> to vector<16xi32>
        %parallel_loop3A_2026 = arith.constant 16 : i32
        %parallel_loop3A_2027 = vector.broadcast %parallel_loop3A_2026 : i32 to vector<16xi32>
        %parallel_loop3A_2028 = arith.shli %parallel_loop3A_2004, %parallel_loop3A_2027 : vector<16xi32>
        %parallel_loop3A_2029 = tpu.bitcast %parallel_loop3A_2028 : vector<16xi32> -> vector<16xf32>
        %parallel_loop3A_2030 = arith.mulf %parallel_loop3A_2029, %parallel_loop3A_286 : vector<16xf32>
        %parallel_loop3A_2031 = arith.constant 16 : i32
        %parallel_loop3A_2032 = vector.broadcast %parallel_loop3A_2031 : i32 to vector<16xi32>
        %parallel_loop3A_2033 = arith.shli %parallel_loop3A_2011, %parallel_loop3A_2032 : vector<16xi32>
        %parallel_loop3A_2034 = tpu.bitcast %parallel_loop3A_2033 : vector<16xi32> -> vector<16xf32>
        %parallel_loop3A_2035 = arith.mulf %parallel_loop3A_2034, %parallel_loop3A_289 : vector<16xf32>
        %parallel_loop3A_2036 = arith.addf %parallel_loop3A_2030, %parallel_loop3A_2035 : vector<16xf32>
        %parallel_loop3A_2037 = arith.constant 16 : i32
        %parallel_loop3A_2038 = vector.broadcast %parallel_loop3A_2037 : i32 to vector<16xi32>
        %parallel_loop3A_2039 = arith.shli %parallel_loop3A_2018, %parallel_loop3A_2038 : vector<16xi32>
        %parallel_loop3A_2040 = tpu.bitcast %parallel_loop3A_2039 : vector<16xi32> -> vector<16xf32>
        %parallel_loop3A_2041 = arith.mulf %parallel_loop3A_2040, %parallel_loop3A_292 : vector<16xf32>
        %parallel_loop3A_2042 = arith.addf %parallel_loop3A_2036, %parallel_loop3A_2041 : vector<16xf32>
        %parallel_loop3A_2043 = arith.constant 16 : i32
        %parallel_loop3A_2044 = vector.broadcast %parallel_loop3A_2043 : i32 to vector<16xi32>
        %parallel_loop3A_2045 = arith.shli %parallel_loop3A_2025, %parallel_loop3A_2044 : vector<16xi32>
        %parallel_loop3A_2046 = tpu.bitcast %parallel_loop3A_2045 : vector<16xi32> -> vector<16xf32>
        %parallel_loop3A_2047 = arith.mulf %parallel_loop3A_2046, %parallel_loop3A_295 : vector<16xf32>
        %parallel_loop3A_2048 = arith.addf %parallel_loop3A_2042, %parallel_loop3A_2047 : vector<16xf32>
        %parallel_loop3A_2049 = tpu.bitcast %parallel_loop3A_2004 : vector<16xi32> -> vector<16xf32>
        %parallel_loop3A_2050 = arith.mulf %parallel_loop3A_2049, %parallel_loop3A_286 : vector<16xf32>
        %parallel_loop3A_2051 = tpu.bitcast %parallel_loop3A_2011 : vector<16xi32> -> vector<16xf32>
        %parallel_loop3A_2052 = arith.mulf %parallel_loop3A_2051, %parallel_loop3A_289 : vector<16xf32>
        %parallel_loop3A_2053 = arith.addf %parallel_loop3A_2050, %parallel_loop3A_2052 : vector<16xf32>
        %parallel_loop3A_2054 = tpu.bitcast %parallel_loop3A_2018 : vector<16xi32> -> vector<16xf32>
        %parallel_loop3A_2055 = arith.mulf %parallel_loop3A_2054, %parallel_loop3A_292 : vector<16xf32>
        %parallel_loop3A_2056 = arith.addf %parallel_loop3A_2053, %parallel_loop3A_2055 : vector<16xf32>
        %parallel_loop3A_2057 = tpu.bitcast %parallel_loop3A_2025 : vector<16xi32> -> vector<16xf32>
        %parallel_loop3A_2058 = arith.mulf %parallel_loop3A_2057, %parallel_loop3A_295 : vector<16xf32>
        %parallel_loop3A_2059 = arith.addf %parallel_loop3A_2056, %parallel_loop3A_2058 : vector<16xf32>
        %parallel_loop3A_2060 = arith.index_cast %rem3A_233 : i32 to index
        %parallel_loop3A_2061 = arith.index_cast %parallel_loop3A_283 : i32 to index
        %parallel_loop3A_2062 = arith.constant 368 : index
        %parallel_loop3A_2063 = tpu.vector_load %arg9[%parallel_loop3A_2060, %parallel_loop3A_2061, %parallel_loop3A_2062] {strides = array<i32>} : memref<2x16x768xf32, #tpu.memory_space<vmem>>, vector<1x1x16xf32>,
        %parallel_loop3A_2064 = vector.shape_cast %parallel_loop3A_2063 : vector<1x1x16xf32> to vector<16xf32>
        %parallel_loop3A_2065 = vector.shape_cast %parallel_loop3A_2048 : vector<16xf32> to vector<1x1x16xf32>
        tpu.vector_store %arg9[%parallel_loop3A_2060, %parallel_loop3A_2061, %parallel_loop3A_2062], %parallel_loop3A_2065 {strides = array<i32>} : memref<2x16x768xf32, #tpu.memory_space<vmem>>, vector<1x1x16xf32>,
        %parallel_loop3A_2066 = arith.index_cast %rem3A_233 : i32 to index
        %parallel_loop3A_2067 = arith.index_cast %parallel_loop3A_283 : i32 to index
        %parallel_loop3A_2068 = arith.constant 752 : index
        %parallel_loop3A_2069 = tpu.vector_load %arg9[%parallel_loop3A_2066, %parallel_loop3A_2067, %parallel_loop3A_2068] {strides = array<i32>} : memref<2x16x768xf32, #tpu.memory_space<vmem>>, vector<1x1x16xf32>,
        %parallel_loop3A_2070 = vector.shape_cast %parallel_loop3A_2069 : vector<1x1x16xf32> to vector<16xf32>
        %parallel_loop3A_2071 = vector.shape_cast %parallel_loop3A_2059 : vector<16xf32> to vector<1x1x16xf32>
        tpu.vector_store %arg9[%parallel_loop3A_2066, %parallel_loop3A_2067, %parallel_loop3A_2068], %parallel_loop3A_2071 {strides = array<i32>} : memref<2x16x768xf32, #tpu.memory_space<vmem>>, vector<1x1x16xf32>,
      } {sc.loop_unroll_factor = 1 : i64, sc.parallel_access}
      %ge3A_271 = arith.constant 1 : i32
      %ge3A_272 = arith.cmpi sge, %add3A_229, %ge3A_271 : i32
      %convert_element_type3A_273 = arith.extui %ge3A_272 : i1 to i32
      %cond3A_274 = arith.constant 0 : i32
      %cond3A_275 = arith.cmpi ne, %convert_element_type3A_273, %cond3A_274 : i32
      scf.if %cond3A_275 {
        %sub3A = arith.constant 1 : i32
        %sub3A_283 = arith.subi %add3A_229, %sub3A : i32
        %rem3A_284 = arith.constant 2 : i32
        %rem3A_285 = arith.remsi %sub3A_283, %rem3A_284 : i32
        %mul3A_286 = arith.constant 2048 : i32
        %mul3A_287 = arith.muli %add3A, %mul3A_286 : i32
        %mul3A_288 = arith.constant 16 : i32
        %mul3A_289 = arith.muli %sub3A_283, %mul3A_288 : i32
        %add3A_290 = arith.addi %mul3A_287, %mul3A_289 : i32
        %rem3A_291 = arith.constant 2 : i32
        %rem3A_292 = arith.remsi %sub3A_283, %rem3A_291 : i32
        %dma_wait3A_293 = arith.constant 0 : i32
        %dma_wait3A_294 = arith.constant 0 : i32
        %dma_wait3A_295 = tpu.memref_slice %arg9[%rem3A_285, %dma_wait3A_293, %dma_wait3A_294] : memref<2x16x768xf32, #tpu.memory_space<vmem>> -> memref<1x16x768xf32, #tpu.memory_space<vmem>>
        %dma_wait3A_296 = tpu.memref_squeeze %dma_wait3A_295 : memref<1x16x768xf32, #tpu.memory_space<vmem>> -> memref<16x768xf32, #tpu.memory_space<vmem>>
        %dma_wait3A_297 = arith.constant 0 : i32
        %dma_wait3A_298 = tpu.memref_slice %arg4[%add3A_290, %dma_wait3A_297] : memref<65536x768xf32, #tpu.memory_space<hbm>> -> memref<16x768xf32, #tpu.memory_space<hbm>>
        %dma_wait3A_299 = tpu.memref_slice %arg11[%rem3A_292] : memref<2x!tpu.dma_semaphore, #tpu.memory_space<semaphore_mem>> -> memref<1x!tpu.dma_semaphore, #tpu.memory_space<semaphore_mem>>
        %dma_wait3A_300 = tpu.memref_squeeze %dma_wait3A_299 : memref<1x!tpu.dma_semaphore, #tpu.memory_space<semaphore_mem>> -> memref<!tpu.dma_semaphore, #tpu.memory_space<semaphore_mem>>
        %dma_wait3A_301 = arith.constant 0 : i32
        %dma_wait3A_302 = tpu.memref_slice %arg4[%add3A_290, %dma_wait3A_301] : memref<65536x768xf32, #tpu.memory_space<hbm>> -> memref<16x768xf32, #tpu.memory_space<hbm>>
        %dma_wait3A_303 = arith.constant 0 : i32
        %dma_wait3A_304 = arith.constant 0 : i32
        %dma_wait3A_305 = tpu.memref_slice %arg9[%rem3A_285, %dma_wait3A_303, %dma_wait3A_304] : memref<2x16x768xf32, #tpu.memory_space<vmem>> -> memref<1x16x768xf32, #tpu.memory_space<vmem>>
        %dma_wait3A_306 = tpu.memref_squeeze %dma_wait3A_305 : memref<1x16x768xf32, #tpu.memory_space<vmem>> -> memref<16x768xf32, #tpu.memory_space<vmem>>
        tpu.wait_dma2 semaphore(%dma_wait3A_300 : memref<!tpu.dma_semaphore, #tpu.memory_space<semaphore_mem>>) src(%dma_wait3A_306 : memref<16x768xf32, #tpu.memory_space<vmem>>) dst(%dma_wait3A_302 : memref<16x768xf32, #tpu.memory_space<hbm>>)
      } else {
      }
      %add3A_276 = arith.constant 1 : i32
      %add3A_277 = arith.addi %add3A_229, %add3A_276 : i32
      %lt3A_278 = arith.constant 128 : i32
      %lt3A_279 = arith.cmpi slt, %add3A_277, %lt3A_278 : i32
      %convert_element_type3A_280 = arith.extui %lt3A_279 : i1 to i32
      %cond3A_281 = arith.constant 0 : i32
      %cond3A_282 = arith.cmpi ne, %convert_element_type3A_280, %cond3A_281 : i32
      scf.if %cond3A_282 {
        %add3A_283 = arith.constant 1 : i32
        %add3A_284 = arith.addi %add3A_229, %add3A_283 : i32
        %add3A_285 = arith.constant 1 : i32
        %add3A_286 = arith.addi %add3A_229, %add3A_285 : i32
        %rem3A_287 = arith.constant 3 : i32
        %rem3A_288 = arith.remsi %add3A_286, %rem3A_287 : i32
        %mul3A_289 = arith.constant 16 : i32
        %mul3A_290 = arith.muli %add3A_284, %mul3A_289 : i32
        %add3A_291 = arith.constant 0 : i32
        %add3A_292 = arith.addi %add3A_291, %mul3A_290 : i32
        %dma_wait3A_293 = arith.constant 0 : i32
        %dma_wait3A_294 = arith.constant 0 : i32
        %dma_wait3A_295 = arith.constant 0 : i32
        %dma_wait3A_296 = tpu.memref_slice %arg8[%rem3A_288, %dma_wait3A_293, %dma_wait3A_294, %dma_wait3A_295] : memref<3x4x16x384xi32, #tpu.memory_space<vmem>> -> memref<1x1x16x384xi32, #tpu.memory_space<vmem>>
        %dma_wait3A_297 = tpu.memref_squeeze %dma_wait3A_296 : memref<1x1x16x384xi32, #tpu.memory_space<vmem>> -> memref<16x384xi32, #tpu.memory_space<vmem>>
        %dma_wait3A_298 = tpu.memref_slice %arg6[%add3A_292] : memref<8192xi32, #tpu.memory_space<vmem>> -> memref<16xi32, #tpu.memory_space<vmem>>
        %dma_wait3A_299 = arith.constant 0 : i32
        %dma_wait3A_300 = arith.constant 0 : i32
        %dma_wait3A_301 = tpu.memref_slice %arg2[%dma_wait3A_299, %dma_wait3A_300] : memref<32768x384xi32, #tpu.memory_space<hbm>> -> memref<32768x384xi32, #tpu.memory_space<hbm>>
        %dma_wait3A_302 = tpu.memref_slice %arg10[%rem3A_288] : memref<3x!tpu.dma_semaphore, #tpu.memory_space<semaphore_mem>> -> memref<1x!tpu.dma_semaphore, #tpu.memory_space<semaphore_mem>>
        %dma_wait3A_303 = tpu.memref_squeeze %dma_wait3A_302 : memref<1x!tpu.dma_semaphore, #tpu.memory_space<semaphore_mem>> -> memref<!tpu.dma_semaphore, #tpu.memory_space<semaphore_mem>>
        tpu.wait_indirect_dma semaphore(%dma_wait3A_303 : memref<!tpu.dma_semaphore, #tpu.memory_space<semaphore_mem>>) src(%dma_wait3A_301 : memref<32768x384xi32, #tpu.memory_space<hbm>>) dst(%dma_wait3A_297 : memref<16x384xi32, #tpu.memory_space<vmem>>)
        %mul3A_304 = arith.constant 16 : i32
        %mul3A_305 = arith.muli %add3A_284, %mul3A_304 : i32
        %add3A_306 = arith.constant 2048 : i32
        %add3A_307 = arith.addi %add3A_306, %mul3A_305 : i32
        %dma_wait3A_308 = arith.constant 1 : i32
        %dma_wait3A_309 = arith.constant 0 : i32
        %dma_wait3A_310 = arith.constant 0 : i32
        %dma_wait3A_311 = tpu.memref_slice %arg8[%rem3A_288, %dma_wait3A_308, %dma_wait3A_309, %dma_wait3A_310] : memref<3x4x16x384xi32, #tpu.memory_space<vmem>> -> memref<1x1x16x384xi32, #tpu.memory_space<vmem>>
        %dma_wait3A_312 = tpu.memref_squeeze %dma_wait3A_311 : memref<1x1x16x384xi32, #tpu.memory_space<vmem>> -> memref<16x384xi32, #tpu.memory_space<vmem>>
        %dma_wait3A_313 = tpu.memref_slice %arg6[%add3A_307] : memref<8192xi32, #tpu.memory_space<vmem>> -> memref<16xi32, #tpu.memory_space<vmem>>
        %dma_wait3A_314 = arith.constant 0 : i32
        %dma_wait3A_315 = arith.constant 0 : i32
        %dma_wait3A_316 = tpu.memref_slice %arg2[%dma_wait3A_314, %dma_wait3A_315] : memref<32768x384xi32, #tpu.memory_space<hbm>> -> memref<32768x384xi32, #tpu.memory_space<hbm>>
        %dma_wait3A_317 = tpu.memref_slice %arg10[%rem3A_288] : memref<3x!tpu.dma_semaphore, #tpu.memory_space<semaphore_mem>> -> memref<1x!tpu.dma_semaphore, #tpu.memory_space<semaphore_mem>>
        %dma_wait3A_318 = tpu.memref_squeeze %dma_wait3A_317 : memref<1x!tpu.dma_semaphore, #tpu.memory_space<semaphore_mem>> -> memref<!tpu.dma_semaphore, #tpu.memory_space<semaphore_mem>>
        tpu.wait_indirect_dma semaphore(%dma_wait3A_318 : memref<!tpu.dma_semaphore, #tpu.memory_space<semaphore_mem>>) src(%dma_wait3A_316 : memref<32768x384xi32, #tpu.memory_space<hbm>>) dst(%dma_wait3A_312 : memref<16x384xi32, #tpu.memory_space<vmem>>)
        %mul3A_319 = arith.constant 16 : i32
        %mul3A_320 = arith.muli %add3A_284, %mul3A_319 : i32
        %add3A_321 = arith.constant 4096 : i32
        %add3A_322 = arith.addi %add3A_321, %mul3A_320 : i32
        %dma_wait3A_323 = arith.constant 2 : i32
        %dma_wait3A_324 = arith.constant 0 : i32
        %dma_wait3A_325 = arith.constant 0 : i32
        %dma_wait3A_326 = tpu.memref_slice %arg8[%rem3A_288, %dma_wait3A_323, %dma_wait3A_324, %dma_wait3A_325] : memref<3x4x16x384xi32, #tpu.memory_space<vmem>> -> memref<1x1x16x384xi32, #tpu.memory_space<vmem>>
        %dma_wait3A_327 = tpu.memref_squeeze %dma_wait3A_326 : memref<1x1x16x384xi32, #tpu.memory_space<vmem>> -> memref<16x384xi32, #tpu.memory_space<vmem>>
        %dma_wait3A_328 = tpu.memref_slice %arg6[%add3A_322] : memref<8192xi32, #tpu.memory_space<vmem>> -> memref<16xi32, #tpu.memory_space<vmem>>
        %dma_wait3A_329 = arith.constant 0 : i32
        %dma_wait3A_330 = arith.constant 0 : i32
        %dma_wait3A_331 = tpu.memref_slice %arg2[%dma_wait3A_329, %dma_wait3A_330] : memref<32768x384xi32, #tpu.memory_space<hbm>> -> memref<32768x384xi32, #tpu.memory_space<hbm>>
        %dma_wait3A_332 = tpu.memref_slice %arg10[%rem3A_288] : memref<3x!tpu.dma_semaphore, #tpu.memory_space<semaphore_mem>> -> memref<1x!tpu.dma_semaphore, #tpu.memory_space<semaphore_mem>>
        %dma_wait3A_333 = tpu.memref_squeeze %dma_wait3A_332 : memref<1x!tpu.dma_semaphore, #tpu.memory_space<semaphore_mem>> -> memref<!tpu.dma_semaphore, #tpu.memory_space<semaphore_mem>>
        tpu.wait_indirect_dma semaphore(%dma_wait3A_333 : memref<!tpu.dma_semaphore, #tpu.memory_space<semaphore_mem>>) src(%dma_wait3A_331 : memref<32768x384xi32, #tpu.memory_space<hbm>>) dst(%dma_wait3A_327 : memref<16x384xi32, #tpu.memory_space<vmem>>)
        %mul3A_334 = arith.constant 16 : i32
        %mul3A_335 = arith.muli %add3A_284, %mul3A_334 : i32
        %add3A_336 = arith.constant 6144 : i32
        %add3A_337 = arith.addi %add3A_336, %mul3A_335 : i32
        %dma_wait3A_338 = arith.constant 3 : i32
        %dma_wait3A_339 = arith.constant 0 : i32
        %dma_wait3A_340 = arith.constant 0 : i32
        %dma_wait3A_341 = tpu.memref_slice %arg8[%rem3A_288, %dma_wait3A_338, %dma_wait3A_339, %dma_wait3A_340] : memref<3x4x16x384xi32, #tpu.memory_space<vmem>> -> memref<1x1x16x384xi32, #tpu.memory_space<vmem>>
        %dma_wait3A_342 = tpu.memref_squeeze %dma_wait3A_341 : memref<1x1x16x384xi32, #tpu.memory_space<vmem>> -> memref<16x384xi32, #tpu.memory_space<vmem>>
        %dma_wait3A_343 = tpu.memref_slice %arg6[%add3A_337] : memref<8192xi32, #tpu.memory_space<vmem>> -> memref<16xi32, #tpu.memory_space<vmem>>
        %dma_wait3A_344 = arith.constant 0 : i32
        %dma_wait3A_345 = arith.constant 0 : i32
        %dma_wait3A_346 = tpu.memref_slice %arg2[%dma_wait3A_344, %dma_wait3A_345] : memref<32768x384xi32, #tpu.memory_space<hbm>> -> memref<32768x384xi32, #tpu.memory_space<hbm>>
        %dma_wait3A_347 = tpu.memref_slice %arg10[%rem3A_288] : memref<3x!tpu.dma_semaphore, #tpu.memory_space<semaphore_mem>> -> memref<1x!tpu.dma_semaphore, #tpu.memory_space<semaphore_mem>>
        %dma_wait3A_348 = tpu.memref_squeeze %dma_wait3A_347 : memref<1x!tpu.dma_semaphore, #tpu.memory_space<semaphore_mem>> -> memref<!tpu.dma_semaphore, #tpu.memory_space<semaphore_mem>>
        tpu.wait_indirect_dma semaphore(%dma_wait3A_348 : memref<!tpu.dma_semaphore, #tpu.memory_space<semaphore_mem>>) src(%dma_wait3A_346 : memref<32768x384xi32, #tpu.memory_space<hbm>>) dst(%dma_wait3A_342 : memref<16x384xi32, #tpu.memory_space<vmem>>)
      } else {
      }
    }
    %scan3A_177 = arith.constant 128 : i32
    %rem3A = arith.constant 127 : i32
    %rem3A_178 = arith.constant 2 : i32
    %rem3A_179 = arith.remsi %rem3A, %rem3A_178 : i32
    %mul3A_180 = arith.constant 2048 : i32
    %mul3A_181 = arith.muli %add3A, %mul3A_180 : i32
    %add3A_182 = arith.constant 2032 : i32
    %add3A_183 = arith.addi %mul3A_181, %add3A_182 : i32
    %rem3A_184 = arith.constant 127 : i32
    %rem3A_185 = arith.constant 2 : i32
    %rem3A_186 = arith.remsi %rem3A_184, %rem3A_185 : i32
    %dma_start3A_187 = arith.constant 0 : i32
    %dma_start3A_188 = arith.constant 0 : i32
    %dma_start3A_189 = tpu.memref_slice %arg9[%rem3A_179, %dma_start3A_187, %dma_start3A_188] : memref<2x16x768xf32, #tpu.memory_space<vmem>> -> memref<1x16x768xf32, #tpu.memory_space<vmem>>
    %dma_start3A_190 = tpu.memref_squeeze %dma_start3A_189 : memref<1x16x768xf32, #tpu.memory_space<vmem>> -> memref<16x768xf32, #tpu.memory_space<vmem>>
    %dma_start3A_191 = arith.constant 0 : i32
    %dma_start3A_192 = tpu.memref_slice %arg4[%add3A_183, %dma_start3A_191] : memref<65536x768xf32, #tpu.memory_space<hbm>> -> memref<16x768xf32, #tpu.memory_space<hbm>>
    %dma_start3A_193 = tpu.memref_slice %arg11[%rem3A_186] : memref<2x!tpu.dma_semaphore, #tpu.memory_space<semaphore_mem>> -> memref<1x!tpu.dma_semaphore, #tpu.memory_space<semaphore_mem>>
    %dma_start3A_194 = tpu.memref_squeeze %dma_start3A_193 : memref<1x!tpu.dma_semaphore, #tpu.memory_space<semaphore_mem>> -> memref<!tpu.dma_semaphore, #tpu.memory_space<semaphore_mem>>
    %dma_start3A_195 = arith.constant 0 : i32
    %dma_start3A_196 = tpu.memref_slice %arg4[%add3A_183, %dma_start3A_195] : memref<65536x768xf32, #tpu.memory_space<hbm>> -> memref<16x768xf32, #tpu.memory_space<hbm>>
    %dma_start3A_197 = arith.constant 0 : i32
    %dma_start3A_198 = arith.constant 0 : i32
    %dma_start3A_199 = tpu.memref_slice %arg9[%rem3A_179, %dma_start3A_197, %dma_start3A_198] : memref<2x16x768xf32, #tpu.memory_space<vmem>> -> memref<1x16x768xf32, #tpu.memory_space<vmem>>
    %dma_start3A_200 = tpu.memref_squeeze %dma_start3A_199 : memref<1x16x768xf32, #tpu.memory_space<vmem>> -> memref<16x768xf32, #tpu.memory_space<vmem>>
    tpu.enqueue_dma source(%dma_start3A_200 : memref<16x768xf32, #tpu.memory_space<vmem>>) target(%dma_start3A_196 : memref<16x768xf32, #tpu.memory_space<hbm>>) target_semaphore(%dma_start3A_194 : memref<!tpu.dma_semaphore, #tpu.memory_space<semaphore_mem>>)
    %rem3A_201 = arith.constant 127 : i32
    %rem3A_202 = arith.constant 2 : i32
    %rem3A_203 = arith.remsi %rem3A_201, %rem3A_202 : i32
    %mul3A_204 = arith.constant 2048 : i32
    %mul3A_205 = arith.muli %add3A, %mul3A_204 : i32
    %add3A_206 = arith.constant 2032 : i32
    %add3A_207 = arith.addi %mul3A_205, %add3A_206 : i32
    %rem3A_208 = arith.constant 127 : i32
    %rem3A_209 = arith.constant 2 : i32
    %rem3A_210 = arith.remsi %rem3A_208, %rem3A_209 : i32
    %dma_wait3A_211 = arith.constant 0 : i32
    %dma_wait3A_212 = arith.constant 0 : i32
    %dma_wait3A_213 = tpu.memref_slice %arg9[%rem3A_203, %dma_wait3A_211, %dma_wait3A_212] : memref<2x16x768xf32, #tpu.memory_space<vmem>> -> memref<1x16x768xf32, #tpu.memory_space<vmem>>
    %dma_wait3A_214 = tpu.memref_squeeze %dma_wait3A_213 : memref<1x16x768xf32, #tpu.memory_space<vmem>> -> memref<16x768xf32, #tpu.memory_space<vmem>>
    %dma_wait3A_215 = arith.constant 0 : i32
    %dma_wait3A_216 = tpu.memref_slice %arg4[%add3A_207, %dma_wait3A_215] : memref<65536x768xf32, #tpu.memory_space<hbm>> -> memref<16x768xf32, #tpu.memory_space<hbm>>
    %dma_wait3A_217 = tpu.memref_slice %arg11[%rem3A_210] : memref<2x!tpu.dma_semaphore, #tpu.memory_space<semaphore_mem>> -> memref<1x!tpu.dma_semaphore, #tpu.memory_space<semaphore_mem>>
    %dma_wait3A_218 = tpu.memref_squeeze %dma_wait3A_217 : memref<1x!tpu.dma_semaphore, #tpu.memory_space<semaphore_mem>> -> memref<!tpu.dma_semaphore, #tpu.memory_space<semaphore_mem>>
    %dma_wait3A_219 = arith.constant 0 : i32
    %dma_wait3A_220 = tpu.memref_slice %arg4[%add3A_207, %dma_wait3A_219] : memref<65536x768xf32, #tpu.memory_space<hbm>> -> memref<16x768xf32, #tpu.memory_space<hbm>>
    %dma_wait3A_221 = arith.constant 0 : i32
    %dma_wait3A_222 = arith.constant 0 : i32
    %dma_wait3A_223 = tpu.memref_slice %arg9[%rem3A_203, %dma_wait3A_221, %dma_wait3A_222] : memref<2x16x768xf32, #tpu.memory_space<vmem>> -> memref<1x16x768xf32, #tpu.memory_space<vmem>>
    %dma_wait3A_224 = tpu.memref_squeeze %dma_wait3A_223 : memref<1x16x768xf32, #tpu.memory_space<vmem>> -> memref<16x768xf32, #tpu.memory_space<vmem>>
    tpu.wait_dma2 semaphore(%dma_wait3A_218 : memref<!tpu.dma_semaphore, #tpu.memory_space<semaphore_mem>>) src(%dma_wait3A_224 : memref<16x768xf32, #tpu.memory_space<vmem>>) dst(%dma_wait3A_220 : memref<16x768xf32, #tpu.memory_space<hbm>>)
    return
  }
}

module attributes {stable_mosaic.version = 14 : i64} {
  func.func @_pack_body(%arg0: i32, %arg1: memref<1x768x1024xf32, #tpu.memory_space<vmem>>, %arg2: memref<1x1024x384xi32, #tpu.memory_space<vmem>>) attributes {dimension_semantics = [#tpu.dimension_semantics<arbitrary>], iteration_bounds = array<i64: 32>, scalar_prefetch = 0 : i64, scratch_operands = 0 : i64, tpu.core_type = #tpu.core_type<tc>, window_params = [{transform_indices = @transform_0, window_bounds = array<i64: 1, 768, 1024>}, {transform_indices = @transform_1, window_bounds = array<i64: 1, 1024, 384>}]} {
    %get3A = arith.constant 0 : index
    %get3A_0 = arith.constant 0 : index
    %get3A_1 = arith.constant 0 : index
    %get3A_2 = vector.load %arg1[%get3A, %get3A_0, %get3A_1] : memref<1x768x1024xf32, #tpu.memory_space<vmem>>, vector<1x768x1024xf32>
    %get3A_3 = vector.shape_cast %get3A_2 : vector<1x768x1024xf32> to vector<768x1024xf32>
    %slice3A = vector.extract_strided_slice %get3A_3 {offsets = [0, 0], sizes = [384, 1024], strides = [1, 1]} : vector<768x1024xf32> to vector<384x1024xf32>
    %bitcast_convert_type3A = tpu.bitcast %slice3A : vector<384x1024xf32> -> vector<384x1024xi32>
    %add3A = arith.constant 32768 : i32
    %add3A_4 = vector.broadcast %add3A : i32 to vector<384x1024xi32>
    %add3A_5 = arith.addi %bitcast_convert_type3A, %add3A_4 : vector<384x1024xi32>
    %shift_right_logical3A = arith.constant 16 : i32
    %shift_right_logical3A_6 = vector.broadcast %shift_right_logical3A : i32 to vector<384x1024xi32>
    %shift_right_logical3A_7 = arith.shrui %add3A_5, %shift_right_logical3A_6 : vector<384x1024xi32>
    %slice3A_8 = vector.extract_strided_slice %get3A_3 {offsets = [384, 0], sizes = [384, 1024], strides = [1, 1]} : vector<768x1024xf32> to vector<384x1024xf32>
    %bitcast_convert_type3A_9 = tpu.bitcast %slice3A_8 : vector<384x1024xf32> -> vector<384x1024xi32>
    %add3A_10 = arith.constant 32768 : i32
    %add3A_11 = vector.broadcast %add3A_10 : i32 to vector<384x1024xi32>
    %add3A_12 = arith.addi %bitcast_convert_type3A_9, %add3A_11 : vector<384x1024xi32>
    %shift_right_logical3A_13 = arith.constant 16 : i32
    %shift_right_logical3A_14 = vector.broadcast %shift_right_logical3A_13 : i32 to vector<384x1024xi32>
    %shift_right_logical3A_15 = arith.shrui %add3A_12, %shift_right_logical3A_14 : vector<384x1024xi32>
    %shift_left3A = arith.constant 16 : i32
    %shift_left3A_16 = vector.broadcast %shift_left3A : i32 to vector<384x1024xi32>
    %shift_left3A_17 = arith.shli %shift_right_logical3A_15, %shift_left3A_16 : vector<384x1024xi32>
    %or3A = arith.ori %shift_right_logical3A_7, %shift_left3A_17 : vector<384x1024xi32>
    %transpose3A = tpu.transpose %or3A, [1, 0] : vector<384x1024xi32> -> vector<1024x384xi32>
    %swap3A = arith.constant 0 : index
    %swap3A_18 = arith.constant 0 : index
    %swap3A_19 = arith.constant 0 : index
    %swap3A_20 = vector.load %arg2[%swap3A, %swap3A_18, %swap3A_19] : memref<1x1024x384xi32, #tpu.memory_space<vmem>>, vector<1x1024x384xi32>
    %swap3A_21 = vector.shape_cast %swap3A_20 : vector<1x1024x384xi32> to vector<1024x384xi32>
    %swap3A_22 = vector.shape_cast %transpose3A : vector<1024x384xi32> to vector<1x1024x384xi32>
    tpu.vector_store %arg2[%swap3A, %swap3A_18, %swap3A_19], %swap3A_22 {strides = array<i32>} : memref<1x1024x384xi32, #tpu.memory_space<vmem>>, vector<1x1024x384xi32>,
    return
  }
  func.func @transform_0(%arg0: i32) -> (i32, i32, i32) {
    %c0_i32 = arith.constant 0 : i32
    %c0_i32_0 = arith.constant 0 : i32
    %c0_i32_1 = arith.constant 0 : i32
    return %arg0, %c0_i32, %c0_i32_0 : i32, i32, i32
  }
  func.func @transform_1(%arg0: i32) -> (i32, i32, i32) {
    %c0_i32 = arith.constant 0 : i32
    %c0_i32_0 = arith.constant 0 : i32
    %c0_i32_1 = arith.constant 0 : i32
    return %arg0, %c0_i32, %c0_i32_0 : i32, i32, i32
  }
}

</mosaic_0001>

<sc_bundles>
// kernel: kernel.4.cloned.1.call-start
scs
__scs_entry_jumppad:
0x0: {  	(pc) =	sbr.rel $0x88, $3  }
0x1: {  	(tag) =	ssettag $0x0;
	lr =	simm.s32 $0x1  }
0x2: {  	[smem:$0x3F9F] =	sst lr;
	_ =	strace $0xD0000000  }
0x3: {  	_ = 	snop  }
0x4: {  	_ = 	snop  }
0x5: {  	_ = 	snop  }
0x6: {  	_ = 	snop  }
0x7: {  	_ = 	snop  }
__scs_overlays_trampoline_lowered:
0x8: {  	[smem:$0x3FAE] =	sst s0  }
0x9: {  	[smem:$0x3FAF] =	sst s1  }
0xa: {  	[smem:$0x3FB0] =	sst s2  }
0xb: {  	[smem:$0x3FB1] =	sst s3  }
0xc: {  	[smem:$0x3FB2] =	sst s4  }
0xd: {  	[smem:$0x3FB3] =	sst s5  }
0xe: {  	[smem:$0x3FB4] =	sst s6  }
0xf: {  	[smem:$0x3FB5] =	sst s7  }
0x10: {  	[smem:$0x3FB6] =	sst s8  }
0x11: {  	[smem:$0x3FB7] =	sst s9;
	s0 =	simm.s32 @!p0 $0x0  }
0x12: {  	s1 =	sld [smem:$0x3F9D];
	s0 =	simm.s32 @p0 $0x1  }
0x13: {  	[smem:$0x3FB8] =	sst s0;
	s0 =	simm.s32 @!p1 $0x0  }
0x14: {  	s2 =	sld [smem:$0x3F9C];
	s0 =	simm.s32 @p1 $0x1  }
0x15: {  	[smem:$0x3FB9] =	sst s0;
	s0 =	simm.s32 @!p2 $0x0  }
0x16: {  	s3 =	sld [smem:$0x3FDB];
	s0 =	simm.s32 @p2 $0x1  }
0x17: {  	s4 =	simm.s32 $0x1BF5;
	[smem:$0x3FBB] =	sst s0  }
0x18: {  	s0 =	sld [smem:$0x3F9E];
	_ =	swait.ge [sflag:s4], $0x0  }
0x19: {  	s7 =	sld [smem:$0x3F9F]  }
0x1a: {  	s8 =	sadd.s32 $0xFFFFE003, lr  }
0x1b: {  	s9 =	sadd.s32 $0xFFFFFEF7, lr;
	s5 =	simm.s32 $0xFFFFFFFF;
	p2 =	slt.u32 s8, $0xFFFFF086  }
0x1c: {  	p1 =	slt.u32 s9, $0xF7A;
	s5 =	simm.s32 @!p2 $0x0  }
0x1d: {  	s5 =	simm.s32 @p1 $0x1;
	p0 =	seq.s32 s7, s2  }
0x1e: {  	s7 =	smul.u32 @!p0 $0xF7A, s2;
	p2 =	seq.s32 @!p0 s5, $0x0  }
0x1f: {  	s9 =	smul.u32 $0xF7A, s1;
	s8 =	simm.s32 @!p0 $0x1BF5;
	p2 =	por !p2, p0  }
0x20: {  	[sflag:s8] =	ssyncset.s32 @!p0 $0xFFFFF086;
	s6 =	sadd.s32 @!p0 s3, s7;
	s7 =	simm.s32 @!p0 $0x108  }
0x21: {  	s3 =	sadd.s32 s3, s9;
	s6 =	sadd.s32 @!p0 $0x88, s6;
	s7 =	simm.s32 @p2 $0x1082  }
0x22: {  	[simem:s7], [sflag:s8] =	dma.local @!p0 [hbm:s6], $0xF7A  }
0x23: {  	s9 =	sor.u32 $0xD0000000, s2;
	s6 =	simm.s32 $0x108;
	_ =	swait.ge @!p0 [sflag:s8], $0x0  }
0x24: {  	s3 =	sadd.s32 $0x88, s3;
	s6 =	simm.s32 @!p1 $0x1082;
	[sflag:s4] =	ssyncset.s32 $0xFFFFF086  }
0x25: {  	[simem:s6], [sflag:s4] =	dma.local [hbm:s3], $0xF7A  }
0x26: {  	[smem:$0x3F9F] =	sst s1;
	(tag) =	ssettag s2;
	_ =	strace s9  }
0x27: {  	s1 =	sld [smem:$0x3FAF]  }
0x28: {  	s2 =	sld [smem:$0x3FB0]  }
0x29: {  	s4 =	sld [smem:$0x3FB2]  }
0x2a: {  	p0 =	seq.s32 s5, $0x0;
	s5 =	sld [smem:$0x3FB3]  }
0x2b: {  	s6 =	sld [smem:$0x3FB4]  }
0x2c: {  	s7 =	sld [smem:$0x3FB5]  }
0x2d: {  	s3 =	simm.s32 $0x108;
	s8 =	sld [smem:$0x3FB6]  }
0x2e: {  	s3 =	simm.s32 @!p0 $0x1082;
	s9 =	sld [smem:$0x3FB7]  }
0x2f: {  	lr =	sadd.s32 s0, s3;
	s0 =	sld [smem:$0x3FAE]  }
0x30: {  	s3 =	sld [smem:$0x3FB1]  }
0x31: {  	[smem:$0x3FBA] =	sst s10  }
0x32: {  	s10 =	sld [smem:$0x3FB8];
	_ =	sdelay $0x3  }
0x33: {  	p0 =	seq.s32 s10, $0x1;
	s10 =	sld [smem:$0x3FBA];
	_ =	sdelay $0x3  }
0x34: {  	[smem:$0x3FBA] =	sst s10  }
0x35: {  	s10 =	sld [smem:$0x3FB9];
	_ =	sdelay $0x3  }
0x36: {  	p1 =	seq.s32 s10, $0x1;
	s10 =	sld [smem:$0x3FBA];
	_ =	sdelay $0x3  }
0x37: {  	[smem:$0x3FBA] =	sst s10  }
0x38: {  	s10 =	sld [smem:$0x3FBB]  }
0x39: {  	_ = 	snop;
	(pc) =	sbr.ind lr, $3  }
0x3a: {  	_ = 	snop  }
0x3b: {  	_ = 	snop  }
0x3c: {  	p2 =	seq.s32 s10, $0x1;
	s10 =	sld [smem:$0x3FBA]  }
0x3d: {  	_ =	shalt  }
0x3e: {  	_ =	shalt  }
0x3f: {  	_ =	shalt  }
0x40: {  	_ =	shalt  }
0x41: {  	_ =	shalt  }
0x42: {  	_ =	shalt  }
0x43: {  	_ =	shalt  }
0x44: {  	_ =	shalt  }
0x45: {  	_ =	shalt  }
0x46: {  	_ =	shalt  }
0x47: {  	_ =	shalt  }
0x48: {  	_ =	shalt  }
0x49: {  	_ =	shalt  }
0x4a: {  	_ =	shalt  }
0x4b: {  	_ =	shalt  }
0x4c: {  	_ =	shalt  }
0x4d: {  	_ =	shalt  }
0x4e: {  	_ =	shalt  }
0x4f: {  	_ =	shalt  }
0x50: {  	_ =	shalt  }
0x51: {  	_ =	shalt  }
0x52: {  	_ =	shalt  }
0x53: {  	_ =	shalt  }
0x54: {  	_ =	shalt  }
0x55: {  	_ =	shalt  }
0x56: {  	_ =	shalt  }
0x57: {  	_ =	shalt  }
0x58: {  	_ =	shalt  }
0x59: {  	_ =	shalt  }
0x5a: {  	_ =	shalt  }
0x5b: {  	_ =	shalt  }
0x5c: {  	_ =	shalt  }
0x5d: {  	_ =	shalt  }
0x5e: {  	_ =	shalt  }
0x5f: {  	_ =	shalt  }
0x60: {  	_ =	shalt  }
0x61: {  	_ =	shalt  }
0x62: {  	_ =	shalt  }
0x63: {  	_ =	shalt  }
0x64: {  	_ =	shalt  }
0x65: {  	_ =	shalt  }
0x66: {  	_ =	shalt  }
0x67: {  	_ =	shalt  }
0x68: {  	_ =	shalt  }
0x69: {  	_ =	shalt  }
0x6a: {  	_ =	shalt  }
0x6b: {  	_ =	shalt  }
0x6c: {  	_ =	shalt  }
0x6d: {  	_ =	shalt  }
0x6e: {  	_ =	shalt  }
0x6f: {  	_ =	shalt  }
0x70: {  	_ =	shalt  }
0x71: {  	_ =	shalt  }
0x72: {  	_ =	shalt  }
0x73: {  	_ =	shalt  }
0x74: {  	_ =	shalt  }
0x75: {  	_ =	shalt  }
0x76: {  	_ =	shalt  }
0x77: {  	_ =	shalt  }
0x78: {  	_ =	shalt  }
0x79: {  	_ =	shalt  }
0x7a: {  	_ =	shalt  }
0x7b: {  	_ =	shalt  }
0x7c: {  	_ =	shalt  }
0x7d: {  	_ =	shalt  }
0x7e: {  	_ =	shalt  }
0x7f: {  	_ =	shalt  }
0x80: {  	_ =	shalt  }
0x81: {  	_ =	shalt  }
0x82: {  	_ =	shalt  }
0x83: {  	_ =	shalt  }
0x84: {  	_ =	shalt  }
0x85: {  	_ =	shalt  }
0x86: {  	_ =	shalt  }
0x87: {  	_ =	shalt  }
.Lfunc_end0:
.L_simem_size_0:
called_computation_lowered:
.L_overlay_start_0:
0x88: {  	s2 =	sld [smem:$0x3FD9]  }
0x89: {  	s3 =	sld [smem:$0x3FFE];
	_ =	sdelay $0x1  }
0x8a: {  	s1 =	srdreg.scid  }
0x8b: {  	s0 =	sand.u32 $0x1, s1  }
0x8c: {  	s17 =	sshll.u32 s0, $0xA;
	s2 =	sadd.s32 s3, s2  }
0x8d: {  	s2 =	sadd.s32 s2, s17  }
0x8e: {  	[smem:$0x3FC6] =	sst s2  }
0x8f: {  	_ = 	snop  }
0x90: {  	s2 =	sld [smem:$0x3FC8]  }
0x91: {  	s18 =	sld [smem:$0x3FD0];
	(tm) =	ssettm $0x1  }
0x92: {  	s4 =	sld [smem:$0x3FFB];
	_ =	sdelay $0x3  }
0x93: {  	_ =	strace s4  }
0x94: {  	s4 =	sld [smem:$0x3FFC];
	_ =	sdelay $0x3  }
0x95: {  	_ =	strace s4  }
0x96: {  	s4 =	sld [smem:$0x3FFD];
	_ =	sdelay $0x3  }
0x97: {  	_ =	strace s4  }
0x98: {  	_ =	strace $0x8FFFFFFF  }
0x99: {  	s19 =	sld [smem:$0x3FDB];
	_ =	sdelay $0x1  }
0x9a: {  	s5 =	simm.s32 $_scs_section_size  }
0x9b: {  	s6 =	simm.s32 $_size__tile_overlayer_lowered;
	s7 =	simm.s32 $_tile_overlayer_lowered  }
0x9c: {  	s22 =	simm.s32 $0x1BFF;
	s21 =	sshll.u32 s7, $0x1;
	s4 =	sadd.s32 s5, s19  }
0x9d: {  	s8 =	simm.s32 $0x0;
	s20 =	sshll.u32 s6, $0x1;
	s6 =	sadd.s32 s21, s4  }
0x9e: {  	[timem:s8], [sflag:s22] =	dma.local [hbm:s6], s20  }
0x9f: {  	_ =	swait.ge [sflag:s22], s20  }
0xa0: {  	s5 =	ssub.s32 $0x0, s20;
	[sflag:s22] =	ssyncset.done $0x0  }
0xa1: {  	[sflag:s22] =	ssyncadd.s32 s5;
	_ =	sdelay $0x1  }
0xa2: {  	s23 =	simm.s32 $0x1B8B  }
0xa3: {  	_ =	swait.ge [sflag:s23], $0x1  }
0xa4: {  	[sflag:s23] =	ssyncset.done $0x0  }
0xa5: {  	s25 =	simm.s32 $0x1B8E;
	s24 =	sld [smem:$0x3FFE];
	[sflag:s23] =	ssyncadd.s32 $0xFFFFFFFF  }
0xa6: {  	s26 =	simm.s32 $execute0_lowered;
	[smem:$0x3FD2] =	sst s25  }
0xa7: {  	s6 =	sshll.u32 s26, $0x1;
	_ =	strace $0x80000046;
	[dreg:$0x1] =	wrdreg $0xFFFFFFFF  }
0xa8: {  	s28 =	simm.s32 $_size_execute0_lowered;
	s4 =	sadd.s32 s4, s6;
	[dreg:$0x0] =	wrdreg $0x0  }
0xa9: {  	s6 =	sshll.u32 s28, $0x1;
	[dreg:$0x2] =	wrdreg s4  }
0xaa: {  	[dreg:$0x3] =	wrdreg s6  }
0xab: {  	[dreg:$0x4] =	wrdreg $0xC0  }
0xac: {  	_ =	task [dreg:s8], $0x5FFFF  }
0xad: {  	[dreg:$0x1] =	wrdreg $0xFFFFFFFF  }
0xae: {  	[dreg:$0x0] =	wrdreg $0x60  }
0xaf: {  	[dreg:$0x2] =	wrdreg s24  }
0xb0: {  	[dreg:$0x3] =	wrdreg s2  }
0xb1: {  	[dreg:$0x4] =	wrdreg s18  }
0xb2: {  	[dreg:$0x5] =	wrdreg $0x9  }
0xb3: {  	_ =	task.clear_ibuf [dreg:s8], $0x6FFFF;
	_ =	strace $0x90000046  }
0xb4: {  	s29 =	simm.s32 $0x9;
	_ =	strace $0x80000048  }
0xb5: {  	_ =	swait.ge [sflag:s29], $0x1  }
0xb6: {  	[sflag:s29] =	ssyncadd.s32 $0xFFFFFFFF  }
0xb7: {  	_ =	strace $0x90000048  }
0xb8: {  	_ =	sfence  }
0xb9: {  	s30 =	sld [smem:$0x0];
	_ =	sdelay $0x2  }
0xba: {  	s31 =	sshll.u32 s1, $0xD;
	s1 =	sshrl.u32 s1, $0x2  }
0xbb: {  	s3 =	sand.u32 $0x4000, s31;
	s1 =	sadd.s32 s1, s30  }
0xbc: {  	s0 =	sor.u32 s3, s0;
	s1 =	sshll.u32 s1, $0x11  }
0xbd: {  	s0 =	sor.u32 s1, s0  }
0xbe: {  	s0 =	sadd.s32 $0x8F2B, s0  }
0xbf: {  	[sflag:s0] =	ssyncadd.remote.s32 $0x1  }
0xc0: {  	_ =	sfence.sel $0xFFFF  }
0xc1: {  	[dreg:$0x0] =	wrdreg $0xFFFFFFFF;
	(pc) =	sbr.abs _section_cstart, $3  }
0xc2: {  	[dreg:$0x1] =	wrdreg $0xFFFFFFFF  }
0xc3: {  	_ =	task.clear_ibuf [dreg:s8], $0x2FFFF;
	_ =	strace $0x9FFFFFFF  }
0xc4: {  	(tm) =	ssettm $0x7FFFFFFF  }
0xc5: {  	_ =	shalt  }
tec
execute0_lowered:
.L_overlay_start_1:
0x0: {  	(tag) =	ssettag $0x1  }
0x1: {  	s0 =	rddreg [dreg:$0x0]  }
0x2: {  	s1 =	srdreg.scid;
	s2 =	stileid.u32  }
0x3: {  	s3 =	rddreg [dreg:$0x2];
	s4 =	simm.s32 $0x0;
	s10 =	simm.s32 $0x6  }
0x4: {  	s17 =	simm.s32 $0x10000;
	s1 =	sand.u32 $0x1, s1;
	s2 =	sshll.u32 s2, $0x1  }
0x5: {  	s18 =	simm.s32 $0x10400;
	s19 =	simm.s32 $0x10C00;
	s2 =	sor.u32 s1, s2  }
0x6: {  	s20 =	simm.s32 $0x1A000;
	s21 =	simm.s32 $0x5;
	s6 =	smul.u32 $0x180000, s2  }
.Ltmp0:
0x7: {  	s22 =	simm.s32 $0x0;
	[smem:$0x7FF] =	sst s4;
	(pc) =	sbr.rel .LBB2_1-.Ltmp0, $4  }
0x8: {  	s5 =	sadd.s32 $0x400, s0;
	s1 =	ssub.s32 $0x2, s1;
	_ =	strace $0x80000047  }
0x9: {  	v3 =	vlaneseq.u32;
	vm0 =	vmmov $0xffff;
	s7 =	sshrl.u32 s1, $0x1;
	s11 =	sshll.u32 s2, $0xA;
	s30 =	sshrl.u32 s6, $0x3  }
0xa: {  	vm1 =	vmmov $0xff;
	v2 =	vshrl.u32 v3, $0x3;
	v1 =	vand.u32 $0x7, v3;
	s1 =	ssub.s32 s1, s7;
	s7 =	sshll.u32 s2, $0xB;
	s31 =	sadd.s32 s3, s30  }
0xb: {  	v3 =	vor.u32 $0x8, v3;
	v2 =	vmul.u32 $0x8, v2;
	v0 =	vmov s11;
	s6 =	sadd.s32 $0x500, s0;
	s9 =	smax.u32 s1, $0x1;
	s8 =	sadd.s32 $0x2FA00, s31  }
.LBB2_10:
0xc: {  	s22 =	sadd.s32 $0x1, s22  }
0xd: {  	p0 =	sne.s32 s22, s9  }
.Ltmp1:
0xe: {  	_ = 	snop;
	(pc) =	sbr.rel @!p0 .LBB2_11-.Ltmp1, $4  }
0xf: {  	[hbm4b:s8+s4] =	stream.linear.scatter [tilespmem:s20], [sflag:$0x5], $0x3000, $0x38;
	[tilespmem:$0x1D000] =	vst v63  }
0x10: {  	_ =	swait.ge [sflag:s21], $0x3000  }
0x11: {  	[sflag:s21] =	ssyncset.done $0x0  }
0x12: {  	[sflag:s21] =	ssyncadd.s32 $0xFFFFD000  }
.LBB2_1:
0x13: {  	s0 =	rddreg [dreg:$0x1]  }
0x14: {  	[tilespmem:s4], [sflag:$0x6] =	stream.linear.gather [hbm4b:s0+s4], $0x1000, $0x38;
	[tilespmem:$0x1D000] =	vst v63  }
0x15: {  	_ =	swait.ge [sflag:s10], $0x1000  }
0x16: {  	s30 =	sand.u32 $0x70, s4;
	s1 =	sand.u32 $0xF00, s4;
	[sflag:s10] =	ssyncset.done $0x0  }
0x17: {  	s0 =	sor.u32 s30, s1;
	[sflag:s10] =	ssyncadd.s32 $0xFFFFF000  }
0x18: {  	v4 =	vld [tilespmem:s0+$0x0]  }
0x19: {  	v5 =	vld [tilespmem:s0+$0x80];
	_ =	sdelay $0x3  }
0x1a: {  	v4 =	vadd.f32 v4, v4  }
0x1b: {  	v5 =	vadd.f32 v5, v5  }
0x1c: {  	v4 =	vmul.f32 $1.442695020e+00, v4  }
0x1d: {  	v5 =	vmul.f32 $1.442695020e+00, v5  }
0x1e: {  	(erf) = vpow2.f32 v4  }
0x1f: {  	(erf) = vpow2.f32 v5;
	_ =	sdelay $0x7  }
0x20: {  	v4 =	vpop (erf)  }
0x21: {  	v4 =	vadd.f32 $1.000000000e+00, v4;
	v5 =	vpop (erf)  }
0x22: {  	v5 =	vadd.f32 $1.000000000e+00, v5  }
0x23: {  	(erf) = vrcp.f32 v4  }
0x24: {  	(erf) = vrcp.f32 v5;
	_ =	sdelay $0x7  }
0x25: {  	v4 =	vpop (erf)  }
0x26: {  	v5 =	vpop (erf)  }
0x27: {  	v4 =	vadd.f32 v4, v4;
	v5 =	vadd.f32 v5, v5;
	_ =	sdelay $0x1  }
0x28: {  	v4 =	vsub.f32 $1.000000000e+00, v4;
	v5 =	vsub.f32 $1.000000000e+00, v5;
	_ =	sdelay $0x1  }
0x29: {  	v4 =	vadd.f32 $1.000000000e+00, v4;
	v5 =	vadd.f32 $1.000000000e+00, v5;
	_ =	sdelay $0x1  }
0x2a: {  	v4 =	vmul.f32 $1.600000000e+01, v4;
	v5 =	vmul.f32 $1.600000000e+01, v5;
	_ =	sdelay $0x1  }
0x2b: {  	v4 =	vadd.f32 $-5.000000000e-01, v4;
	v5 =	vadd.f32 $-5.000000000e-01, v5;
	_ =	sdelay $0x1  }
0x2c: {  	v4 =	vmax.f32 v4, $0.0e+00;
	v5 =	vmax.f32 v5, $0.0e+00  }
0x2d: {  	v4 =	vmin.f32 v4, $3.100000000e+01;
	v5 =	vmin.f32 v5, $3.100000000e+01  }
0x2e: {  	v6 =	vtrunc.f32 v4;
	v7 =	vtrunc.f32 v5  }
0x2f: {  	v6 =	vcvt.f32.s32 v6;
	v7 =	vcvt.f32.s32 v7;
	_ =	sdelay $0x1  }
0x30: {  	v8 =	vcvt.s32.f32 v6;
	v9 =	vcvt.s32.f32 v7;
	_ =	sdelay $0x1  }
0x31: {  	v4 =	vsub.f32 v4, v8;
	v62 =	vsub.f32 v5, v9  }
0x32: {  	v11 =	vadd.s32 $0x1, v6;
	v5 =	vadd.s32 $0x1, v7  }
0x33: {  	v7 =	vshll.u32 v7, $0x5;
	v63 =	vsub.f32 $1.000000000e+00, v4;
	v10 =	vsub.f32 $1.000000000e+00, v62  }
0x34: {  	vm3 =	vlt.s32 v11, $0x1F;
	v7 =	vadd.s32 v0, v7  }
0x35: {  	s2 =	simm.s32 $0x2000;
	vm2 =	vlt.s32 v5, $0x1F;
	v12 =	vadd.s32 v6, v7;
	v13 =	vmul.f32 v10, v63  }
0x36: {  	s11 =	simm.s32 $0x4000;
	v11 =	vnsel vm3, $0x1F, v11;
	v5 =	vnsel vm2, $0x1F, v5;
	[tilespmem:s2+$0xFFFFF000] =	vst v12  }
0x37: {  	v7 =	vadd.s32 v11, v7;
	v5 =	vshll.u32 v5, $0x5;
	v10 =	vmul.f32 v10, v4;
	[tilespmem:s11+$0xFFFFF000] =	vst v13  }
0x38: {  	v5 =	vadd.s32 v0, v5;
	[tilespmem:s2+$0xFFFFF800] =	vst v7  }
0x39: {  	v6 =	vadd.s32 v6, v5;
	v7 =	vmul.f32 v63, v62;
	[tilespmem:s11+$0xFFFFF800] =	vst v10  }
0x3a: {  	s31 =	simm.s32 $0x10;
	s15 =	simm.s32 $0x20;
	s13 =	simm.s32 $0x20;
	[tilespmem:s2+$0x0] =	vst v6  }
0x3b: {  	s12 =	sand.u32 $0x70, s31;
	s1 =	simm.s32 $0x4010;
	s0 =	simm.s32 $0x2010;
	v4 =	vmul.f32 v62, v4;
	v5 =	vadd.s32 v11, v5;
	[tilespmem:s11+$0x0] =	vst v7  }
.LBB2_2:
0x3c: {  	s16 =	sand.u32 $0x70, s15;
	[tilespmem:s2+$0x800] =	vst v5;
	s2 =	smov.u32 s15  }
0x3d: {  	s23 =	sand.u32 $0xF00, s13;
	s14 =	sadd.s32 $0x10, s15;
	s2 =	smov.u32 s0  }
0x3e: {  	p0 =	sne.s32 s15, $0x7F0;
	s15 =	sor.u32 s12, s23;
	s12 =	smov.u32 s16;
	[tilespmem:s11+$0x800] =	vst v4  }
0x3f: {  	s11 =	smov.u32 s1;
	v4 =	vld [tilespmem:s15+$0x0]  }
0x40: {  	v5 =	vld [tilespmem:s15+$0x80];
	_ =	sdelay $0x3  }
0x41: {  	v4 =	vadd.f32 v4, v4  }
0x42: {  	v5 =	vadd.f32 v5, v5  }
0x43: {  	v4 =	vmul.f32 $1.442695020e+00, v4  }
0x44: {  	v5 =	vmul.f32 $1.442695020e+00, v5  }
0x45: {  	(erf) = vpow2.f32 v4  }
0x46: {  	(erf) = vpow2.f32 v5;
	_ =	sdelay $0x7  }
0x47: {  	v4 =	vpop (erf)  }
0x48: {  	v4 =	vadd.f32 $1.000000000e+00, v4;
	v5 =	vpop (erf)  }
0x49: {  	v5 =	vadd.f32 $1.000000000e+00, v5  }
0x4a: {  	(erf) = vrcp.f32 v4  }
0x4b: {  	(erf) = vrcp.f32 v5;
	_ =	sdelay $0x7  }
0x4c: {  	v4 =	vpop (erf)  }
0x4d: {  	v4 =	vadd.f32 v4, v4;
	v5 =	vpop (erf)  }
0x4e: {  	v5 =	vadd.f32 v5, v5  }
0x4f: {  	v4 =	vsub.f32 $1.000000000e+00, v4  }
0x50: {  	v5 =	vsub.f32 $1.000000000e+00, v5  }
0x51: {  	v4 =	vadd.f32 $1.000000000e+00, v4  }
0x52: {  	v5 =	vadd.f32 $1.000000000e+00, v5  }
0x53: {  	v4 =	vmul.f32 $1.600000000e+01, v4  }
0x54: {  	v5 =	vmul.f32 $1.600000000e+01, v5  }
0x55: {  	v4 =	vadd.f32 $-5.000000000e-01, v4  }
0x56: {  	v5 =	vadd.f32 $-5.000000000e-01, v5  }
0x57: {  	v4 =	vmax.f32 v4, $0.0e+00  }
0x58: {  	v4 =	vmin.f32 v4, $3.100000000e+01;
	v5 =	vmax.f32 v5, $0.0e+00  }
0x59: {  	v5 =	vmin.f32 v5, $3.100000000e+01;
	v6 =	vtrunc.f32 v4  }
0x5a: {  	v6 =	vcvt.f32.s32 v6;
	v7 =	vtrunc.f32 v5  }
0x5b: {  	v7 =	vcvt.f32.s32 v7  }
0x5c: {  	v8 =	vcvt.s32.f32 v6;
	v9 =	vadd.s32 $0x1, v6  }
0x5d: {  	v10 =	vcvt.s32.f32 v7;
	v11 =	vadd.s32 $0x1, v7;
	v7 =	vshll.u32 v7, $0x5  }
0x5e: {  	v4 =	vsub.f32 v4, v8;
	vm2 =	vlt.s32 v11, $0x1F;
	v7 =	vadd.s32 v0, v7  }
0x5f: {  	v8 =	vsub.f32 v5, v10;
	v5 =	vnsel vm2, $0x1F, v11;
	v10 =	vadd.s32 v6, v7  }
0x60: {  	vm2 =	vlt.s32 v9, $0x1F;
	v11 =	vsub.f32 $1.000000000e+00, v4;
	v5 =	vshll.u32 v5, $0x5  }
0x61: {  	v9 =	vnsel vm2, $0x1F, v9;
	v12 =	vsub.f32 $1.000000000e+00, v8;
	v5 =	vadd.s32 v0, v5  }
0x62: {  	v7 =	vadd.s32 v9, v7;
	v6 =	vadd.s32 v6, v5;
	v13 =	vmul.f32 v11, v8  }
0x63: {  	v5 =	vadd.s32 v9, v5;
	v11 =	vmul.f32 v12, v11;
	v12 =	vmul.f32 v12, v4;
	[tilespmem:s0+$0xFFFFF000] =	vst v10  }
0x64: {  	v4 =	vmul.f32 v8, v4  }
.Ltmp2:
0x65: {  	[tilespmem:s1+$0xFFFFF000] =	vst v11;
	(pc) =	sbr.rel @p0 .LBB2_2-.Ltmp2, $4  }
0x66: {  	[tilespmem:s0+$0xFFFFF800] =	vst v7  }
0x67: {  	[tilespmem:s1+$0xFFFFF800] =	vst v12  }
0x68: {  	s13 =	sadd.s32 $0x20, s13;
	[tilespmem:s0+$0x0] =	vst v6  }
0x69: {  	s15 =	smov.u32 s14;
	s1 =	sadd.s32 $0x10, s1;
	s0 =	sadd.s32 $0x10, s0;
	[tilespmem:s11+$0x0] =	vst v13  }
0x6a: {  	[tilespmem:s2+$0x800] =	vst v5;
	s31 =	sand.u32 $0xF00, s13  }
0x6b: {  	s2 =	sor.u32 s12, s31;
	[tilespmem:s11+$0x800] =	vst v4  }
0x6c: {  	v4 =	vld [tilespmem:s2+$0x0]  }
0x6d: {  	v5 =	vld [tilespmem:s2+$0x80];
	_ =	sdelay $0x3  }
0x6e: {  	v4 =	vadd.f32 v4, v4  }
0x6f: {  	v5 =	vadd.f32 v5, v5  }
0x70: {  	v4 =	vmul.f32 $1.442695020e+00, v4  }
0x71: {  	v5 =	vmul.f32 $1.442695020e+00, v5  }
0x72: {  	(erf) = vpow2.f32 v4  }
0x73: {  	(erf) = vpow2.f32 v5;
	_ =	sdelay $0x7  }
0x74: {  	v4 =	vpop (erf)  }
0x75: {  	v4 =	vadd.f32 $1.000000000e+00, v4;
	v5 =	vpop (erf)  }
0x76: {  	v5 =	vadd.f32 $1.000000000e+00, v5  }
0x77: {  	(erf) = vrcp.f32 v4  }
0x78: {  	(erf) = vrcp.f32 v5;
	_ =	sdelay $0x7  }
0x79: {  	v4 =	vpop (erf)  }
0x7a: {  	v5 =	vpop (erf)  }
0x7b: {  	v4 =	vadd.f32 v4, v4;
	v5 =	vadd.f32 v5, v5;
	_ =	sdelay $0x1  }
0x7c: {  	v4 =	vsub.f32 $1.000000000e+00, v4;
	v5 =	vsub.f32 $1.000000000e+00, v5;
	_ =	sdelay $0x1  }
0x7d: {  	v4 =	vadd.f32 $1.000000000e+00, v4;
	v5 =	vadd.f32 $1.000000000e+00, v5;
	_ =	sdelay $0x1  }
0x7e: {  	v4 =	vmul.f32 $1.600000000e+01, v4;
	v5 =	vmul.f32 $1.600000000e+01, v5;
	_ =	sdelay $0x1  }
0x7f: {  	v4 =	vadd.f32 $-5.000000000e-01, v4;
	v5 =	vadd.f32 $-5.000000000e-01, v5;
	_ =	sdelay $0x1  }
0x80: {  	v4 =	vmax.f32 v4, $0.0e+00;
	v5 =	vmax.f32 v5, $0.0e+00  }
0x81: {  	v4 =	vmin.f32 v4, $3.100000000e+01;
	v5 =	vmin.f32 v5, $3.100000000e+01  }
0x82: {  	v6 =	vtrunc.f32 v4;
	v7 =	vtrunc.f32 v5  }
0x83: {  	v6 =	vcvt.f32.s32 v6;
	v7 =	vcvt.f32.s32 v7;
	_ =	sdelay $0x1  }
0x84: {  	v8 =	vcvt.s32.f32 v6;
	v9 =	vcvt.s32.f32 v7;
	_ =	sdelay $0x1  }
0x85: {  	v4 =	vsub.f32 v4, v8;
	v5 =	vsub.f32 v5, v9  }
0x86: {  	v11 =	vadd.s32 $0x1, v6;
	v60 =	vadd.s32 $0x1, v7  }
0x87: {  	v7 =	vshll.u32 v7, $0x5;
	v61 =	vsub.f32 $1.000000000e+00, v4;
	v10 =	vsub.f32 $1.000000000e+00, v5  }
0x88: {  	vm3 =	vlt.s32 v11, $0x1F;
	v7 =	vadd.s32 v0, v7  }
0x89: {  	vm2 =	vlt.s32 v60, $0x1F;
	v12 =	vadd.s32 v6, v7;
	v13 =	vmul.f32 v10, v61  }
0x8a: {  	v11 =	vnsel vm3, $0x1F, v11;
	v8 =	vnsel vm2, $0x1F, v60;
	[tilespmem:s0+$0xFFFFF000] =	vst v12  }
0x8b: {  	v7 =	vadd.s32 v11, v7;
	v8 =	vshll.u32 v8, $0x5;
	v10 =	vmul.f32 v10, v4;
	[tilespmem:s1+$0xFFFFF000] =	vst v13  }
0x8c: {  	v8 =	vadd.s32 v0, v8;
	[tilespmem:s0+$0xFFFFF800] =	vst v7  }
0x8d: {  	v6 =	vadd.s32 v6, v8;
	v62 =	vmul.f32 v61, v5;
	[tilespmem:s1+$0xFFFFF800] =	vst v10  }
0x8e: {  	[tilespmem:s0+$0x0] =	vst v6  }
0x8f: {  	v63 =	vadd.s32 v11, v8;
	v4 =	vmul.f32 v5, v4;
	[tilespmem:s1+$0x0] =	vst v62  }
0x90: {  	[tilespmem:s0+$0x800] =	vst v63  }
0x91: {  	[tilespmem:s1+$0x800] =	vst v4  }
0x92: {  	v4 =	vld [tilespmem:$0x1000];
	_ =	sdelay $0x4  }
0x93: {  	v5 =	vshrl.u32 v4, $0x3  }
0x94: {  	v5 =	vmul.u32 $0x18, v5  }
0x95: {  	v4 =	vand.u32 $0x7, v4  }
0x96: {  	v4 =	vor.u32 v4, v5  }
0x97: {  	v5 =	vperm.xlane v4, v1;
	_ =	sdelay $0x1  }
0x98: {  	v5 =	vadd.s32 v2, v5;
	_ =	sdelay $0x1  }
0x99: {  	v4 =	vperm.xlane v4, v3;
	_ =	sdelay $0x1  }
0x9a: {  	s23 =	simm.s32 $0x0;
	s2 =	simm.s32 $0x5000;
	v4 =	vadd.s32 v2, v4  }
0x9b: {  	[tilespmem:s2], [sflag:$0x1] =	stream.indirect_vreg.gather [hbm4b:s5+s23], $0x80, v5, vm0, $0xb8;
	[tilespmem:$0x1D000] =	vst v63  }
0x9c: {  	s11 =	simm.s32 $0x5800  }
0x9d: {  	[tilespmem:s11], [sflag:$0x1] =	stream.indirect_vreg.gather [hbm4b:s6+s23], $0x80, v5, vm1, $0xb8;
	[tilespmem:$0x1D000] =	vst v63  }
0x9e: {  	s12 =	simm.s32 $0x5C00  }
0x9f: {  	[tilespmem:s12], [sflag:$0x1] =	stream.indirect_vreg.gather [hbm4b:s5+s23], $0x80, v4, vm0, $0xb8;
	[tilespmem:$0x1D000] =	vst v63  }
0xa0: {  	s13 =	simm.s32 $0x6400  }
0xa1: {  	[tilespmem:s13], [sflag:$0x1] =	stream.indirect_vreg.gather [hbm4b:s6+s23], $0x80, v4, vm1, $0xb8;
	[tilespmem:$0x1D000] =	vst v63  }
0xa2: {  	v4 =	vld [tilespmem:$0x1800];
	_ =	sdelay $0x4  }
0xa3: {  	v5 =	vshrl.u32 v4, $0x3  }
0xa4: {  	v5 =	vmul.u32 $0x18, v5  }
0xa5: {  	v4 =	vand.u32 $0x7, v4  }
0xa6: {  	v4 =	vor.u32 v4, v5  }
0xa7: {  	v5 =	vperm.xlane v4, v1;
	_ =	sdelay $0x1  }
0xa8: {  	v5 =	vadd.s32 v2, v5;
	_ =	sdelay $0x1  }
0xa9: {  	v4 =	vperm.xlane v4, v3;
	_ =	sdelay $0x1  }
0xaa: {  	s14 =	simm.s32 $0x6800;
	v4 =	vadd.s32 v2, v4  }
0xab: {  	[tilespmem:s14], [sflag:$0x1] =	stream.indirect_vreg.gather [hbm4b:s5+s23], $0x80, v5, vm0, $0xb8;
	[tilespmem:$0x1D000] =	vst v63  }
0xac: {  	s15 =	simm.s32 $0x7000  }
0xad: {  	[tilespmem:s15], [sflag:$0x1] =	stream.indirect_vreg.gather [hbm4b:s6+s23], $0x80, v5, vm1, $0xb8;
	[tilespmem:$0x1D000] =	vst v63  }
0xae: {  	s16 =	simm.s32 $0x7400  }
0xaf: {  	[tilespmem:s16], [sflag:$0x1] =	stream.indirect_vreg.gather [hbm4b:s5+s23], $0x80, v4, vm0, $0xb8;
	[tilespmem:$0x1D000] =	vst v63  }
0xb0: {  	s24 =	simm.s32 $0x7C00  }
0xb1: {  	[tilespmem:s24], [sflag:$0x1] =	stream.indirect_vreg.gather [hbm4b:s6+s23], $0x80, v4, vm1, $0xb8;
	[tilespmem:$0x1D000] =	vst v63  }
0xb2: {  	v4 =	vld [tilespmem:$0x2000];
	_ =	sdelay $0x4  }
0xb3: {  	v5 =	vshrl.u32 v4, $0x3  }
0xb4: {  	v5 =	vmul.u32 $0x18, v5  }
0xb5: {  	v4 =	vand.u32 $0x7, v4  }
0xb6: {  	v4 =	vor.u32 v4, v5  }
0xb7: {  	v5 =	vperm.xlane v4, v1;
	_ =	sdelay $0x1  }
0xb8: {  	v5 =	vadd.s32 v2, v5;
	_ =	sdelay $0x1  }
0xb9: {  	v4 =	vperm.xlane v4, v3;
	_ =	sdelay $0x1  }
0xba: {  	s25 =	simm.s32 $0x8000;
	v4 =	vadd.s32 v2, v4  }
0xbb: {  	[tilespmem:s25], [sflag:$0x1] =	stream.indirect_vreg.gather [hbm4b:s5+s23], $0x80, v5, vm0, $0xb8;
	[tilespmem:$0x1D000] =	vst v63  }
0xbc: {  	s26 =	simm.s32 $0x8800  }
0xbd: {  	[tilespmem:s26], [sflag:$0x1] =	stream.indirect_vreg.gather [hbm4b:s6+s23], $0x80, v5, vm1, $0xb8;
	[tilespmem:$0x1D000] =	vst v63  }
0xbe: {  	s28 =	simm.s32 $0x8C00  }
0xbf: {  	[tilespmem:s28], [sflag:$0x1] =	stream.indirect_vreg.gather [hbm4b:s5+s23], $0x80, v4, vm0, $0xb8;
	[tilespmem:$0x1D000] =	vst v63  }
0xc0: {  	s29 =	simm.s32 $0x9400  }
0xc1: {  	[tilespmem:s29], [sflag:$0x1] =	stream.indirect_vreg.gather [hbm4b:s6+s23], $0x80, v4, vm1, $0xb8;
	[tilespmem:$0x1D000] =	vst v63  }
0xc2: {  	v4 =	vld [tilespmem:$0x2800];
	_ =	sdelay $0x4  }
0xc3: {  	v5 =	vshrl.u32 v4, $0x3  }
0xc4: {  	v5 =	vmul.u32 $0x18, v5  }
0xc5: {  	v4 =	vand.u32 $0x7, v4  }
0xc6: {  	v4 =	vor.u32 v4, v5  }
0xc7: {  	v5 =	vperm.xlane v4, v1;
	_ =	sdelay $0x1  }
0xc8: {  	v5 =	vadd.s32 v2, v5;
	_ =	sdelay $0x1  }
0xc9: {  	v4 =	vperm.xlane v4, v3;
	_ =	sdelay $0x1  }
0xca: {  	s30 =	simm.s32 $0x9800;
	v4 =	vadd.s32 v2, v4  }
0xcb: {  	[tilespmem:s30], [sflag:$0x1] =	stream.indirect_vreg.gather [hbm4b:s5+s23], $0x80, v5, vm0, $0xb8;
	[tilespmem:$0x1D000] =	vst v63  }
0xcc: {  	s31 =	simm.s32 $0xA000  }
0xcd: {  	[tilespmem:s31], [sflag:$0x1] =	stream.indirect_vreg.gather [hbm4b:s6+s23], $0x80, v5, vm1, $0xb8;
	[tilespmem:$0x1D000] =	vst v63  }
0xce: {  	s1 =	simm.s32 $0xA400  }
0xcf: {  	[tilespmem:s1], [sflag:$0x1] =	stream.indirect_vreg.gather [hbm4b:s5+s23], $0x80, v4, vm0, $0xb8;
	[tilespmem:$0x1D000] =	vst v63  }
0xd0: {  	s2 =	simm.s32 $0xAC00  }
0xd1: {  	[tilespmem:s2], [sflag:$0x1] =	stream.indirect_vreg.gather [hbm4b:s6+s23], $0x80, v4, vm1, $0xb8;
	[tilespmem:$0x1D000] =	vst v63  }
0xd2: {  	v4 =	vld [tilespmem:$0x1010];
	_ =	sdelay $0x4  }
0xd3: {  	v5 =	vshrl.u32 v4, $0x3  }
0xd4: {  	v5 =	vmul.u32 $0x18, v5  }
0xd5: {  	v4 =	vand.u32 $0x7, v4  }
0xd6: {  	v4 =	vor.u32 v4, v5  }
0xd7: {  	v5 =	vperm.xlane v4, v1;
	_ =	sdelay $0x1  }
0xd8: {  	v5 =	vadd.s32 v2, v5;
	_ =	sdelay $0x1  }
0xd9: {  	v4 =	vperm.xlane v4, v3;
	_ =	sdelay $0x1  }
0xda: {  	s11 =	simm.s32 $0xB000;
	v4 =	vadd.s32 v2, v4  }
0xdb: {  	[tilespmem:s11], [sflag:$0x2] =	stream.indirect_vreg.gather [hbm4b:s5+s23], $0x80, v5, vm0, $0xb8;
	[tilespmem:$0x1D000] =	vst v63  }
0xdc: {  	s12 =	simm.s32 $0xB800  }
0xdd: {  	[tilespmem:s12], [sflag:$0x2] =	stream.indirect_vreg.gather [hbm4b:s6+s23], $0x80, v5, vm1, $0xb8;
	[tilespmem:$0x1D000] =	vst v63  }
0xde: {  	s13 =	simm.s32 $0xBC00  }
0xdf: {  	[tilespmem:s13], [sflag:$0x2] =	stream.indirect_vreg.gather [hbm4b:s5+s23], $0x80, v4, vm0, $0xb8;
	[tilespmem:$0x1D000] =	vst v63  }
0xe0: {  	s14 =	simm.s32 $0xC400  }
0xe1: {  	[tilespmem:s14], [sflag:$0x2] =	stream.indirect_vreg.gather [hbm4b:s6+s23], $0x80, v4, vm1, $0xb8;
	[tilespmem:$0x1D000] =	vst v63  }
0xe2: {  	v4 =	vld [tilespmem:$0x1810];
	_ =	sdelay $0x4  }
0xe3: {  	v5 =	vshrl.u32 v4, $0x3  }
0xe4: {  	v5 =	vmul.u32 $0x18, v5  }
0xe5: {  	v4 =	vand.u32 $0x7, v4  }
0xe6: {  	v4 =	vor.u32 v4, v5  }
0xe7: {  	v5 =	vperm.xlane v4, v1;
	_ =	sdelay $0x1  }
0xe8: {  	v5 =	vadd.s32 v2, v5;
	_ =	sdelay $0x1  }
0xe9: {  	v4 =	vperm.xlane v4, v3;
	_ =	sdelay $0x1  }
0xea: {  	s15 =	simm.s32 $0xC800;
	v4 =	vadd.s32 v2, v4  }
0xeb: {  	[tilespmem:s15], [sflag:$0x2] =	stream.indirect_vreg.gather [hbm4b:s5+s23], $0x80, v5, vm0, $0xb8;
	[tilespmem:$0x1D000] =	vst v63  }
0xec: {  	s16 =	simm.s32 $0xD000  }
0xed: {  	[tilespmem:s16], [sflag:$0x2] =	stream.indirect_vreg.gather [hbm4b:s6+s23], $0x80, v5, vm1, $0xb8;
	[tilespmem:$0x1D000] =	vst v63  }
0xee: {  	s24 =	simm.s32 $0xD400  }
0xef: {  	[tilespmem:s24], [sflag:$0x2] =	stream.indirect_vreg.gather [hbm4b:s5+s23], $0x80, v4, vm0, $0xb8;
	[tilespmem:$0x1D000] =	vst v63  }
0xf0: {  	s25 =	simm.s32 $0xDC00  }
0xf1: {  	[tilespmem:s25], [sflag:$0x2] =	stream.indirect_vreg.gather [hbm4b:s6+s23], $0x80, v4, vm1, $0xb8;
	[tilespmem:$0x1D000] =	vst v63  }
0xf2: {  	v4 =	vld [tilespmem:$0x2010];
	_ =	sdelay $0x4  }
0xf3: {  	v5 =	vshrl.u32 v4, $0x3  }
0xf4: {  	v5 =	vmul.u32 $0x18, v5  }
0xf5: {  	v4 =	vand.u32 $0x7, v4  }
0xf6: {  	v4 =	vor.u32 v4, v5  }
0xf7: {  	v5 =	vperm.xlane v4, v1;
	_ =	sdelay $0x1  }
0xf8: {  	v5 =	vadd.s32 v2, v5;
	_ =	sdelay $0x1  }
0xf9: {  	v4 =	vperm.xlane v4, v3;
	_ =	sdelay $0x1  }
0xfa: {  	s26 =	simm.s32 $0xE000;
	v4 =	vadd.s32 v2, v4  }
0xfb: {  	[tilespmem:s26], [sflag:$0x2] =	stream.indirect_vreg.gather [hbm4b:s5+s23], $0x80, v5, vm0, $0xb8;
	[tilespmem:$0x1D000] =	vst v63  }
0xfc: {  	s28 =	simm.s32 $0xE800  }
0xfd: {  	[tilespmem:s28], [sflag:$0x2] =	stream.indirect_vreg.gather [hbm4b:s6+s23], $0x80, v5, vm1, $0xb8;
	[tilespmem:$0x1D000] =	vst v63  }
0xfe: {  	s29 =	simm.s32 $0xEC00  }
0xff: {  	[tilespmem:s29], [sflag:$0x2] =	stream.indirect_vreg.gather [hbm4b:s5+s23], $0x80, v4, vm0, $0xb8;
	[tilespmem:$0x1D000] =	vst v63  }
0x100: {  	s30 =	simm.s32 $0xF400  }
0x101: {  	[tilespmem:s30], [sflag:$0x2] =	stream.indirect_vreg.gather [hbm4b:s6+s23], $0x80, v4, vm1, $0xb8;
	[tilespmem:$0x1D000] =	vst v63  }
0x102: {  	v4 =	vld [tilespmem:$0x2810];
	_ =	sdelay $0x4  }
0x103: {  	v5 =	vshrl.u32 v4, $0x3  }
0x104: {  	v5 =	vmul.u32 $0x18, v5  }
0x105: {  	v4 =	vand.u32 $0x7, v4  }
0x106: {  	v4 =	vor.u32 v4, v5  }
0x107: {  	v5 =	vperm.xlane v4, v1;
	_ =	sdelay $0x1  }
0x108: {  	v5 =	vadd.s32 v2, v5;
	_ =	sdelay $0x1  }
0x109: {  	v4 =	vperm.xlane v4, v3;
	_ =	sdelay $0x1  }
0x10a: {  	s31 =	simm.s32 $0xF800;
	v4 =	vadd.s32 v2, v4  }
0x10b: {  	[tilespmem:s31], [sflag:$0x2] =	stream.indirect_vreg.gather [hbm4b:s5+s23], $0x80, v5, vm0, $0xb8;
	[tilespmem:$0x1D000] =	vst v63  }
0x10c: {  	_ = 	snop  }
0x10d: {  	[tilespmem:s17], [sflag:$0x2] =	stream.indirect_vreg.gather [hbm4b:s6+s23], $0x80, v5, vm1, $0xb8;
	[tilespmem:$0x1D000] =	vst v63  }
0x10e: {  	_ = 	snop  }
0x10f: {  	[tilespmem:s18], [sflag:$0x2] =	stream.indirect_vreg.gather [hbm4b:s5+s23], $0x80, v4, vm0, $0xb8;
	[tilespmem:$0x1D000] =	vst v63  }
0x110: {  	s0 =	simm.s32 $0x1  }
0x111: {  	[tilespmem:s19], [sflag:$0x2] =	stream.indirect_vreg.gather [hbm4b:s6+s23], $0x80, v4, vm1, $0xb8;
	[tilespmem:$0x1D000] =	vst v63  }
.LBB2_4:
0x112: {  	_ =	swait.ge [sflag:s0], $0x1800  }
0x113: {  	[sflag:s0] =	ssyncset.done $0x0  }
0x114: {  	p0 =	seq.s32 s23, $0x0;
	[sflag:s0] =	ssyncadd.s32 $0xFFFFE800  }
0x115: {  	s1 =	sadd.s32 @!p0 $0xFFFFFFFF, s23;
	_ =	swait.ge [sflag:s0], $0x1800  }
0x116: {  	s2 =	sand.u32 @!p0 $0x1, s1;
	s1 =	sshll.u32 @!p0 s1, $0x4;
	[sflag:s0] =	ssyncset.done $0x0  }
0x117: {  	p1 =	sgt.u32 @!p0 s23, $0x7D;
	s1 =	sadd.s32 @!p0 s7, s1;
	[sflag:s0] =	ssyncadd.s32 $0xFFFFE800  }
0x118: {  	s11 =	smul.u32 @!p0 $0xC000, s2;
	s1 =	sshrl.u32 @!p0 s1, $0x3;
	_ =	swait.ge [sflag:s0], $0x1800  }
0x119: {  	p1 =	por p0, !p1;
	s1 =	smul.u32 @!p0 $0x300, s1;
	[sflag:s0] =	ssyncset.done $0x0  }
.Ltmp3:
0x11a: {  	[sflag:s0] =	ssyncadd.s32 $0xFFFFE800;
	(pc) =	sbr.rel @!p1 .LBB2_6-.Ltmp3, $4  }
0x11b: {  	s2 =	sor.u32 @!p0 $0x4, s2;
	_ =	swait.ge [sflag:s0], $0x1800  }
0x11c: {  	s11 =	sshrl.u32 @!p0 s11, $0x2;
	s1 =	sadd.s32 @!p0 s3, s1;
	[sflag:s0] =	ssyncset.done $0x0  }
0x11d: {  	[sflag:s0] =	ssyncadd.s32 $0xFFFFE800;
	s0 =	sadd.s32 @!p0 $0x17000, s11;
	s11 =	simm.s32 @!p0 $0x0  }
0x11e: {  	[hbm4b:s1+s11] =	stream.linear.scatter @!p0 [tilespmem:s0], [sflag:s2], $0x3000, $0x38;
	[tilespmem:$0x1D000] =	vst v63  }
0x11f: {  	s0 =	sadd.s32 $0x2, s23  }
0x120: {  	s1 =	sshll.u32 s0, $0x4  }
0x121: {  	s1 =	sand.u32 $0x3FFFFFF0, s1  }
0x122: {  	v4 =	vld [tilespmem:s1+$0x1000];
	_ =	sdelay $0x3  }
0x123: {  	s2 =	smul.u32 $0xAB, s0  }
0x124: {  	v5 =	vshrl.u32 v4, $0x3  }
0x125: {  	s2 =	sshrl.u32 s2, $0x9;
	v5 =	vmul.u32 $0x18, v5  }
0x126: {  	s2 =	sand.u32 $0x7F, s2;
	v4 =	vand.u32 $0x7, v4  }
0x127: {  	s2 =	smul.u32 $0x3, s2;
	v4 =	vor.u32 v4, v5  }
0x128: {  	v5 =	vperm.xlane v4, v1  }
0x129: {  	s0 =	ssub.s32 s0, s2  }
0x12a: {  	s0 =	sand.u32 $0xFF, s0;
	v5 =	vadd.s32 v2, v5  }
0x12b: {  	s28 =	smul.u32 $0x18000, s0  }
0x12c: {  	v4 =	vperm.xlane v4, v3  }
0x12d: {  	s2 =	sshrl.u32 s28, $0x2  }
0x12e: {  	s0 =	sadd.s32 $0x1, s0;
	s11 =	sadd.s32 $0x5000, s2;
	v4 =	vadd.s32 v2, v4  }
0x12f: {  	[tilespmem:s11], [sflag:s0] =	stream.indirect_vreg.gather [hbm4b:s5+s4], $0x80, v5, vm0, $0xb8;
	[tilespmem:$0x1D000] =	vst v63  }
0x130: {  	s29 =	sadd.s32 $0x5800, s2  }
0x131: {  	[tilespmem:s29], [sflag:s0] =	stream.indirect_vreg.gather [hbm4b:s6+s4], $0x80, v5, vm1, $0xb8;
	[tilespmem:$0x1D000] =	vst v63  }
0x132: {  	s30 =	sadd.s32 $0x5C00, s2  }
0x133: {  	[tilespmem:s30], [sflag:s0] =	stream.indirect_vreg.gather [hbm4b:s5+s4], $0x80, v4, vm0, $0xb8;
	[tilespmem:$0x1D000] =	vst v63  }
0x134: {  	s31 =	sadd.s32 $0x6400, s2  }
0x135: {  	[tilespmem:s31], [sflag:s0] =	stream.indirect_vreg.gather [hbm4b:s6+s4], $0x80, v4, vm1, $0xb8;
	[tilespmem:$0x1D000] =	vst v63  }
0x136: {  	v4 =	vld [tilespmem:s1+$0x1800];
	_ =	sdelay $0x4  }
0x137: {  	v5 =	vshrl.u32 v4, $0x3  }
0x138: {  	v5 =	vmul.u32 $0x18, v5  }
0x139: {  	v4 =	vand.u32 $0x7, v4  }
0x13a: {  	v4 =	vor.u32 v4, v5  }
0x13b: {  	v5 =	vperm.xlane v4, v1;
	_ =	sdelay $0x1  }
0x13c: {  	v5 =	vadd.s32 v2, v5;
	_ =	sdelay $0x1  }
0x13d: {  	v4 =	vperm.xlane v4, v3;
	_ =	sdelay $0x1  }
0x13e: {  	s12 =	sadd.s32 $0x6800, s2;
	v4 =	vadd.s32 v2, v4  }
0x13f: {  	[tilespmem:s12], [sflag:s0] =	stream.indirect_vreg.gather [hbm4b:s5+s4], $0x80, v5, vm0, $0xb8;
	[tilespmem:$0x1D000] =	vst v63  }
0x140: {  	s13 =	sadd.s32 $0x7000, s2  }
0x141: {  	[tilespmem:s13], [sflag:s0] =	stream.indirect_vreg.gather [hbm4b:s6+s4], $0x80, v5, vm1, $0xb8;
	[tilespmem:$0x1D000] =	vst v63  }
0x142: {  	s14 =	sadd.s32 $0x7400, s2  }
0x143: {  	[tilespmem:s14], [sflag:s0] =	stream.indirect_vreg.gather [hbm4b:s5+s4], $0x80, v4, vm0, $0xb8;
	[tilespmem:$0x1D000] =	vst v63  }
0x144: {  	s15 =	sadd.s32 $0x7C00, s2  }
0x145: {  	[tilespmem:s15], [sflag:s0] =	stream.indirect_vreg.gather [hbm4b:s6+s4], $0x80, v4, vm1, $0xb8;
	[tilespmem:$0x1D000] =	vst v63  }
0x146: {  	v4 =	vld [tilespmem:s1+$0x2000];
	_ =	sdelay $0x4  }
0x147: {  	v5 =	vshrl.u32 v4, $0x3  }
0x148: {  	v5 =	vmul.u32 $0x18, v5  }
0x149: {  	v4 =	vand.u32 $0x7, v4  }
0x14a: {  	v4 =	vor.u32 v4, v5  }
0x14b: {  	v5 =	vperm.xlane v4, v1;
	_ =	sdelay $0x1  }
0x14c: {  	v5 =	vadd.s32 v2, v5;
	_ =	sdelay $0x1  }
0x14d: {  	v4 =	vperm.xlane v4, v3;
	_ =	sdelay $0x1  }
0x14e: {  	s16 =	sadd.s32 $0x8000, s2;
	v4 =	vadd.s32 v2, v4  }
0x14f: {  	[tilespmem:s16], [sflag:s0] =	stream.indirect_vreg.gather [hbm4b:s5+s4], $0x80, v5, vm0, $0xb8;
	[tilespmem:$0x1D000] =	vst v63  }
0x150: {  	s24 =	sadd.s32 $0x8800, s2  }
0x151: {  	[tilespmem:s24], [sflag:s0] =	stream.indirect_vreg.gather [hbm4b:s6+s4], $0x80, v5, vm1, $0xb8;
	[tilespmem:$0x1D000] =	vst v63  }
0x152: {  	s25 =	sadd.s32 $0x8C00, s2  }
0x153: {  	[tilespmem:s25], [sflag:s0] =	stream.indirect_vreg.gather [hbm4b:s5+s4], $0x80, v4, vm0, $0xb8;
	[tilespmem:$0x1D000] =	vst v63  }
0x154: {  	s26 =	sadd.s32 $0x9400, s2  }
0x155: {  	[tilespmem:s26], [sflag:s0] =	stream.indirect_vreg.gather [hbm4b:s6+s4], $0x80, v4, vm1, $0xb8;
	[tilespmem:$0x1D000] =	vst v63  }
0x156: {  	v4 =	vld [tilespmem:s1+$0x2800];
	_ =	sdelay $0x4  }
0x157: {  	v5 =	vshrl.u32 v4, $0x3  }
0x158: {  	v5 =	vmul.u32 $0x18, v5  }
0x159: {  	v4 =	vand.u32 $0x7, v4  }
0x15a: {  	v4 =	vor.u32 v4, v5  }
0x15b: {  	v5 =	vperm.xlane v4, v1;
	_ =	sdelay $0x1  }
0x15c: {  	v5 =	vadd.s32 v2, v5;
	_ =	sdelay $0x1  }
0x15d: {  	v4 =	vperm.xlane v4, v3;
	_ =	sdelay $0x1  }
0x15e: {  	s28 =	sadd.s32 $0x9800, s2;
	v4 =	vadd.s32 v2, v4  }
0x15f: {  	[tilespmem:s28], [sflag:s0] =	stream.indirect_vreg.gather [hbm4b:s5+s4], $0x80, v5, vm0, $0xb8;
	[tilespmem:$0x1D000] =	vst v63  }
0x160: {  	s29 =	sadd.s32 $0xA000, s2  }
0x161: {  	[tilespmem:s29], [sflag:s0] =	stream.indirect_vreg.gather [hbm4b:s6+s4], $0x80, v5, vm1, $0xb8;
	[tilespmem:$0x1D000] =	vst v63  }
0x162: {  	s30 =	sadd.s32 $0xA400, s2  }
0x163: {  	[tilespmem:s30], [sflag:s0] =	stream.indirect_vreg.gather [hbm4b:s5+s4], $0x80, v4, vm0, $0xb8;
	[tilespmem:$0x1D000] =	vst v63  }
0x164: {  	s31 =	sadd.s32 $0xAC00, s2  }
0x165: {  	[tilespmem:s31], [sflag:s0] =	stream.indirect_vreg.gather [hbm4b:s6+s4], $0x80, v4, vm1, $0xb8;
	[tilespmem:$0x1D000] =	vst v63  }
.LBB2_6:
0x166: {  	s0 =	smul.u32 $0xAB, s23;
	_ =	sdelay $0x1  }
0x167: {  	s0 =	sshrl.u32 s0, $0x9  }
0x168: {  	s0 =	sand.u32 $0x7F, s0  }
0x169: {  	s0 =	smul.u32 $0x3, s0;
	_ =	sdelay $0x1  }
0x16a: {  	s0 =	ssub.s32 s23, s0  }
0x16b: {  	s0 =	sand.u32 $0xFF, s0  }
0x16c: {  	s0 =	smul.u32 $0x18000, s0  }
0x16d: {  	s1 =	sshll.u32 s23, $0x4;
	s12 =	simm.s32 $0x0  }
0x16e: {  	v16 =	vld [tilespmem:s1+$0x3000];
	s1 =	sand.u32 $0x7F0, s1;
	s13 =	smul.u32 $0xC00, s12;
	s0 =	sshrl.u32 s0, $0x2  }
0x16f: {  	s11 =	simm.s32 $0x0;
	v17 =	vld [tilespmem:s1+$0x3800];
	s2 =	sadd.s32 $0x5000, s0  }
0x170: {  	s14 =	sand.u32 $0x380, s11;
	v18 =	vld [tilespmem:s1+$0x4000];
	s15 =	sadd.s32 s13, s2  }
0x171: {  	v4 =	vmov s11;
	v19 =	vld [tilespmem:s1+$0x4800];
	s25 =	sadd.s32 s14, s15  }
0x172: {  	v4 =	vand.u32 $0xF, v4;
	v8 =	vld [tilespmem:s25+$0x0]  }
0x173: {  	v6 =	vbroadcast v4, $0x0;
	v9 =	vld [tilespmem:s25+$0x1800]  }
0x174: {  	s11 =	sadd.s32 $0x9800, s0  }
0x175: {  	v5 =	vperm.xlane v16, v6;
	s0 =	sadd.s32 s13, s11;
	v10 =	vld [tilespmem:s25+$0x3000]  }
0x176: {  	v4 =	vperm.xlane v19, v6;
	v7 =	vperm.xlane v17, v6;
	s26 =	sadd.s32 s14, s0  }
0x177: {  	v6 =	vperm.xlane v18, v6;
	v11 =	vld [tilespmem:s26+$0x0];
	v12 =	vmul.f32 v8, v5  }
0x178: {  	v13 =	vmul.f32 v9, v7;
	v8 =	vshll.u32 v8, $0x10;
	v9 =	vshll.u32 v9, $0x10  }
0x179: {  	v8 =	vmul.f32 v8, v5;
	v9 =	vmul.f32 v9, v7  }
0x17a: {  	v14 =	vmul.f32 v10, v6;
	v10 =	vshll.u32 v10, $0x10;
	v12 =	vadd.f32 v13, v12  }
0x17b: {  	s16 =	sand.u32 $0x1, s23;
	s24 =	smul.u32 $0x6000, s12;
	v8 =	vadd.f32 v9, v8;
	v9 =	vmul.f32 v10, v6  }
0x17c: {  	p1 =	seq.s32 s16, $0x1;
	s12 =	simm.s32 $0x1A000;
	v10 =	vshll.u32 v11, $0x10;
	v11 =	vmul.f32 v11, v4;
	v12 =	vadd.f32 v14, v12  }
0x17d: {  	s12 =	simm.s32 @!p1 $0x17000;
	s13 =	sshra.s32 s24, $0x2;
	v10 =	vmul.f32 v10, v4;
	v8 =	vadd.f32 v9, v8  }
0x17e: {  	s0 =	sadd.s32 s13, s12;
	v9 =	vadd.f32 v11, v12  }
0x17f: {  	s24 =	sadd.s32 s14, s0;
	v8 =	vadd.f32 v10, v8  }
0x180: {  	[tilespmem:s24+$0xC00] =	vst v9  }
0x181: {  	[tilespmem:s24+$0x0] =	vst v8  }
0x182: {  	v8 =	vld [tilespmem:s25+$0x10]  }
0x183: {  	v9 =	vld [tilespmem:s25+$0x1810];
	_ =	sdelay $0x1  }
0x184: {  	v10 =	vld [tilespmem:s25+$0x3010];
	_ =	sdelay $0x1  }
0x185: {  	v11 =	vld [tilespmem:s26+$0x10];
	v12 =	vmul.f32 v8, v5  }
0x186: {  	v13 =	vmul.f32 v9, v7;
	v8 =	vshll.u32 v8, $0x10;
	v9 =	vshll.u32 v9, $0x10  }
0x187: {  	v8 =	vmul.f32 v8, v5;
	v9 =	vmul.f32 v9, v7  }
0x188: {  	v14 =	vmul.f32 v10, v6;
	v10 =	vshll.u32 v10, $0x10;
	v12 =	vadd.f32 v13, v12  }
0x189: {  	v8 =	vadd.f32 v9, v8;
	v9 =	vmul.f32 v10, v6  }
0x18a: {  	v10 =	vshll.u32 v11, $0x10;
	v11 =	vmul.f32 v11, v4;
	v12 =	vadd.f32 v14, v12  }
0x18b: {  	v10 =	vmul.f32 v10, v4;
	v8 =	vadd.f32 v9, v8  }
0x18c: {  	v9 =	vadd.f32 v11, v12  }
0x18d: {  	v8 =	vadd.f32 v10, v8  }
0x18e: {  	[tilespmem:s24+$0xC10] =	vst v9  }
0x18f: {  	[tilespmem:s24+$0x10] =	vst v8  }
0x190: {  	v8 =	vld [tilespmem:s25+$0x20]  }
0x191: {  	v9 =	vld [tilespmem:s25+$0x1820];
	_ =	sdelay $0x1  }
0x192: {  	v10 =	vld [tilespmem:s25+$0x3020];
	_ =	sdelay $0x1  }
0x193: {  	v11 =	vld [tilespmem:s26+$0x20];
	v12 =	vmul.f32 v8, v5  }
0x194: {  	v13 =	vmul.f32 v9, v7;
	v8 =	vshll.u32 v8, $0x10;
	v9 =	vshll.u32 v9, $0x10  }
0x195: {  	v8 =	vmul.f32 v8, v5;
	v9 =	vmul.f32 v9, v7  }
0x196: {  	v14 =	vmul.f32 v10, v6;
	v10 =	vshll.u32 v10, $0x10;
	v12 =	vadd.f32 v13, v12  }
0x197: {  	v8 =	vadd.f32 v9, v8;
	v9 =	vmul.f32 v10, v6  }
0x198: {  	v10 =	vshll.u32 v11, $0x10;
	v11 =	vmul.f32 v11, v4;
	v12 =	vadd.f32 v14, v12  }
0x199: {  	v10 =	vmul.f32 v10, v4;
	v8 =	vadd.f32 v9, v8  }
0x19a: {  	v9 =	vadd.f32 v11, v12  }
0x19b: {  	v8 =	vadd.f32 v10, v8  }
0x19c: {  	[tilespmem:s24+$0xC20] =	vst v9  }
0x19d: {  	[tilespmem:s24+$0x20] =	vst v8  }
0x19e: {  	v8 =	vld [tilespmem:s25+$0x30]  }
0x19f: {  	v9 =	vld [tilespmem:s25+$0x1830];
	_ =	sdelay $0x1  }
0x1a0: {  	v10 =	vld [tilespmem:s25+$0x3030];
	_ =	sdelay $0x1  }
0x1a1: {  	v11 =	vld [tilespmem:s26+$0x30];
	v12 =	vmul.f32 v8, v5  }
0x1a2: {  	v13 =	vmul.f32 v9, v7;
	v8 =	vshll.u32 v8, $0x10;
	v9 =	vshll.u32 v9, $0x10  }
0x1a3: {  	v8 =	vmul.f32 v8, v5;
	v9 =	vmul.f32 v9, v7  }
0x1a4: {  	v14 =	vmul.f32 v10, v6;
	v10 =	vshll.u32 v10, $0x10;
	v12 =	vadd.f32 v13, v12  }
0x1a5: {  	v8 =	vadd.f32 v9, v8;
	v9 =	vmul.f32 v10, v6  }
0x1a6: {  	v10 =	vshll.u32 v11, $0x10;
	v11 =	vmul.f32 v11, v4;
	v12 =	vadd.f32 v14, v12  }
0x1a7: {  	v10 =	vmul.f32 v10, v4;
	v8 =	vadd.f32 v9, v8  }
0x1a8: {  	v9 =	vadd.f32 v11, v12  }
0x1a9: {  	v8 =	vadd.f32 v10, v8  }
0x1aa: {  	[tilespmem:s24+$0xC30] =	vst v9  }
0x1ab: {  	[tilespmem:s24+$0x30] =	vst v8  }
0x1ac: {  	v8 =	vld [tilespmem:s25+$0x40]  }
0x1ad: {  	v9 =	vld [tilespmem:s25+$0x1840];
	_ =	sdelay $0x1  }
0x1ae: {  	v10 =	vld [tilespmem:s25+$0x3040];
	_ =	sdelay $0x1  }
0x1af: {  	v11 =	vld [tilespmem:s26+$0x40];
	v12 =	vmul.f32 v8, v5  }
0x1b0: {  	v8 =	vshll.u32 v8, $0x10;
	v13 =	vmul.f32 v9, v7;
	v9 =	vshll.u32 v9, $0x10  }
0x1b1: {  	v8 =	vmul.f32 v8, v5;
	v9 =	vmul.f32 v9, v7  }
0x1b2: {  	v14 =	vmul.f32 v10, v6;
	v10 =	vshll.u32 v10, $0x10;
	v12 =	vadd.f32 v13, v12  }
0x1b3: {  	v8 =	vadd.f32 v9, v8;
	v9 =	vmul.f32 v10, v6  }
0x1b4: {  	v10 =	vmul.f32 v11, v4;
	v11 =	vshll.u32 v11, $0x10;
	v12 =	vadd.f32 v14, v12  }
0x1b5: {  	v8 =	vadd.f32 v9, v8;
	v9 =	vmul.f32 v11, v4  }
0x1b6: {  	v10 =	vadd.f32 v10, v12  }
0x1b7: {  	v8 =	vadd.f32 v9, v8  }
0x1b8: {  	[tilespmem:s24+$0xC40] =	vst v10  }
0x1b9: {  	[tilespmem:s24+$0x40] =	vst v8  }
0x1ba: {  	v8 =	vld [tilespmem:s25+$0x50]  }
0x1bb: {  	v9 =	vld [tilespmem:s25+$0x1850];
	_ =	sdelay $0x1  }
0x1bc: {  	v10 =	vld [tilespmem:s25+$0x3050];
	_ =	sdelay $0x1  }
0x1bd: {  	v11 =	vld [tilespmem:s26+$0x50];
	v12 =	vmul.f32 v8, v5  }
0x1be: {  	v8 =	vshll.u32 v8, $0x10;
	v13 =	vshll.u32 v9, $0x10;
	v9 =	vmul.f32 v9, v7  }
0x1bf: {  	v8 =	vmul.f32 v8, v5;
	v13 =	vmul.f32 v13, v7  }
0x1c0: {  	v14 =	vshll.u32 v10, $0x10;
	v10 =	vmul.f32 v10, v6;
	v9 =	vadd.f32 v9, v12  }
0x1c1: {  	v12 =	vmul.f32 v14, v6;
	v8 =	vadd.f32 v13, v8  }
0x1c2: {  	v13 =	vshll.u32 v11, $0x10;
	v9 =	vadd.f32 v10, v9;
	v10 =	vmul.f32 v11, v4  }
0x1c3: {  	v11 =	vmul.f32 v13, v4;
	v8 =	vadd.f32 v12, v8  }
0x1c4: {  	v9 =	vadd.f32 v10, v9  }
0x1c5: {  	v8 =	vadd.f32 v11, v8  }
0x1c6: {  	[tilespmem:s24+$0xC50] =	vst v9  }
0x1c7: {  	[tilespmem:s24+$0x50] =	vst v8  }
0x1c8: {  	v8 =	vld [tilespmem:s25+$0x60]  }
0x1c9: {  	v9 =	vld [tilespmem:s25+$0x1860];
	_ =	sdelay $0x1  }
0x1ca: {  	v10 =	vld [tilespmem:s25+$0x3060];
	_ =	sdelay $0x1  }
0x1cb: {  	v11 =	vld [tilespmem:s26+$0x60];
	v12 =	vmul.f32 v8, v5  }
0x1cc: {  	v8 =	vshll.u32 v8, $0x10;
	v13 =	vshll.u32 v9, $0x10;
	v9 =	vmul.f32 v9, v7  }
0x1cd: {  	v8 =	vmul.f32 v8, v5;
	v13 =	vmul.f32 v13, v7  }
0x1ce: {  	v14 =	vshll.u32 v10, $0x10;
	v10 =	vmul.f32 v10, v6;
	v9 =	vadd.f32 v9, v12  }
0x1cf: {  	v12 =	vmul.f32 v14, v6;
	v8 =	vadd.f32 v13, v8  }
0x1d0: {  	v13 =	vshll.u32 v11, $0x10;
	v9 =	vadd.f32 v10, v9;
	v10 =	vmul.f32 v11, v4  }
0x1d1: {  	v11 =	vmul.f32 v13, v4;
	v8 =	vadd.f32 v12, v8  }
0x1d2: {  	v9 =	vadd.f32 v10, v9  }
0x1d3: {  	v8 =	vadd.f32 v11, v8  }
0x1d4: {  	[tilespmem:s24+$0xC60] =	vst v9  }
0x1d5: {  	[tilespmem:s24+$0x60] =	vst v8  }
0x1d6: {  	v8 =	vld [tilespmem:s25+$0x70]  }
0x1d7: {  	v9 =	vld [tilespmem:s25+$0x1870];
	_ =	sdelay $0x1  }
0x1d8: {  	v10 =	vld [tilespmem:s25+$0x3070];
	_ =	sdelay $0x1  }
0x1d9: {  	v11 =	vld [tilespmem:s26+$0x70];
	v12 =	vmul.f32 v8, v5  }
0x1da: {  	v8 =	vshll.u32 v8, $0x10;
	v13 =	vshll.u32 v9, $0x10;
	v9 =	vmul.f32 v9, v7  }
0x1db: {  	v8 =	vmul.f32 v8, v5;
	v13 =	vmul.f32 v13, v7  }
0x1dc: {  	v14 =	vshll.u32 v10, $0x10;
	v10 =	vmul.f32 v10, v6;
	v9 =	vadd.f32 v9, v12  }
0x1dd: {  	v12 =	vmul.f32 v14, v6;
	v8 =	vadd.f32 v13, v8  }
0x1de: {  	v13 =	vshll.u32 v11, $0x10;
	v9 =	vadd.f32 v10, v9;
	v10 =	vmul.f32 v11, v4  }
0x1df: {  	v11 =	vmul.f32 v13, v4;
	v8 =	vadd.f32 v12, v8  }
0x1e0: {  	v9 =	vadd.f32 v10, v9  }
0x1e1: {  	v8 =	vadd.f32 v11, v8  }
0x1e2: {  	[tilespmem:s24+$0xC70] =	vst v9  }
0x1e3: {  	[tilespmem:s24+$0x70] =	vst v8  }
0x1e4: {  	v8 =	vld [tilespmem:s25+$0x400]  }
0x1e5: {  	v9 =	vld [tilespmem:s25+$0x1C00];
	_ =	sdelay $0x1  }
0x1e6: {  	v10 =	vld [tilespmem:s25+$0x3400];
	_ =	sdelay $0x1  }
0x1e7: {  	v11 =	vld [tilespmem:s26+$0x400];
	v12 =	vmul.f32 v8, v5  }
0x1e8: {  	v8 =	vshll.u32 v8, $0x10;
	v13 =	vshll.u32 v9, $0x10;
	v9 =	vmul.f32 v9, v7  }
0x1e9: {  	v8 =	vmul.f32 v8, v5;
	v13 =	vmul.f32 v13, v7  }
0x1ea: {  	v14 =	vshll.u32 v10, $0x10;
	v10 =	vmul.f32 v10, v6;
	v9 =	vadd.f32 v9, v12  }
0x1eb: {  	v12 =	vmul.f32 v14, v6;
	v8 =	vadd.f32 v13, v8  }
0x1ec: {  	v13 =	vshll.u32 v11, $0x10;
	v9 =	vadd.f32 v10, v9;
	v10 =	vmul.f32 v11, v4  }
0x1ed: {  	v11 =	vmul.f32 v13, v4;
	v8 =	vadd.f32 v12, v8  }
0x1ee: {  	v9 =	vadd.f32 v10, v9  }
0x1ef: {  	v8 =	vadd.f32 v11, v8  }
0x1f0: {  	[tilespmem:s24+$0x1000] =	vst v9  }
0x1f1: {  	[tilespmem:s24+$0x400] =	vst v8  }
0x1f2: {  	v8 =	vld [tilespmem:s25+$0x410]  }
0x1f3: {  	v9 =	vld [tilespmem:s25+$0x1C10];
	_ =	sdelay $0x1  }
0x1f4: {  	s0 =	simm.s32 $0x0;
	v10 =	vld [tilespmem:s25+$0x3410]  }
0x1f5: {  	s14 =	simm.s32 $0x1;
	s13 =	smul.u32 $0xC00, s0  }
0x1f6: {  	s15 =	simm.s32 $0x80;
	v11 =	vmov s14;
	v12 =	vld [tilespmem:s26+$0x410];
	v13 =	vmul.f32 v8, v5  }
0x1f7: {  	s1 =	sand.u32 $0x380, s15;
	s16 =	sadd.s32 s13, s2;
	v8 =	vshll.u32 v8, $0x10;
	v14 =	vshll.u32 v9, $0x10;
	v9 =	vmul.f32 v9, v7  }
0x1f8: {  	s29 =	sadd.s32 s1, s16;
	v11 =	vand.u32 $0xF, v11;
	v8 =	vmul.f32 v8, v5;
	v14 =	vmul.f32 v14, v7  }
0x1f9: {  	v15 =	vld [tilespmem:s29+$0x0];
	v20 =	vshll.u32 v10, $0x10;
	v10 =	vmul.f32 v10, v6;
	v9 =	vadd.f32 v9, v13  }
0x1fa: {  	v21 =	vld [tilespmem:s29+$0x1800];
	v13 =	vbroadcast v11, $0x0;
	v8 =	vadd.f32 v14, v8;
	v14 =	vmul.f32 v20, v6  }
0x1fb: {  	v20 =	vshll.u32 v12, $0x10;
	v12 =	vmul.f32 v12, v4;
	v10 =	vadd.f32 v10, v9  }
0x1fc: {  	s13 =	sadd.s32 s13, s11;
	v22 =	vld [tilespmem:s29+$0x3000];
	v11 =	vperm.xlane v16, v13;
	v20 =	vmul.f32 v20, v4;
	v14 =	vadd.f32 v14, v8  }
0x1fd: {  	s30 =	sadd.s32 s1, s13;
	v9 =	vperm.xlane v17, v13;
	v8 =	vperm.xlane v19, v13;
	v12 =	vadd.f32 v12, v10  }
0x1fe: {  	v10 =	vperm.xlane v18, v13;
	v13 =	vld [tilespmem:s30+$0x0];
	v23 =	vmul.f32 v15, v11;
	v14 =	vadd.f32 v20, v14  }
0x1ff: {  	v15 =	vshll.u32 v15, $0x10;
	v20 =	vmul.f32 v21, v9;
	v21 =	vshll.u32 v21, $0x10;
	[tilespmem:s24+$0x1010] =	vst v12  }
0x200: {  	v12 =	vmul.f32 v15, v11;
	v15 =	vmul.f32 v21, v9;
	[tilespmem:s24+$0x410] =	vst v14  }
0x201: {  	v21 =	vshll.u32 v22, $0x10;
	v14 =	vmul.f32 v22, v10;
	v20 =	vadd.f32 v20, v23;
	v22 =	vld [tilespmem:s25+$0x420]  }
0x202: {  	s0 =	smul.u32 $0x6000, s0;
	v12 =	vadd.f32 v15, v12;
	v15 =	vmul.f32 v21, v10;
	v21 =	vld [tilespmem:s25+$0x1C20]  }
0x203: {  	v23 =	vshll.u32 v13, $0x10;
	v13 =	vmul.f32 v13, v8;
	v14 =	vadd.f32 v14, v20  }
0x204: {  	s0 =	sshra.s32 s0, $0x2;
	v20 =	vmul.f32 v23, v8;
	v12 =	vadd.f32 v15, v12;
	v15 =	vld [tilespmem:s25+$0x3420]  }
0x205: {  	s0 =	sadd.s32 s0, s12;
	v13 =	vadd.f32 v13, v14  }
0x206: {  	s28 =	sadd.s32 s1, s0;
	v14 =	vld [tilespmem:s26+$0x420];
	v12 =	vadd.f32 v20, v12;
	v20 =	vmul.f32 v22, v5  }
0x207: {  	[tilespmem:s28+$0xC00] =	vst v13;
	v13 =	vshll.u32 v22, $0x10;
	v22 =	vshll.u32 v21, $0x10;
	v21 =	vmul.f32 v21, v7  }
0x208: {  	[tilespmem:s28+$0x0] =	vst v12;
	v12 =	vmul.f32 v13, v5;
	v13 =	vmul.f32 v22, v7  }
0x209: {  	v22 =	vld [tilespmem:s29+$0x10];
	v23 =	vshll.u32 v15, $0x10;
	v20 =	vadd.f32 v21, v20;
	v15 =	vmul.f32 v15, v6  }
0x20a: {  	v21 =	vld [tilespmem:s29+$0x1810];
	v12 =	vadd.f32 v13, v12;
	v13 =	vmul.f32 v23, v6  }
0x20b: {  	v23 =	vshll.u32 v14, $0x10;
	v14 =	vmul.f32 v14, v4;
	v15 =	vadd.f32 v15, v20  }
0x20c: {  	v20 =	vld [tilespmem:s29+$0x3010];
	v12 =	vadd.f32 v13, v12;
	v13 =	vmul.f32 v23, v4  }
0x20d: {  	v14 =	vadd.f32 v14, v15  }
0x20e: {  	v15 =	vld [tilespmem:s30+$0x10];
	v23 =	vmul.f32 v22, v11;
	v12 =	vadd.f32 v13, v12  }
0x20f: {  	v13 =	vmul.f32 v21, v9;
	v22 =	vshll.u32 v22, $0x10;
	v21 =	vshll.u32 v21, $0x10;
	[tilespmem:s24+$0x1020] =	vst v14  }
0x210: {  	v14 =	vmul.f32 v22, v11;
	v21 =	vmul.f32 v21, v9;
	[tilespmem:s24+$0x420] =	vst v12  }
0x211: {  	v12 =	vmul.f32 v20, v10;
	v20 =	vshll.u32 v20, $0x10;
	v13 =	vadd.f32 v13, v23;
	v22 =	vld [tilespmem:s25+$0x430]  }
0x212: {  	v14 =	vadd.f32 v21, v14;
	v20 =	vmul.f32 v20, v10;
	v21 =	vld [tilespmem:s25+$0x1C30]  }
0x213: {  	v23 =	vshll.u32 v15, $0x10;
	v15 =	vmul.f32 v15, v8;
	v12 =	vadd.f32 v12, v13  }
0x214: {  	v13 =	vmul.f32 v23, v8;
	v14 =	vadd.f32 v20, v14;
	v20 =	vld [tilespmem:s25+$0x3430]  }
0x215: {  	v12 =	vadd.f32 v15, v12  }
0x216: {  	v13 =	vadd.f32 v13, v14;
	v14 =	vld [tilespmem:s26+$0x430];
	v15 =	vmul.f32 v22, v5  }
0x217: {  	[tilespmem:s28+$0xC10] =	vst v12;
	v12 =	vshll.u32 v22, $0x10;
	v22 =	vshll.u32 v21, $0x10;
	v21 =	vmul.f32 v21, v7  }
0x218: {  	[tilespmem:s28+$0x10] =	vst v13;
	v12 =	vmul.f32 v12, v5;
	v13 =	vmul.f32 v22, v7  }
0x219: {  	v22 =	vld [tilespmem:s29+$0x20];
	v23 =	vshll.u32 v20, $0x10;
	v15 =	vadd.f32 v21, v15;
	v20 =	vmul.f32 v20, v6  }
0x21a: {  	v21 =	vld [tilespmem:s29+$0x1820];
	v12 =	vadd.f32 v13, v12;
	v13 =	vmul.f32 v23, v6  }
0x21b: {  	v23 =	vshll.u32 v14, $0x10;
	v15 =	vadd.f32 v20, v15;
	v14 =	vmul.f32 v14, v4  }
0x21c: {  	v20 =	vld [tilespmem:s29+$0x3020];
	v12 =	vadd.f32 v13, v12;
	v13 =	vmul.f32 v23, v4  }
0x21d: {  	v14 =	vadd.f32 v14, v15  }
0x21e: {  	v15 =	vld [tilespmem:s30+$0x20];
	v23 =	vmul.f32 v22, v11;
	v12 =	vadd.f32 v13, v12  }
0x21f: {  	v13 =	vmul.f32 v21, v9;
	v22 =	vshll.u32 v22, $0x10;
	v21 =	vshll.u32 v21, $0x10;
	[tilespmem:s24+$0x1030] =	vst v14  }
0x220: {  	v14 =	vmul.f32 v22, v11;
	v21 =	vmul.f32 v21, v9;
	[tilespmem:s24+$0x430] =	vst v12  }
0x221: {  	v12 =	vmul.f32 v20, v10;
	v20 =	vshll.u32 v20, $0x10;
	v13 =	vadd.f32 v13, v23;
	v22 =	vld [tilespmem:s25+$0x440]  }
0x222: {  	v14 =	vadd.f32 v21, v14;
	v20 =	vmul.f32 v20, v10;
	v21 =	vld [tilespmem:s25+$0x1C40]  }
0x223: {  	v23 =	vshll.u32 v15, $0x10;
	v15 =	vmul.f32 v15, v8;
	v12 =	vadd.f32 v12, v13  }
0x224: {  	v13 =	vmul.f32 v23, v8;
	v14 =	vadd.f32 v20, v14;
	v20 =	vld [tilespmem:s25+$0x3440]  }
0x225: {  	v12 =	vadd.f32 v15, v12  }
0x226: {  	v13 =	vadd.f32 v13, v14;
	v14 =	vld [tilespmem:s26+$0x440];
	v15 =	vmul.f32 v22, v5  }
0x227: {  	[tilespmem:s28+$0xC20] =	vst v12;
	v12 =	vshll.u32 v22, $0x10;
	v22 =	vshll.u32 v21, $0x10;
	v21 =	vmul.f32 v21, v7  }
0x228: {  	[tilespmem:s28+$0x20] =	vst v13;
	v12 =	vmul.f32 v12, v5;
	v13 =	vmul.f32 v22, v7  }
0x229: {  	v22 =	vld [tilespmem:s29+$0x30];
	v23 =	vshll.u32 v20, $0x10;
	v15 =	vadd.f32 v21, v15;
	v20 =	vmul.f32 v20, v6  }
0x22a: {  	v21 =	vld [tilespmem:s29+$0x1830];
	v12 =	vadd.f32 v13, v12;
	v13 =	vmul.f32 v23, v6  }
0x22b: {  	v23 =	vshll.u32 v14, $0x10;
	v15 =	vadd.f32 v20, v15;
	v14 =	vmul.f32 v14, v4  }
0x22c: {  	v20 =	vld [tilespmem:s29+$0x3030];
	v12 =	vadd.f32 v13, v12;
	v13 =	vmul.f32 v23, v4  }
0x22d: {  	v14 =	vadd.f32 v14, v15  }
0x22e: {  	v15 =	vld [tilespmem:s30+$0x30];
	v23 =	vmul.f32 v22, v11;
	v12 =	vadd.f32 v13, v12  }
0x22f: {  	v13 =	vmul.f32 v21, v9;
	v22 =	vshll.u32 v22, $0x10;
	v21 =	vshll.u32 v21, $0x10;
	[tilespmem:s24+$0x1040] =	vst v14  }
0x230: {  	v14 =	vmul.f32 v22, v11;
	v21 =	vmul.f32 v21, v9;
	[tilespmem:s24+$0x440] =	vst v12  }
0x231: {  	v12 =	vmul.f32 v20, v10;
	v20 =	vshll.u32 v20, $0x10;
	v13 =	vadd.f32 v13, v23;
	v22 =	vld [tilespmem:s25+$0x450]  }
0x232: {  	v14 =	vadd.f32 v21, v14;
	v20 =	vmul.f32 v20, v10;
	v21 =	vld [tilespmem:s25+$0x1C50]  }
0x233: {  	v23 =	vshll.u32 v15, $0x10;
	v15 =	vmul.f32 v15, v8;
	v12 =	vadd.f32 v12, v13  }
0x234: {  	v13 =	vmul.f32 v23, v8;
	v14 =	vadd.f32 v20, v14;
	v20 =	vld [tilespmem:s25+$0x3450]  }
0x235: {  	v12 =	vadd.f32 v15, v12  }
0x236: {  	v13 =	vadd.f32 v13, v14;
	v14 =	vld [tilespmem:s26+$0x450];
	v15 =	vmul.f32 v22, v5  }
0x237: {  	[tilespmem:s28+$0xC30] =	vst v12;
	v12 =	vshll.u32 v22, $0x10;
	v22 =	vshll.u32 v21, $0x10;
	v21 =	vmul.f32 v21, v7  }
0x238: {  	[tilespmem:s28+$0x30] =	vst v13;
	v12 =	vmul.f32 v12, v5;
	v13 =	vmul.f32 v22, v7  }
0x239: {  	v22 =	vld [tilespmem:s29+$0x40];
	v23 =	vshll.u32 v20, $0x10;
	v15 =	vadd.f32 v21, v15;
	v20 =	vmul.f32 v20, v6  }
0x23a: {  	v21 =	vld [tilespmem:s29+$0x1840];
	v12 =	vadd.f32 v13, v12;
	v13 =	vmul.f32 v23, v6  }
0x23b: {  	v23 =	vshll.u32 v14, $0x10;
	v15 =	vadd.f32 v20, v15;
	v14 =	vmul.f32 v14, v4  }
0x23c: {  	v20 =	vld [tilespmem:s29+$0x3040];
	v12 =	vadd.f32 v13, v12;
	v13 =	vmul.f32 v23, v4  }
0x23d: {  	s14 =	simm.s32 $0x2;
	v14 =	vadd.f32 v14, v15  }
0x23e: {  	v23 =	vmov s14;
	v15 =	vld [tilespmem:s30+$0x40];
	v24 =	vmul.f32 v22, v11;
	v12 =	vadd.f32 v13, v12  }
0x23f: {  	v13 =	vshll.u32 v22, $0x10;
	v22 =	vmul.f32 v21, v9;
	v21 =	vshll.u32 v21, $0x10;
	[tilespmem:s24+$0x1050] =	vst v14  }
0x240: {  	v14 =	vand.u32 $0xF, v23;
	v13 =	vmul.f32 v13, v11;
	v21 =	vmul.f32 v21, v9;
	[tilespmem:s24+$0x450] =	vst v12  }
0x241: {  	v12 =	vmul.f32 v20, v10;
	v20 =	vshll.u32 v20, $0x10;
	v22 =	vadd.f32 v22, v24;
	v23 =	vld [tilespmem:s25+$0x460]  }
0x242: {  	s14 =	simm.s32 $0x0;
	v14 =	vbroadcast v14, $0x0;
	v13 =	vadd.f32 v21, v13;
	v20 =	vmul.f32 v20, v10;
	v21 =	vld [tilespmem:s25+$0x1C60]  }
0x243: {  	s15 =	smul.u32 $0xC00, s14;
	v24 =	vmul.f32 v15, v8;
	v15 =	vshll.u32 v15, $0x10;
	v12 =	vadd.f32 v12, v22  }
0x244: {  	s13 =	simm.s32 $0x100;
	v13 =	vadd.f32 v20, v13;
	v15 =	vmul.f32 v15, v8;
	v20 =	vld [tilespmem:s25+$0x3460]  }
0x245: {  	s0 =	sand.u32 $0x380, s13;
	s1 =	sadd.s32 s15, s2;
	v22 =	vadd.f32 v24, v12;
	v12 =	vperm.xlane v19, v14  }
0x246: {  	s16 =	sadd.s32 s15, s11;
	s1 =	sadd.s32 s0, s1;
	v24 =	vld [tilespmem:s26+$0x460];
	v15 =	vadd.f32 v15, v13;
	v13 =	vperm.xlane v18, v14;
	v25 =	vmul.f32 v23, v5  }
0x247: {  	s31 =	sadd.s32 s0, s16;
	v27 =	vld [tilespmem:s1+$0x3000];
	[tilespmem:s28+$0xC40] =	vst v22;
	v23 =	vshll.u32 v23, $0x10;
	v26 =	vshll.u32 v21, $0x10;
	v21 =	vmul.f32 v21, v7  }
0x248: {  	v22 =	vld [tilespmem:s31+$0x0];
	[tilespmem:s28+$0x40] =	vst v15;
	v23 =	vmul.f32 v23, v5;
	v26 =	vmul.f32 v26, v7  }
0x249: {  	v28 =	vld [tilespmem:s29+$0x50];
	v29 =	vshll.u32 v20, $0x10;
	v21 =	vadd.f32 v21, v25;
	v20 =	vmul.f32 v20, v6  }
0x24a: {  	v15 =	vperm.xlane v16, v14;
	v25 =	vld [tilespmem:s29+$0x1850];
	v23 =	vadd.f32 v26, v23;
	v26 =	vmul.f32 v29, v6  }
0x24b: {  	v29 =	vshll.u32 v24, $0x10;
	v20 =	vadd.f32 v20, v21;
	v21 =	vmul.f32 v24, v4  }
0x24c: {  	v14 =	vperm.xlane v17, v14;
	v24 =	vld [tilespmem:s29+$0x3050];
	v23 =	vadd.f32 v26, v23;
	v26 =	vmul.f32 v29, v4  }
0x24d: {  	v30 =	vshll.u32 v22, $0x10;
	v22 =	vmul.f32 v22, v12;
	v20 =	vadd.f32 v21, v20  }
0x24e: {  	v31 =	vld [tilespmem:s30+$0x50];
	v21 =	vmul.f32 v27, v13;
	v32 =	vmul.f32 v28, v11;
	v23 =	vadd.f32 v26, v23  }
0x24f: {  	v29 =	vld [tilespmem:s1+$0x0];
	v28 =	vshll.u32 v28, $0x10;
	v33 =	vshll.u32 v25, $0x10;
	v25 =	vmul.f32 v25, v9;
	[tilespmem:s24+$0x1060] =	vst v20  }
0x250: {  	v26 =	vld [tilespmem:s1+$0x1800];
	v20 =	vshll.u32 v27, $0x10;
	v27 =	vmul.f32 v28, v11;
	v28 =	vmul.f32 v33, v9;
	[tilespmem:s24+$0x460] =	vst v23  }
0x251: {  	v23 =	vshll.u32 v24, $0x10;
	v25 =	vadd.f32 v25, v32;
	v24 =	vmul.f32 v24, v10;
	v60 =	vld [tilespmem:s25+$0x470]  }
0x252: {  	v30 =	vmul.f32 v30, v12;
	v27 =	vadd.f32 v28, v27;
	v23 =	vmul.f32 v23, v10;
	v28 =	vld [tilespmem:s25+$0x1C70]  }
0x253: {  	v34 =	vshll.u32 v31, $0x10;
	v24 =	vadd.f32 v24, v25;
	v25 =	vmul.f32 v31, v8  }
0x254: {  	v61 =	vmul.f32 v29, v15;
	v62 =	vld [tilespmem:s25+$0x3470];
	v23 =	vadd.f32 v23, v27;
	v27 =	vmul.f32 v34, v8  }
0x255: {  	v29 =	vshll.u32 v29, $0x10;
	v31 =	vmul.f32 v26, v14;
	v24 =	vadd.f32 v25, v24  }
0x256: {  	v25 =	vmul.f32 v29, v15;
	v23 =	vadd.f32 v27, v23;
	v27 =	vld [tilespmem:s26+$0x470];
	v29 =	vmul.f32 v60, v5  }
0x257: {  	[tilespmem:s28+$0xC50] =	vst v24;
	v24 =	vshll.u32 v60, $0x10;
	v63 =	vshll.u32 v28, $0x10;
	v28 =	vmul.f32 v28, v7  }
0x258: {  	v26 =	vshll.u32 v26, $0x10;
	[tilespmem:s28+$0x50] =	vst v23;
	v23 =	vmul.f32 v24, v5;
	v24 =	vmul.f32 v63, v7  }
0x259: {  	v35 =	vshll.u32 v62, $0x10;
	v36 =	vld [tilespmem:s29+$0x60];
	v28 =	vadd.f32 v28, v29;
	v29 =	vmul.f32 v62, v6  }
0x25a: {  	v26 =	vmul.f32 v26, v14;
	v37 =	vld [tilespmem:s29+$0x1860];
	v23 =	vadd.f32 v24, v23;
	v24 =	vmul.f32 v35, v6  }
0x25b: {  	v38 =	vshll.u32 v27, $0x10;
	v28 =	vadd.f32 v29, v28;
	v27 =	vmul.f32 v27, v4  }
0x25c: {  	v29 =	vadd.f32 v31, v61;
	v31 =	vld [tilespmem:s29+$0x3060];
	v23 =	vadd.f32 v24, v23;
	v24 =	vmul.f32 v38, v4  }
0x25d: {  	v20 =	vmul.f32 v20, v13;
	v25 =	vadd.f32 v26, v25;
	v26 =	vadd.f32 v27, v28  }
0x25e: {  	v21 =	vadd.f32 v21, v29;
	v27 =	vld [tilespmem:s30+$0x60];
	v28 =	vmul.f32 v36, v11;
	v23 =	vadd.f32 v24, v23  }
0x25f: {  	v24 =	vshll.u32 v36, $0x10;
	v29 =	vshll.u32 v37, $0x10;
	v39 =	vmul.f32 v37, v9;
	[tilespmem:s24+$0x1070] =	vst v26  }
0x260: {  	s14 =	smul.u32 $0x6000, s14;
	v20 =	vadd.f32 v20, v25;
	v24 =	vmul.f32 v24, v11;
	v25 =	vmul.f32 v29, v9;
	[tilespmem:s24+$0x470] =	vst v23  }
0x261: {  	v23 =	vshll.u32 v31, $0x10;
	v26 =	vadd.f32 v39, v28;
	v28 =	vmul.f32 v31, v10;
	v29 =	vld [tilespmem:s25+$0x800]  }
0x262: {  	s14 =	sshra.s32 s14, $0x2;
	v21 =	vadd.f32 v22, v21;
	v22 =	vadd.f32 v25, v24;
	v23 =	vmul.f32 v23, v10;
	v24 =	vld [tilespmem:s25+$0x2000]  }
0x263: {  	s14 =	sadd.s32 s14, s12;
	v25 =	vshll.u32 v27, $0x10;
	v26 =	vadd.f32 v28, v26;
	v27 =	vmul.f32 v27, v8  }
0x264: {  	s0 =	sadd.s32 s0, s14;
	v20 =	vadd.f32 v30, v20;
	v22 =	vadd.f32 v23, v22;
	v23 =	vmul.f32 v25, v8;
	v25 =	vld [tilespmem:s25+$0x3800]  }
0x265: {  	[tilespmem:s0+$0xC00] =	vst v21;
	v21 =	vadd.f32 v27, v26  }
0x266: {  	[tilespmem:s0+$0x0] =	vst v20;
	v20 =	vadd.f32 v23, v22;
	v22 =	vld [tilespmem:s26+$0x800];
	v23 =	vmul.f32 v29, v5  }
0x267: {  	v28 =	vld [tilespmem:s1+$0x3010];
	[tilespmem:s28+$0xC60] =	vst v21;
	v21 =	vshll.u32 v29, $0x10;
	v27 =	vshll.u32 v24, $0x10;
	v24 =	vmul.f32 v24, v7  }
0x268: {  	v26 =	vld [tilespmem:s31+$0x10];
	[tilespmem:s28+$0x60] =	vst v20;
	v20 =	vmul.f32 v21, v5;
	v21 =	vmul.f32 v27, v7  }
0x269: {  	v27 =	vld [tilespmem:s29+$0x70];
	v29 =	vshll.u32 v25, $0x10;
	v23 =	vadd.f32 v24, v23;
	v24 =	vmul.f32 v25, v6  }
0x26a: {  	v25 =	vld [tilespmem:s29+$0x1870];
	v20 =	vadd.f32 v21, v20;
	v21 =	vmul.f32 v29, v6  }
0x26b: {  	v29 =	vshll.u32 v22, $0x10;
	v23 =	vadd.f32 v24, v23;
	v22 =	vmul.f32 v22, v4  }
0x26c: {  	v24 =	vld [tilespmem:s29+$0x3070];
	v20 =	vadd.f32 v21, v20;
	v21 =	vmul.f32 v29, v4  }
0x26d: {  	v30 =	vshll.u32 v26, $0x10;
	v26 =	vmul.f32 v26, v12;
	v22 =	vadd.f32 v22, v23  }
0x26e: {  	v31 =	vld [tilespmem:s30+$0x70];
	v23 =	vmul.f32 v28, v13;
	v40 =	vmul.f32 v27, v11;
	v20 =	vadd.f32 v21, v20  }
0x26f: {  	v29 =	vld [tilespmem:s1+$0x10];
	v27 =	vshll.u32 v27, $0x10;
	v41 =	vshll.u32 v25, $0x10;
	v25 =	vmul.f32 v25, v9;
	[tilespmem:s24+$0x1400] =	vst v22  }
0x270: {  	v21 =	vld [tilespmem:s1+$0x1810];
	v22 =	vshll.u32 v28, $0x10;
	v27 =	vmul.f32 v27, v11;
	v28 =	vmul.f32 v41, v9;
	[tilespmem:s24+$0x800] =	vst v20  }
0x271: {  	v20 =	vshll.u32 v24, $0x10;
	v25 =	vadd.f32 v25, v40;
	v24 =	vmul.f32 v24, v10;
	v42 =	vld [tilespmem:s25+$0x810]  }
0x272: {  	v30 =	vmul.f32 v30, v12;
	v27 =	vadd.f32 v28, v27;
	v20 =	vmul.f32 v20, v10;
	v28 =	vld [tilespmem:s25+$0x2010]  }
0x273: {  	v44 =	vshll.u32 v31, $0x10;
	v24 =	vadd.f32 v24, v25;
	v25 =	vmul.f32 v31, v8  }
0x274: {  	v43 =	vmul.f32 v29, v15;
	v45 =	vld [tilespmem:s25+$0x3810];
	v20 =	vadd.f32 v20, v27;
	v27 =	vmul.f32 v44, v8  }
0x275: {  	v29 =	vshll.u32 v29, $0x10;
	v31 =	vmul.f32 v21, v14;
	v24 =	vadd.f32 v25, v24  }
0x276: {  	v25 =	vmul.f32 v29, v15;
	v20 =	vadd.f32 v27, v20;
	v27 =	vld [tilespmem:s26+$0x810];
	v29 =	vmul.f32 v42, v5  }
0x277: {  	[tilespmem:s28+$0xC70] =	vst v24;
	v24 =	vshll.u32 v42, $0x10;
	v46 =	vshll.u32 v28, $0x10;
	v28 =	vmul.f32 v28, v7  }
0x278: {  	v21 =	vshll.u32 v21, $0x10;
	[tilespmem:s28+$0x70] =	vst v20;
	v20 =	vmul.f32 v24, v5;
	v24 =	vmul.f32 v46, v7  }
0x279: {  	v48 =	vshll.u32 v45, $0x10;
	v47 =	vld [tilespmem:s29+$0x400];
	v28 =	vadd.f32 v28, v29;
	v29 =	vmul.f32 v45, v6  }
0x27a: {  	v21 =	vmul.f32 v21, v14;
	v49 =	vld [tilespmem:s29+$0x1C00];
	v20 =	vadd.f32 v24, v20;
	v24 =	vmul.f32 v48, v6  }
0x27b: {  	v50 =	vshll.u32 v27, $0x10;
	v28 =	vadd.f32 v29, v28;
	v27 =	vmul.f32 v27, v4  }
0x27c: {  	v29 =	vadd.f32 v31, v43;
	v31 =	vld [tilespmem:s29+$0x3400];
	v20 =	vadd.f32 v24, v20;
	v24 =	vmul.f32 v50, v4  }
0x27d: {  	v22 =	vmul.f32 v22, v13;
	v21 =	vadd.f32 v21, v25;
	v25 =	vadd.f32 v27, v28  }
0x27e: {  	v23 =	vadd.f32 v23, v29;
	v27 =	vld [tilespmem:s30+$0x400];
	v28 =	vmul.f32 v47, v11;
	v20 =	vadd.f32 v24, v20  }
0x27f: {  	v24 =	vshll.u32 v47, $0x10;
	v29 =	vshll.u32 v49, $0x10;
	v51 =	vmul.f32 v49, v9;
	[tilespmem:s24+$0x1410] =	vst v25  }
0x280: {  	v21 =	vadd.f32 v22, v21;
	v22 =	vmul.f32 v24, v11;
	v24 =	vmul.f32 v29, v9;
	[tilespmem:s24+$0x810] =	vst v20  }
0x281: {  	v20 =	vshll.u32 v31, $0x10;
	v25 =	vadd.f32 v51, v28;
	v28 =	vmul.f32 v31, v10;
	v29 =	vld [tilespmem:s25+$0x820]  }
0x282: {  	v23 =	vadd.f32 v26, v23;
	v22 =	vadd.f32 v24, v22;
	v20 =	vmul.f32 v20, v10;
	v24 =	vld [tilespmem:s25+$0x2020]  }
0x283: {  	v26 =	vshll.u32 v27, $0x10;
	v25 =	vadd.f32 v28, v25;
	v27 =	vmul.f32 v27, v8  }
0x284: {  	v21 =	vadd.f32 v30, v21;
	v20 =	vadd.f32 v20, v22;
	v22 =	vmul.f32 v26, v8;
	v26 =	vld [tilespmem:s25+$0x3820]  }
0x285: {  	[tilespmem:s0+$0xC10] =	vst v23;
	v23 =	vadd.f32 v27, v25  }
0x286: {  	[tilespmem:s0+$0x10] =	vst v21;
	v21 =	vld [tilespmem:s26+$0x820];
	v20 =	vadd.f32 v22, v20;
	v22 =	vmul.f32 v29, v5  }
0x287: {  	v28 =	vld [tilespmem:s1+$0x3020];
	[tilespmem:s28+$0x1000] =	vst v23;
	v23 =	vshll.u32 v29, $0x10;
	v27 =	vshll.u32 v24, $0x10;
	v24 =	vmul.f32 v24, v7  }
0x288: {  	v25 =	vld [tilespmem:s31+$0x20];
	[tilespmem:s28+$0x400] =	vst v20;
	v20 =	vmul.f32 v23, v5;
	v23 =	vmul.f32 v27, v7  }
0x289: {  	v27 =	vld [tilespmem:s29+$0x410];
	v29 =	vshll.u32 v26, $0x10;
	v22 =	vadd.f32 v24, v22;
	v24 =	vmul.f32 v26, v6  }
0x28a: {  	v26 =	vld [tilespmem:s29+$0x1C10];
	v20 =	vadd.f32 v23, v20;
	v23 =	vmul.f32 v29, v6  }
0x28b: {  	v29 =	vshll.u32 v21, $0x10;
	v21 =	vmul.f32 v21, v4;
	v22 =	vadd.f32 v24, v22  }
0x28c: {  	v24 =	vld [tilespmem:s29+$0x3410];
	v20 =	vadd.f32 v23, v20;
	v23 =	vmul.f32 v29, v4  }
0x28d: {  	v30 =	vshll.u32 v25, $0x10;
	v25 =	vmul.f32 v25, v12;
	v21 =	vadd.f32 v21, v22  }
0x28e: {  	v31 =	vld [tilespmem:s30+$0x410];
	v22 =	vmul.f32 v28, v13;
	v52 =	vmul.f32 v27, v11;
	v20 =	vadd.f32 v23, v20  }
0x28f: {  	v29 =	vld [tilespmem:s1+$0x20];
	v27 =	vshll.u32 v27, $0x10;
	v53 =	vshll.u32 v26, $0x10;
	v26 =	vmul.f32 v26, v9;
	[tilespmem:s24+$0x1420] =	vst v21  }
0x290: {  	v23 =	vld [tilespmem:s1+$0x1820];
	v21 =	vshll.u32 v28, $0x10;
	v27 =	vmul.f32 v27, v11;
	v28 =	vmul.f32 v53, v9;
	[tilespmem:s24+$0x820] =	vst v20  }
0x291: {  	v20 =	vshll.u32 v24, $0x10;
	v26 =	vadd.f32 v26, v52;
	v24 =	vmul.f32 v24, v10;
	v54 =	vld [tilespmem:s25+$0x830]  }
0x292: {  	v30 =	vmul.f32 v30, v12;
	v27 =	vadd.f32 v28, v27;
	v20 =	vmul.f32 v20, v10;
	v28 =	vld [tilespmem:s25+$0x2030]  }
0x293: {  	v56 =	vshll.u32 v31, $0x10;
	v24 =	vadd.f32 v24, v26;
	v26 =	vmul.f32 v31, v8  }
0x294: {  	v55 =	vmul.f32 v29, v15;
	v57 =	vld [tilespmem:s25+$0x3830];
	v20 =	vadd.f32 v20, v27;
	v27 =	vmul.f32 v56, v8  }
0x295: {  	v29 =	vshll.u32 v29, $0x10;
	v31 =	vmul.f32 v23, v14;
	v24 =	vadd.f32 v26, v24  }
0x296: {  	v26 =	vmul.f32 v29, v15;
	v20 =	vadd.f32 v27, v20;
	v27 =	vld [tilespmem:s26+$0x830];
	v29 =	vmul.f32 v54, v5  }
0x297: {  	[tilespmem:s28+$0x1010] =	vst v24;
	v24 =	vshll.u32 v54, $0x10;
	v58 =	vshll.u32 v28, $0x10;
	v28 =	vmul.f32 v28, v7  }
0x298: {  	v23 =	vshll.u32 v23, $0x10;
	[tilespmem:s28+$0x410] =	vst v20;
	v20 =	vmul.f32 v24, v5;
	v24 =	vmul.f32 v58, v7  }
0x299: {  	v60 =	vshll.u32 v57, $0x10;
	v59 =	vld [tilespmem:s29+$0x420];
	v28 =	vadd.f32 v28, v29;
	v29 =	vmul.f32 v57, v6  }
0x29a: {  	v23 =	vmul.f32 v23, v14;
	v61 =	vld [tilespmem:s29+$0x1C20];
	v20 =	vadd.f32 v24, v20;
	v24 =	vmul.f32 v60, v6  }
0x29b: {  	v62 =	vshll.u32 v27, $0x10;
	v28 =	vadd.f32 v29, v28;
	v27 =	vmul.f32 v27, v4  }
0x29c: {  	v29 =	vadd.f32 v31, v55;
	v31 =	vld [tilespmem:s29+$0x3420];
	v20 =	vadd.f32 v24, v20;
	v24 =	vmul.f32 v62, v4  }
0x29d: {  	v21 =	vmul.f32 v21, v13;
	v23 =	vadd.f32 v23, v26;
	v26 =	vadd.f32 v27, v28  }
0x29e: {  	v27 =	vadd.f32 v22, v29;
	v28 =	vld [tilespmem:s30+$0x420];
	v22 =	vmul.f32 v59, v11;
	v20 =	vadd.f32 v24, v20  }
0x29f: {  	v24 =	vshll.u32 v59, $0x10;
	v29 =	vshll.u32 v61, $0x10;
	v63 =	vmul.f32 v61, v9;
	[tilespmem:s24+$0x1430] =	vst v26  }
0x2a0: {  	v26 =	vadd.f32 v21, v23;
	v21 =	vmul.f32 v24, v11;
	v23 =	vmul.f32 v29, v9;
	[tilespmem:s24+$0x830] =	vst v20  }
0x2a1: {  	v20 =	vshll.u32 v31, $0x10;
	v24 =	vadd.f32 v63, v22;
	v29 =	vmul.f32 v31, v10;
	v22 =	vld [tilespmem:s25+$0x840]  }
0x2a2: {  	v27 =	vadd.f32 v25, v27;
	v25 =	vadd.f32 v23, v21;
	v20 =	vmul.f32 v20, v10;
	v21 =	vld [tilespmem:s25+$0x2040]  }
0x2a3: {  	v31 =	vshll.u32 v28, $0x10;
	v23 =	vadd.f32 v29, v24;
	v24 =	vmul.f32 v28, v8  }
0x2a4: {  	s14 =	simm.s32 $0x3;
	v28 =	vadd.f32 v30, v26;
	v25 =	vadd.f32 v20, v25;
	v26 =	vmul.f32 v31, v8;
	v20 =	vld [tilespmem:s25+$0x3840]  }
.LBB2_7:
0x2a5: {  	p1 =	sne.s32 s14, $0xF;
	[tilespmem:s0+$0xC20] =	vst v27;
	v23 =	vadd.f32 v24, v23  }
0x2a6: {  	[tilespmem:s0+$0x20] =	vst v28;
	v24 =	vadd.f32 v26, v25;
	v25 =	vld [tilespmem:s26+$0x840];
	v26 =	vmul.f32 v22, v5  }
0x2a7: {  	v22 =	vshll.u32 v22, $0x10;
	v27 =	vld [tilespmem:s31+$0x30];
	[tilespmem:s28+$0x1020] =	vst v23;
	v23 =	vshll.u32 v21, $0x10;
	v21 =	vmul.f32 v21, v7  }
0x2a8: {  	v22 =	vmul.f32 v22, v5;
	v28 =	vld [tilespmem:s1+$0x3030];
	[tilespmem:s28+$0x420] =	vst v24;
	v23 =	vmul.f32 v23, v7  }
0x2a9: {  	v24 =	vld [tilespmem:s29+$0x430];
	v29 =	vshll.u32 v20, $0x10;
	v21 =	vadd.f32 v21, v26;
	v20 =	vmul.f32 v20, v6  }
0x2aa: {  	v26 =	vld [tilespmem:s29+$0x1C30];
	v22 =	vadd.f32 v23, v22;
	v23 =	vmul.f32 v29, v6  }
0x2ab: {  	v29 =	vshll.u32 v25, $0x10;
	v20 =	vadd.f32 v20, v21;
	v21 =	vmul.f32 v25, v4  }
0x2ac: {  	v25 =	vld [tilespmem:s29+$0x3430];
	v22 =	vadd.f32 v23, v22;
	v23 =	vmul.f32 v29, v4  }
0x2ad: {  	v30 =	vshll.u32 v27, $0x10;
	v27 =	vmul.f32 v27, v12;
	v29 =	vld [tilespmem:s1+$0x30];
	v20 =	vadd.f32 v21, v20  }
0x2ae: {  	v21 =	vmul.f32 v28, v13;
	v31 =	vld [tilespmem:s30+$0x430];
	v32 =	vmul.f32 v24, v11;
	v22 =	vadd.f32 v23, v22  }
0x2af: {  	v24 =	vshll.u32 v24, $0x10;
	v23 =	vld [tilespmem:s1+$0x1830];
	v33 =	vshll.u32 v26, $0x10;
	v26 =	vmul.f32 v26, v9;
	[tilespmem:s24+$0x1440] =	vst v20  }
0x2b0: {  	v20 =	vshll.u32 v28, $0x10;
	v24 =	vmul.f32 v24, v11;
	v28 =	vmul.f32 v33, v9;
	[tilespmem:s24+$0x840] =	vst v22  }
0x2b1: {  	v22 =	vshll.u32 v25, $0x10;
	v26 =	vadd.f32 v26, v32;
	v25 =	vmul.f32 v25, v10;
	v32 =	vld [tilespmem:s25+$0x850]  }
0x2b2: {  	v33 =	vmul.f32 v29, v15;
	v24 =	vadd.f32 v28, v24;
	v22 =	vmul.f32 v22, v10;
	v28 =	vld [tilespmem:s25+$0x2050]  }
0x2b3: {  	v34 =	vshll.u32 v31, $0x10;
	v25 =	vadd.f32 v25, v26;
	v26 =	vmul.f32 v31, v8  }
0x2b4: {  	v31 =	vmul.f32 v23, v14;
	v22 =	vadd.f32 v22, v24;
	v24 =	vmul.f32 v34, v8;
	v34 =	vld [tilespmem:s25+$0x3850]  }
0x2b5: {  	v30 =	vmul.f32 v30, v12;
	v29 =	vshll.u32 v29, $0x10;
	v25 =	vadd.f32 v26, v25  }
0x2b6: {  	v26 =	vmul.f32 v29, v15;
	v22 =	vadd.f32 v24, v22;
	v24 =	vld [tilespmem:s26+$0x850];
	v29 =	vmul.f32 v32, v5  }
0x2b7: {  	[tilespmem:s28+$0x1030] =	vst v25;
	v25 =	vshll.u32 v32, $0x10;
	v32 =	vshll.u32 v28, $0x10;
	v28 =	vmul.f32 v28, v7  }
0x2b8: {  	v23 =	vshll.u32 v23, $0x10;
	[tilespmem:s28+$0x430] =	vst v22;
	v22 =	vmul.f32 v25, v5;
	v25 =	vmul.f32 v32, v7  }
0x2b9: {  	v32 =	vld [tilespmem:s29+$0x440];
	v35 =	vshll.u32 v34, $0x10;
	v28 =	vadd.f32 v28, v29;
	v29 =	vmul.f32 v34, v6  }
0x2ba: {  	v23 =	vmul.f32 v23, v14;
	v34 =	vld [tilespmem:s29+$0x1C40];
	v22 =	vadd.f32 v25, v22;
	v25 =	vmul.f32 v35, v6  }
0x2bb: {  	v35 =	vshll.u32 v24, $0x10;
	v28 =	vadd.f32 v29, v28;
	v24 =	vmul.f32 v24, v4  }
0x2bc: {  	v29 =	vadd.f32 v31, v33;
	v31 =	vld [tilespmem:s29+$0x3440];
	v22 =	vadd.f32 v25, v22;
	v25 =	vmul.f32 v35, v4  }
0x2bd: {  	v20 =	vmul.f32 v20, v13;
	v23 =	vadd.f32 v23, v26;
	v24 =	vadd.f32 v24, v28  }
0x2be: {  	v21 =	vadd.f32 v21, v29;
	v26 =	vld [tilespmem:s30+$0x440];
	v28 =	vmul.f32 v32, v11;
	v22 =	vadd.f32 v25, v22  }
0x2bf: {  	v25 =	vshll.u32 v32, $0x10;
	v29 =	vshll.u32 v34, $0x10;
	v32 =	vmul.f32 v34, v9;
	[tilespmem:s24+$0x1450] =	vst v24  }
0x2c0: {  	v20 =	vadd.f32 v20, v23;
	v23 =	vmul.f32 v25, v11;
	v24 =	vmul.f32 v29, v9;
	[tilespmem:s24+$0x850] =	vst v22  }
0x2c1: {  	v22 =	vshll.u32 v31, $0x10;
	v25 =	vadd.f32 v32, v28;
	v28 =	vmul.f32 v31, v10;
	v29 =	vld [tilespmem:s25+$0x860]  }
0x2c2: {  	v21 =	vadd.f32 v27, v21;
	v23 =	vadd.f32 v24, v23;
	v22 =	vmul.f32 v22, v10;
	v24 =	vld [tilespmem:s25+$0x2060]  }
0x2c3: {  	v27 =	vshll.u32 v26, $0x10;
	v25 =	vadd.f32 v28, v25;
	v26 =	vmul.f32 v26, v8  }
0x2c4: {  	v20 =	vadd.f32 v30, v20;
	v22 =	vadd.f32 v22, v23;
	v23 =	vmul.f32 v27, v8;
	v27 =	vld [tilespmem:s25+$0x3860]  }
0x2c5: {  	[tilespmem:s0+$0xC30] =	vst v21;
	v21 =	vadd.f32 v26, v25  }
0x2c6: {  	[tilespmem:s0+$0x30] =	vst v20;
	v20 =	vadd.f32 v23, v22;
	v22 =	vld [tilespmem:s26+$0x860];
	v23 =	vmul.f32 v29, v5  }
0x2c7: {  	v25 =	vld [tilespmem:s31+$0x40];
	[tilespmem:s28+$0x1040] =	vst v21;
	v21 =	vshll.u32 v29, $0x10;
	v26 =	vshll.u32 v24, $0x10;
	v24 =	vmul.f32 v24, v7  }
0x2c8: {  	v28 =	vld [tilespmem:s1+$0x3040];
	[tilespmem:s28+$0x440] =	vst v20;
	v20 =	vmul.f32 v21, v5;
	v21 =	vmul.f32 v26, v7  }
0x2c9: {  	v26 =	vld [tilespmem:s29+$0x450];
	v29 =	vshll.u32 v27, $0x10;
	v23 =	vadd.f32 v24, v23;
	v24 =	vmul.f32 v27, v6  }
0x2ca: {  	v27 =	vmov s14;
	v30 =	vld [tilespmem:s29+$0x1C50];
	v20 =	vadd.f32 v21, v20;
	v21 =	vmul.f32 v29, v6  }
0x2cb: {  	v29 =	vshll.u32 v22, $0x10;
	v23 =	vadd.f32 v24, v23;
	v22 =	vmul.f32 v22, v4  }
0x2cc: {  	v24 =	vand.u32 $0xF, v27;
	v27 =	vld [tilespmem:s29+$0x3450];
	v20 =	vadd.f32 v21, v20;
	v21 =	vmul.f32 v29, v4  }
0x2cd: {  	v29 =	vbroadcast v24, $0x0;
	v24 =	vmul.f32 v25, v12;
	v22 =	vadd.f32 v22, v23  }
0x2ce: {  	v23 =	vmul.f32 v28, v13;
	v31 =	vld [tilespmem:s30+$0x450];
	v32 =	vmul.f32 v26, v11;
	v20 =	vadd.f32 v21, v20  }
0x2cf: {  	v21 =	vshll.u32 v26, $0x10;
	v33 =	vld [tilespmem:s1+$0x40];
	v26 =	vshll.u32 v30, $0x10;
	v30 =	vmul.f32 v30, v9;
	[tilespmem:s24+$0x1460] =	vst v22  }
0x2d0: {  	v25 =	vshll.u32 v25, $0x10;
	v21 =	vmul.f32 v21, v11;
	v22 =	vld [tilespmem:s1+$0x1840];
	v26 =	vmul.f32 v26, v9;
	[tilespmem:s24+$0x860] =	vst v20  }
0x2d1: {  	v20 =	vshll.u32 v27, $0x10;
	v30 =	vadd.f32 v30, v32;
	v27 =	vmul.f32 v27, v10;
	v32 =	vld [tilespmem:s25+$0x870]  }
0x2d2: {  	v28 =	vshll.u32 v28, $0x10;
	v21 =	vadd.f32 v26, v21;
	v26 =	vmul.f32 v20, v10;
	v20 =	vld [tilespmem:s25+$0x2070]  }
0x2d3: {  	v34 =	vshll.u32 v31, $0x10;
	v27 =	vadd.f32 v27, v30;
	v30 =	vmul.f32 v31, v8  }
0x2d4: {  	v31 =	vmul.f32 v33, v15;
	v26 =	vadd.f32 v26, v21;
	v34 =	vmul.f32 v34, v8;
	v21 =	vld [tilespmem:s25+$0x3870];
	s25 =	smov.u32 s29;
	s29 =	smov.u32 s1  }
0x2d5: {  	v33 =	vshll.u32 v33, $0x10;
	v35 =	vmul.f32 v22, v14;
	v27 =	vadd.f32 v30, v27  }
0x2d6: {  	v30 =	vmul.f32 v33, v15;
	v33 =	vshll.u32 v22, $0x10;
	v26 =	vadd.f32 v34, v26;
	v22 =	vld [tilespmem:s26+$0x870];
	s26 =	smov.u32 s30;
	s30 =	smov.u32 s31  }
0x2d7: {  	v33 =	vmul.f32 v33, v14;
	[tilespmem:s28+$0x1050] =	vst v27;
	v27 =	vshll.u32 v32, $0x10;
	v34 =	vshll.u32 v20, $0x10  }
0x2d8: {  	v31 =	vadd.f32 v35, v31;
	[tilespmem:s28+$0x450] =	vst v26;
	v26 =	vmul.f32 v27, v5;
	v27 =	vmul.f32 v34, v7  }
0x2d9: {  	v28 =	vmul.f32 v28, v13;
	v30 =	vadd.f32 v33, v30;
	v33 =	vld [tilespmem:s25+$0x460];
	v34 =	vshll.u32 v21, $0x10  }
0x2da: {  	s16 =	sshrl.u32 s14, $0x3;
	v23 =	vadd.f32 v23, v31;
	v31 =	vld [tilespmem:s25+$0x1C60];
	v26 =	vadd.f32 v27, v26;
	v27 =	vmul.f32 v34, v6  }
0x2db: {  	v25 =	vmul.f32 v25, v12;
	s1 =	smul.u32 $0xC00, s16;
	v28 =	vadd.f32 v28, v30;
	v30 =	vshll.u32 v22, $0x10  }
0x2dc: {  	s13 =	sadd.s32 $0x80, s13;
	v34 =	vadd.f32 v24, v23;
	v35 =	vld [tilespmem:s25+$0x3460];
	v26 =	vadd.f32 v27, v26;
	v27 =	vmul.f32 v30, v4  }
0x2dd: {  	s15 =	sand.u32 $0x380, s13;
	s31 =	sadd.s32 s1, s11;
	v24 =	vperm.xlane v19, v29;
	v28 =	vadd.f32 v25, v28;
	v25 =	vmul.f32 v32, v5;
	v5 =	vmovc v11  }
0x2de: {  	s1 =	sadd.s32 s1, s2;
	s31 =	sadd.s32 s15, s31;
	v23 =	vperm.xlane v18, v29;
	[tilespmem:s0+$0xC40] =	vst v34;
	v30 =	vld [tilespmem:s26+$0x460];
	v32 =	vmul.f32 v33, v5;
	v26 =	vadd.f32 v27, v26  }
0x2df: {  	s1 =	sadd.s32 s15, s1;
	v11 =	vmovc v15;
	v27 =	vld [tilespmem:s31+$0x0];
	[tilespmem:s0+$0x40] =	vst v28;
	v28 =	vshll.u32 v33, $0x10;
	v33 =	vshll.u32 v31, $0x10;
	v31 =	vmul.f32 v31, v9  }
0x2e0: {  	v34 =	vld [tilespmem:s1+$0x3000];
	v28 =	vmul.f32 v28, v5;
	v33 =	vmul.f32 v33, v9;
	[tilespmem:s24+$0x870] =	vst v26  }
0x2e1: {  	v36 =	vld [tilespmem:s29+$0x50];
	v26 =	vshll.u32 v35, $0x10;
	v31 =	vadd.f32 v31, v32;
	v32 =	vmul.f32 v35, v10  }
0x2e2: {  	v15 =	vperm.xlane v16, v29;
	v35 =	vld [tilespmem:s29+$0x1850];
	v28 =	vadd.f32 v33, v28;
	v33 =	vmul.f32 v26, v10  }
0x2e3: {  	v37 =	vshll.u32 v30, $0x10;
	v31 =	vadd.f32 v32, v31;
	v30 =	vmul.f32 v30, v8  }
0x2e4: {  	v26 =	vperm.xlane v17, v29;
	v29 =	vld [tilespmem:s29+$0x3050];
	v28 =	vadd.f32 v33, v28;
	v32 =	vmul.f32 v37, v8  }
0x2e5: {  	v37 =	vshll.u32 v27, $0x10;
	v27 =	vmul.f32 v27, v24;
	v33 =	vld [tilespmem:s1+$0x0];
	v30 =	vadd.f32 v30, v31  }
0x2e6: {  	v31 =	vmul.f32 v34, v23;
	v38 =	vld [tilespmem:s30+$0x50];
	v39 =	vmul.f32 v36, v11;
	v28 =	vadd.f32 v32, v28  }
0x2e7: {  	v36 =	vshll.u32 v36, $0x10;
	v32 =	vld [tilespmem:s1+$0x1800];
	v40 =	vshll.u32 v35, $0x10;
	v35 =	vmul.f32 v35, v14;
	[tilespmem:s28+$0x1060] =	vst v30  }
0x2e8: {  	v30 =	vshll.u32 v34, $0x10;
	v34 =	vmul.f32 v36, v11;
	v36 =	vmul.f32 v40, v14;
	[tilespmem:s28+$0x460] =	vst v28  }
0x2e9: {  	v28 =	vshll.u32 v29, $0x10;
	v35 =	vadd.f32 v35, v39;
	v29 =	vmul.f32 v29, v13;
	v39 =	vld [tilespmem:s25+$0x470]  }
0x2ea: {  	v40 =	vmul.f32 v33, v15;
	v34 =	vadd.f32 v36, v34;
	v28 =	vmul.f32 v28, v13;
	v36 =	vld [tilespmem:s25+$0x1C70]  }
0x2eb: {  	v41 =	vshll.u32 v38, $0x10;
	v29 =	vadd.f32 v29, v35;
	v35 =	vmul.f32 v38, v12  }
0x2ec: {  	v38 =	vmul.f32 v32, v26;
	v28 =	vadd.f32 v28, v34;
	v34 =	vmul.f32 v41, v12;
	v41 =	vld [tilespmem:s25+$0x3470]  }
0x2ed: {  	v37 =	vmul.f32 v37, v24;
	v33 =	vshll.u32 v33, $0x10;
	v29 =	vadd.f32 v35, v29  }
0x2ee: {  	v33 =	vmul.f32 v33, v15;
	v28 =	vadd.f32 v34, v28;
	v34 =	vld [tilespmem:s26+$0x470];
	v35 =	vmul.f32 v39, v5  }
0x2ef: {  	[tilespmem:s0+$0xC50] =	vst v29;
	v29 =	vshll.u32 v39, $0x10;
	v39 =	vshll.u32 v36, $0x10;
	v36 =	vmul.f32 v36, v9  }
0x2f0: {  	v32 =	vshll.u32 v32, $0x10;
	[tilespmem:s0+$0x50] =	vst v28;
	v28 =	vmul.f32 v29, v5;
	v29 =	vmul.f32 v39, v9  }
0x2f1: {  	v39 =	vld [tilespmem:s29+$0x60];
	v42 =	vshll.u32 v41, $0x10;
	v35 =	vadd.f32 v36, v35;
	v36 =	vmul.f32 v41, v10  }
0x2f2: {  	v32 =	vmul.f32 v32, v26;
	v41 =	vld [tilespmem:s29+$0x1860];
	v28 =	vadd.f32 v29, v28;
	v29 =	vmul.f32 v42, v10  }
0x2f3: {  	v42 =	vshll.u32 v34, $0x10;
	v35 =	vadd.f32 v36, v35;
	v34 =	vmul.f32 v34, v8  }
0x2f4: {  	v36 =	vadd.f32 v38, v40;
	v38 =	vld [tilespmem:s29+$0x3060];
	v28 =	vadd.f32 v29, v28;
	v29 =	vmul.f32 v42, v8  }
0x2f5: {  	v30 =	vmul.f32 v30, v23;
	v32 =	vadd.f32 v32, v33;
	v33 =	vadd.f32 v34, v35  }
0x2f6: {  	v31 =	vadd.f32 v31, v36;
	v34 =	vld [tilespmem:s30+$0x60];
	v35 =	vmul.f32 v39, v11;
	v28 =	vadd.f32 v29, v28  }
0x2f7: {  	v29 =	vshll.u32 v39, $0x10;
	v36 =	vshll.u32 v41, $0x10;
	v39 =	vmul.f32 v41, v14;
	[tilespmem:s28+$0x1070] =	vst v33  }
0x2f8: {  	s16 =	smul.u32 $0x6000, s16;
	v30 =	vadd.f32 v30, v32;
	v29 =	vmul.f32 v29, v11;
	v32 =	vmul.f32 v36, v14;
	[tilespmem:s28+$0x470] =	vst v28  }
0x2f9: {  	v28 =	vshll.u32 v38, $0x10;
	v33 =	vadd.f32 v39, v35;
	v35 =	vmul.f32 v38, v13;
	v36 =	vld [tilespmem:s25+$0x800]  }
0x2fa: {  	s16 =	sshra.s32 s16, $0x2;
	v27 =	vadd.f32 v27, v31;
	v29 =	vadd.f32 v32, v29;
	v28 =	vmul.f32 v28, v13;
	v31 =	vld [tilespmem:s25+$0x2000]  }
0x2fb: {  	s16 =	sadd.s32 s16, s12;
	v32 =	vshll.u32 v34, $0x10;
	v33 =	vadd.f32 v35, v33;
	v34 =	vmul.f32 v34, v12  }
0x2fc: {  	s15 =	sadd.s32 s15, s16;
	v30 =	vadd.f32 v37, v30;
	v28 =	vadd.f32 v28, v29;
	v29 =	vmul.f32 v32, v12;
	v32 =	vld [tilespmem:s25+$0x3800]  }
0x2fd: {  	v7 =	vmul.f32 v20, v7;
	v20 =	vmul.f32 v21, v6;
	[tilespmem:s15+$0xC00] =	vst v27;
	v27 =	vadd.f32 v34, v33  }
0x2fe: {  	v22 =	vmul.f32 v22, v4;
	[tilespmem:s15+$0x0] =	vst v30;
	v35 =	vadd.f32 v29, v28;
	v21 =	vld [tilespmem:s26+$0x800];
	v28 =	vmul.f32 v36, v5  }
0x2ff: {  	v4 =	vmovc v8;
	v8 =	vmovc v12;
	v29 =	vld [tilespmem:s31+$0x10];
	[tilespmem:s0+$0xC60] =	vst v27;
	v27 =	vshll.u32 v36, $0x10;
	v30 =	vshll.u32 v31, $0x10;
	v31 =	vmul.f32 v31, v9  }
0x300: {  	v33 =	vld [tilespmem:s1+$0x3010];
	[tilespmem:s0+$0x60] =	vst v35;
	v27 =	vmul.f32 v27, v5;
	v30 =	vmul.f32 v30, v9;
	v35 =	vadd.f32 v7, v25  }
0x301: {  	v6 =	vmovc v10;
	v12 =	vmovc v24;
	v25 =	vld [tilespmem:s29+$0x70];
	v34 =	vshll.u32 v32, $0x10;
	v28 =	vadd.f32 v31, v28;
	v31 =	vmul.f32 v32, v10  }
0x302: {  	v10 =	vmovc v13;
	v24 =	vld [tilespmem:s29+$0x1870];
	v27 =	vadd.f32 v30, v27;
	v30 =	vmul.f32 v34, v6;
	v20 =	vadd.f32 v20, v35  }
0x303: {  	v7 =	vmovc v9;
	v13 =	vmovc v23;
	v32 =	vshll.u32 v21, $0x10;
	v28 =	vadd.f32 v31, v28;
	v21 =	vmul.f32 v21, v4  }
0x304: {  	v9 =	vmovc v14;
	v23 =	vld [tilespmem:s29+$0x3070];
	v27 =	vadd.f32 v30, v27;
	v30 =	vmul.f32 v32, v4;
	v20 =	vadd.f32 v22, v20  }
0x305: {  	v14 =	vmovc v26;
	v31 =	vshll.u32 v29, $0x10;
	v29 =	vmul.f32 v29, v12;
	v22 =	vld [tilespmem:s1+$0x10];
	v21 =	vadd.f32 v21, v28  }
0x306: {  	v26 =	vmul.f32 v33, v13;
	v28 =	vld [tilespmem:s30+$0x70];
	v32 =	vmul.f32 v25, v11;
	v27 =	vadd.f32 v30, v27;
	[tilespmem:s24+$0x1470] =	vst v20;
	s24 =	smov.u32 s28;
	s28 =	smov.u32 s0;
	s0 =	smov.u32 s15  }
0x307: {  	v25 =	vshll.u32 v25, $0x10;
	v20 =	vld [tilespmem:s1+$0x1810];
	v30 =	vshll.u32 v24, $0x10;
	v24 =	vmul.f32 v24, v9;
	[tilespmem:s24+$0x1400] =	vst v21  }
0x308: {  	v21 =	vshll.u32 v33, $0x10;
	v25 =	vmul.f32 v25, v11;
	v30 =	vmul.f32 v30, v9;
	[tilespmem:s24+$0x800] =	vst v27  }
0x309: {  	v27 =	vshll.u32 v23, $0x10;
	v24 =	vadd.f32 v24, v32;
	v23 =	vmul.f32 v23, v10;
	v32 =	vld [tilespmem:s25+$0x810]  }
0x30a: {  	v33 =	vmul.f32 v22, v15;
	v25 =	vadd.f32 v30, v25;
	v27 =	vmul.f32 v27, v10;
	v30 =	vld [tilespmem:s25+$0x2010]  }
0x30b: {  	v34 =	vshll.u32 v28, $0x10;
	v23 =	vadd.f32 v23, v24;
	v24 =	vmul.f32 v28, v8  }
0x30c: {  	v28 =	vmul.f32 v20, v14;
	v25 =	vadd.f32 v27, v25;
	v27 =	vmul.f32 v34, v8;
	v34 =	vld [tilespmem:s25+$0x3810]  }
0x30d: {  	v31 =	vmul.f32 v31, v12;
	v22 =	vshll.u32 v22, $0x10;
	v23 =	vadd.f32 v24, v23  }
0x30e: {  	v22 =	vmul.f32 v22, v15;
	v24 =	vadd.f32 v27, v25;
	v25 =	vld [tilespmem:s26+$0x810];
	v27 =	vmul.f32 v32, v5  }
0x30f: {  	[tilespmem:s28+$0xC70] =	vst v23;
	v23 =	vshll.u32 v32, $0x10;
	v32 =	vshll.u32 v30, $0x10;
	v30 =	vmul.f32 v30, v7  }
0x310: {  	v20 =	vshll.u32 v20, $0x10;
	[tilespmem:s28+$0x70] =	vst v24;
	v23 =	vmul.f32 v23, v5;
	v24 =	vmul.f32 v32, v7  }
0x311: {  	v32 =	vld [tilespmem:s29+$0x400];
	v35 =	vshll.u32 v34, $0x10;
	v27 =	vadd.f32 v30, v27;
	v30 =	vmul.f32 v34, v6  }
0x312: {  	v20 =	vmul.f32 v20, v14;
	v34 =	vld [tilespmem:s29+$0x1C00];
	v23 =	vadd.f32 v24, v23;
	v24 =	vmul.f32 v35, v6  }
0x313: {  	v35 =	vshll.u32 v25, $0x10;
	v27 =	vadd.f32 v30, v27;
	v25 =	vmul.f32 v25, v4  }
0x314: {  	v28 =	vadd.f32 v28, v33;
	v30 =	vld [tilespmem:s29+$0x3400];
	v23 =	vadd.f32 v24, v23;
	v24 =	vmul.f32 v35, v4  }
0x315: {  	v21 =	vmul.f32 v21, v13;
	v20 =	vadd.f32 v20, v22;
	v22 =	vadd.f32 v25, v27  }
0x316: {  	v25 =	vadd.f32 v26, v28;
	v26 =	vld [tilespmem:s30+$0x400];
	v27 =	vmul.f32 v32, v11;
	v23 =	vadd.f32 v24, v23  }
0x317: {  	v24 =	vshll.u32 v32, $0x10;
	v28 =	vshll.u32 v34, $0x10;
	v32 =	vmul.f32 v34, v9;
	[tilespmem:s24+$0x1410] =	vst v22  }
0x318: {  	v20 =	vadd.f32 v21, v20;
	v21 =	vmul.f32 v24, v11;
	v22 =	vmul.f32 v28, v9;
	[tilespmem:s24+$0x810] =	vst v23  }
0x319: {  	v23 =	vshll.u32 v30, $0x10;
	v24 =	vadd.f32 v32, v27;
	v27 =	vmul.f32 v30, v10;
	v28 =	vld [tilespmem:s25+$0x820]  }
0x31a: {  	v25 =	vadd.f32 v29, v25;
	v21 =	vadd.f32 v22, v21;
	v22 =	vmul.f32 v23, v10;
	v23 =	vld [tilespmem:s25+$0x2020]  }
0x31b: {  	v29 =	vshll.u32 v26, $0x10;
	v24 =	vadd.f32 v27, v24;
	v26 =	vmul.f32 v26, v8  }
0x31c: {  	v20 =	vadd.f32 v31, v20;
	v21 =	vadd.f32 v22, v21;
	v22 =	vmul.f32 v29, v8;
	v27 =	vld [tilespmem:s25+$0x3820]  }
0x31d: {  	[tilespmem:s0+$0xC10] =	vst v25;
	v24 =	vadd.f32 v26, v24  }
0x31e: {  	[tilespmem:s0+$0x10] =	vst v20;
	v20 =	vadd.f32 v22, v21;
	v21 =	vld [tilespmem:s26+$0x820];
	v22 =	vmul.f32 v28, v5  }
0x31f: {  	v25 =	vld [tilespmem:s31+$0x20];
	[tilespmem:s28+$0x1000] =	vst v24;
	v24 =	vshll.u32 v28, $0x10;
	v26 =	vshll.u32 v23, $0x10;
	v23 =	vmul.f32 v23, v7  }
0x320: {  	v28 =	vld [tilespmem:s1+$0x3020];
	[tilespmem:s28+$0x400] =	vst v20;
	v20 =	vmul.f32 v24, v5;
	v24 =	vmul.f32 v26, v7  }
0x321: {  	v26 =	vld [tilespmem:s29+$0x410];
	v29 =	vshll.u32 v27, $0x10;
	v22 =	vadd.f32 v23, v22;
	v23 =	vmul.f32 v27, v6  }
0x322: {  	v27 =	vld [tilespmem:s29+$0x1C10];
	v20 =	vadd.f32 v24, v20;
	v24 =	vmul.f32 v29, v6  }
0x323: {  	v29 =	vshll.u32 v21, $0x10;
	v22 =	vadd.f32 v23, v22;
	v21 =	vmul.f32 v21, v4  }
0x324: {  	v23 =	vld [tilespmem:s29+$0x3410];
	v20 =	vadd.f32 v24, v20;
	v24 =	vmul.f32 v29, v4  }
0x325: {  	v30 =	vshll.u32 v25, $0x10;
	v25 =	vmul.f32 v25, v12;
	v29 =	vld [tilespmem:s1+$0x20];
	v21 =	vadd.f32 v21, v22  }
0x326: {  	v22 =	vmul.f32 v28, v13;
	v31 =	vld [tilespmem:s30+$0x410];
	v32 =	vmul.f32 v26, v11;
	v20 =	vadd.f32 v24, v20  }
0x327: {  	v26 =	vshll.u32 v26, $0x10;
	v24 =	vld [tilespmem:s1+$0x1820];
	v33 =	vshll.u32 v27, $0x10;
	v27 =	vmul.f32 v27, v9;
	[tilespmem:s24+$0x1420] =	vst v21  }
0x328: {  	v21 =	vshll.u32 v28, $0x10;
	v26 =	vmul.f32 v26, v11;
	v28 =	vmul.f32 v33, v9;
	[tilespmem:s24+$0x820] =	vst v20  }
0x329: {  	v20 =	vshll.u32 v23, $0x10;
	v27 =	vadd.f32 v27, v32;
	v23 =	vmul.f32 v23, v10;
	v32 =	vld [tilespmem:s25+$0x830]  }
0x32a: {  	v33 =	vmul.f32 v29, v15;
	v26 =	vadd.f32 v28, v26;
	v20 =	vmul.f32 v20, v10;
	v28 =	vld [tilespmem:s25+$0x2030]  }
0x32b: {  	v34 =	vshll.u32 v31, $0x10;
	v23 =	vadd.f32 v23, v27;
	v27 =	vmul.f32 v31, v8  }
0x32c: {  	v31 =	vmul.f32 v24, v14;
	v20 =	vadd.f32 v20, v26;
	v26 =	vmul.f32 v34, v8;
	v34 =	vld [tilespmem:s25+$0x3830]  }
0x32d: {  	v30 =	vmul.f32 v30, v12;
	v29 =	vshll.u32 v29, $0x10;
	v23 =	vadd.f32 v27, v23  }
0x32e: {  	v27 =	vmul.f32 v29, v15;
	v20 =	vadd.f32 v26, v20;
	v26 =	vld [tilespmem:s26+$0x830];
	v29 =	vmul.f32 v32, v5  }
0x32f: {  	[tilespmem:s28+$0x1010] =	vst v23;
	v23 =	vshll.u32 v32, $0x10;
	v32 =	vshll.u32 v28, $0x10;
	v28 =	vmul.f32 v28, v7  }
0x330: {  	v24 =	vshll.u32 v24, $0x10;
	[tilespmem:s28+$0x410] =	vst v20;
	v20 =	vmul.f32 v23, v5;
	v23 =	vmul.f32 v32, v7  }
0x331: {  	v32 =	vld [tilespmem:s29+$0x420];
	v35 =	vshll.u32 v34, $0x10;
	v28 =	vadd.f32 v28, v29;
	v29 =	vmul.f32 v34, v6  }
0x332: {  	v24 =	vmul.f32 v24, v14;
	v34 =	vld [tilespmem:s29+$0x1C20];
	v20 =	vadd.f32 v23, v20;
	v23 =	vmul.f32 v35, v6  }
0x333: {  	v35 =	vshll.u32 v26, $0x10;
	v28 =	vadd.f32 v29, v28;
	v26 =	vmul.f32 v26, v4  }
0x334: {  	v29 =	vadd.f32 v31, v33;
	v31 =	vld [tilespmem:s29+$0x3420];
	v20 =	vadd.f32 v23, v20;
	v23 =	vmul.f32 v35, v4  }
0x335: {  	v21 =	vmul.f32 v21, v13;
	v24 =	vadd.f32 v24, v27;
	v26 =	vadd.f32 v26, v28  }
0x336: {  	v27 =	vadd.f32 v22, v29;
	v28 =	vld [tilespmem:s30+$0x420];
	v22 =	vmul.f32 v32, v11;
	v20 =	vadd.f32 v23, v20  }
0x337: {  	v23 =	vshll.u32 v32, $0x10;
	v29 =	vshll.u32 v34, $0x10;
	v32 =	vmul.f32 v34, v9;
	[tilespmem:s24+$0x1430] =	vst v26  }
.Ltmp4:
0x338: {  	v26 =	vadd.f32 v21, v24;
	v21 =	vmul.f32 v23, v11;
	v23 =	vmul.f32 v29, v9;
	[tilespmem:s24+$0x830] =	vst v20;
	(pc) =	sbr.rel @p1 .LBB2_7-.Ltmp4, $4  }
0x339: {  	v20 =	vshll.u32 v31, $0x10;
	v24 =	vadd.f32 v32, v22;
	v29 =	vmul.f32 v31, v10;
	v22 =	vld [tilespmem:s25+$0x840]  }
0x33a: {  	v27 =	vadd.f32 v25, v27;
	v25 =	vadd.f32 v23, v21;
	v20 =	vmul.f32 v20, v10;
	v21 =	vld [tilespmem:s25+$0x2040]  }
0x33b: {  	v31 =	vshll.u32 v28, $0x10;
	v23 =	vadd.f32 v29, v24;
	v24 =	vmul.f32 v28, v8  }
0x33c: {  	s14 =	sadd.s32 $0x1, s14;
	v28 =	vadd.f32 v30, v26;
	v25 =	vadd.f32 v20, v25;
	v26 =	vmul.f32 v31, v8;
	v20 =	vld [tilespmem:s25+$0x3840]  }
0x33d: {  	[tilespmem:s0+$0xC20] =	vst v27  }
0x33e: {  	[tilespmem:s0+$0x20] =	vst v28  }
0x33f: {  	v16 =	vld [tilespmem:s1+$0x30]  }
0x340: {  	v17 =	vld [tilespmem:s1+$0x1830];
	_ =	sdelay $0x1  }
0x341: {  	v18 =	vld [tilespmem:s1+$0x3030];
	_ =	sdelay $0x1  }
0x342: {  	v19 =	vld [tilespmem:s31+$0x30];
	v54 =	vmul.f32 v16, v15  }
0x343: {  	v55 =	vmul.f32 v17, v14;
	v16 =	vshll.u32 v16, $0x10;
	v17 =	vshll.u32 v17, $0x10  }
0x344: {  	v16 =	vmul.f32 v16, v15;
	v17 =	vmul.f32 v17, v14  }
0x345: {  	v29 =	vmul.f32 v18, v13;
	v18 =	vshll.u32 v18, $0x10;
	v27 =	vadd.f32 v55, v54  }
0x346: {  	v56 =	vmul.f32 v18, v13;
	v16 =	vadd.f32 v17, v16  }
0x347: {  	v57 =	vshll.u32 v19, $0x10;
	v19 =	vmul.f32 v19, v12;
	v27 =	vadd.f32 v29, v27  }
0x348: {  	v18 =	vmul.f32 v57, v12;
	v16 =	vadd.f32 v56, v16  }
0x349: {  	v58 =	vadd.f32 v19, v27  }
0x34a: {  	v16 =	vadd.f32 v18, v16  }
0x34b: {  	[tilespmem:s0+$0xC30] =	vst v58  }
0x34c: {  	[tilespmem:s0+$0x30] =	vst v16  }
0x34d: {  	v16 =	vld [tilespmem:s1+$0x40]  }
0x34e: {  	v17 =	vld [tilespmem:s1+$0x1840];
	_ =	sdelay $0x1  }
0x34f: {  	v59 =	vld [tilespmem:s1+$0x3040];
	_ =	sdelay $0x1  }
0x350: {  	v60 =	vld [tilespmem:s31+$0x40];
	v61 =	vmul.f32 v16, v15  }
0x351: {  	v16 =	vshll.u32 v16, $0x10;
	v62 =	vmul.f32 v17, v14;
	v17 =	vshll.u32 v17, $0x10  }
0x352: {  	v16 =	vmul.f32 v16, v15;
	v17 =	vmul.f32 v17, v14  }
0x353: {  	v63 =	vmul.f32 v59, v13;
	v18 =	vshll.u32 v59, $0x10;
	v27 =	vadd.f32 v62, v61  }
0x354: {  	v31 =	vmul.f32 v18, v13;
	v16 =	vadd.f32 v17, v16  }
0x355: {  	v32 =	vmul.f32 v60, v12;
	v19 =	vshll.u32 v60, $0x10;
	v27 =	vadd.f32 v63, v27  }
0x356: {  	v33 =	vmul.f32 v19, v12;
	v16 =	vadd.f32 v31, v16  }
0x357: {  	v18 =	vadd.f32 v32, v27  }
0x358: {  	v16 =	vadd.f32 v33, v16  }
0x359: {  	[tilespmem:s0+$0xC40] =	vst v18  }
0x35a: {  	[tilespmem:s0+$0x40] =	vst v16  }
0x35b: {  	v16 =	vld [tilespmem:s1+$0x50]  }
0x35c: {  	v34 =	vld [tilespmem:s1+$0x1850];
	_ =	sdelay $0x1  }
0x35d: {  	v18 =	vld [tilespmem:s1+$0x3050];
	_ =	sdelay $0x1  }
0x35e: {  	v35 =	vld [tilespmem:s31+$0x50];
	v36 =	vmul.f32 v16, v15  }
0x35f: {  	v16 =	vshll.u32 v16, $0x10;
	v37 =	vshll.u32 v34, $0x10;
	v17 =	vmul.f32 v34, v14  }
0x360: {  	v16 =	vmul.f32 v16, v15;
	v28 =	vmul.f32 v37, v14  }
0x361: {  	v38 =	vshll.u32 v18, $0x10;
	v18 =	vmul.f32 v18, v13;
	v17 =	vadd.f32 v17, v36  }
0x362: {  	v39 =	vmul.f32 v38, v13;
	v16 =	vadd.f32 v28, v16  }
0x363: {  	v40 =	vshll.u32 v35, $0x10;
	v41 =	vmul.f32 v35, v12;
	v17 =	vadd.f32 v18, v17  }
0x364: {  	v42 =	vmul.f32 v40, v12;
	v16 =	vadd.f32 v39, v16  }
0x365: {  	v17 =	vadd.f32 v41, v17  }
0x366: {  	v16 =	vadd.f32 v42, v16  }
0x367: {  	[tilespmem:s0+$0xC50] =	vst v17  }
0x368: {  	[tilespmem:s0+$0x50] =	vst v16  }
0x369: {  	v16 =	vld [tilespmem:s1+$0x60]  }
0x36a: {  	v17 =	vld [tilespmem:s1+$0x1860];
	_ =	sdelay $0x1  }
0x36b: {  	v43 =	vld [tilespmem:s1+$0x3060];
	_ =	sdelay $0x1  }
0x36c: {  	v44 =	vld [tilespmem:s31+$0x60];
	v45 =	vmul.f32 v16, v15  }
0x36d: {  	v16 =	vshll.u32 v16, $0x10;
	v46 =	vshll.u32 v17, $0x10;
	v17 =	vmul.f32 v17, v14  }
0x36e: {  	v16 =	vmul.f32 v16, v15;
	v28 =	vmul.f32 v46, v14  }
0x36f: {  	v47 =	vshll.u32 v43, $0x10;
	v18 =	vmul.f32 v43, v13;
	v17 =	vadd.f32 v17, v45  }
0x370: {  	v48 =	vmul.f32 v47, v13;
	v16 =	vadd.f32 v28, v16  }
0x371: {  	v49 =	vshll.u32 v44, $0x10;
	v50 =	vmul.f32 v44, v12;
	v17 =	vadd.f32 v18, v17  }
0x372: {  	v51 =	vmul.f32 v49, v12;
	v16 =	vadd.f32 v48, v16  }
0x373: {  	v17 =	vadd.f32 v50, v17  }
0x374: {  	v16 =	vadd.f32 v51, v16  }
0x375: {  	[tilespmem:s0+$0xC60] =	vst v17  }
0x376: {  	[tilespmem:s0+$0x60] =	vst v16  }
0x377: {  	v16 =	vld [tilespmem:s1+$0x70]  }
0x378: {  	v17 =	vld [tilespmem:s1+$0x1870];
	_ =	sdelay $0x1  }
0x379: {  	v52 =	vld [tilespmem:s1+$0x3070];
	_ =	sdelay $0x1  }
0x37a: {  	v53 =	vld [tilespmem:s31+$0x70];
	v54 =	vmul.f32 v16, v15  }
0x37b: {  	v16 =	vshll.u32 v16, $0x10;
	v55 =	vshll.u32 v17, $0x10;
	v17 =	vmul.f32 v17, v14  }
0x37c: {  	v16 =	vmul.f32 v16, v15;
	v28 =	vmul.f32 v55, v14  }
0x37d: {  	v56 =	vshll.u32 v52, $0x10;
	v18 =	vmul.f32 v52, v13;
	v17 =	vadd.f32 v17, v54  }
0x37e: {  	v57 =	vmul.f32 v56, v13;
	v16 =	vadd.f32 v28, v16  }
0x37f: {  	v58 =	vshll.u32 v53, $0x10;
	v59 =	vmul.f32 v53, v12;
	v17 =	vadd.f32 v18, v17  }
0x380: {  	v60 =	vmul.f32 v58, v12;
	v16 =	vadd.f32 v57, v16  }
0x381: {  	v17 =	vadd.f32 v59, v17  }
0x382: {  	v16 =	vadd.f32 v60, v16  }
0x383: {  	[tilespmem:s0+$0xC70] =	vst v17  }
0x384: {  	[tilespmem:s0+$0x70] =	vst v16  }
0x385: {  	v16 =	vld [tilespmem:s1+$0x400]  }
0x386: {  	v17 =	vld [tilespmem:s1+$0x1C00];
	_ =	sdelay $0x1  }
0x387: {  	v61 =	vld [tilespmem:s1+$0x3400];
	_ =	sdelay $0x1  }
0x388: {  	v62 =	vld [tilespmem:s31+$0x400];
	v63 =	vmul.f32 v16, v15  }
0x389: {  	v16 =	vshll.u32 v16, $0x10;
	v32 =	vshll.u32 v17, $0x10;
	v17 =	vmul.f32 v17, v14  }
0x38a: {  	v16 =	vmul.f32 v16, v15;
	v28 =	vmul.f32 v32, v14  }
0x38b: {  	v33 =	vshll.u32 v61, $0x10;
	v18 =	vmul.f32 v61, v13;
	v17 =	vadd.f32 v17, v63  }
0x38c: {  	v34 =	vmul.f32 v33, v13;
	v16 =	vadd.f32 v28, v16  }
0x38d: {  	v35 =	vshll.u32 v62, $0x10;
	v36 =	vmul.f32 v62, v12;
	v17 =	vadd.f32 v18, v17  }
0x38e: {  	v37 =	vmul.f32 v35, v12;
	v16 =	vadd.f32 v34, v16  }
0x38f: {  	v17 =	vadd.f32 v36, v17  }
0x390: {  	v16 =	vadd.f32 v37, v16  }
0x391: {  	[tilespmem:s0+$0x1000] =	vst v17  }
0x392: {  	[tilespmem:s0+$0x400] =	vst v16  }
0x393: {  	v16 =	vld [tilespmem:s1+$0x410]  }
0x394: {  	v17 =	vld [tilespmem:s1+$0x1C10];
	_ =	sdelay $0x1  }
0x395: {  	v38 =	vld [tilespmem:s1+$0x3410];
	_ =	sdelay $0x1  }
0x396: {  	v39 =	vld [tilespmem:s31+$0x410];
	v40 =	vmul.f32 v16, v15  }
0x397: {  	v16 =	vshll.u32 v16, $0x10;
	v41 =	vshll.u32 v17, $0x10;
	v17 =	vmul.f32 v17, v14  }
0x398: {  	v16 =	vmul.f32 v16, v15;
	v28 =	vmul.f32 v41, v14  }
0x399: {  	v42 =	vshll.u32 v38, $0x10;
	v18 =	vmul.f32 v38, v13;
	v17 =	vadd.f32 v17, v40  }
0x39a: {  	v43 =	vmul.f32 v42, v13;
	v16 =	vadd.f32 v28, v16  }
0x39b: {  	v44 =	vshll.u32 v39, $0x10;
	v45 =	vmul.f32 v39, v12;
	v17 =	vadd.f32 v18, v17  }
0x39c: {  	v46 =	vmul.f32 v44, v12;
	v16 =	vadd.f32 v43, v16  }
0x39d: {  	v17 =	vadd.f32 v45, v17  }
0x39e: {  	v16 =	vadd.f32 v46, v16  }
0x39f: {  	[tilespmem:s0+$0x1010] =	vst v17  }
0x3a0: {  	[tilespmem:s0+$0x410] =	vst v16  }
0x3a1: {  	v16 =	vld [tilespmem:s1+$0x420]  }
0x3a2: {  	v17 =	vld [tilespmem:s1+$0x1C20]  }
0x3a3: {  	v49 =	vadd.f32 v26, v25  }
0x3a4: {  	v48 =	vadd.f32 v24, v23;
	v47 =	vld [tilespmem:s1+$0x3420]  }
0x3a5: {  	[tilespmem:s28+$0x420] =	vst v49  }
0x3a6: {  	[tilespmem:s28+$0x1020] =	vst v48;
	v50 =	vld [tilespmem:s31+$0x420];
	v51 =	vmul.f32 v16, v15  }
0x3a7: {  	v23 =	vld [tilespmem:s29+$0x430];
	v16 =	vshll.u32 v16, $0x10;
	v52 =	vshll.u32 v17, $0x10;
	v17 =	vmul.f32 v17, v14  }
0x3a8: {  	v54 =	vld [tilespmem:s29+$0x1C30];
	v16 =	vmul.f32 v16, v15;
	v19 =	vmul.f32 v52, v14  }
0x3a9: {  	v53 =	vshll.u32 v47, $0x10;
	v18 =	vmul.f32 v47, v13;
	v17 =	vadd.f32 v17, v51  }
0x3aa: {  	v55 =	vmul.f32 v53, v13;
	v16 =	vadd.f32 v19, v16  }
0x3ab: {  	v58 =	vld [tilespmem:s29+$0x3430];
	v56 =	vshll.u32 v50, $0x10;
	v57 =	vmul.f32 v50, v12;
	v17 =	vadd.f32 v18, v17  }
0x3ac: {  	v59 =	vmul.f32 v56, v12;
	v16 =	vadd.f32 v55, v16  }
0x3ad: {  	v60 =	vld [tilespmem:s30+$0x430];
	v25 =	vmul.f32 v54, v9;
	v61 =	vmul.f32 v23, v11;
	v17 =	vadd.f32 v57, v17  }
0x3ae: {  	v62 =	vshll.u32 v23, $0x10;
	v63 =	vshll.u32 v54, $0x10;
	v16 =	vadd.f32 v59, v16  }
0x3af: {  	v29 =	vmul.f32 v63, v9;
	v28 =	vmul.f32 v62, v11;
	[tilespmem:s0+$0x1020] =	vst v17  }
0x3b0: {  	v30 =	vshll.u32 v58, $0x10;
	v24 =	vmul.f32 v58, v10;
	v31 =	vadd.f32 v25, v61;
	[tilespmem:s0+$0x420] =	vst v16  }
0x3b1: {  	v17 =	vadd.f32 v29, v28;
	v16 =	vmul.f32 v30, v10;
	v32 =	vld [tilespmem:s1+$0x430]  }
0x3b2: {  	v23 =	vadd.f32 v24, v31;
	v34 =	vshll.u32 v60, $0x10;
	v18 =	vmul.f32 v60, v8;
	v33 =	vld [tilespmem:s1+$0x1C30]  }
0x3b3: {  	v35 =	vmul.f32 v34, v8;
	v16 =	vadd.f32 v16, v17  }
0x3b4: {  	v18 =	vadd.f32 v18, v23;
	v36 =	vld [tilespmem:s1+$0x3430]  }
0x3b5: {  	v16 =	vadd.f32 v35, v16  }
0x3b6: {  	[tilespmem:s28+$0x1030] =	vst v18;
	v37 =	vld [tilespmem:s31+$0x430];
	v38 =	vmul.f32 v32, v15  }
0x3b7: {  	v39 =	vshll.u32 v32, $0x10;
	v40 =	vshll.u32 v33, $0x10;
	v19 =	vmul.f32 v33, v14;
	[tilespmem:s28+$0x430] =	vst v16  }
0x3b8: {  	v41 =	vmul.f32 v39, v15;
	v42 =	vmul.f32 v40, v14;
	v43 =	vld [tilespmem:s29+$0x440]  }
0x3b9: {  	v44 =	vshll.u32 v36, $0x10;
	v45 =	vmul.f32 v36, v13;
	v46 =	vld [tilespmem:s29+$0x1C40];
	v19 =	vadd.f32 v19, v38  }
0x3ba: {  	v47 =	vmul.f32 v44, v13;
	v16 =	vadd.f32 v42, v41  }
0x3bb: {  	v48 =	vshll.u32 v37, $0x10;
	v17 =	vmul.f32 v37, v12;
	v49 =	vld [tilespmem:s29+$0x3440];
	v19 =	vadd.f32 v45, v19  }
0x3bc: {  	v50 =	vmul.f32 v48, v12;
	v16 =	vadd.f32 v47, v16  }
0x3bd: {  	v51 =	vld [tilespmem:s30+$0x440];
	v17 =	vadd.f32 v17, v19;
	v52 =	vmul.f32 v43, v11;
	v53 =	vshll.u32 v43, $0x10  }
0x3be: {  	v54 =	vshll.u32 v46, $0x10;
	v24 =	vmul.f32 v46, v9;
	v16 =	vadd.f32 v50, v16  }
0x3bf: {  	v55 =	vmul.f32 v53, v11;
	v56 =	vmul.f32 v54, v9;
	[tilespmem:s0+$0x1030] =	vst v17  }
0x3c0: {  	v57 =	vshll.u32 v49, $0x10;
	v23 =	vmul.f32 v49, v10;
	v24 =	vadd.f32 v24, v52;
	[tilespmem:s0+$0x430] =	vst v16  }
0x3c1: {  	v17 =	vadd.f32 v56, v55;
	v16 =	vmul.f32 v57, v10;
	v58 =	vld [tilespmem:s1+$0x440]  }
0x3c2: {  	v60 =	vshll.u32 v51, $0x10;
	v19 =	vmul.f32 v51, v8;
	v59 =	vld [tilespmem:s1+$0x1C40];
	v23 =	vadd.f32 v23, v24  }
0x3c3: {  	v61 =	vmul.f32 v60, v8;
	v16 =	vadd.f32 v16, v17  }
0x3c4: {  	v62 =	vld [tilespmem:s1+$0x3440];
	v19 =	vadd.f32 v19, v23  }
0x3c5: {  	v16 =	vadd.f32 v61, v16  }
0x3c6: {  	v63 =	vld [tilespmem:s31+$0x440];
	[tilespmem:s28+$0x1040] =	vst v19;
	v28 =	vmul.f32 v58, v15  }
0x3c7: {  	v29 =	vshll.u32 v58, $0x10;
	v30 =	vshll.u32 v59, $0x10;
	v18 =	vmul.f32 v59, v14;
	[tilespmem:s28+$0x440] =	vst v16  }
0x3c8: {  	v31 =	vmul.f32 v29, v15;
	v32 =	vmul.f32 v30, v14;
	v33 =	vld [tilespmem:s29+$0x450]  }
0x3c9: {  	v34 =	vshll.u32 v62, $0x10;
	v35 =	vmul.f32 v62, v13;
	v36 =	vld [tilespmem:s29+$0x1C50];
	v18 =	vadd.f32 v18, v28  }
0x3ca: {  	v37 =	vmul.f32 v34, v13;
	v16 =	vadd.f32 v32, v31  }
0x3cb: {  	v38 =	vshll.u32 v63, $0x10;
	v17 =	vmul.f32 v63, v12;
	v39 =	vld [tilespmem:s29+$0x3450];
	v18 =	vadd.f32 v35, v18  }
0x3cc: {  	v40 =	vmul.f32 v38, v12;
	v16 =	vadd.f32 v37, v16  }
0x3cd: {  	v41 =	vld [tilespmem:s30+$0x450];
	v17 =	vadd.f32 v17, v18;
	v42 =	vmul.f32 v33, v11;
	v43 =	vshll.u32 v33, $0x10  }
0x3ce: {  	v44 =	vshll.u32 v36, $0x10;
	v24 =	vmul.f32 v36, v9;
	v16 =	vadd.f32 v40, v16  }
0x3cf: {  	v45 =	vmul.f32 v43, v11;
	v46 =	vmul.f32 v44, v9;
	[tilespmem:s0+$0x1040] =	vst v17  }
0x3d0: {  	v47 =	vshll.u32 v39, $0x10;
	v23 =	vmul.f32 v39, v10;
	v24 =	vadd.f32 v24, v42;
	[tilespmem:s0+$0x440] =	vst v16  }
0x3d1: {  	v17 =	vadd.f32 v46, v45;
	v16 =	vmul.f32 v47, v10;
	v48 =	vld [tilespmem:s1+$0x450]  }
0x3d2: {  	v50 =	vshll.u32 v41, $0x10;
	v18 =	vmul.f32 v41, v8;
	v49 =	vld [tilespmem:s1+$0x1C50];
	v23 =	vadd.f32 v23, v24  }
0x3d3: {  	v51 =	vmul.f32 v50, v8;
	v16 =	vadd.f32 v16, v17  }
0x3d4: {  	v52 =	vld [tilespmem:s1+$0x3450];
	v18 =	vadd.f32 v18, v23  }
0x3d5: {  	v16 =	vadd.f32 v51, v16  }
0x3d6: {  	v53 =	vld [tilespmem:s31+$0x450];
	[tilespmem:s28+$0x1050] =	vst v18;
	v54 =	vmul.f32 v48, v15  }
0x3d7: {  	v55 =	vshll.u32 v48, $0x10;
	v56 =	vshll.u32 v49, $0x10;
	v19 =	vmul.f32 v49, v14;
	[tilespmem:s28+$0x450] =	vst v16  }
0x3d8: {  	v57 =	vmul.f32 v55, v15;
	v58 =	vmul.f32 v56, v14;
	v59 =	vld [tilespmem:s29+$0x460]  }
0x3d9: {  	v60 =	vshll.u32 v52, $0x10;
	v61 =	vmul.f32 v52, v13;
	v62 =	vld [tilespmem:s29+$0x1C60];
	v19 =	vadd.f32 v19, v54  }
0x3da: {  	v63 =	vmul.f32 v60, v13;
	v16 =	vadd.f32 v58, v57  }
0x3db: {  	v28 =	vshll.u32 v53, $0x10;
	v17 =	vmul.f32 v53, v12;
	v29 =	vld [tilespmem:s29+$0x3460];
	v19 =	vadd.f32 v61, v19  }
0x3dc: {  	v30 =	vmul.f32 v28, v12;
	v16 =	vadd.f32 v63, v16  }
0x3dd: {  	v31 =	vld [tilespmem:s30+$0x460];
	v17 =	vadd.f32 v17, v19;
	v32 =	vmul.f32 v59, v11;
	v33 =	vshll.u32 v59, $0x10  }
0x3de: {  	v34 =	vshll.u32 v62, $0x10;
	v24 =	vmul.f32 v62, v9;
	v16 =	vadd.f32 v30, v16  }
0x3df: {  	v35 =	vmul.f32 v33, v11;
	v36 =	vmul.f32 v34, v9;
	[tilespmem:s0+$0x1050] =	vst v17  }
0x3e0: {  	v37 =	vshll.u32 v29, $0x10;
	v23 =	vmul.f32 v29, v10;
	v24 =	vadd.f32 v24, v32;
	[tilespmem:s0+$0x450] =	vst v16  }
0x3e1: {  	v17 =	vadd.f32 v36, v35;
	v16 =	vmul.f32 v37, v10;
	v38 =	vld [tilespmem:s1+$0x460]  }
0x3e2: {  	v40 =	vshll.u32 v31, $0x10;
	v19 =	vmul.f32 v31, v8;
	v39 =	vld [tilespmem:s1+$0x1C60];
	v23 =	vadd.f32 v23, v24  }
0x3e3: {  	v41 =	vmul.f32 v40, v8;
	v16 =	vadd.f32 v16, v17  }
0x3e4: {  	v42 =	vld [tilespmem:s1+$0x3460];
	v19 =	vadd.f32 v19, v23  }
0x3e5: {  	v16 =	vadd.f32 v41, v16  }
0x3e6: {  	v43 =	vld [tilespmem:s31+$0x460];
	[tilespmem:s28+$0x1060] =	vst v19;
	v44 =	vmul.f32 v38, v15  }
0x3e7: {  	v45 =	vshll.u32 v38, $0x10;
	v46 =	vshll.u32 v39, $0x10;
	v18 =	vmul.f32 v39, v14;
	[tilespmem:s28+$0x460] =	vst v16  }
0x3e8: {  	v47 =	vmul.f32 v45, v15;
	v48 =	vmul.f32 v46, v14;
	v49 =	vld [tilespmem:s29+$0x470]  }
0x3e9: {  	v50 =	vshll.u32 v42, $0x10;
	v51 =	vmul.f32 v42, v13;
	v52 =	vld [tilespmem:s29+$0x1C70];
	v18 =	vadd.f32 v18, v44  }
0x3ea: {  	v53 =	vmul.f32 v50, v13;
	v16 =	vadd.f32 v48, v47  }
0x3eb: {  	v54 =	vshll.u32 v43, $0x10;
	v17 =	vmul.f32 v43, v12;
	v55 =	vld [tilespmem:s29+$0x3470];
	v18 =	vadd.f32 v51, v18  }
0x3ec: {  	v56 =	vmul.f32 v54, v12;
	v16 =	vadd.f32 v53, v16  }
0x3ed: {  	v57 =	vld [tilespmem:s30+$0x470];
	v17 =	vadd.f32 v17, v18;
	v58 =	vmul.f32 v49, v11;
	v59 =	vshll.u32 v49, $0x10  }
0x3ee: {  	v60 =	vshll.u32 v52, $0x10;
	v24 =	vmul.f32 v52, v9;
	v16 =	vadd.f32 v56, v16  }
0x3ef: {  	v61 =	vmul.f32 v59, v11;
	v62 =	vmul.f32 v60, v9;
	[tilespmem:s0+$0x1060] =	vst v17  }
0x3f0: {  	v63 =	vshll.u32 v55, $0x10;
	v23 =	vmul.f32 v55, v10;
	v24 =	vadd.f32 v24, v58;
	[tilespmem:s0+$0x460] =	vst v16  }
0x3f1: {  	v17 =	vadd.f32 v62, v61;
	v16 =	vmul.f32 v63, v10;
	v28 =	vld [tilespmem:s1+$0x470]  }
0x3f2: {  	v30 =	vshll.u32 v57, $0x10;
	v18 =	vmul.f32 v57, v8;
	v29 =	vld [tilespmem:s1+$0x1C70];
	v23 =	vadd.f32 v23, v24  }
0x3f3: {  	v31 =	vmul.f32 v30, v8;
	v16 =	vadd.f32 v16, v17  }
0x3f4: {  	v32 =	vld [tilespmem:s1+$0x3470];
	v18 =	vadd.f32 v18, v23  }
0x3f5: {  	v16 =	vadd.f32 v31, v16  }
0x3f6: {  	v33 =	vld [tilespmem:s31+$0x470];
	[tilespmem:s28+$0x1070] =	vst v18;
	v34 =	vmul.f32 v28, v15  }
0x3f7: {  	v35 =	vshll.u32 v28, $0x10;
	v36 =	vshll.u32 v29, $0x10;
	v19 =	vmul.f32 v29, v14;
	[tilespmem:s28+$0x470] =	vst v16  }
0x3f8: {  	v37 =	vmul.f32 v35, v15;
	v38 =	vmul.f32 v36, v14;
	v39 =	vld [tilespmem:s29+$0x800]  }
0x3f9: {  	v40 =	vshll.u32 v32, $0x10;
	v41 =	vmul.f32 v32, v13;
	v42 =	vld [tilespmem:s29+$0x2000];
	v19 =	vadd.f32 v19, v34  }
0x3fa: {  	v43 =	vmul.f32 v40, v13;
	v16 =	vadd.f32 v38, v37  }
0x3fb: {  	v44 =	vshll.u32 v33, $0x10;
	v17 =	vmul.f32 v33, v12;
	v45 =	vld [tilespmem:s29+$0x3800];
	v19 =	vadd.f32 v41, v19  }
0x3fc: {  	v59 =	vmul.f32 v22, v5;
	v46 =	vmul.f32 v44, v12;
	v16 =	vadd.f32 v43, v16  }
0x3fd: {  	v47 =	vld [tilespmem:s30+$0x800];
	v17 =	vadd.f32 v17, v19;
	v48 =	vmul.f32 v39, v11;
	v49 =	vshll.u32 v39, $0x10  }
0x3fe: {  	v50 =	vshll.u32 v42, $0x10;
	v24 =	vmul.f32 v42, v9;
	v16 =	vadd.f32 v46, v16  }
0x3ff: {  	v60 =	vshll.u32 v22, $0x10;
	v51 =	vmul.f32 v49, v11;
	v52 =	vmul.f32 v50, v9;
	[tilespmem:s0+$0x1070] =	vst v17  }
0x400: {  	v53 =	vshll.u32 v45, $0x10;
	v23 =	vmul.f32 v45, v10;
	v24 =	vadd.f32 v24, v48;
	[tilespmem:s0+$0x470] =	vst v16  }
0x401: {  	v22 =	vmul.f32 v60, v5;
	v17 =	vadd.f32 v52, v51;
	v16 =	vmul.f32 v53, v10;
	v54 =	vld [tilespmem:s1+$0x800]  }
0x402: {  	v56 =	vshll.u32 v47, $0x10;
	v19 =	vmul.f32 v47, v8;
	v55 =	vld [tilespmem:s1+$0x2000];
	v23 =	vadd.f32 v23, v24  }
0x403: {  	v33 =	vshll.u32 v21, $0x10;
	v57 =	vmul.f32 v56, v8;
	v16 =	vadd.f32 v16, v17  }
0x404: {  	v61 =	vmul.f32 v21, v7;
	v21 =	vmul.f32 v33, v7;
	v58 =	vld [tilespmem:s1+$0x3800];
	v19 =	vadd.f32 v19, v23  }
0x405: {  	v44 =	vmul.f32 v20, v6;
	v47 =	vld [tilespmem:s26+$0x840];
	v16 =	vadd.f32 v57, v16  }
0x406: {  	v43 =	vshll.u32 v20, $0x10;
	v49 =	vadd.f32 v21, v22;
	v62 =	vld [tilespmem:s31+$0x800];
	[tilespmem:s28+$0x1400] =	vst v19;
	v63 =	vmul.f32 v54, v15  }
0x407: {  	v31 =	vshll.u32 v54, $0x10;
	v32 =	vshll.u32 v55, $0x10;
	v18 =	vmul.f32 v55, v14;
	[tilespmem:s28+$0x800] =	vst v16  }
0x408: {  	v23 =	vadd.f32 v61, v59;
	v34 =	vmul.f32 v31, v15;
	v35 =	vmul.f32 v32, v14;
	v36 =	vld [tilespmem:s29+$0x810]  }
0x409: {  	v37 =	vshll.u32 v58, $0x10;
	v24 =	vmul.f32 v58, v13;
	v38 =	vld [tilespmem:s29+$0x2010];
	v18 =	vadd.f32 v18, v63  }
0x40a: {  	v19 =	vmul.f32 v47, v4;
	v39 =	vmul.f32 v37, v13;
	v41 =	vld [tilespmem:s29+$0x3810];
	v16 =	vadd.f32 v35, v34  }
0x40b: {  	v40 =	vshll.u32 v62, $0x10;
	v17 =	vmul.f32 v62, v12;
	v18 =	vadd.f32 v24, v18  }
0x40c: {  	v58 =	vshll.u32 v47, $0x10;
	v42 =	vmul.f32 v40, v12;
	v45 =	vld [tilespmem:s30+$0x810];
	v16 =	vadd.f32 v39, v16  }
0x40d: {  	v55 =	vmul.f32 v43, v6;
	v61 =	vmul.f32 v58, v4;
	v17 =	vadd.f32 v17, v18  }
0x40e: {  	v46 =	vmul.f32 v36, v11;
	v25 =	vshll.u32 v36, $0x10;
	v16 =	vadd.f32 v42, v16  }
0x40f: {  	v48 =	vshll.u32 v38, $0x10;
	v27 =	vmul.f32 v38, v9;
	v24 =	vmul.f32 v41, v10;
	[tilespmem:s0+$0x1400] =	vst v17  }
0x410: {  	v52 =	vshll.u32 v41, $0x10;
	v50 =	vmul.f32 v25, v11;
	v51 =	vmul.f32 v48, v9;
	[tilespmem:s0+$0x800] =	vst v16  }
0x411: {  	v57 =	vshll.u32 v45, $0x10;
	v18 =	vadd.f32 v44, v23;
	v53 =	vadd.f32 v27, v46;
	v54 =	vld [tilespmem:s1+$0x810]  }
0x412: {  	v17 =	vadd.f32 v55, v49;
	v21 =	vadd.f32 v51, v50;
	v16 =	vmul.f32 v52, v10;
	v56 =	vld [tilespmem:s1+$0x2010]  }
0x413: {  	v20 =	vmul.f32 v45, v8;
	v18 =	vadd.f32 v19, v18;
	v24 =	vadd.f32 v24, v53  }
0x414: {  	v59 =	vmul.f32 v57, v8;
	v60 =	vld [tilespmem:s1+$0x3810];
	v17 =	vadd.f32 v61, v17;
	v16 =	vadd.f32 v16, v21  }
0x415: {  	[tilespmem:s24+$0x1440] =	vst v18;
	v20 =	vadd.f32 v20, v24  }
0x416: {  	v62 =	vld [tilespmem:s31+$0x810];
	[tilespmem:s24+$0x840] =	vst v17;
	v16 =	vadd.f32 v59, v16;
	v63 =	vmul.f32 v54, v15  }
0x417: {  	[tilespmem:s28+$0x1410] =	vst v20;
	v29 =	vshll.u32 v54, $0x10;
	v30 =	vshll.u32 v56, $0x10;
	v22 =	vmul.f32 v56, v14  }
0x418: {  	v44 =	vld [tilespmem:s25+$0x850];
	[tilespmem:s28+$0x810] =	vst v16;
	v31 =	vmul.f32 v29, v15;
	v32 =	vmul.f32 v30, v14  }
0x419: {  	v34 =	vshll.u32 v60, $0x10;
	v35 =	vmul.f32 v60, v13;
	v33 =	vld [tilespmem:s29+$0x820];
	v22 =	vadd.f32 v22, v63  }
0x41a: {  	v36 =	vld [tilespmem:s29+$0x2020];
	v37 =	vmul.f32 v34, v13;
	v16 =	vadd.f32 v32, v31  }
0x41b: {  	v47 =	vld [tilespmem:s25+$0x2050];
	v38 =	vshll.u32 v62, $0x10;
	v21 =	vmul.f32 v62, v12;
	v22 =	vadd.f32 v35, v22  }
0x41c: {  	v39 =	vld [tilespmem:s29+$0x3820];
	v40 =	vmul.f32 v38, v12;
	v16 =	vadd.f32 v37, v16  }
0x41d: {  	v55 =	vmul.f32 v44, v5;
	v20 =	vshll.u32 v44, $0x10;
	v41 =	vadd.f32 v21, v22  }
0x41e: {  	v42 =	vld [tilespmem:s30+$0x820];
	v20 =	vmul.f32 v20, v5;
	v43 =	vmul.f32 v33, v11;
	v16 =	vadd.f32 v40, v16  }
0x41f: {  	v45 =	vshll.u32 v33, $0x10;
	v46 =	vshll.u32 v36, $0x10;
	v19 =	vmul.f32 v36, v9;
	[tilespmem:s0+$0x1410] =	vst v41  }
0x420: {  	v61 =	vld [tilespmem:s25+$0x3850];
	v18 =	vshll.u32 v47, $0x10;
	v22 =	vmul.f32 v45, v11;
	v24 =	vmul.f32 v46, v9;
	[tilespmem:s0+$0x810] =	vst v16  }
0x421: {  	v48 =	vshll.u32 v39, $0x10;
	v49 =	vmul.f32 v39, v10;
	v19 =	vadd.f32 v19, v43;
	v50 =	vld [tilespmem:s1+$0x820]  }
0x422: {  	v18 =	vmul.f32 v18, v7;
	v22 =	vadd.f32 v24, v22;
	v16 =	vmul.f32 v48, v10;
	v51 =	vld [tilespmem:s1+$0x2020]  }
0x423: {  	v52 =	vshll.u32 v42, $0x10;
	v17 =	vmul.f32 v42, v8;
	v19 =	vadd.f32 v49, v19  }
0x424: {  	v56 =	vmul.f32 v47, v7;
	v53 =	vmul.f32 v52, v8;
	v54 =	vld [tilespmem:s1+$0x3820];
	v16 =	vadd.f32 v16, v22  }
0x425: {  	v39 =	vshll.u32 v61, $0x10;
	v18 =	vadd.f32 v18, v20;
	v17 =	vadd.f32 v17, v19  }
0x426: {  	v40 =	vmul.f32 v61, v6;
	v57 =	vld [tilespmem:s31+$0x820];
	v16 =	vadd.f32 v53, v16;
	v58 =	vmul.f32 v50, v15  }
0x427: {  	v43 =	vld [tilespmem:s26+$0x850];
	[tilespmem:s28+$0x1420] =	vst v17;
	v59 =	vshll.u32 v50, $0x10;
	v60 =	vshll.u32 v51, $0x10;
	v24 =	vmul.f32 v51, v14  }
0x428: {  	v19 =	vadd.f32 v56, v55;
	[tilespmem:s28+$0x820] =	vst v16;
	v62 =	vmul.f32 v59, v15;
	v63 =	vmul.f32 v60, v14  }
0x429: {  	v33 =	vshll.u32 v54, $0x10;
	v22 =	vmul.f32 v54, v13;
	v32 =	vld [tilespmem:s29+$0x830];
	v24 =	vadd.f32 v24, v58  }
0x42a: {  	v19 =	vadd.f32 v40, v19;
	v34 =	vld [tilespmem:s29+$0x2030];
	v35 =	vmul.f32 v33, v13;
	v16 =	vadd.f32 v63, v62  }
0x42b: {  	v36 =	vshll.u32 v57, $0x10;
	v21 =	vmul.f32 v57, v12;
	v22 =	vadd.f32 v22, v24  }
0x42c: {  	v17 =	vmul.f32 v43, v4;
	v37 =	vld [tilespmem:s29+$0x3830];
	v38 =	vmul.f32 v36, v12;
	v16 =	vadd.f32 v35, v16  }
0x42d: {  	v50 =	vmul.f32 v39, v6;
	v54 =	vshll.u32 v43, $0x10;
	v21 =	vadd.f32 v21, v22  }
0x42e: {  	v41 =	vld [tilespmem:s30+$0x830];
	v58 =	vmul.f32 v54, v4;
	v42 =	vmul.f32 v32, v11;
	v16 =	vadd.f32 v38, v16  }
0x42f: {  	v23 =	vshll.u32 v32, $0x10;
	v44 =	vshll.u32 v34, $0x10;
	v26 =	vmul.f32 v34, v9;
	[tilespmem:s0+$0x1420] =	vst v21  }
0x430: {  	v17 =	vadd.f32 v17, v19;
	v45 =	vmul.f32 v23, v11;
	v46 =	vmul.f32 v44, v9;
	[tilespmem:s0+$0x820] =	vst v16  }
0x431: {  	v47 =	vshll.u32 v37, $0x10;
	v24 =	vmul.f32 v37, v10;
	v48 =	vadd.f32 v26, v42;
	v49 =	vld [tilespmem:s1+$0x830]  }
0x432: {  	v18 =	vadd.f32 v50, v18;
	v20 =	vadd.f32 v46, v45;
	v16 =	vmul.f32 v47, v10;
	v51 =	vld [tilespmem:s1+$0x2030]  }
0x433: {  	v52 =	vshll.u32 v41, $0x10;
	v53 =	vmul.f32 v41, v8;
	v23 =	vadd.f32 v24, v48  }
0x434: {  	v18 =	vadd.f32 v58, v18;
	v55 =	vmul.f32 v52, v8;
	v56 =	vld [tilespmem:s1+$0x3830];
	v16 =	vadd.f32 v16, v20  }
0x435: {  	[tilespmem:s24+$0x1450] =	vst v17;
	v57 =	vadd.f32 v53, v23  }
0x436: {  	[tilespmem:s24+$0x850] =	vst v18;
	v59 =	vld [tilespmem:s31+$0x830];
	v16 =	vadd.f32 v55, v16;
	v60 =	vmul.f32 v49, v15  }
0x437: {  	v41 =	vld [tilespmem:s25+$0x860];
	[tilespmem:s28+$0x1430] =	vst v57;
	v61 =	vshll.u32 v49, $0x10;
	v62 =	vshll.u32 v51, $0x10;
	v21 =	vmul.f32 v51, v14  }
0x438: {  	v44 =	vld [tilespmem:s25+$0x2060];
	[tilespmem:s28+$0x830] =	vst v16;
	v63 =	vmul.f32 v61, v15;
	v29 =	vmul.f32 v62, v14  }
0x439: {  	v31 =	vshll.u32 v56, $0x10;
	v32 =	vmul.f32 v56, v13;
	v30 =	vld [tilespmem:s29+$0x840];
	v21 =	vadd.f32 v21, v60  }
0x43a: {  	v33 =	vld [tilespmem:s29+$0x2040];
	v34 =	vmul.f32 v31, v13;
	v16 =	vadd.f32 v29, v63  }
0x43b: {  	v35 =	vshll.u32 v59, $0x10;
	v20 =	vmul.f32 v59, v12;
	v21 =	vadd.f32 v32, v21  }
0x43c: {  	v36 =	vld [tilespmem:s29+$0x3840];
	v37 =	vmul.f32 v35, v12;
	v16 =	vadd.f32 v34, v16  }
0x43d: {  	v50 =	vmul.f32 v41, v5;
	v38 =	vadd.f32 v20, v21  }
0x43e: {  	v53 =	vmul.f32 v44, v7;
	v39 =	vld [tilespmem:s30+$0x840];
	v40 =	vmul.f32 v30, v11;
	v16 =	vadd.f32 v37, v16  }
0x43f: {  	v42 =	vshll.u32 v30, $0x10;
	v43 =	vshll.u32 v33, $0x10;
	v19 =	vmul.f32 v33, v9;
	[tilespmem:s0+$0x1430] =	vst v38  }
0x440: {  	v17 =	vshll.u32 v44, $0x10;
	v57 =	vld [tilespmem:s25+$0x3860];
	v22 =	vmul.f32 v42, v11;
	v24 =	vmul.f32 v43, v9;
	[tilespmem:s0+$0x830] =	vst v16  }
0x441: {  	v45 =	vshll.u32 v36, $0x10;
	v46 =	vmul.f32 v36, v10;
	v19 =	vadd.f32 v19, v40;
	v47 =	vld [tilespmem:s1+$0x840]  }
0x442: {  	v17 =	vmul.f32 v17, v7;
	v22 =	vadd.f32 v24, v22;
	v16 =	vmul.f32 v45, v10;
	v48 =	vld [tilespmem:s1+$0x2040]  }
0x443: {  	v49 =	vshll.u32 v39, $0x10;
	v18 =	vmul.f32 v39, v8;
	v19 =	vadd.f32 v46, v19  }
0x444: {  	v21 =	vshll.u32 v41, $0x10;
	v51 =	vmul.f32 v49, v8;
	v52 =	vld [tilespmem:s1+$0x3840];
	v16 =	vadd.f32 v16, v22  }
0x445: {  	v36 =	vshll.u32 v57, $0x10;
	v54 =	vmul.f32 v21, v5;
	v18 =	vadd.f32 v18, v19  }
0x446: {  	v41 =	vmul.f32 v36, v6;
	v55 =	vld [tilespmem:s31+$0x840];
	v16 =	vadd.f32 v51, v16;
	v56 =	vmul.f32 v47, v15  }
0x447: {  	[tilespmem:s28+$0x1440] =	vst v18;
	v58 =	vshll.u32 v47, $0x10;
	v59 =	vshll.u32 v48, $0x10;
	v24 =	vmul.f32 v48, v14  }
0x448: {  	v39 =	vld [tilespmem:s26+$0x860];
	v20 =	vadd.f32 v53, v50;
	[tilespmem:s28+$0x840] =	vst v16;
	v60 =	vmul.f32 v58, v15;
	v61 =	vmul.f32 v59, v14  }
0x449: {  	v63 =	vshll.u32 v52, $0x10;
	v32 =	vmul.f32 v52, v13;
	v62 =	vld [tilespmem:s29+$0x850];
	v22 =	vadd.f32 v24, v56  }
0x44a: {  	v40 =	vmul.f32 v57, v6;
	v33 =	vld [tilespmem:s29+$0x2050];
	v34 =	vmul.f32 v63, v13;
	v16 =	vadd.f32 v61, v60  }
0x44b: {  	v35 =	vshll.u32 v55, $0x10;
	v21 =	vmul.f32 v55, v12;
	v22 =	vadd.f32 v32, v22  }
0x44c: {  	v17 =	vadd.f32 v17, v54;
	v37 =	vld [tilespmem:s29+$0x3850];
	v38 =	vmul.f32 v35, v12;
	v16 =	vadd.f32 v34, v16  }
0x44d: {  	v20 =	vadd.f32 v40, v20;
	v57 =	vmul.f32 v39, v4;
	v21 =	vadd.f32 v21, v22  }
0x44e: {  	v17 =	vadd.f32 v41, v17;
	v42 =	vld [tilespmem:s30+$0x850];
	v43 =	vmul.f32 v62, v11;
	v16 =	vadd.f32 v38, v16  }
0x44f: {  	v44 =	vshll.u32 v62, $0x10;
	v45 =	vshll.u32 v33, $0x10;
	v25 =	vmul.f32 v33, v9;
	[tilespmem:s0+$0x1440] =	vst v21  }
0x450: {  	v51 =	vshll.u32 v39, $0x10;
	v18 =	vmul.f32 v44, v11;
	v46 =	vmul.f32 v45, v9;
	[tilespmem:s0+$0x840] =	vst v16  }
0x451: {  	v20 =	vadd.f32 v57, v20;
	v47 =	vshll.u32 v37, $0x10;
	v49 =	vmul.f32 v37, v10;
	v50 =	vld [tilespmem:s1+$0x850]  }
0x452: {  	v48 =	vadd.f32 v25, v43;
	v18 =	vadd.f32 v46, v18;
	v16 =	vmul.f32 v47, v10;
	v52 =	vld [tilespmem:s1+$0x2050]  }
0x453: {  	v58 =	vmul.f32 v51, v4;
	v53 =	vshll.u32 v42, $0x10;
	v54 =	vmul.f32 v42, v8  }
0x454: {  	v55 =	vmul.f32 v53, v8;
	v21 =	vadd.f32 v49, v48;
	v56 =	vld [tilespmem:s1+$0x3850];
	v16 =	vadd.f32 v16, v18  }
0x455: {  	v17 =	vadd.f32 v58, v17  }
0x456: {  	[tilespmem:s24+$0x1460] =	vst v20;
	v59 =	vld [tilespmem:s31+$0x850];
	v21 =	vadd.f32 v54, v21;
	v16 =	vadd.f32 v55, v16;
	v60 =	vmul.f32 v50, v15  }
0x457: {  	[tilespmem:s24+$0x860] =	vst v17;
	v25 =	vshll.u32 v50, $0x10;
	v61 =	vshll.u32 v52, $0x10;
	v19 =	vmul.f32 v52, v14  }
0x458: {  	v35 =	vld [tilespmem:s25+$0x870];
	[tilespmem:s28+$0x1450] =	vst v21;
	v62 =	vmul.f32 v25, v15;
	v63 =	vmul.f32 v61, v14  }
0x459: {  	v38 =	vld [tilespmem:s25+$0x2070];
	[tilespmem:s28+$0x850] =	vst v16;
	v28 =	vshll.u32 v56, $0x10;
	v29 =	vmul.f32 v56, v13;
	v19 =	vadd.f32 v19, v60  }
0x45a: {  	v30 =	vld [tilespmem:s29+$0x860];
	v16 =	vmul.f32 v28, v13;
	v21 =	vadd.f32 v63, v62  }
0x45b: {  	v32 =	vshll.u32 v59, $0x10;
	v18 =	vmul.f32 v59, v12;
	v31 =	vld [tilespmem:s29+$0x2060];
	v19 =	vadd.f32 v29, v19  }
0x45c: {  	v33 =	vmul.f32 v32, v12;
	v34 =	vld [tilespmem:s29+$0x3860];
	v16 =	vadd.f32 v16, v21  }
0x45d: {  	v18 =	vadd.f32 v18, v19  }
0x45e: {  	v46 =	vshll.u32 v35, $0x10;
	v36 =	vld [tilespmem:s30+$0x860];
	v16 =	vadd.f32 v33, v16  }
0x45f: {  	v25 =	vmul.f32 v46, v5;
	v5 =	vmul.f32 v35, v5;
	[tilespmem:s0+$0x1450] =	vst v18  }
0x460: {  	v49 =	vshll.u32 v38, $0x10;
	v37 =	vmul.f32 v30, v11;
	v24 =	vmul.f32 v31, v9;
	[tilespmem:s0+$0x850] =	vst v16  }
0x461: {  	v22 =	vshll.u32 v30, $0x10;
	v39 =	vshll.u32 v31, $0x10;
	v17 =	vmul.f32 v34, v10;
	v42 =	vld [tilespmem:s1+$0x860]  }
0x462: {  	v40 =	vmul.f32 v22, v11;
	v41 =	vmul.f32 v39, v9;
	v21 =	vadd.f32 v24, v37;
	v44 =	vld [tilespmem:s1+$0x2060]  }
0x463: {  	v43 =	vshll.u32 v34, $0x10;
	v47 =	vmul.f32 v36, v8;
	v20 =	vshll.u32 v36, $0x10  }
0x464: {  	v45 =	vmul.f32 v43, v10;
	v16 =	vadd.f32 v41, v40;
	v17 =	vadd.f32 v17, v21;
	v48 =	vld [tilespmem:s1+$0x3860]  }
0x465: {  	v62 =	vmul.f32 v49, v7;
	v20 =	vmul.f32 v20, v8  }
0x466: {  	v50 =	vld [tilespmem:s31+$0x860];
	v16 =	vadd.f32 v45, v16;
	v17 =	vadd.f32 v47, v17;
	v51 =	vmul.f32 v42, v15  }
0x467: {  	v53 =	vld [tilespmem:s25+$0x3870];
	v23 =	vshll.u32 v42, $0x10;
	v52 =	vshll.u32 v44, $0x10;
	v24 =	vmul.f32 v44, v14  }
0x468: {  	v16 =	vadd.f32 v20, v16;
	v54 =	vmul.f32 v23, v15;
	v55 =	vmul.f32 v52, v14  }
0x469: {  	[tilespmem:s28+$0x1460] =	vst v17;
	v56 =	vshll.u32 v48, $0x10;
	v57 =	vmul.f32 v48, v13;
	v22 =	vadd.f32 v24, v51  }
0x46a: {  	v58 =	vld [tilespmem:s26+$0x870];
	v34 =	vmul.f32 v38, v7;
	[tilespmem:s28+$0x860] =	vst v16;
	v17 =	vmul.f32 v56, v13;
	v59 =	vadd.f32 v55, v54  }
0x46b: {  	v61 =	vshll.u32 v50, $0x10;
	v21 =	vmul.f32 v50, v12;
	v60 =	vld [tilespmem:s29+$0x870];
	v22 =	vadd.f32 v57, v22  }
0x46c: {  	v30 =	vshll.u32 v53, $0x10;
	v63 =	vld [tilespmem:s29+$0x2070];
	v28 =	vmul.f32 v61, v12;
	v16 =	vadd.f32 v17, v59  }
0x46d: {  	v37 =	vmul.f32 v53, v6;
	v5 =	vadd.f32 v34, v5;
	v32 =	vld [tilespmem:s29+$0x3870];
	v21 =	vadd.f32 v21, v22  }
0x46e: {  	v31 =	vadd.f32 v62, v25;
	v23 =	vmul.f32 v30, v6;
	v35 =	vld [tilespmem:s30+$0x870];
	v16 =	vadd.f32 v28, v16  }
0x46f: {  	v33 =	vshll.u32 v58, $0x10;
	v5 =	vadd.f32 v37, v5;
	[tilespmem:s0+$0x1460] =	vst v21  }
0x470: {  	v36 =	vadd.f32 v23, v31;
	v17 =	vmul.f32 v33, v4;
	v4 =	vmul.f32 v58, v4;
	[tilespmem:s0+$0x860] =	vst v16  }
0x471: {  	v38 =	vshll.u32 v60, $0x10;
	v39 =	vshll.u32 v63, $0x10;
	v44 =	vmul.f32 v60, v11;
	v21 =	vld [tilespmem:s1+$0x870]  }
0x472: {  	v41 =	vshll.u32 v32, $0x10;
	v7 =	vmul.f32 v38, v11;
	v16 =	vmul.f32 v39, v9;
	v40 =	vld [tilespmem:s1+$0x2070]  }
0x473: {  	v42 =	vshll.u32 v35, $0x10;
	v45 =	vmul.f32 v63, v9;
	v46 =	vmul.f32 v32, v10;
	v43 =	vld [tilespmem:s1+$0x3870]  }
0x474: {  	v48 =	vmul.f32 v35, v8;
	v6 =	vmul.f32 v41, v10;
	v7 =	vadd.f32 v16, v7  }
0x475: {  	v17 =	vadd.f32 v17, v36;
	v4 =	vadd.f32 v4, v5;
	v5 =	vmul.f32 v42, v8;
	v47 =	vld [tilespmem:s31+$0x870]  }
0x476: {  	v6 =	vadd.f32 v6, v7;
	v7 =	vadd.f32 v45, v44;
	v49 =	vshll.u32 v21, $0x10  }
0x477: {  	v50 =	vshll.u32 v40, $0x10;
	v54 =	vmul.f32 v21, v15;
	v55 =	vmul.f32 v40, v14  }
0x478: {  	v53 =	vshll.u32 v43, $0x10;
	v51 =	vmul.f32 v49, v15;
	v52 =	vmul.f32 v50, v14  }
0x479: {  	v7 =	vadd.f32 v46, v7;
	v59 =	vmul.f32 v43, v13;
	v14 =	vadd.f32 v55, v54  }
0x47a: {  	v58 =	vshll.u32 v47, $0x10;
	v57 =	vmul.f32 v53, v13;
	v56 =	vadd.f32 v52, v51  }
0x47b: {  	[tilespmem:s24+$0x1470] =	vst v4;
	v62 =	vmul.f32 v47, v12;
	v4 =	vadd.f32 v48, v7;
	v63 =	vadd.f32 v59, v14  }
0x47c: {  	[tilespmem:s24+$0x870] =	vst v17;
	v5 =	vadd.f32 v5, v6;
	v61 =	vmul.f32 v58, v12;
	v60 =	vadd.f32 v57, v56  }
0x47d: {  	p1 =	seq.s32 @!p0 s23, $0x7F;
	[tilespmem:s28+$0x1470] =	vst v4;
	v4 =	vadd.f32 v62, v63  }
0x47e: {  	p1 =	por p0, !p1;
	s1 =	sxor.u32 @!p0 $0xFFFFFFFF, s23;
	[tilespmem:s28+$0x870] =	vst v5;
	v5 =	vadd.f32 v61, v60  }
.Ltmp5:
0x47f: {  	s1 =	sand.u32 @!p0 $0x1, s1;
	[tilespmem:s0+$0x1470] =	vst v4;
	(pc) =	sbr.rel @!p1 .LBB2_10-.Ltmp5, $4  }
0x480: {  	[tilespmem:s0+$0x870] =	vst v5;
	s0 =	sor.u32 @!p0 $0x4, s1  }
0x481: {  	_ =	swait.ge @!p0 [sflag:s0], $0x3000  }
0x482: {  	[sflag:s0] =	ssyncset.done @!p0 $0x0  }
0x483: {  	[sflag:s0] =	ssyncadd.s32 @!p0 $0xFFFFD000  }
0x484: {  	s23 =	sadd.s32 @!p0 $0x1, s23  }
0x485: {  	s23 =	simm.s32 @p0 $0x1  }
0x486: {  	s0 =	sand.u32 $0xFF, s23  }
0x487: {  	s0 =	smul.u32 $0xAB, s0;
	_ =	sdelay $0x1  }
0x488: {  	s0 =	sshrl.u32 s0, $0x9  }
0x489: {  	s0 =	smul.u32 $0x3, s0  }
.Ltmp6:
0x48a: {  	_ = 	snop;
	(pc) =	sbr.rel .LBB2_4-.Ltmp6, $4  }
0x48b: {  	_ = 	snop  }
0x48c: {  	s0 =	ssub.s32 s23, s0  }
0x48d: {  	s0 =	sand.u32 $0xFF, s0  }
0x48e: {  	s0 =	sadd.s32 $0x1, s0  }
.LBB2_11:
0x48f: {  	_ =	sfence.sel $0x180000  }
0x490: {  	[bflag:$0x0] =	sbarrier.arrive $0xFFFF  }
0x491: {  	_ =	strace $0x90000047  }
0x492: {  	s0 =	stileid.u32;
	[bflag:$0x2] =	sbarrier.arrive $0xFFFF  }
0x493: {  	p0 =	sne.s32 s0, $0x0;
	s0 =	rddreg [dreg:$0x3]  }
0x494: {  	s0 =	sadd.s32 @!p0 $0x100000, s0  }
0x495: {  	[sflag:s0] =	ssyncadd.tile.s32 @!p0 $0x1;
	_ =	shalt  }
.Lfunc_end2:
_tile_overlayer_lowered:
.L_overlay_start_2:
0x496: {  	(tag) =	ssettag $0x2  }
0x497: {  	s0 =	rddreg [dreg:$0x0];
	s2 =	stileid.u32  }
0x498: {  	s1 =	rddreg [dreg:$0x1];
	p0 =	sne.s32 s2, $0x0  }
0x499: {  	s3 =	rddreg [dreg:$0x2];
	[bflag:$0x3] =	sbarrier.arrive $0xFFFF;
	s2 =	simm.s32 @!p0 $0x1C06  }
0x49a: {  	[timem:s3], [sflag:s2] =	dma.local @!p0 [hbm:s0], s1  }
0x49b: {  	s0 =	simm.s32 @!p0 $0x6  }
0x49c: {  	_ =	swait.ge @!p0 [sflag:s0], s1  }
0x49d: {  	s1 =	ssub.s32 @!p0 $0x0, s1;
	[sflag:s0] =	ssyncset.done @!p0 $0x0  }
0x49e: {  	[sflag:s0] =	ssyncadd.s32 @!p0 s1  }
0x49f: {  	[bflag:$0x3] =	sbarrier.arrive $0xFFFF  }
0x4a0: {  	_ =	shalt  }

</sc_bundles>
